<compile_context>
chip_gen: v7x
topology: tpu7x:2x2x1
jax: 0.10.2.dev20260603
libtpu: 0.0.44.dev20260713+nightly
codegen_flags: <defaults>
</compile_context>

<pallas_src>
import functools

import jax
import jax.numpy as jnp
from jax import lax
from jax.experimental import pallas as pl
from jax.experimental.pallas import tpu as pltpu
from jax.experimental.pallas import tpu_sc as plsc

_N = 10000
_E = 320000
_C = 128
_G = 16
_NC, _NS = 2, 16
_NW = _NC * _NS
_EPW = _E // _NW
_K = 50
_NCH = _EPW // _K
_K2 = 100
_NCH2 = _EPW // _K2
_PH = 2
_CPP = _NCH2 // _PH
_NP = 10112
_RPS = _NP // _NS
_DW = 16

_R = 1000
_GRID = _N // _R

_mesh = plsc.VectorSubcoreMesh(core_axis_name="c", subcore_axis_name="s",
                               num_cores=_NC, num_subcores=_NS)



@functools.partial(
    pl.kernel,
    out_type=jax.ShapeDtypeStruct((_NC, _NP, _C), jnp.float32),
    mesh=_mesh,
    scratch_types=[
        pltpu.VMEM((_CPP, _K2), jnp.int32),
        pltpu.VMEM((_CPP, _K2), jnp.int32),
        pltpu.VMEM((_K2, _C), jnp.float32),
        pltpu.VMEM((_K2, _C), jnp.float32),
        pltpu.VMEM_SHARED((_NP, _C), jnp.float32),
        pltpu.SemaphoreType.DMA,
        pltpu.SemaphoreType.DMA,
    ],
)
def _sc_scatter(u_hbm, gidx_hbm, sidx_hbm, zeros_hbm, out_hbm,
                gi_v, si_v, rows0_v, rows1_v, acc_sh, sem0, sem1):
    c = lax.axis_index("c")
    s = lax.axis_index("s")
    w = c * _NS + s
    pltpu.sync_copy(zeros_hbm, acc_sh.at[pl.ds(s * _RPS, _RPS)])
    plsc.subcore_barrier()

    def start(j, rows_v, sem):
        pltpu.make_async_copy(u_hbm.at[gi_v.at[j]], rows_v, sem).start()

    def drain(j, rows_v, sem):
        pltpu.make_async_copy(u_hbm.at[gi_v.at[j]], rows_v, sem).wait()
        pltpu.sync_copy(rows_v, acc_sh.at[si_v.at[j]], add=True)

    for p in range(_PH):
        pltpu.sync_copy(gidx_hbm.at[w, p], gi_v)
        pltpu.sync_copy(sidx_hbm.at[w, p], si_v)
        def chunk(j, carry):
            start(j, rows0_v, sem0)
            drain(j, rows0_v, sem0)
            return carry

        lax.fori_loop(0, _CPP, chunk, 0)

    plsc.subcore_barrier()
    pltpu.sync_copy(acc_sh.at[pl.ds(s * _RPS, _RPS)],
                    out_hbm.at[c, pl.ds(s * _RPS, _RPS)])


@functools.partial(
    pl.kernel,
    out_type=jax.ShapeDtypeStruct((_NC, _NP, _C), jnp.float32),
    mesh=_mesh,
    scratch_types=[
        pltpu.VMEM((_NCH, _K), jnp.int32),
        pltpu.VMEM((_K, _C), jnp.float32),
        pltpu.VMEM_SHARED((_NP, _C), jnp.float32),
    ],
)
def _sc_degree(src_hbm, ones_hbm, zeros_hbm, out_hbm, si_v, ones_v, acc_sh):
    c = lax.axis_index("c")
    s = lax.axis_index("s")
    w = c * _NS + s
    pltpu.sync_copy(zeros_hbm, acc_sh.at[pl.ds(s * _RPS, _RPS)])
    pltpu.sync_copy(src_hbm.at[w], si_v)
    pltpu.sync_copy(ones_hbm, ones_v)
    plsc.subcore_barrier()

    def chunk(j, carry):
        pltpu.sync_copy(ones_v, acc_sh.at[si_v.at[j]], add=True)
        return carry

    lax.fori_loop(0, _NCH, chunk, 0)
    plsc.subcore_barrier()
    pltpu.sync_copy(acc_sh.at[pl.ds(s * _RPS, _RPS)],
                    out_hbm.at[c, pl.ds(s * _RPS, _RPS)])



_HI = lax.Precision.HIGHEST


def _dot(a, b):
    return jnp.dot(a, b, preferred_element_type=jnp.float32, precision=_HI)


def _tc_prologue_body(degp_ref, x_ref, dis_ref, u0_ref):
    deg = degp_ref[0, :, 0:1] + degp_ref[1, :, 0:1]
    dis = jnp.where(deg > 0.0, lax.rsqrt(jnp.maximum(deg, 1e-30)), 0.0)
    dis_ref[...] = jnp.broadcast_to(dis, (_R, _DW))
    u0_ref[...] = dis * x_ref[...]


_tc_prologue = pl.pallas_call(
    _tc_prologue_body,
    grid=(_GRID,),
    in_specs=[
        pl.BlockSpec((_NC, _R, _C), lambda i: (0, i, 0)),
        pl.BlockSpec((_R, _C), lambda i: (i, 0)),
    ],
    out_specs=[
        pl.BlockSpec((_R, _DW), lambda i: (i, 0)),
        pl.BlockSpec((_R, _C), lambda i: (i, 0)),
    ],
    out_shape=[
        jax.ShapeDtypeStruct((_N, _DW), jnp.float32),
        jax.ShapeDtypeStruct((_N, _C), jnp.float32),
    ],
)


def _tc_stage_a_body(zp_ref, h_ref, dis_ref, w0_ref, w1_ref, b_ref,
                     part_ref, u1_ref):
    d = dis_ref[:, 0:1]
    z = zp_ref[0] + zp_ref[1]
    tx1 = -d * z
    part_ref[...] = _dot(h_ref[...], w0_ref[...]) + _dot(tx1, w1_ref[...]) \
        + b_ref[...]
    u1_ref[...] = d * tx1


_tc_stage_a = pl.pallas_call(
    _tc_stage_a_body,
    grid=(_GRID,),
    in_specs=[
        pl.BlockSpec((_NC, _R, _C), lambda i: (0, i, 0)),
        pl.BlockSpec((_R, _C), lambda i: (i, 0)),
        pl.BlockSpec((_R, _DW), lambda i: (i, 0)),
        pl.BlockSpec((_C, _C), lambda i: (0, 0)),
        pl.BlockSpec((_C, _C), lambda i: (0, 0)),
        pl.BlockSpec((1, _C), lambda i: (0, 0)),
    ],
    out_specs=[
        pl.BlockSpec((_R, _C), lambda i: (i, 0)),
        pl.BlockSpec((_R, _C), lambda i: (i, 0)),
    ],
    out_shape=[
        jax.ShapeDtypeStruct((_N, _C), jnp.float32),
        jax.ShapeDtypeStruct((_N, _C), jnp.float32),
    ],
)


def _tc_stage_b_body(zp_ref, part_ref, h_ref, dis_ref, w2_ref,
                     out_ref, un_ref, *, act):
    d = dis_ref[:, 0:1]
    z = zp_ref[0] + zp_ref[1]
    tx2 = -2.0 * d * z - h_ref[...]
    o = part_ref[...] + _dot(tx2, w2_ref[...])
    if act:
        o = o * lax.logistic(o)
    out_ref[...] = o
    un_ref[...] = d * o


def _make_stage_b(act):
    return pl.pallas_call(
        functools.partial(_tc_stage_b_body, act=act),
        grid=(_GRID,),
        in_specs=[
            pl.BlockSpec((_NC, _R, _C), lambda i: (0, i, 0)),
            pl.BlockSpec((_R, _C), lambda i: (i, 0)),
            pl.BlockSpec((_R, _C), lambda i: (i, 0)),
            pl.BlockSpec((_R, _DW), lambda i: (i, 0)),
            pl.BlockSpec((_C, _C), lambda i: (0, 0)),
        ],
        out_specs=[
            pl.BlockSpec((_R, _C), lambda i: (i, 0)),
            pl.BlockSpec((_R, _C), lambda i: (i, 0)),
        ],
        out_shape=[
            jax.ShapeDtypeStruct((_N, _C), jnp.float32),
            jax.ShapeDtypeStruct((_N, _C), jnp.float32),
        ],
    )


_tc_stage_b_act = _make_stage_b(True)
_tc_stage_b_lin = _make_stage_b(False)


def _tc_pool_body(b_ref, h_ref, wp1_ref, bp1_ref, wp2_ref, bp2_ref,
                  out_ref, acc_ref):
    i = pl.program_id(0)

    @pl.when(i == 0)
    def _zero():
        acc_ref[...] = jnp.zeros_like(acc_ref)

    onehot = (b_ref[...] == lax.broadcasted_iota(jnp.int32, (_R, _G), 1)
              ).astype(jnp.float32)
    acc_ref[...] += lax.dot_general(
        onehot, h_ref[...], (((0,), (0,)), ((), ())),
        preferred_element_type=jnp.float32, precision=_HI)

    @pl.when(i == pl.num_programs(0) - 1)
    def _head():
        p = acc_ref[...]
        o = jnp.maximum(_dot(p, wp1_ref[...]) + bp1_ref[...], 0.0)
        out_ref[...] = _dot(o, wp2_ref[...]) + bp2_ref[...]


_tc_pool = pl.pallas_call(
    _tc_pool_body,
    grid=(_GRID,),
    in_specs=[
        pl.BlockSpec((_R, 1), lambda i: (i, 0)),
        pl.BlockSpec((_R, _C), lambda i: (i, 0)),
        pl.BlockSpec((_C, 32), lambda i: (0, 0)),
        pl.BlockSpec((1, 32), lambda i: (0, 0)),
        pl.BlockSpec((32, _G), lambda i: (0, 0)),
        pl.BlockSpec((1, _G), lambda i: (0, 0)),
    ],
    out_specs=pl.BlockSpec((_G, _G), lambda i: (0, 0)),
    out_shape=jax.ShapeDtypeStruct((_G, _G), jnp.float32),
    scratch_shapes=[pltpu.VMEM((_G, _C), jnp.float32)],
)



def kernel(x, edge_index, batch, W1, b1, Wh, bh, W2, b2, Wp1, bp1, Wp2, bp2):
    src_d = edge_index[0].reshape(_NW, _NCH, _K)
    src = edge_index[0].reshape(_NW, _PH, _CPP, _K2)
    dst = edge_index[1].reshape(_NW, _PH, _CPP, _K2)
    zeros_c = jnp.zeros((_RPS, _C), jnp.float32)
    ones_d = jnp.ones((_K, _C), jnp.float32)
    batch2 = batch.reshape(_N, 1)

    degp = _sc_degree(src_d, ones_d, zeros_c)
    dis8, u = _tc_prologue(degp, x)

    layers = [
        (W1[0], W1[1], W1[2], b1, False),
        (Wh[0, 0], Wh[0, 1], Wh[0, 2], bh[0], True),
        (Wh[1, 0], Wh[1, 1], Wh[1, 2], bh[1], True),
        (W2[0], W2[1], W2[2], b2, False),
    ]

    h = x
    for w0, w1, w2, bl, act in layers:
        z1 = _sc_scatter(u, src, dst, zeros_c)
        partial, u = _tc_stage_a(z1, h, dis8, w0, w1, bl.reshape(1, _C))
        z2 = _sc_scatter(u, src, dst, zeros_c)
        stage_b = _tc_stage_b_act if act else _tc_stage_b_lin
        h, u = stage_b(z2, partial, h, dis8, w2)

    return _tc_pool(batch2, h, Wp1, bp1.reshape(1, 32),
                    Wp2, bp2.reshape(1, _G))

# --- scband reference (transcript-rebuilt; emitter-appended) ---
"""Pipeline reference for scband-cheb-conv-net-6090263626253 (READ-ONLY COPY).

The authoritative reference and input builder live on the scoring server;
editing this copy changes nothing except your own understanding.
"""

import jax, jax.numpy as jnp
import numpy as np

N = 10000
E = 320000
IN_C = 128
HID = 128
OUT_C = 128
NUM_HID = 2
D_OUT_HID = 32
D_OUT = 16
NUM_GRAPHS = 16


def setup_inputs(seed: int = 0):
    key = jax.random.key(seed)
    ks = jax.random.split(key, 16)
    x = jax.random.normal(ks[0], (N, IN_C), dtype=jnp.float32)
    edge_index = jax.random.randint(ks[1], (2, E), 0, N, dtype=jnp.int32)
    batch = jnp.sort(jax.random.randint(ks[2], (N,), 0, NUM_GRAPHS, dtype=jnp.int32))

    def glorot(k, shape):
        fan = shape[-2] + shape[-1]
        s = jnp.sqrt(6.0 / fan)
        return jax.random.uniform(k, shape, jnp.float32, -s, s)

    W1 = glorot(ks[3], (3, IN_C, HID))
    b1 = jnp.zeros((HID,), jnp.float32)
    Wh = glorot(ks[4], (NUM_HID, 3, HID, HID))
    bh = jnp.zeros((NUM_HID, HID), jnp.float32)
    W2 = glorot(ks[5], (3, HID, OUT_C))
    b2 = jnp.zeros((OUT_C,), jnp.float32)
    Wp1 = glorot(ks[6], (OUT_C, D_OUT_HID))
    bp1 = jnp.zeros((D_OUT_HID,), jnp.float32)
    Wp2 = glorot(ks[7], (D_OUT_HID, D_OUT))
    bp2 = jnp.zeros((D_OUT,), jnp.float32)
    return {"x": x, "edge_index": edge_index, "batch": batch,
            "W1": W1, "b1": b1, "Wh": Wh, "bh": bh, "W2": W2, "b2": b2,
            "Wp1": Wp1, "bp1": bp1, "Wp2": Wp2, "bp2": bp2}


def _cheb_conv(x, src, dst, w, W, b):
    # ChebConv with K=3, sym normalization, lambda_max=2.0 =>
    # L_hat = L - I = -D^{-1/2} A D^{-1/2}
    def lhat(v):
        return jnp.zeros_like(v).at[dst].add(w[:, None] * v[src])
    tx0 = x
    out = tx0 @ W[0]
    tx1 = lhat(tx0)
    out = out + tx1 @ W[1]
    tx2 = 2.0 * lhat(tx1) - tx0
    out = out + tx2 @ W[2]
    return out + b


def reference(x, edge_index, batch, W1, b1, Wh, bh, W2, b2, Wp1, bp1, Wp2, bp2):
    src, dst = edge_index[0], edge_index[1]
    deg = jnp.zeros((x.shape[0],), x.dtype).at[src].add(1.0)
    dis = jnp.where(deg > 0, 1.0 / jnp.sqrt(deg), 0.0)
    w = -dis[src] * dis[dst]
    h = _cheb_conv(x, src, dst, w, W1, b1)
    for i in range(NUM_HID):
        h = _cheb_conv(h, src, dst, w, Wh[i], bh[i])
        h = jax.nn.silu(h)  # dropout is identity at inference
    h = _cheb_conv(h, src, dst, w, W2, b2)
    pooled = jnp.zeros((NUM_GRAPHS, h.shape[1]), h.dtype).at[batch].add(h)
    o = jax.nn.relu(pooled @ Wp1 + bp1)
    return o @ Wp2 + bp2

if __name__ == "__main__":
    import jax
    _d = setup_inputs()
    print(jax.jit(kernel)(*tuple(_d.values())))

</pallas_src>

<mosaic_0001>
#map = affine_map<(d0, d1) -> (0, 0)>
#map1 = affine_map<(d0, d1) -> (0, 0, 0, 0)>
#map2 = affine_map<(d0, d1) -> (0, 0, 0)>
module attributes {stable_mosaic.version = 14 : i64} {
  func.func @_sc_scatter(%arg0: i32, %arg1: i32, %arg2: memref<10000x128xf32, #tpu.memory_space<hbm>>, %arg3: memref<32x2x50x100xi32, #tpu.memory_space<hbm>>, %arg4: memref<32x2x50x100xi32, #tpu.memory_space<hbm>>, %arg5: memref<632x128xf32, #tpu.memory_space<hbm>>, %arg6: memref<2x10112x128xf32, #tpu.memory_space<hbm>>, %arg7: memref<50x100xi32, #tpu.memory_space<vmem>>, %arg8: memref<50x100xi32, #tpu.memory_space<vmem>>, %arg9: memref<100x128xf32, #tpu.memory_space<vmem>>, %arg10: memref<100x128xf32, #tpu.memory_space<vmem>>, %arg11: memref<10112x128xf32, #tpu.memory_space<vmem_shared>>, %arg12: memref<!tpu.dma_semaphore, #tpu.memory_space<semaphore_mem>>, %arg13: memref<!tpu.dma_semaphore, #tpu.memory_space<semaphore_mem>>) attributes {dimension_semantics = [#tpu.dimension_semantics<core_parallel>, #tpu.dimension_semantics<subcore_parallel>], iteration_bounds = array<i64: 2, 16>, scalar_prefetch = 0 : i64, scratch_operands = 7 : i64, tpu.core_type = #tpu.core_type<sc_vector_subcore>, window_params = [{transform_indices = #map}, {transform_indices = #map1}, {transform_indices = #map1}, {transform_indices = #map}, {transform_indices = #map2}]} {
    %mul3A = arith.constant 16 : i32
    %mul3A_0 = arith.muli %arg0, %mul3A : i32
    %add3A = arith.addi %mul3A_0, %arg1 : i32
    %mul3A_1 = arith.constant 632 : i32
    %mul3A_2 = arith.muli %arg1, %mul3A_1 : i32
    "tpu.region"() ({
      %run_scoped3A_22 = tpu.sem_alloc : memref<!tpu.dma_semaphore, #tpu.memory_space<semaphore_mem>>
      %dma_start3A = arith.constant 0 : i32
      %dma_start3A_23 = tpu.memref_slice %arg11[%mul3A_2, %dma_start3A] : memref<10112x128xf32, #tpu.memory_space<vmem_shared>> -> memref<632x128xf32, #tpu.memory_space<vmem_shared>>
      tpu.enqueue_dma source(%arg5 : memref<632x128xf32, #tpu.memory_space<hbm>>) target(%dma_start3A_23 : memref<632x128xf32, #tpu.memory_space<vmem_shared>>) target_semaphore(%run_scoped3A_22 : memref<!tpu.dma_semaphore, #tpu.memory_space<semaphore_mem>>)
      %dma_wait3A = arith.constant 0 : i32
      %dma_wait3A_24 = tpu.memref_slice %arg11[%mul3A_2, %dma_wait3A] : memref<10112x128xf32, #tpu.memory_space<vmem_shared>> -> memref<632x128xf32, #tpu.memory_space<vmem_shared>>
      tpu.wait_dma2 semaphore(%run_scoped3A_22 : memref<!tpu.dma_semaphore, #tpu.memory_space<semaphore_mem>>) src(%arg5 : memref<632x128xf32, #tpu.memory_space<hbm>>) dst(%dma_wait3A_24 : memref<632x128xf32, #tpu.memory_space<vmem_shared>>)
      tpu.yield
    }) : () -> ()
    %barrier3A = arith.constant 0 : index
    tpu.barrier barrier_id(%barrier3A)
    %run_scoped3A = arith.constant 0 : i32
    "tpu.region"() ({
      %run_scoped3A_22 = tpu.sem_alloc : memref<!tpu.dma_semaphore, #tpu.memory_space<semaphore_mem>>
      %dma_start3A = arith.constant 0 : i32
      %dma_start3A_23 = arith.constant 0 : i32
      %dma_start3A_24 = tpu.memref_slice %arg3[%add3A, %run_scoped3A, %dma_start3A, %dma_start3A_23] : memref<32x2x50x100xi32, #tpu.memory_space<hbm>> -> memref<1x1x50x100xi32, #tpu.memory_space<hbm>>
      %dma_start3A_25 = tpu.memref_squeeze %dma_start3A_24 : memref<1x1x50x100xi32, #tpu.memory_space<hbm>> -> memref<50x100xi32, #tpu.memory_space<hbm>>
      %dma_start3A_26 = arith.constant 0 : i32
      %dma_start3A_27 = arith.constant 0 : i32
      %dma_start3A_28 = tpu.memref_slice %arg3[%add3A, %run_scoped3A, %dma_start3A_26, %dma_start3A_27] : memref<32x2x50x100xi32, #tpu.memory_space<hbm>> -> memref<1x1x50x100xi32, #tpu.memory_space<hbm>>
      %dma_start3A_29 = tpu.memref_squeeze %dma_start3A_28 : memref<1x1x50x100xi32, #tpu.memory_space<hbm>> -> memref<50x100xi32, #tpu.memory_space<hbm>>
      tpu.enqueue_dma source(%dma_start3A_29 : memref<50x100xi32, #tpu.memory_space<hbm>>) target(%arg7 : memref<50x100xi32, #tpu.memory_space<vmem>>) target_semaphore(%run_scoped3A_22 : memref<!tpu.dma_semaphore, #tpu.memory_space<semaphore_mem>>)
      %dma_wait3A = arith.constant 0 : i32
      %dma_wait3A_30 = arith.constant 0 : i32
      %dma_wait3A_31 = tpu.memref_slice %arg3[%add3A, %run_scoped3A, %dma_wait3A, %dma_wait3A_30] : memref<32x2x50x100xi32, #tpu.memory_space<hbm>> -> memref<1x1x50x100xi32, #tpu.memory_space<hbm>>
      %dma_wait3A_32 = tpu.memref_squeeze %dma_wait3A_31 : memref<1x1x50x100xi32, #tpu.memory_space<hbm>> -> memref<50x100xi32, #tpu.memory_space<hbm>>
      %dma_wait3A_33 = arith.constant 0 : i32
      %dma_wait3A_34 = arith.constant 0 : i32
      %dma_wait3A_35 = tpu.memref_slice %arg3[%add3A, %run_scoped3A, %dma_wait3A_33, %dma_wait3A_34] : memref<32x2x50x100xi32, #tpu.memory_space<hbm>> -> memref<1x1x50x100xi32, #tpu.memory_space<hbm>>
      %dma_wait3A_36 = tpu.memref_squeeze %dma_wait3A_35 : memref<1x1x50x100xi32, #tpu.memory_space<hbm>> -> memref<50x100xi32, #tpu.memory_space<hbm>>
      tpu.wait_dma2 semaphore(%run_scoped3A_22 : memref<!tpu.dma_semaphore, #tpu.memory_space<semaphore_mem>>) src(%dma_wait3A_36 : memref<50x100xi32, #tpu.memory_space<hbm>>) dst(%arg7 : memref<50x100xi32, #tpu.memory_space<vmem>>)
      tpu.yield
    }) : () -> ()
    %run_scoped3A_3 = arith.constant 0 : i32
    "tpu.region"() ({
      %run_scoped3A_22 = tpu.sem_alloc : memref<!tpu.dma_semaphore, #tpu.memory_space<semaphore_mem>>
      %dma_start3A = arith.constant 0 : i32
      %dma_start3A_23 = arith.constant 0 : i32
      %dma_start3A_24 = tpu.memref_slice %arg4[%add3A, %run_scoped3A_3, %dma_start3A, %dma_start3A_23] : memref<32x2x50x100xi32, #tpu.memory_space<hbm>> -> memref<1x1x50x100xi32, #tpu.memory_space<hbm>>
      %dma_start3A_25 = tpu.memref_squeeze %dma_start3A_24 : memref<1x1x50x100xi32, #tpu.memory_space<hbm>> -> memref<50x100xi32, #tpu.memory_space<hbm>>
      %dma_start3A_26 = arith.constant 0 : i32
      %dma_start3A_27 = arith.constant 0 : i32
      %dma_start3A_28 = tpu.memref_slice %arg4[%add3A, %run_scoped3A_3, %dma_start3A_26, %dma_start3A_27] : memref<32x2x50x100xi32, #tpu.memory_space<hbm>> -> memref<1x1x50x100xi32, #tpu.memory_space<hbm>>
      %dma_start3A_29 = tpu.memref_squeeze %dma_start3A_28 : memref<1x1x50x100xi32, #tpu.memory_space<hbm>> -> memref<50x100xi32, #tpu.memory_space<hbm>>
      tpu.enqueue_dma source(%dma_start3A_29 : memref<50x100xi32, #tpu.memory_space<hbm>>) target(%arg8 : memref<50x100xi32, #tpu.memory_space<vmem>>) target_semaphore(%run_scoped3A_22 : memref<!tpu.dma_semaphore, #tpu.memory_space<semaphore_mem>>)
      %dma_wait3A = arith.constant 0 : i32
      %dma_wait3A_30 = arith.constant 0 : i32
      %dma_wait3A_31 = tpu.memref_slice %arg4[%add3A, %run_scoped3A_3, %dma_wait3A, %dma_wait3A_30] : memref<32x2x50x100xi32, #tpu.memory_space<hbm>> -> memref<1x1x50x100xi32, #tpu.memory_space<hbm>>
      %dma_wait3A_32 = tpu.memref_squeeze %dma_wait3A_31 : memref<1x1x50x100xi32, #tpu.memory_space<hbm>> -> memref<50x100xi32, #tpu.memory_space<hbm>>
      %dma_wait3A_33 = arith.constant 0 : i32
      %dma_wait3A_34 = arith.constant 0 : i32
      %dma_wait3A_35 = tpu.memref_slice %arg4[%add3A, %run_scoped3A_3, %dma_wait3A_33, %dma_wait3A_34] : memref<32x2x50x100xi32, #tpu.memory_space<hbm>> -> memref<1x1x50x100xi32, #tpu.memory_space<hbm>>
      %dma_wait3A_36 = tpu.memref_squeeze %dma_wait3A_35 : memref<1x1x50x100xi32, #tpu.memory_space<hbm>> -> memref<50x100xi32, #tpu.memory_space<hbm>>
      tpu.wait_dma2 semaphore(%run_scoped3A_22 : memref<!tpu.dma_semaphore, #tpu.memory_space<semaphore_mem>>) src(%dma_wait3A_36 : memref<50x100xi32, #tpu.memory_space<hbm>>) dst(%arg8 : memref<50x100xi32, #tpu.memory_space<vmem>>)
      tpu.yield
    }) : () -> ()
    %scan3A = arith.constant 0 : i32
    %scan3A_4 = arith.constant 0 : i32
    %scan3A_5 = arith.constant 50 : i32
    %scan3A_6 = arith.addi %scan3A_4, %scan3A_5 : i32
    %scan3A_7 = arith.constant 1 : i32
    scf.for %scan3A_22 = %scan3A_4 to %scan3A_6 step %scan3A_7  : i32 {
      %dma_start3A = arith.constant 0 : i32
      %dma_start3A_23 = tpu.memref_slice %arg7[%scan3A_22, %dma_start3A] : memref<50x100xi32, #tpu.memory_space<vmem>> -> memref<1x100xi32, #tpu.memory_space<vmem>>
      %dma_start3A_24 = tpu.memref_squeeze %dma_start3A_23 : memref<1x100xi32, #tpu.memory_space<vmem>> -> memref<100xi32, #tpu.memory_space<vmem>>
      %dma_start3A_25 = arith.constant 0 : i32
      %dma_start3A_26 = arith.constant 0 : i32
      %dma_start3A_27 = tpu.memref_slice %arg2[%dma_start3A_25, %dma_start3A_26] : memref<10000x128xf32, #tpu.memory_space<hbm>> -> memref<10000x128xf32, #tpu.memory_space<hbm>>
      tpu.enqueue_indirect_dma source(%dma_start3A_27 : memref<10000x128xf32, #tpu.memory_space<hbm>>) target(%arg9 : memref<100x128xf32, #tpu.memory_space<vmem>>) offsets(%dma_start3A_24 : memref<100xi32, #tpu.memory_space<vmem>>) semaphore(%arg12 : memref<!tpu.dma_semaphore, #tpu.memory_space<semaphore_mem>>)
      %dma_wait3A = arith.constant 0 : i32
      %dma_wait3A_28 = tpu.memref_slice %arg7[%scan3A_22, %dma_wait3A] : memref<50x100xi32, #tpu.memory_space<vmem>> -> memref<1x100xi32, #tpu.memory_space<vmem>>
      %dma_wait3A_29 = tpu.memref_squeeze %dma_wait3A_28 : memref<1x100xi32, #tpu.memory_space<vmem>> -> memref<100xi32, #tpu.memory_space<vmem>>
      %dma_wait3A_30 = arith.constant 0 : i32
      %dma_wait3A_31 = arith.constant 0 : i32
      %dma_wait3A_32 = tpu.memref_slice %arg2[%dma_wait3A_30, %dma_wait3A_31] : memref<10000x128xf32, #tpu.memory_space<hbm>> -> memref<10000x128xf32, #tpu.memory_space<hbm>>
      tpu.wait_indirect_dma semaphore(%arg12 : memref<!tpu.dma_semaphore, #tpu.memory_space<semaphore_mem>>) src(%dma_wait3A_32 : memref<10000x128xf32, #tpu.memory_space<hbm>>) dst(%arg9 : memref<100x128xf32, #tpu.memory_space<vmem>>)
      "tpu.region"() ({
        %run_scoped3A_33 = tpu.sem_alloc : memref<!tpu.dma_semaphore, #tpu.memory_space<semaphore_mem>>
        %dma_start3A_34 = arith.constant 0 : i32
        %dma_start3A_35 = tpu.memref_slice %arg8[%scan3A_22, %dma_start3A_34] : memref<50x100xi32, #tpu.memory_space<vmem>> -> memref<1x100xi32, #tpu.memory_space<vmem>>
        %dma_start3A_36 = tpu.memref_squeeze %dma_start3A_35 : memref<1x100xi32, #tpu.memory_space<vmem>> -> memref<100xi32, #tpu.memory_space<vmem>>
        %dma_start3A_37 = arith.constant 0 : i32
        %dma_start3A_38 = arith.constant 0 : i32
        %dma_start3A_39 = tpu.memref_slice %arg11[%dma_start3A_37, %dma_start3A_38] : memref<10112x128xf32, #tpu.memory_space<vmem_shared>> -> memref<10112x128xf32, #tpu.memory_space<vmem_shared>>
        tpu.enqueue_indirect_dma source(%arg9 : memref<100x128xf32, #tpu.memory_space<vmem>>) target(%dma_start3A_39 : memref<10112x128xf32, #tpu.memory_space<vmem_shared>>) offsets(%dma_start3A_36 : memref<100xi32, #tpu.memory_space<vmem>>) semaphore(%run_scoped3A_33 : memref<!tpu.dma_semaphore, #tpu.memory_space<semaphore_mem>>) {add = true}
        %dma_wait3A_40 = arith.constant 0 : i32
        %dma_wait3A_41 = tpu.memref_slice %arg8[%scan3A_22, %dma_wait3A_40] : memref<50x100xi32, #tpu.memory_space<vmem>> -> memref<1x100xi32, #tpu.memory_space<vmem>>
        %dma_wait3A_42 = tpu.memref_squeeze %dma_wait3A_41 : memref<1x100xi32, #tpu.memory_space<vmem>> -> memref<100xi32, #tpu.memory_space<vmem>>
        %dma_wait3A_43 = arith.constant 0 : i32
        %dma_wait3A_44 = arith.constant 0 : i32
        %dma_wait3A_45 = tpu.memref_slice %arg11[%dma_wait3A_43, %dma_wait3A_44] : memref<10112x128xf32, #tpu.memory_space<vmem_shared>> -> memref<10112x128xf32, #tpu.memory_space<vmem_shared>>
        tpu.wait_indirect_dma semaphore(%run_scoped3A_33 : memref<!tpu.dma_semaphore, #tpu.memory_space<semaphore_mem>>) src(%arg9 : memref<100x128xf32, #tpu.memory_space<vmem>>) dst(%dma_wait3A_45 : memref<10112x128xf32, #tpu.memory_space<vmem_shared>>)
        tpu.yield
      }) : () -> ()
    }
    %scan3A_8 = arith.constant 50 : i32
    %run_scoped3A_9 = arith.constant 1 : i32
    "tpu.region"() ({
      %run_scoped3A_22 = tpu.sem_alloc : memref<!tpu.dma_semaphore, #tpu.memory_space<semaphore_mem>>
      %dma_start3A = arith.constant 0 : i32
      %dma_start3A_23 = arith.constant 0 : i32
      %dma_start3A_24 = tpu.memref_slice %arg3[%add3A, %run_scoped3A_9, %dma_start3A, %dma_start3A_23] : memref<32x2x50x100xi32, #tpu.memory_space<hbm>> -> memref<1x1x50x100xi32, #tpu.memory_space<hbm>>
      %dma_start3A_25 = tpu.memref_squeeze %dma_start3A_24 : memref<1x1x50x100xi32, #tpu.memory_space<hbm>> -> memref<50x100xi32, #tpu.memory_space<hbm>>
      %dma_start3A_26 = arith.constant 0 : i32
      %dma_start3A_27 = arith.constant 0 : i32
      %dma_start3A_28 = tpu.memref_slice %arg3[%add3A, %run_scoped3A_9, %dma_start3A_26, %dma_start3A_27] : memref<32x2x50x100xi32, #tpu.memory_space<hbm>> -> memref<1x1x50x100xi32, #tpu.memory_space<hbm>>
      %dma_start3A_29 = tpu.memref_squeeze %dma_start3A_28 : memref<1x1x50x100xi32, #tpu.memory_space<hbm>> -> memref<50x100xi32, #tpu.memory_space<hbm>>
      tpu.enqueue_dma source(%dma_start3A_29 : memref<50x100xi32, #tpu.memory_space<hbm>>) target(%arg7 : memref<50x100xi32, #tpu.memory_space<vmem>>) target_semaphore(%run_scoped3A_22 : memref<!tpu.dma_semaphore, #tpu.memory_space<semaphore_mem>>)
      %dma_wait3A = arith.constant 0 : i32
      %dma_wait3A_30 = arith.constant 0 : i32
      %dma_wait3A_31 = tpu.memref_slice %arg3[%add3A, %run_scoped3A_9, %dma_wait3A, %dma_wait3A_30] : memref<32x2x50x100xi32, #tpu.memory_space<hbm>> -> memref<1x1x50x100xi32, #tpu.memory_space<hbm>>
      %dma_wait3A_32 = tpu.memref_squeeze %dma_wait3A_31 : memref<1x1x50x100xi32, #tpu.memory_space<hbm>> -> memref<50x100xi32, #tpu.memory_space<hbm>>
      %dma_wait3A_33 = arith.constant 0 : i32
      %dma_wait3A_34 = arith.constant 0 : i32
      %dma_wait3A_35 = tpu.memref_slice %arg3[%add3A, %run_scoped3A_9, %dma_wait3A_33, %dma_wait3A_34] : memref<32x2x50x100xi32, #tpu.memory_space<hbm>> -> memref<1x1x50x100xi32, #tpu.memory_space<hbm>>
      %dma_wait3A_36 = tpu.memref_squeeze %dma_wait3A_35 : memref<1x1x50x100xi32, #tpu.memory_space<hbm>> -> memref<50x100xi32, #tpu.memory_space<hbm>>
      tpu.wait_dma2 semaphore(%run_scoped3A_22 : memref<!tpu.dma_semaphore, #tpu.memory_space<semaphore_mem>>) src(%dma_wait3A_36 : memref<50x100xi32, #tpu.memory_space<hbm>>) dst(%arg7 : memref<50x100xi32, #tpu.memory_space<vmem>>)
      tpu.yield
    }) : () -> ()
    %run_scoped3A_10 = arith.constant 1 : i32
    "tpu.region"() ({
      %run_scoped3A_22 = tpu.sem_alloc : memref<!tpu.dma_semaphore, #tpu.memory_space<semaphore_mem>>
      %dma_start3A = arith.constant 0 : i32
      %dma_start3A_23 = arith.constant 0 : i32
      %dma_start3A_24 = tpu.memref_slice %arg4[%add3A, %run_scoped3A_10, %dma_start3A, %dma_start3A_23] : memref<32x2x50x100xi32, #tpu.memory_space<hbm>> -> memref<1x1x50x100xi32, #tpu.memory_space<hbm>>
      %dma_start3A_25 = tpu.memref_squeeze %dma_start3A_24 : memref<1x1x50x100xi32, #tpu.memory_space<hbm>> -> memref<50x100xi32, #tpu.memory_space<hbm>>
      %dma_start3A_26 = arith.constant 0 : i32
      %dma_start3A_27 = arith.constant 0 : i32
      %dma_start3A_28 = tpu.memref_slice %arg4[%add3A, %run_scoped3A_10, %dma_start3A_26, %dma_start3A_27] : memref<32x2x50x100xi32, #tpu.memory_space<hbm>> -> memref<1x1x50x100xi32, #tpu.memory_space<hbm>>
      %dma_start3A_29 = tpu.memref_squeeze %dma_start3A_28 : memref<1x1x50x100xi32, #tpu.memory_space<hbm>> -> memref<50x100xi32, #tpu.memory_space<hbm>>
      tpu.enqueue_dma source(%dma_start3A_29 : memref<50x100xi32, #tpu.memory_space<hbm>>) target(%arg8 : memref<50x100xi32, #tpu.memory_space<vmem>>) target_semaphore(%run_scoped3A_22 : memref<!tpu.dma_semaphore, #tpu.memory_space<semaphore_mem>>)
      %dma_wait3A = arith.constant 0 : i32
      %dma_wait3A_30 = arith.constant 0 : i32
      %dma_wait3A_31 = tpu.memref_slice %arg4[%add3A, %run_scoped3A_10, %dma_wait3A, %dma_wait3A_30] : memref<32x2x50x100xi32, #tpu.memory_space<hbm>> -> memref<1x1x50x100xi32, #tpu.memory_space<hbm>>
      %dma_wait3A_32 = tpu.memref_squeeze %dma_wait3A_31 : memref<1x1x50x100xi32, #tpu.memory_space<hbm>> -> memref<50x100xi32, #tpu.memory_space<hbm>>
      %dma_wait3A_33 = arith.constant 0 : i32
      %dma_wait3A_34 = arith.constant 0 : i32
      %dma_wait3A_35 = tpu.memref_slice %arg4[%add3A, %run_scoped3A_10, %dma_wait3A_33, %dma_wait3A_34] : memref<32x2x50x100xi32, #tpu.memory_space<hbm>> -> memref<1x1x50x100xi32, #tpu.memory_space<hbm>>
      %dma_wait3A_36 = tpu.memref_squeeze %dma_wait3A_35 : memref<1x1x50x100xi32, #tpu.memory_space<hbm>> -> memref<50x100xi32, #tpu.memory_space<hbm>>
      tpu.wait_dma2 semaphore(%run_scoped3A_22 : memref<!tpu.dma_semaphore, #tpu.memory_space<semaphore_mem>>) src(%dma_wait3A_36 : memref<50x100xi32, #tpu.memory_space<hbm>>) dst(%arg8 : memref<50x100xi32, #tpu.memory_space<vmem>>)
      tpu.yield
    }) : () -> ()
    %scan3A_11 = arith.constant 0 : i32
    %scan3A_12 = arith.constant 0 : i32
    %scan3A_13 = arith.constant 50 : i32
    %scan3A_14 = arith.addi %scan3A_12, %scan3A_13 : i32
    %scan3A_15 = arith.constant 1 : i32
    scf.for %scan3A_22 = %scan3A_12 to %scan3A_14 step %scan3A_15  : i32 {
      %dma_start3A = arith.constant 0 : i32
      %dma_start3A_23 = tpu.memref_slice %arg7[%scan3A_22, %dma_start3A] : memref<50x100xi32, #tpu.memory_space<vmem>> -> memref<1x100xi32, #tpu.memory_space<vmem>>
      %dma_start3A_24 = tpu.memref_squeeze %dma_start3A_23 : memref<1x100xi32, #tpu.memory_space<vmem>> -> memref<100xi32, #tpu.memory_space<vmem>>
      %dma_start3A_25 = arith.constant 0 : i32
      %dma_start3A_26 = arith.constant 0 : i32
      %dma_start3A_27 = tpu.memref_slice %arg2[%dma_start3A_25, %dma_start3A_26] : memref<10000x128xf32, #tpu.memory_space<hbm>> -> memref<10000x128xf32, #tpu.memory_space<hbm>>
      tpu.enqueue_indirect_dma source(%dma_start3A_27 : memref<10000x128xf32, #tpu.memory_space<hbm>>) target(%arg9 : memref<100x128xf32, #tpu.memory_space<vmem>>) offsets(%dma_start3A_24 : memref<100xi32, #tpu.memory_space<vmem>>) semaphore(%arg12 : memref<!tpu.dma_semaphore, #tpu.memory_space<semaphore_mem>>)
      %dma_wait3A = arith.constant 0 : i32
      %dma_wait3A_28 = tpu.memref_slice %arg7[%scan3A_22, %dma_wait3A] : memref<50x100xi32, #tpu.memory_space<vmem>> -> memref<1x100xi32, #tpu.memory_space<vmem>>
      %dma_wait3A_29 = tpu.memref_squeeze %dma_wait3A_28 : memref<1x100xi32, #tpu.memory_space<vmem>> -> memref<100xi32, #tpu.memory_space<vmem>>
      %dma_wait3A_30 = arith.constant 0 : i32
      %dma_wait3A_31 = arith.constant 0 : i32
      %dma_wait3A_32 = tpu.memref_slice %arg2[%dma_wait3A_30, %dma_wait3A_31] : memref<10000x128xf32, #tpu.memory_space<hbm>> -> memref<10000x128xf32, #tpu.memory_space<hbm>>
      tpu.wait_indirect_dma semaphore(%arg12 : memref<!tpu.dma_semaphore, #tpu.memory_space<semaphore_mem>>) src(%dma_wait3A_32 : memref<10000x128xf32, #tpu.memory_space<hbm>>) dst(%arg9 : memref<100x128xf32, #tpu.memory_space<vmem>>)
      "tpu.region"() ({
        %run_scoped3A_33 = tpu.sem_alloc : memref<!tpu.dma_semaphore, #tpu.memory_space<semaphore_mem>>
        %dma_start3A_34 = arith.constant 0 : i32
        %dma_start3A_35 = tpu.memref_slice %arg8[%scan3A_22, %dma_start3A_34] : memref<50x100xi32, #tpu.memory_space<vmem>> -> memref<1x100xi32, #tpu.memory_space<vmem>>
        %dma_start3A_36 = tpu.memref_squeeze %dma_start3A_35 : memref<1x100xi32, #tpu.memory_space<vmem>> -> memref<100xi32, #tpu.memory_space<vmem>>
        %dma_start3A_37 = arith.constant 0 : i32
        %dma_start3A_38 = arith.constant 0 : i32
        %dma_start3A_39 = tpu.memref_slice %arg11[%dma_start3A_37, %dma_start3A_38] : memref<10112x128xf32, #tpu.memory_space<vmem_shared>> -> memref<10112x128xf32, #tpu.memory_space<vmem_shared>>
        tpu.enqueue_indirect_dma source(%arg9 : memref<100x128xf32, #tpu.memory_space<vmem>>) target(%dma_start3A_39 : memref<10112x128xf32, #tpu.memory_space<vmem_shared>>) offsets(%dma_start3A_36 : memref<100xi32, #tpu.memory_space<vmem>>) semaphore(%run_scoped3A_33 : memref<!tpu.dma_semaphore, #tpu.memory_space<semaphore_mem>>) {add = true}
        %dma_wait3A_40 = arith.constant 0 : i32
        %dma_wait3A_41 = tpu.memref_slice %arg8[%scan3A_22, %dma_wait3A_40] : memref<50x100xi32, #tpu.memory_space<vmem>> -> memref<1x100xi32, #tpu.memory_space<vmem>>
        %dma_wait3A_42 = tpu.memref_squeeze %dma_wait3A_41 : memref<1x100xi32, #tpu.memory_space<vmem>> -> memref<100xi32, #tpu.memory_space<vmem>>
        %dma_wait3A_43 = arith.constant 0 : i32
        %dma_wait3A_44 = arith.constant 0 : i32
        %dma_wait3A_45 = tpu.memref_slice %arg11[%dma_wait3A_43, %dma_wait3A_44] : memref<10112x128xf32, #tpu.memory_space<vmem_shared>> -> memref<10112x128xf32, #tpu.memory_space<vmem_shared>>
        tpu.wait_indirect_dma semaphore(%run_scoped3A_33 : memref<!tpu.dma_semaphore, #tpu.memory_space<semaphore_mem>>) src(%arg9 : memref<100x128xf32, #tpu.memory_space<vmem>>) dst(%dma_wait3A_45 : memref<10112x128xf32, #tpu.memory_space<vmem_shared>>)
        tpu.yield
      }) : () -> ()
    }
    %scan3A_16 = arith.constant 50 : i32
    %barrier3A_17 = arith.constant 0 : index
    tpu.barrier barrier_id(%barrier3A_17)
    %mul3A_18 = arith.constant 632 : i32
    %mul3A_19 = arith.muli %arg1, %mul3A_18 : i32
    %mul3A_20 = arith.constant 632 : i32
    %mul3A_21 = arith.muli %arg1, %mul3A_20 : i32
    "tpu.region"() ({
      %run_scoped3A_22 = tpu.sem_alloc : memref<!tpu.dma_semaphore, #tpu.memory_space<semaphore_mem>>
      %dma_start3A = arith.constant 0 : i32
      %dma_start3A_23 = tpu.memref_slice %arg6[%arg0, %mul3A_21, %dma_start3A] : memref<2x10112x128xf32, #tpu.memory_space<hbm>> -> memref<1x632x128xf32, #tpu.memory_space<hbm>>
      %dma_start3A_24 = tpu.memref_squeeze %dma_start3A_23 : memref<1x632x128xf32, #tpu.memory_space<hbm>> -> memref<632x128xf32, #tpu.memory_space<hbm>>
      %dma_start3A_25 = arith.constant 0 : i32
      %dma_start3A_26 = tpu.memref_slice %arg11[%mul3A_19, %dma_start3A_25] : memref<10112x128xf32, #tpu.memory_space<vmem_shared>> -> memref<632x128xf32, #tpu.memory_space<vmem_shared>>
      tpu.enqueue_dma source(%dma_start3A_26 : memref<632x128xf32, #tpu.memory_space<vmem_shared>>) target(%dma_start3A_24 : memref<632x128xf32, #tpu.memory_space<hbm>>) target_semaphore(%run_scoped3A_22 : memref<!tpu.dma_semaphore, #tpu.memory_space<semaphore_mem>>)
      %dma_wait3A = arith.constant 0 : i32
      %dma_wait3A_27 = tpu.memref_slice %arg6[%arg0, %mul3A_21, %dma_wait3A] : memref<2x10112x128xf32, #tpu.memory_space<hbm>> -> memref<1x632x128xf32, #tpu.memory_space<hbm>>
      %dma_wait3A_28 = tpu.memref_squeeze %dma_wait3A_27 : memref<1x632x128xf32, #tpu.memory_space<hbm>> -> memref<632x128xf32, #tpu.memory_space<hbm>>
      %dma_wait3A_29 = arith.constant 0 : i32
      %dma_wait3A_30 = tpu.memref_slice %arg11[%mul3A_19, %dma_wait3A_29] : memref<10112x128xf32, #tpu.memory_space<vmem_shared>> -> memref<632x128xf32, #tpu.memory_space<vmem_shared>>
      tpu.wait_dma2 semaphore(%run_scoped3A_22 : memref<!tpu.dma_semaphore, #tpu.memory_space<semaphore_mem>>) src(%dma_wait3A_30 : memref<632x128xf32, #tpu.memory_space<vmem_shared>>) dst(%dma_wait3A_28 : memref<632x128xf32, #tpu.memory_space<hbm>>)
      tpu.yield
    }) : () -> ()
    return
  }
}

#map = affine_map<(d0, d1) -> (0, 0)>
#map1 = affine_map<(d0, d1) -> (0, 0, 0, 0)>
#map2 = affine_map<(d0, d1) -> (0, 0, 0)>
module attributes {stable_mosaic.version = 14 : i64} {
  func.func @_sc_scatter(%arg0: i32, %arg1: i32, %arg2: memref<10000x128xf32, #tpu.memory_space<hbm>>, %arg3: memref<32x2x50x100xi32, #tpu.memory_space<hbm>>, %arg4: memref<32x2x50x100xi32, #tpu.memory_space<hbm>>, %arg5: memref<632x128xf32, #tpu.memory_space<hbm>>, %arg6: memref<2x10112x128xf32, #tpu.memory_space<hbm>>, %arg7: memref<50x100xi32, #tpu.memory_space<vmem>>, %arg8: memref<50x100xi32, #tpu.memory_space<vmem>>, %arg9: memref<100x128xf32, #tpu.memory_space<vmem>>, %arg10: memref<100x128xf32, #tpu.memory_space<vmem>>, %arg11: memref<10112x128xf32, #tpu.memory_space<vmem_shared>>, %arg12: memref<!tpu.dma_semaphore, #tpu.memory_space<semaphore_mem>>, %arg13: memref<!tpu.dma_semaphore, #tpu.memory_space<semaphore_mem>>) attributes {dimension_semantics = [#tpu.dimension_semantics<core_parallel>, #tpu.dimension_semantics<subcore_parallel>], iteration_bounds = array<i64: 2, 16>, scalar_prefetch = 0 : i64, scratch_operands = 7 : i64, tpu.core_type = #tpu.core_type<sc_vector_subcore>, window_params = [{transform_indices = #map}, {transform_indices = #map1}, {transform_indices = #map1}, {transform_indices = #map}, {transform_indices = #map2}]} {
    %mul3A = arith.constant 16 : i32
    %mul3A_0 = arith.muli %arg0, %mul3A : i32
    %add3A = arith.addi %mul3A_0, %arg1 : i32
    %mul3A_1 = arith.constant 632 : i32
    %mul3A_2 = arith.muli %arg1, %mul3A_1 : i32
    "tpu.region"() ({
      %run_scoped3A_22 = tpu.sem_alloc : memref<!tpu.dma_semaphore, #tpu.memory_space<semaphore_mem>>
      %dma_start3A = arith.constant 0 : i32
      %dma_start3A_23 = tpu.memref_slice %arg11[%mul3A_2, %dma_start3A] : memref<10112x128xf32, #tpu.memory_space<vmem_shared>> -> memref<632x128xf32, #tpu.memory_space<vmem_shared>>
      tpu.enqueue_dma source(%arg5 : memref<632x128xf32, #tpu.memory_space<hbm>>) target(%dma_start3A_23 : memref<632x128xf32, #tpu.memory_space<vmem_shared>>) target_semaphore(%run_scoped3A_22 : memref<!tpu.dma_semaphore, #tpu.memory_space<semaphore_mem>>)
      %dma_wait3A = arith.constant 0 : i32
      %dma_wait3A_24 = tpu.memref_slice %arg11[%mul3A_2, %dma_wait3A] : memref<10112x128xf32, #tpu.memory_space<vmem_shared>> -> memref<632x128xf32, #tpu.memory_space<vmem_shared>>
      tpu.wait_dma2 semaphore(%run_scoped3A_22 : memref<!tpu.dma_semaphore, #tpu.memory_space<semaphore_mem>>) src(%arg5 : memref<632x128xf32, #tpu.memory_space<hbm>>) dst(%dma_wait3A_24 : memref<632x128xf32, #tpu.memory_space<vmem_shared>>)
      tpu.yield
    }) : () -> ()
    %barrier3A = arith.constant 0 : index
    tpu.barrier barrier_id(%barrier3A)
    %run_scoped3A = arith.constant 0 : i32
    "tpu.region"() ({
      %run_scoped3A_22 = tpu.sem_alloc : memref<!tpu.dma_semaphore, #tpu.memory_space<semaphore_mem>>
      %dma_start3A = arith.constant 0 : i32
      %dma_start3A_23 = arith.constant 0 : i32
      %dma_start3A_24 = tpu.memref_slice %arg3[%add3A, %run_scoped3A, %dma_start3A, %dma_start3A_23] : memref<32x2x50x100xi32, #tpu.memory_space<hbm>> -> memref<1x1x50x100xi32, #tpu.memory_space<hbm>>
      %dma_start3A_25 = tpu.memref_squeeze %dma_start3A_24 : memref<1x1x50x100xi32, #tpu.memory_space<hbm>> -> memref<50x100xi32, #tpu.memory_space<hbm>>
      %dma_start3A_26 = arith.constant 0 : i32
      %dma_start3A_27 = arith.constant 0 : i32
      %dma_start3A_28 = tpu.memref_slice %arg3[%add3A, %run_scoped3A, %dma_start3A_26, %dma_start3A_27] : memref<32x2x50x100xi32, #tpu.memory_space<hbm>> -> memref<1x1x50x100xi32, #tpu.memory_space<hbm>>
      %dma_start3A_29 = tpu.memref_squeeze %dma_start3A_28 : memref<1x1x50x100xi32, #tpu.memory_space<hbm>> -> memref<50x100xi32, #tpu.memory_space<hbm>>
      tpu.enqueue_dma source(%dma_start3A_29 : memref<50x100xi32, #tpu.memory_space<hbm>>) target(%arg7 : memref<50x100xi32, #tpu.memory_space<vmem>>) target_semaphore(%run_scoped3A_22 : memref<!tpu.dma_semaphore, #tpu.memory_space<semaphore_mem>>)
      %dma_wait3A = arith.constant 0 : i32
      %dma_wait3A_30 = arith.constant 0 : i32
      %dma_wait3A_31 = tpu.memref_slice %arg3[%add3A, %run_scoped3A, %dma_wait3A, %dma_wait3A_30] : memref<32x2x50x100xi32, #tpu.memory_space<hbm>> -> memref<1x1x50x100xi32, #tpu.memory_space<hbm>>
      %dma_wait3A_32 = tpu.memref_squeeze %dma_wait3A_31 : memref<1x1x50x100xi32, #tpu.memory_space<hbm>> -> memref<50x100xi32, #tpu.memory_space<hbm>>
      %dma_wait3A_33 = arith.constant 0 : i32
      %dma_wait3A_34 = arith.constant 0 : i32
      %dma_wait3A_35 = tpu.memref_slice %arg3[%add3A, %run_scoped3A, %dma_wait3A_33, %dma_wait3A_34] : memref<32x2x50x100xi32, #tpu.memory_space<hbm>> -> memref<1x1x50x100xi32, #tpu.memory_space<hbm>>
      %dma_wait3A_36 = tpu.memref_squeeze %dma_wait3A_35 : memref<1x1x50x100xi32, #tpu.memory_space<hbm>> -> memref<50x100xi32, #tpu.memory_space<hbm>>
      tpu.wait_dma2 semaphore(%run_scoped3A_22 : memref<!tpu.dma_semaphore, #tpu.memory_space<semaphore_mem>>) src(%dma_wait3A_36 : memref<50x100xi32, #tpu.memory_space<hbm>>) dst(%arg7 : memref<50x100xi32, #tpu.memory_space<vmem>>)
      tpu.yield
    }) : () -> ()
    %run_scoped3A_3 = arith.constant 0 : i32
    "tpu.region"() ({
      %run_scoped3A_22 = tpu.sem_alloc : memref<!tpu.dma_semaphore, #tpu.memory_space<semaphore_mem>>
      %dma_start3A = arith.constant 0 : i32
      %dma_start3A_23 = arith.constant 0 : i32
      %dma_start3A_24 = tpu.memref_slice %arg4[%add3A, %run_scoped3A_3, %dma_start3A, %dma_start3A_23] : memref<32x2x50x100xi32, #tpu.memory_space<hbm>> -> memref<1x1x50x100xi32, #tpu.memory_space<hbm>>
      %dma_start3A_25 = tpu.memref_squeeze %dma_start3A_24 : memref<1x1x50x100xi32, #tpu.memory_space<hbm>> -> memref<50x100xi32, #tpu.memory_space<hbm>>
      %dma_start3A_26 = arith.constant 0 : i32
      %dma_start3A_27 = arith.constant 0 : i32
      %dma_start3A_28 = tpu.memref_slice %arg4[%add3A, %run_scoped3A_3, %dma_start3A_26, %dma_start3A_27] : memref<32x2x50x100xi32, #tpu.memory_space<hbm>> -> memref<1x1x50x100xi32, #tpu.memory_space<hbm>>
      %dma_start3A_29 = tpu.memref_squeeze %dma_start3A_28 : memref<1x1x50x100xi32, #tpu.memory_space<hbm>> -> memref<50x100xi32, #tpu.memory_space<hbm>>
      tpu.enqueue_dma source(%dma_start3A_29 : memref<50x100xi32, #tpu.memory_space<hbm>>) target(%arg8 : memref<50x100xi32, #tpu.memory_space<vmem>>) target_semaphore(%run_scoped3A_22 : memref<!tpu.dma_semaphore, #tpu.memory_space<semaphore_mem>>)
      %dma_wait3A = arith.constant 0 : i32
      %dma_wait3A_30 = arith.constant 0 : i32
      %dma_wait3A_31 = tpu.memref_slice %arg4[%add3A, %run_scoped3A_3, %dma_wait3A, %dma_wait3A_30] : memref<32x2x50x100xi32, #tpu.memory_space<hbm>> -> memref<1x1x50x100xi32, #tpu.memory_space<hbm>>
      %dma_wait3A_32 = tpu.memref_squeeze %dma_wait3A_31 : memref<1x1x50x100xi32, #tpu.memory_space<hbm>> -> memref<50x100xi32, #tpu.memory_space<hbm>>
      %dma_wait3A_33 = arith.constant 0 : i32
      %dma_wait3A_34 = arith.constant 0 : i32
      %dma_wait3A_35 = tpu.memref_slice %arg4[%add3A, %run_scoped3A_3, %dma_wait3A_33, %dma_wait3A_34] : memref<32x2x50x100xi32, #tpu.memory_space<hbm>> -> memref<1x1x50x100xi32, #tpu.memory_space<hbm>>
      %dma_wait3A_36 = tpu.memref_squeeze %dma_wait3A_35 : memref<1x1x50x100xi32, #tpu.memory_space<hbm>> -> memref<50x100xi32, #tpu.memory_space<hbm>>
      tpu.wait_dma2 semaphore(%run_scoped3A_22 : memref<!tpu.dma_semaphore, #tpu.memory_space<semaphore_mem>>) src(%dma_wait3A_36 : memref<50x100xi32, #tpu.memory_space<hbm>>) dst(%arg8 : memref<50x100xi32, #tpu.memory_space<vmem>>)
      tpu.yield
    }) : () -> ()
    %scan3A = arith.constant 0 : i32
    %scan3A_4 = arith.constant 0 : i32
    %scan3A_5 = arith.constant 50 : i32
    %scan3A_6 = arith.addi %scan3A_4, %scan3A_5 : i32
    %scan3A_7 = arith.constant 1 : i32
    scf.for %scan3A_22 = %scan3A_4 to %scan3A_6 step %scan3A_7  : i32 {
      %dma_start3A = arith.constant 0 : i32
      %dma_start3A_23 = tpu.memref_slice %arg7[%scan3A_22, %dma_start3A] : memref<50x100xi32, #tpu.memory_space<vmem>> -> memref<1x100xi32, #tpu.memory_space<vmem>>
      %dma_start3A_24 = tpu.memref_squeeze %dma_start3A_23 : memref<1x100xi32, #tpu.memory_space<vmem>> -> memref<100xi32, #tpu.memory_space<vmem>>
      %dma_start3A_25 = arith.constant 0 : i32
      %dma_start3A_26 = arith.constant 0 : i32
      %dma_start3A_27 = tpu.memref_slice %arg2[%dma_start3A_25, %dma_start3A_26] : memref<10000x128xf32, #tpu.memory_space<hbm>> -> memref<10000x128xf32, #tpu.memory_space<hbm>>
      tpu.enqueue_indirect_dma source(%dma_start3A_27 : memref<10000x128xf32, #tpu.memory_space<hbm>>) target(%arg9 : memref<100x128xf32, #tpu.memory_space<vmem>>) offsets(%dma_start3A_24 : memref<100xi32, #tpu.memory_space<vmem>>) semaphore(%arg12 : memref<!tpu.dma_semaphore, #tpu.memory_space<semaphore_mem>>)
      %dma_wait3A = arith.constant 0 : i32
      %dma_wait3A_28 = tpu.memref_slice %arg7[%scan3A_22, %dma_wait3A] : memref<50x100xi32, #tpu.memory_space<vmem>> -> memref<1x100xi32, #tpu.memory_space<vmem>>
      %dma_wait3A_29 = tpu.memref_squeeze %dma_wait3A_28 : memref<1x100xi32, #tpu.memory_space<vmem>> -> memref<100xi32, #tpu.memory_space<vmem>>
      %dma_wait3A_30 = arith.constant 0 : i32
      %dma_wait3A_31 = arith.constant 0 : i32
      %dma_wait3A_32 = tpu.memref_slice %arg2[%dma_wait3A_30, %dma_wait3A_31] : memref<10000x128xf32, #tpu.memory_space<hbm>> -> memref<10000x128xf32, #tpu.memory_space<hbm>>
      tpu.wait_indirect_dma semaphore(%arg12 : memref<!tpu.dma_semaphore, #tpu.memory_space<semaphore_mem>>) src(%dma_wait3A_32 : memref<10000x128xf32, #tpu.memory_space<hbm>>) dst(%arg9 : memref<100x128xf32, #tpu.memory_space<vmem>>)
      "tpu.region"() ({
        %run_scoped3A_33 = tpu.sem_alloc : memref<!tpu.dma_semaphore, #tpu.memory_space<semaphore_mem>>
        %dma_start3A_34 = arith.constant 0 : i32
        %dma_start3A_35 = tpu.memref_slice %arg8[%scan3A_22, %dma_start3A_34] : memref<50x100xi32, #tpu.memory_space<vmem>> -> memref<1x100xi32, #tpu.memory_space<vmem>>
        %dma_start3A_36 = tpu.memref_squeeze %dma_start3A_35 : memref<1x100xi32, #tpu.memory_space<vmem>> -> memref<100xi32, #tpu.memory_space<vmem>>
        %dma_start3A_37 = arith.constant 0 : i32
        %dma_start3A_38 = arith.constant 0 : i32
        %dma_start3A_39 = tpu.memref_slice %arg11[%dma_start3A_37, %dma_start3A_38] : memref<10112x128xf32, #tpu.memory_space<vmem_shared>> -> memref<10112x128xf32, #tpu.memory_space<vmem_shared>>
        tpu.enqueue_indirect_dma source(%arg9 : memref<100x128xf32, #tpu.memory_space<vmem>>) target(%dma_start3A_39 : memref<10112x128xf32, #tpu.memory_space<vmem_shared>>) offsets(%dma_start3A_36 : memref<100xi32, #tpu.memory_space<vmem>>) semaphore(%run_scoped3A_33 : memref<!tpu.dma_semaphore, #tpu.memory_space<semaphore_mem>>) {add = true}
        %dma_wait3A_40 = arith.constant 0 : i32
        %dma_wait3A_41 = tpu.memref_slice %arg8[%scan3A_22, %dma_wait3A_40] : memref<50x100xi32, #tpu.memory_space<vmem>> -> memref<1x100xi32, #tpu.memory_space<vmem>>
        %dma_wait3A_42 = tpu.memref_squeeze %dma_wait3A_41 : memref<1x100xi32, #tpu.memory_space<vmem>> -> memref<100xi32, #tpu.memory_space<vmem>>
        %dma_wait3A_43 = arith.constant 0 : i32
        %dma_wait3A_44 = arith.constant 0 : i32
        %dma_wait3A_45 = tpu.memref_slice %arg11[%dma_wait3A_43, %dma_wait3A_44] : memref<10112x128xf32, #tpu.memory_space<vmem_shared>> -> memref<10112x128xf32, #tpu.memory_space<vmem_shared>>
        tpu.wait_indirect_dma semaphore(%run_scoped3A_33 : memref<!tpu.dma_semaphore, #tpu.memory_space<semaphore_mem>>) src(%arg9 : memref<100x128xf32, #tpu.memory_space<vmem>>) dst(%dma_wait3A_45 : memref<10112x128xf32, #tpu.memory_space<vmem_shared>>)
        tpu.yield
      }) : () -> ()
    }
    %scan3A_8 = arith.constant 50 : i32
    %run_scoped3A_9 = arith.constant 1 : i32
    "tpu.region"() ({
      %run_scoped3A_22 = tpu.sem_alloc : memref<!tpu.dma_semaphore, #tpu.memory_space<semaphore_mem>>
      %dma_start3A = arith.constant 0 : i32
      %dma_start3A_23 = arith.constant 0 : i32
      %dma_start3A_24 = tpu.memref_slice %arg3[%add3A, %run_scoped3A_9, %dma_start3A, %dma_start3A_23] : memref<32x2x50x100xi32, #tpu.memory_space<hbm>> -> memref<1x1x50x100xi32, #tpu.memory_space<hbm>>
      %dma_start3A_25 = tpu.memref_squeeze %dma_start3A_24 : memref<1x1x50x100xi32, #tpu.memory_space<hbm>> -> memref<50x100xi32, #tpu.memory_space<hbm>>
      %dma_start3A_26 = arith.constant 0 : i32
      %dma_start3A_27 = arith.constant 0 : i32
      %dma_start3A_28 = tpu.memref_slice %arg3[%add3A, %run_scoped3A_9, %dma_start3A_26, %dma_start3A_27] : memref<32x2x50x100xi32, #tpu.memory_space<hbm>> -> memref<1x1x50x100xi32, #tpu.memory_space<hbm>>
      %dma_start3A_29 = tpu.memref_squeeze %dma_start3A_28 : memref<1x1x50x100xi32, #tpu.memory_space<hbm>> -> memref<50x100xi32, #tpu.memory_space<hbm>>
      tpu.enqueue_dma source(%dma_start3A_29 : memref<50x100xi32, #tpu.memory_space<hbm>>) target(%arg7 : memref<50x100xi32, #tpu.memory_space<vmem>>) target_semaphore(%run_scoped3A_22 : memref<!tpu.dma_semaphore, #tpu.memory_space<semaphore_mem>>)
      %dma_wait3A = arith.constant 0 : i32
      %dma_wait3A_30 = arith.constant 0 : i32
      %dma_wait3A_31 = tpu.memref_slice %arg3[%add3A, %run_scoped3A_9, %dma_wait3A, %dma_wait3A_30] : memref<32x2x50x100xi32, #tpu.memory_space<hbm>> -> memref<1x1x50x100xi32, #tpu.memory_space<hbm>>
      %dma_wait3A_32 = tpu.memref_squeeze %dma_wait3A_31 : memref<1x1x50x100xi32, #tpu.memory_space<hbm>> -> memref<50x100xi32, #tpu.memory_space<hbm>>
      %dma_wait3A_33 = arith.constant 0 : i32
      %dma_wait3A_34 = arith.constant 0 : i32
      %dma_wait3A_35 = tpu.memref_slice %arg3[%add3A, %run_scoped3A_9, %dma_wait3A_33, %dma_wait3A_34] : memref<32x2x50x100xi32, #tpu.memory_space<hbm>> -> memref<1x1x50x100xi32, #tpu.memory_space<hbm>>
      %dma_wait3A_36 = tpu.memref_squeeze %dma_wait3A_35 : memref<1x1x50x100xi32, #tpu.memory_space<hbm>> -> memref<50x100xi32, #tpu.memory_space<hbm>>
      tpu.wait_dma2 semaphore(%run_scoped3A_22 : memref<!tpu.dma_semaphore, #tpu.memory_space<semaphore_mem>>) src(%dma_wait3A_36 : memref<50x100xi32, #tpu.memory_space<hbm>>) dst(%arg7 : memref<50x100xi32, #tpu.memory_space<vmem>>)
      tpu.yield
    }) : () -> ()
    %run_scoped3A_10 = arith.constant 1 : i32
    "tpu.region"() ({
      %run_scoped3A_22 = tpu.sem_alloc : memref<!tpu.dma_semaphore, #tpu.memory_space<semaphore_mem>>
      %dma_start3A = arith.constant 0 : i32
      %dma_start3A_23 = arith.constant 0 : i32
      %dma_start3A_24 = tpu.memref_slice %arg4[%add3A, %run_scoped3A_10, %dma_start3A, %dma_start3A_23] : memref<32x2x50x100xi32, #tpu.memory_space<hbm>> -> memref<1x1x50x100xi32, #tpu.memory_space<hbm>>
      %dma_start3A_25 = tpu.memref_squeeze %dma_start3A_24 : memref<1x1x50x100xi32, #tpu.memory_space<hbm>> -> memref<50x100xi32, #tpu.memory_space<hbm>>
      %dma_start3A_26 = arith.constant 0 : i32
      %dma_start3A_27 = arith.constant 0 : i32
      %dma_start3A_28 = tpu.memref_slice %arg4[%add3A, %run_scoped3A_10, %dma_start3A_26, %dma_start3A_27] : memref<32x2x50x100xi32, #tpu.memory_space<hbm>> -> memref<1x1x50x100xi32, #tpu.memory_space<hbm>>
      %dma_start3A_29 = tpu.memref_squeeze %dma_start3A_28 : memref<1x1x50x100xi32, #tpu.memory_space<hbm>> -> memref<50x100xi32, #tpu.memory_space<hbm>>
      tpu.enqueue_dma source(%dma_start3A_29 : memref<50x100xi32, #tpu.memory_space<hbm>>) target(%arg8 : memref<50x100xi32, #tpu.memory_space<vmem>>) target_semaphore(%run_scoped3A_22 : memref<!tpu.dma_semaphore, #tpu.memory_space<semaphore_mem>>)
      %dma_wait3A = arith.constant 0 : i32
      %dma_wait3A_30 = arith.constant 0 : i32
      %dma_wait3A_31 = tpu.memref_slice %arg4[%add3A, %run_scoped3A_10, %dma_wait3A, %dma_wait3A_30] : memref<32x2x50x100xi32, #tpu.memory_space<hbm>> -> memref<1x1x50x100xi32, #tpu.memory_space<hbm>>
      %dma_wait3A_32 = tpu.memref_squeeze %dma_wait3A_31 : memref<1x1x50x100xi32, #tpu.memory_space<hbm>> -> memref<50x100xi32, #tpu.memory_space<hbm>>
      %dma_wait3A_33 = arith.constant 0 : i32
      %dma_wait3A_34 = arith.constant 0 : i32
      %dma_wait3A_35 = tpu.memref_slice %arg4[%add3A, %run_scoped3A_10, %dma_wait3A_33, %dma_wait3A_34] : memref<32x2x50x100xi32, #tpu.memory_space<hbm>> -> memref<1x1x50x100xi32, #tpu.memory_space<hbm>>
      %dma_wait3A_36 = tpu.memref_squeeze %dma_wait3A_35 : memref<1x1x50x100xi32, #tpu.memory_space<hbm>> -> memref<50x100xi32, #tpu.memory_space<hbm>>
      tpu.wait_dma2 semaphore(%run_scoped3A_22 : memref<!tpu.dma_semaphore, #tpu.memory_space<semaphore_mem>>) src(%dma_wait3A_36 : memref<50x100xi32, #tpu.memory_space<hbm>>) dst(%arg8 : memref<50x100xi32, #tpu.memory_space<vmem>>)
      tpu.yield
    }) : () -> ()
    %scan3A_11 = arith.constant 0 : i32
    %scan3A_12 = arith.constant 0 : i32
    %scan3A_13 = arith.constant 50 : i32
    %scan3A_14 = arith.addi %scan3A_12, %scan3A_13 : i32
    %scan3A_15 = arith.constant 1 : i32
    scf.for %scan3A_22 = %scan3A_12 to %scan3A_14 step %scan3A_15  : i32 {
      %dma_start3A = arith.constant 0 : i32
      %dma_start3A_23 = tpu.memref_slice %arg7[%scan3A_22, %dma_start3A] : memref<50x100xi32, #tpu.memory_space<vmem>> -> memref<1x100xi32, #tpu.memory_space<vmem>>
      %dma_start3A_24 = tpu.memref_squeeze %dma_start3A_23 : memref<1x100xi32, #tpu.memory_space<vmem>> -> memref<100xi32, #tpu.memory_space<vmem>>
      %dma_start3A_25 = arith.constant 0 : i32
      %dma_start3A_26 = arith.constant 0 : i32
      %dma_start3A_27 = tpu.memref_slice %arg2[%dma_start3A_25, %dma_start3A_26] : memref<10000x128xf32, #tpu.memory_space<hbm>> -> memref<10000x128xf32, #tpu.memory_space<hbm>>
      tpu.enqueue_indirect_dma source(%dma_start3A_27 : memref<10000x128xf32, #tpu.memory_space<hbm>>) target(%arg9 : memref<100x128xf32, #tpu.memory_space<vmem>>) offsets(%dma_start3A_24 : memref<100xi32, #tpu.memory_space<vmem>>) semaphore(%arg12 : memref<!tpu.dma_semaphore, #tpu.memory_space<semaphore_mem>>)
      %dma_wait3A = arith.constant 0 : i32
      %dma_wait3A_28 = tpu.memref_slice %arg7[%scan3A_22, %dma_wait3A] : memref<50x100xi32, #tpu.memory_space<vmem>> -> memref<1x100xi32, #tpu.memory_space<vmem>>
      %dma_wait3A_29 = tpu.memref_squeeze %dma_wait3A_28 : memref<1x100xi32, #tpu.memory_space<vmem>> -> memref<100xi32, #tpu.memory_space<vmem>>
      %dma_wait3A_30 = arith.constant 0 : i32
      %dma_wait3A_31 = arith.constant 0 : i32
      %dma_wait3A_32 = tpu.memref_slice %arg2[%dma_wait3A_30, %dma_wait3A_31] : memref<10000x128xf32, #tpu.memory_space<hbm>> -> memref<10000x128xf32, #tpu.memory_space<hbm>>
      tpu.wait_indirect_dma semaphore(%arg12 : memref<!tpu.dma_semaphore, #tpu.memory_space<semaphore_mem>>) src(%dma_wait3A_32 : memref<10000x128xf32, #tpu.memory_space<hbm>>) dst(%arg9 : memref<100x128xf32, #tpu.memory_space<vmem>>)
      "tpu.region"() ({
        %run_scoped3A_33 = tpu.sem_alloc : memref<!tpu.dma_semaphore, #tpu.memory_space<semaphore_mem>>
        %dma_start3A_34 = arith.constant 0 : i32
        %dma_start3A_35 = tpu.memref_slice %arg8[%scan3A_22, %dma_start3A_34] : memref<50x100xi32, #tpu.memory_space<vmem>> -> memref<1x100xi32, #tpu.memory_space<vmem>>
        %dma_start3A_36 = tpu.memref_squeeze %dma_start3A_35 : memref<1x100xi32, #tpu.memory_space<vmem>> -> memref<100xi32, #tpu.memory_space<vmem>>
        %dma_start3A_37 = arith.constant 0 : i32
        %dma_start3A_38 = arith.constant 0 : i32
        %dma_start3A_39 = tpu.memref_slice %arg11[%dma_start3A_37, %dma_start3A_38] : memref<10112x128xf32, #tpu.memory_space<vmem_shared>> -> memref<10112x128xf32, #tpu.memory_space<vmem_shared>>
        tpu.enqueue_indirect_dma source(%arg9 : memref<100x128xf32, #tpu.memory_space<vmem>>) target(%dma_start3A_39 : memref<10112x128xf32, #tpu.memory_space<vmem_shared>>) offsets(%dma_start3A_36 : memref<100xi32, #tpu.memory_space<vmem>>) semaphore(%run_scoped3A_33 : memref<!tpu.dma_semaphore, #tpu.memory_space<semaphore_mem>>) {add = true}
        %dma_wait3A_40 = arith.constant 0 : i32
        %dma_wait3A_41 = tpu.memref_slice %arg8[%scan3A_22, %dma_wait3A_40] : memref<50x100xi32, #tpu.memory_space<vmem>> -> memref<1x100xi32, #tpu.memory_space<vmem>>
        %dma_wait3A_42 = tpu.memref_squeeze %dma_wait3A_41 : memref<1x100xi32, #tpu.memory_space<vmem>> -> memref<100xi32, #tpu.memory_space<vmem>>
        %dma_wait3A_43 = arith.constant 0 : i32
        %dma_wait3A_44 = arith.constant 0 : i32
        %dma_wait3A_45 = tpu.memref_slice %arg11[%dma_wait3A_43, %dma_wait3A_44] : memref<10112x128xf32, #tpu.memory_space<vmem_shared>> -> memref<10112x128xf32, #tpu.memory_space<vmem_shared>>
        tpu.wait_indirect_dma semaphore(%run_scoped3A_33 : memref<!tpu.dma_semaphore, #tpu.memory_space<semaphore_mem>>) src(%arg9 : memref<100x128xf32, #tpu.memory_space<vmem>>) dst(%dma_wait3A_45 : memref<10112x128xf32, #tpu.memory_space<vmem_shared>>)
        tpu.yield
      }) : () -> ()
    }
    %scan3A_16 = arith.constant 50 : i32
    %barrier3A_17 = arith.constant 0 : index
    tpu.barrier barrier_id(%barrier3A_17)
    %mul3A_18 = arith.constant 632 : i32
    %mul3A_19 = arith.muli %arg1, %mul3A_18 : i32
    %mul3A_20 = arith.constant 632 : i32
    %mul3A_21 = arith.muli %arg1, %mul3A_20 : i32
    "tpu.region"() ({
      %run_scoped3A_22 = tpu.sem_alloc : memref<!tpu.dma_semaphore, #tpu.memory_space<semaphore_mem>>
      %dma_start3A = arith.constant 0 : i32
      %dma_start3A_23 = tpu.memref_slice %arg6[%arg0, %mul3A_21, %dma_start3A] : memref<2x10112x128xf32, #tpu.memory_space<hbm>> -> memref<1x632x128xf32, #tpu.memory_space<hbm>>
      %dma_start3A_24 = tpu.memref_squeeze %dma_start3A_23 : memref<1x632x128xf32, #tpu.memory_space<hbm>> -> memref<632x128xf32, #tpu.memory_space<hbm>>
      %dma_start3A_25 = arith.constant 0 : i32
      %dma_start3A_26 = tpu.memref_slice %arg11[%mul3A_19, %dma_start3A_25] : memref<10112x128xf32, #tpu.memory_space<vmem_shared>> -> memref<632x128xf32, #tpu.memory_space<vmem_shared>>
      tpu.enqueue_dma source(%dma_start3A_26 : memref<632x128xf32, #tpu.memory_space<vmem_shared>>) target(%dma_start3A_24 : memref<632x128xf32, #tpu.memory_space<hbm>>) target_semaphore(%run_scoped3A_22 : memref<!tpu.dma_semaphore, #tpu.memory_space<semaphore_mem>>)
      %dma_wait3A = arith.constant 0 : i32
      %dma_wait3A_27 = tpu.memref_slice %arg6[%arg0, %mul3A_21, %dma_wait3A] : memref<2x10112x128xf32, #tpu.memory_space<hbm>> -> memref<1x632x128xf32, #tpu.memory_space<hbm>>
      %dma_wait3A_28 = tpu.memref_squeeze %dma_wait3A_27 : memref<1x632x128xf32, #tpu.memory_space<hbm>> -> memref<632x128xf32, #tpu.memory_space<hbm>>
      %dma_wait3A_29 = arith.constant 0 : i32
      %dma_wait3A_30 = tpu.memref_slice %arg11[%mul3A_19, %dma_wait3A_29] : memref<10112x128xf32, #tpu.memory_space<vmem_shared>> -> memref<632x128xf32, #tpu.memory_space<vmem_shared>>
      tpu.wait_dma2 semaphore(%run_scoped3A_22 : memref<!tpu.dma_semaphore, #tpu.memory_space<semaphore_mem>>) src(%dma_wait3A_30 : memref<632x128xf32, #tpu.memory_space<vmem_shared>>) dst(%dma_wait3A_28 : memref<632x128xf32, #tpu.memory_space<hbm>>)
      tpu.yield
    }) : () -> ()
    return
  }
}

#map = affine_map<(d0, d1) -> (0, 0, 0)>
#map1 = affine_map<(d0, d1) -> (0, 0)>
module attributes {stable_mosaic.version = 14 : i64} {
  func.func @_sc_degree(%arg0: i32, %arg1: i32, %arg2: memref<32x200x50xi32, #tpu.memory_space<hbm>>, %arg3: memref<50x128xf32, #tpu.memory_space<hbm>>, %arg4: memref<632x128xf32, #tpu.memory_space<hbm>>, %arg5: memref<2x10112x128xf32, #tpu.memory_space<hbm>>, %arg6: memref<200x50xi32, #tpu.memory_space<vmem>>, %arg7: memref<50x128xf32, #tpu.memory_space<vmem>>, %arg8: memref<10112x128xf32, #tpu.memory_space<vmem_shared>>) attributes {dimension_semantics = [#tpu.dimension_semantics<core_parallel>, #tpu.dimension_semantics<subcore_parallel>], iteration_bounds = array<i64: 2, 16>, scalar_prefetch = 0 : i64, scratch_operands = 3 : i64, tpu.core_type = #tpu.core_type<sc_vector_subcore>, window_params = [{transform_indices = #map}, {transform_indices = #map1}, {transform_indices = #map1}, {transform_indices = #map}]} {
    %mul3A = arith.constant 16 : i32
    %mul3A_0 = arith.muli %arg0, %mul3A : i32
    %add3A = arith.addi %mul3A_0, %arg1 : i32
    %mul3A_1 = arith.constant 632 : i32
    %mul3A_2 = arith.muli %arg1, %mul3A_1 : i32
    "tpu.region"() ({
      %run_scoped3A = tpu.sem_alloc : memref<!tpu.dma_semaphore, #tpu.memory_space<semaphore_mem>>
      %dma_start3A = arith.constant 0 : i32
      %dma_start3A_13 = tpu.memref_slice %arg8[%mul3A_2, %dma_start3A] : memref<10112x128xf32, #tpu.memory_space<vmem_shared>> -> memref<632x128xf32, #tpu.memory_space<vmem_shared>>
      tpu.enqueue_dma source(%arg4 : memref<632x128xf32, #tpu.memory_space<hbm>>) target(%dma_start3A_13 : memref<632x128xf32, #tpu.memory_space<vmem_shared>>) target_semaphore(%run_scoped3A : memref<!tpu.dma_semaphore, #tpu.memory_space<semaphore_mem>>)
      %dma_wait3A = arith.constant 0 : i32
      %dma_wait3A_14 = tpu.memref_slice %arg8[%mul3A_2, %dma_wait3A] : memref<10112x128xf32, #tpu.memory_space<vmem_shared>> -> memref<632x128xf32, #tpu.memory_space<vmem_shared>>
      tpu.wait_dma2 semaphore(%run_scoped3A : memref<!tpu.dma_semaphore, #tpu.memory_space<semaphore_mem>>) src(%arg4 : memref<632x128xf32, #tpu.memory_space<hbm>>) dst(%dma_wait3A_14 : memref<632x128xf32, #tpu.memory_space<vmem_shared>>)
      tpu.yield
    }) : () -> ()
    "tpu.region"() ({
      %run_scoped3A = tpu.sem_alloc : memref<!tpu.dma_semaphore, #tpu.memory_space<semaphore_mem>>
      %dma_start3A = arith.constant 0 : i32
      %dma_start3A_13 = arith.constant 0 : i32
      %dma_start3A_14 = tpu.memref_slice %arg2[%add3A, %dma_start3A, %dma_start3A_13] : memref<32x200x50xi32, #tpu.memory_space<hbm>> -> memref<1x200x50xi32, #tpu.memory_space<hbm>>
      %dma_start3A_15 = tpu.memref_squeeze %dma_start3A_14 : memref<1x200x50xi32, #tpu.memory_space<hbm>> -> memref<200x50xi32, #tpu.memory_space<hbm>>
      %dma_start3A_16 = arith.constant 0 : i32
      %dma_start3A_17 = arith.constant 0 : i32
      %dma_start3A_18 = tpu.memref_slice %arg2[%add3A, %dma_start3A_16, %dma_start3A_17] : memref<32x200x50xi32, #tpu.memory_space<hbm>> -> memref<1x200x50xi32, #tpu.memory_space<hbm>>
      %dma_start3A_19 = tpu.memref_squeeze %dma_start3A_18 : memref<1x200x50xi32, #tpu.memory_space<hbm>> -> memref<200x50xi32, #tpu.memory_space<hbm>>
      tpu.enqueue_dma source(%dma_start3A_19 : memref<200x50xi32, #tpu.memory_space<hbm>>) target(%arg6 : memref<200x50xi32, #tpu.memory_space<vmem>>) target_semaphore(%run_scoped3A : memref<!tpu.dma_semaphore, #tpu.memory_space<semaphore_mem>>)
      %dma_wait3A = arith.constant 0 : i32
      %dma_wait3A_20 = arith.constant 0 : i32
      %dma_wait3A_21 = tpu.memref_slice %arg2[%add3A, %dma_wait3A, %dma_wait3A_20] : memref<32x200x50xi32, #tpu.memory_space<hbm>> -> memref<1x200x50xi32, #tpu.memory_space<hbm>>
      %dma_wait3A_22 = tpu.memref_squeeze %dma_wait3A_21 : memref<1x200x50xi32, #tpu.memory_space<hbm>> -> memref<200x50xi32, #tpu.memory_space<hbm>>
      %dma_wait3A_23 = arith.constant 0 : i32
      %dma_wait3A_24 = arith.constant 0 : i32
      %dma_wait3A_25 = tpu.memref_slice %arg2[%add3A, %dma_wait3A_23, %dma_wait3A_24] : memref<32x200x50xi32, #tpu.memory_space<hbm>> -> memref<1x200x50xi32, #tpu.memory_space<hbm>>
      %dma_wait3A_26 = tpu.memref_squeeze %dma_wait3A_25 : memref<1x200x50xi32, #tpu.memory_space<hbm>> -> memref<200x50xi32, #tpu.memory_space<hbm>>
      tpu.wait_dma2 semaphore(%run_scoped3A : memref<!tpu.dma_semaphore, #tpu.memory_space<semaphore_mem>>) src(%dma_wait3A_26 : memref<200x50xi32, #tpu.memory_space<hbm>>) dst(%arg6 : memref<200x50xi32, #tpu.memory_space<vmem>>)
      tpu.yield
    }) : () -> ()
    "tpu.region"() ({
      %run_scoped3A = tpu.sem_alloc : memref<!tpu.dma_semaphore, #tpu.memory_space<semaphore_mem>>
      tpu.enqueue_dma source(%arg3 : memref<50x128xf32, #tpu.memory_space<hbm>>) target(%arg7 : memref<50x128xf32, #tpu.memory_space<vmem>>) target_semaphore(%run_scoped3A : memref<!tpu.dma_semaphore, #tpu.memory_space<semaphore_mem>>)
      tpu.wait_dma2 semaphore(%run_scoped3A : memref<!tpu.dma_semaphore, #tpu.memory_space<semaphore_mem>>) src(%arg3 : memref<50x128xf32, #tpu.memory_space<hbm>>) dst(%arg7 : memref<50x128xf32, #tpu.memory_space<vmem>>)
      tpu.yield
    }) : () -> ()
    %barrier3A = arith.constant 0 : index
    tpu.barrier barrier_id(%barrier3A)
    %scan3A = arith.constant 0 : i32
    %scan3A_3 = arith.constant 0 : i32
    %scan3A_4 = arith.constant 200 : i32
    %scan3A_5 = arith.addi %scan3A_3, %scan3A_4 : i32
    %scan3A_6 = arith.constant 1 : i32
    scf.for %scan3A_13 = %scan3A_3 to %scan3A_5 step %scan3A_6  : i32 {
      "tpu.region"() ({
        %run_scoped3A = tpu.sem_alloc : memref<!tpu.dma_semaphore, #tpu.memory_space<semaphore_mem>>
        %dma_start3A = arith.constant 0 : i32
        %dma_start3A_14 = tpu.memref_slice %arg6[%scan3A_13, %dma_start3A] : memref<200x50xi32, #tpu.memory_space<vmem>> -> memref<1x50xi32, #tpu.memory_space<vmem>>
        %dma_start3A_15 = tpu.memref_squeeze %dma_start3A_14 : memref<1x50xi32, #tpu.memory_space<vmem>> -> memref<50xi32, #tpu.memory_space<vmem>>
        %dma_start3A_16 = arith.constant 0 : i32
        %dma_start3A_17 = arith.constant 0 : i32
        %dma_start3A_18 = tpu.memref_slice %arg8[%dma_start3A_16, %dma_start3A_17] : memref<10112x128xf32, #tpu.memory_space<vmem_shared>> -> memref<10112x128xf32, #tpu.memory_space<vmem_shared>>
        tpu.enqueue_indirect_dma source(%arg7 : memref<50x128xf32, #tpu.memory_space<vmem>>) target(%dma_start3A_18 : memref<10112x128xf32, #tpu.memory_space<vmem_shared>>) offsets(%dma_start3A_15 : memref<50xi32, #tpu.memory_space<vmem>>) semaphore(%run_scoped3A : memref<!tpu.dma_semaphore, #tpu.memory_space<semaphore_mem>>) {add = true}
        %dma_wait3A = arith.constant 0 : i32
        %dma_wait3A_19 = tpu.memref_slice %arg6[%scan3A_13, %dma_wait3A] : memref<200x50xi32, #tpu.memory_space<vmem>> -> memref<1x50xi32, #tpu.memory_space<vmem>>
        %dma_wait3A_20 = tpu.memref_squeeze %dma_wait3A_19 : memref<1x50xi32, #tpu.memory_space<vmem>> -> memref<50xi32, #tpu.memory_space<vmem>>
        %dma_wait3A_21 = arith.constant 0 : i32
        %dma_wait3A_22 = arith.constant 0 : i32
        %dma_wait3A_23 = tpu.memref_slice %arg8[%dma_wait3A_21, %dma_wait3A_22] : memref<10112x128xf32, #tpu.memory_space<vmem_shared>> -> memref<10112x128xf32, #tpu.memory_space<vmem_shared>>
        tpu.wait_indirect_dma semaphore(%run_scoped3A : memref<!tpu.dma_semaphore, #tpu.memory_space<semaphore_mem>>) src(%arg7 : memref<50x128xf32, #tpu.memory_space<vmem>>) dst(%dma_wait3A_23 : memref<10112x128xf32, #tpu.memory_space<vmem_shared>>)
        tpu.yield
      }) : () -> ()
    }
    %scan3A_7 = arith.constant 200 : i32
    %barrier3A_8 = arith.constant 0 : index
    tpu.barrier barrier_id(%barrier3A_8)
    %mul3A_9 = arith.constant 632 : i32
    %mul3A_10 = arith.muli %arg1, %mul3A_9 : i32
    %mul3A_11 = arith.constant 632 : i32
    %mul3A_12 = arith.muli %arg1, %mul3A_11 : i32
    "tpu.region"() ({
      %run_scoped3A = tpu.sem_alloc : memref<!tpu.dma_semaphore, #tpu.memory_space<semaphore_mem>>
      %dma_start3A = arith.constant 0 : i32
      %dma_start3A_13 = tpu.memref_slice %arg5[%arg0, %mul3A_12, %dma_start3A] : memref<2x10112x128xf32, #tpu.memory_space<hbm>> -> memref<1x632x128xf32, #tpu.memory_space<hbm>>
      %dma_start3A_14 = tpu.memref_squeeze %dma_start3A_13 : memref<1x632x128xf32, #tpu.memory_space<hbm>> -> memref<632x128xf32, #tpu.memory_space<hbm>>
      %dma_start3A_15 = arith.constant 0 : i32
      %dma_start3A_16 = tpu.memref_slice %arg8[%mul3A_10, %dma_start3A_15] : memref<10112x128xf32, #tpu.memory_space<vmem_shared>> -> memref<632x128xf32, #tpu.memory_space<vmem_shared>>
      tpu.enqueue_dma source(%dma_start3A_16 : memref<632x128xf32, #tpu.memory_space<vmem_shared>>) target(%dma_start3A_14 : memref<632x128xf32, #tpu.memory_space<hbm>>) target_semaphore(%run_scoped3A : memref<!tpu.dma_semaphore, #tpu.memory_space<semaphore_mem>>)
      %dma_wait3A = arith.constant 0 : i32
      %dma_wait3A_17 = tpu.memref_slice %arg5[%arg0, %mul3A_12, %dma_wait3A] : memref<2x10112x128xf32, #tpu.memory_space<hbm>> -> memref<1x632x128xf32, #tpu.memory_space<hbm>>
      %dma_wait3A_18 = tpu.memref_squeeze %dma_wait3A_17 : memref<1x632x128xf32, #tpu.memory_space<hbm>> -> memref<632x128xf32, #tpu.memory_space<hbm>>
      %dma_wait3A_19 = arith.constant 0 : i32
      %dma_wait3A_20 = tpu.memref_slice %arg8[%mul3A_10, %dma_wait3A_19] : memref<10112x128xf32, #tpu.memory_space<vmem_shared>> -> memref<632x128xf32, #tpu.memory_space<vmem_shared>>
      tpu.wait_dma2 semaphore(%run_scoped3A : memref<!tpu.dma_semaphore, #tpu.memory_space<semaphore_mem>>) src(%dma_wait3A_20 : memref<632x128xf32, #tpu.memory_space<vmem_shared>>) dst(%dma_wait3A_18 : memref<632x128xf32, #tpu.memory_space<hbm>>)
      tpu.yield
    }) : () -> ()
    return
  }
}

#map = affine_map<(d0, d1) -> (0, 0)>
#map1 = affine_map<(d0, d1) -> (0, 0, 0, 0)>
#map2 = affine_map<(d0, d1) -> (0, 0, 0)>
module attributes {stable_mosaic.version = 14 : i64} {
  func.func @_sc_scatter(%arg0: i32, %arg1: i32, %arg2: memref<10000x128xf32, #tpu.memory_space<hbm>>, %arg3: memref<32x2x50x100xi32, #tpu.memory_space<hbm>>, %arg4: memref<32x2x50x100xi32, #tpu.memory_space<hbm>>, %arg5: memref<632x128xf32, #tpu.memory_space<hbm>>, %arg6: memref<2x10112x128xf32, #tpu.memory_space<hbm>>, %arg7: memref<50x100xi32, #tpu.memory_space<vmem>>, %arg8: memref<50x100xi32, #tpu.memory_space<vmem>>, %arg9: memref<100x128xf32, #tpu.memory_space<vmem>>, %arg10: memref<100x128xf32, #tpu.memory_space<vmem>>, %arg11: memref<10112x128xf32, #tpu.memory_space<vmem_shared>>, %arg12: memref<!tpu.dma_semaphore, #tpu.memory_space<semaphore_mem>>, %arg13: memref<!tpu.dma_semaphore, #tpu.memory_space<semaphore_mem>>) attributes {dimension_semantics = [#tpu.dimension_semantics<core_parallel>, #tpu.dimension_semantics<subcore_parallel>], iteration_bounds = array<i64: 2, 16>, scalar_prefetch = 0 : i64, scratch_operands = 7 : i64, tpu.core_type = #tpu.core_type<sc_vector_subcore>, window_params = [{transform_indices = #map}, {transform_indices = #map1}, {transform_indices = #map1}, {transform_indices = #map}, {transform_indices = #map2}]} {
    %mul3A = arith.constant 16 : i32
    %mul3A_0 = arith.muli %arg0, %mul3A : i32
    %add3A = arith.addi %mul3A_0, %arg1 : i32
    %mul3A_1 = arith.constant 632 : i32
    %mul3A_2 = arith.muli %arg1, %mul3A_1 : i32
    "tpu.region"() ({
      %run_scoped3A_22 = tpu.sem_alloc : memref<!tpu.dma_semaphore, #tpu.memory_space<semaphore_mem>>
      %dma_start3A = arith.constant 0 : i32
      %dma_start3A_23 = tpu.memref_slice %arg11[%mul3A_2, %dma_start3A] : memref<10112x128xf32, #tpu.memory_space<vmem_shared>> -> memref<632x128xf32, #tpu.memory_space<vmem_shared>>
      tpu.enqueue_dma source(%arg5 : memref<632x128xf32, #tpu.memory_space<hbm>>) target(%dma_start3A_23 : memref<632x128xf32, #tpu.memory_space<vmem_shared>>) target_semaphore(%run_scoped3A_22 : memref<!tpu.dma_semaphore, #tpu.memory_space<semaphore_mem>>)
      %dma_wait3A = arith.constant 0 : i32
      %dma_wait3A_24 = tpu.memref_slice %arg11[%mul3A_2, %dma_wait3A] : memref<10112x128xf32, #tpu.memory_space<vmem_shared>> -> memref<632x128xf32, #tpu.memory_space<vmem_shared>>
      tpu.wait_dma2 semaphore(%run_scoped3A_22 : memref<!tpu.dma_semaphore, #tpu.memory_space<semaphore_mem>>) src(%arg5 : memref<632x128xf32, #tpu.memory_space<hbm>>) dst(%dma_wait3A_24 : memref<632x128xf32, #tpu.memory_space<vmem_shared>>)
      tpu.yield
    }) : () -> ()
    %barrier3A = arith.constant 0 : index
    tpu.barrier barrier_id(%barrier3A)
    %run_scoped3A = arith.constant 0 : i32
    "tpu.region"() ({
      %run_scoped3A_22 = tpu.sem_alloc : memref<!tpu.dma_semaphore, #tpu.memory_space<semaphore_mem>>
      %dma_start3A = arith.constant 0 : i32
      %dma_start3A_23 = arith.constant 0 : i32
      %dma_start3A_24 = tpu.memref_slice %arg3[%add3A, %run_scoped3A, %dma_start3A, %dma_start3A_23] : memref<32x2x50x100xi32, #tpu.memory_space<hbm>> -> memref<1x1x50x100xi32, #tpu.memory_space<hbm>>
      %dma_start3A_25 = tpu.memref_squeeze %dma_start3A_24 : memref<1x1x50x100xi32, #tpu.memory_space<hbm>> -> memref<50x100xi32, #tpu.memory_space<hbm>>
      %dma_start3A_26 = arith.constant 0 : i32
      %dma_start3A_27 = arith.constant 0 : i32
      %dma_start3A_28 = tpu.memref_slice %arg3[%add3A, %run_scoped3A, %dma_start3A_26, %dma_start3A_27] : memref<32x2x50x100xi32, #tpu.memory_space<hbm>> -> memref<1x1x50x100xi32, #tpu.memory_space<hbm>>
      %dma_start3A_29 = tpu.memref_squeeze %dma_start3A_28 : memref<1x1x50x100xi32, #tpu.memory_space<hbm>> -> memref<50x100xi32, #tpu.memory_space<hbm>>
      tpu.enqueue_dma source(%dma_start3A_29 : memref<50x100xi32, #tpu.memory_space<hbm>>) target(%arg7 : memref<50x100xi32, #tpu.memory_space<vmem>>) target_semaphore(%run_scoped3A_22 : memref<!tpu.dma_semaphore, #tpu.memory_space<semaphore_mem>>)
      %dma_wait3A = arith.constant 0 : i32
      %dma_wait3A_30 = arith.constant 0 : i32
      %dma_wait3A_31 = tpu.memref_slice %arg3[%add3A, %run_scoped3A, %dma_wait3A, %dma_wait3A_30] : memref<32x2x50x100xi32, #tpu.memory_space<hbm>> -> memref<1x1x50x100xi32, #tpu.memory_space<hbm>>
      %dma_wait3A_32 = tpu.memref_squeeze %dma_wait3A_31 : memref<1x1x50x100xi32, #tpu.memory_space<hbm>> -> memref<50x100xi32, #tpu.memory_space<hbm>>
      %dma_wait3A_33 = arith.constant 0 : i32
      %dma_wait3A_34 = arith.constant 0 : i32
      %dma_wait3A_35 = tpu.memref_slice %arg3[%add3A, %run_scoped3A, %dma_wait3A_33, %dma_wait3A_34] : memref<32x2x50x100xi32, #tpu.memory_space<hbm>> -> memref<1x1x50x100xi32, #tpu.memory_space<hbm>>
      %dma_wait3A_36 = tpu.memref_squeeze %dma_wait3A_35 : memref<1x1x50x100xi32, #tpu.memory_space<hbm>> -> memref<50x100xi32, #tpu.memory_space<hbm>>
      tpu.wait_dma2 semaphore(%run_scoped3A_22 : memref<!tpu.dma_semaphore, #tpu.memory_space<semaphore_mem>>) src(%dma_wait3A_36 : memref<50x100xi32, #tpu.memory_space<hbm>>) dst(%arg7 : memref<50x100xi32, #tpu.memory_space<vmem>>)
      tpu.yield
    }) : () -> ()
    %run_scoped3A_3 = arith.constant 0 : i32
    "tpu.region"() ({
      %run_scoped3A_22 = tpu.sem_alloc : memref<!tpu.dma_semaphore, #tpu.memory_space<semaphore_mem>>
      %dma_start3A = arith.constant 0 : i32
      %dma_start3A_23 = arith.constant 0 : i32
      %dma_start3A_24 = tpu.memref_slice %arg4[%add3A, %run_scoped3A_3, %dma_start3A, %dma_start3A_23] : memref<32x2x50x100xi32, #tpu.memory_space<hbm>> -> memref<1x1x50x100xi32, #tpu.memory_space<hbm>>
      %dma_start3A_25 = tpu.memref_squeeze %dma_start3A_24 : memref<1x1x50x100xi32, #tpu.memory_space<hbm>> -> memref<50x100xi32, #tpu.memory_space<hbm>>
      %dma_start3A_26 = arith.constant 0 : i32
      %dma_start3A_27 = arith.constant 0 : i32
      %dma_start3A_28 = tpu.memref_slice %arg4[%add3A, %run_scoped3A_3, %dma_start3A_26, %dma_start3A_27] : memref<32x2x50x100xi32, #tpu.memory_space<hbm>> -> memref<1x1x50x100xi32, #tpu.memory_space<hbm>>
      %dma_start3A_29 = tpu.memref_squeeze %dma_start3A_28 : memref<1x1x50x100xi32, #tpu.memory_space<hbm>> -> memref<50x100xi32, #tpu.memory_space<hbm>>
      tpu.enqueue_dma source(%dma_start3A_29 : memref<50x100xi32, #tpu.memory_space<hbm>>) target(%arg8 : memref<50x100xi32, #tpu.memory_space<vmem>>) target_semaphore(%run_scoped3A_22 : memref<!tpu.dma_semaphore, #tpu.memory_space<semaphore_mem>>)
      %dma_wait3A = arith.constant 0 : i32
      %dma_wait3A_30 = arith.constant 0 : i32
      %dma_wait3A_31 = tpu.memref_slice %arg4[%add3A, %run_scoped3A_3, %dma_wait3A, %dma_wait3A_30] : memref<32x2x50x100xi32, #tpu.memory_space<hbm>> -> memref<1x1x50x100xi32, #tpu.memory_space<hbm>>
      %dma_wait3A_32 = tpu.memref_squeeze %dma_wait3A_31 : memref<1x1x50x100xi32, #tpu.memory_space<hbm>> -> memref<50x100xi32, #tpu.memory_space<hbm>>
      %dma_wait3A_33 = arith.constant 0 : i32
      %dma_wait3A_34 = arith.constant 0 : i32
      %dma_wait3A_35 = tpu.memref_slice %arg4[%add3A, %run_scoped3A_3, %dma_wait3A_33, %dma_wait3A_34] : memref<32x2x50x100xi32, #tpu.memory_space<hbm>> -> memref<1x1x50x100xi32, #tpu.memory_space<hbm>>
      %dma_wait3A_36 = tpu.memref_squeeze %dma_wait3A_35 : memref<1x1x50x100xi32, #tpu.memory_space<hbm>> -> memref<50x100xi32, #tpu.memory_space<hbm>>
      tpu.wait_dma2 semaphore(%run_scoped3A_22 : memref<!tpu.dma_semaphore, #tpu.memory_space<semaphore_mem>>) src(%dma_wait3A_36 : memref<50x100xi32, #tpu.memory_space<hbm>>) dst(%arg8 : memref<50x100xi32, #tpu.memory_space<vmem>>)
      tpu.yield
    }) : () -> ()
    %scan3A = arith.constant 0 : i32
    %scan3A_4 = arith.constant 0 : i32
    %scan3A_5 = arith.constant 50 : i32
    %scan3A_6 = arith.addi %scan3A_4, %scan3A_5 : i32
    %scan3A_7 = arith.constant 1 : i32
    scf.for %scan3A_22 = %scan3A_4 to %scan3A_6 step %scan3A_7  : i32 {
      %dma_start3A = arith.constant 0 : i32
      %dma_start3A_23 = tpu.memref_slice %arg7[%scan3A_22, %dma_start3A] : memref<50x100xi32, #tpu.memory_space<vmem>> -> memref<1x100xi32, #tpu.memory_space<vmem>>
      %dma_start3A_24 = tpu.memref_squeeze %dma_start3A_23 : memref<1x100xi32, #tpu.memory_space<vmem>> -> memref<100xi32, #tpu.memory_space<vmem>>
      %dma_start3A_25 = arith.constant 0 : i32
      %dma_start3A_26 = arith.constant 0 : i32
      %dma_start3A_27 = tpu.memref_slice %arg2[%dma_start3A_25, %dma_start3A_26] : memref<10000x128xf32, #tpu.memory_space<hbm>> -> memref<10000x128xf32, #tpu.memory_space<hbm>>
      tpu.enqueue_indirect_dma source(%dma_start3A_27 : memref<10000x128xf32, #tpu.memory_space<hbm>>) target(%arg9 : memref<100x128xf32, #tpu.memory_space<vmem>>) offsets(%dma_start3A_24 : memref<100xi32, #tpu.memory_space<vmem>>) semaphore(%arg12 : memref<!tpu.dma_semaphore, #tpu.memory_space<semaphore_mem>>)
      %dma_wait3A = arith.constant 0 : i32
      %dma_wait3A_28 = tpu.memref_slice %arg7[%scan3A_22, %dma_wait3A] : memref<50x100xi32, #tpu.memory_space<vmem>> -> memref<1x100xi32, #tpu.memory_space<vmem>>
      %dma_wait3A_29 = tpu.memref_squeeze %dma_wait3A_28 : memref<1x100xi32, #tpu.memory_space<vmem>> -> memref<100xi32, #tpu.memory_space<vmem>>
      %dma_wait3A_30 = arith.constant 0 : i32
      %dma_wait3A_31 = arith.constant 0 : i32
      %dma_wait3A_32 = tpu.memref_slice %arg2[%dma_wait3A_30, %dma_wait3A_31] : memref<10000x128xf32, #tpu.memory_space<hbm>> -> memref<10000x128xf32, #tpu.memory_space<hbm>>
      tpu.wait_indirect_dma semaphore(%arg12 : memref<!tpu.dma_semaphore, #tpu.memory_space<semaphore_mem>>) src(%dma_wait3A_32 : memref<10000x128xf32, #tpu.memory_space<hbm>>) dst(%arg9 : memref<100x128xf32, #tpu.memory_space<vmem>>)
      "tpu.region"() ({
        %run_scoped3A_33 = tpu.sem_alloc : memref<!tpu.dma_semaphore, #tpu.memory_space<semaphore_mem>>
        %dma_start3A_34 = arith.constant 0 : i32
        %dma_start3A_35 = tpu.memref_slice %arg8[%scan3A_22, %dma_start3A_34] : memref<50x100xi32, #tpu.memory_space<vmem>> -> memref<1x100xi32, #tpu.memory_space<vmem>>
        %dma_start3A_36 = tpu.memref_squeeze %dma_start3A_35 : memref<1x100xi32, #tpu.memory_space<vmem>> -> memref<100xi32, #tpu.memory_space<vmem>>
        %dma_start3A_37 = arith.constant 0 : i32
        %dma_start3A_38 = arith.constant 0 : i32
        %dma_start3A_39 = tpu.memref_slice %arg11[%dma_start3A_37, %dma_start3A_38] : memref<10112x128xf32, #tpu.memory_space<vmem_shared>> -> memref<10112x128xf32, #tpu.memory_space<vmem_shared>>
        tpu.enqueue_indirect_dma source(%arg9 : memref<100x128xf32, #tpu.memory_space<vmem>>) target(%dma_start3A_39 : memref<10112x128xf32, #tpu.memory_space<vmem_shared>>) offsets(%dma_start3A_36 : memref<100xi32, #tpu.memory_space<vmem>>) semaphore(%run_scoped3A_33 : memref<!tpu.dma_semaphore, #tpu.memory_space<semaphore_mem>>) {add = true}
        %dma_wait3A_40 = arith.constant 0 : i32
        %dma_wait3A_41 = tpu.memref_slice %arg8[%scan3A_22, %dma_wait3A_40] : memref<50x100xi32, #tpu.memory_space<vmem>> -> memref<1x100xi32, #tpu.memory_space<vmem>>
        %dma_wait3A_42 = tpu.memref_squeeze %dma_wait3A_41 : memref<1x100xi32, #tpu.memory_space<vmem>> -> memref<100xi32, #tpu.memory_space<vmem>>
        %dma_wait3A_43 = arith.constant 0 : i32
        %dma_wait3A_44 = arith.constant 0 : i32
        %dma_wait3A_45 = tpu.memref_slice %arg11[%dma_wait3A_43, %dma_wait3A_44] : memref<10112x128xf32, #tpu.memory_space<vmem_shared>> -> memref<10112x128xf32, #tpu.memory_space<vmem_shared>>
        tpu.wait_indirect_dma semaphore(%run_scoped3A_33 : memref<!tpu.dma_semaphore, #tpu.memory_space<semaphore_mem>>) src(%arg9 : memref<100x128xf32, #tpu.memory_space<vmem>>) dst(%dma_wait3A_45 : memref<10112x128xf32, #tpu.memory_space<vmem_shared>>)
        tpu.yield
      }) : () -> ()
    }
    %scan3A_8 = arith.constant 50 : i32
    %run_scoped3A_9 = arith.constant 1 : i32
    "tpu.region"() ({
      %run_scoped3A_22 = tpu.sem_alloc : memref<!tpu.dma_semaphore, #tpu.memory_space<semaphore_mem>>
      %dma_start3A = arith.constant 0 : i32
      %dma_start3A_23 = arith.constant 0 : i32
      %dma_start3A_24 = tpu.memref_slice %arg3[%add3A, %run_scoped3A_9, %dma_start3A, %dma_start3A_23] : memref<32x2x50x100xi32, #tpu.memory_space<hbm>> -> memref<1x1x50x100xi32, #tpu.memory_space<hbm>>
      %dma_start3A_25 = tpu.memref_squeeze %dma_start3A_24 : memref<1x1x50x100xi32, #tpu.memory_space<hbm>> -> memref<50x100xi32, #tpu.memory_space<hbm>>
      %dma_start3A_26 = arith.constant 0 : i32
      %dma_start3A_27 = arith.constant 0 : i32
      %dma_start3A_28 = tpu.memref_slice %arg3[%add3A, %run_scoped3A_9, %dma_start3A_26, %dma_start3A_27] : memref<32x2x50x100xi32, #tpu.memory_space<hbm>> -> memref<1x1x50x100xi32, #tpu.memory_space<hbm>>
      %dma_start3A_29 = tpu.memref_squeeze %dma_start3A_28 : memref<1x1x50x100xi32, #tpu.memory_space<hbm>> -> memref<50x100xi32, #tpu.memory_space<hbm>>
      tpu.enqueue_dma source(%dma_start3A_29 : memref<50x100xi32, #tpu.memory_space<hbm>>) target(%arg7 : memref<50x100xi32, #tpu.memory_space<vmem>>) target_semaphore(%run_scoped3A_22 : memref<!tpu.dma_semaphore, #tpu.memory_space<semaphore_mem>>)
      %dma_wait3A = arith.constant 0 : i32
      %dma_wait3A_30 = arith.constant 0 : i32
      %dma_wait3A_31 = tpu.memref_slice %arg3[%add3A, %run_scoped3A_9, %dma_wait3A, %dma_wait3A_30] : memref<32x2x50x100xi32, #tpu.memory_space<hbm>> -> memref<1x1x50x100xi32, #tpu.memory_space<hbm>>
      %dma_wait3A_32 = tpu.memref_squeeze %dma_wait3A_31 : memref<1x1x50x100xi32, #tpu.memory_space<hbm>> -> memref<50x100xi32, #tpu.memory_space<hbm>>
      %dma_wait3A_33 = arith.constant 0 : i32
      %dma_wait3A_34 = arith.constant 0 : i32
      %dma_wait3A_35 = tpu.memref_slice %arg3[%add3A, %run_scoped3A_9, %dma_wait3A_33, %dma_wait3A_34] : memref<32x2x50x100xi32, #tpu.memory_space<hbm>> -> memref<1x1x50x100xi32, #tpu.memory_space<hbm>>
      %dma_wait3A_36 = tpu.memref_squeeze %dma_wait3A_35 : memref<1x1x50x100xi32, #tpu.memory_space<hbm>> -> memref<50x100xi32, #tpu.memory_space<hbm>>
      tpu.wait_dma2 semaphore(%run_scoped3A_22 : memref<!tpu.dma_semaphore, #tpu.memory_space<semaphore_mem>>) src(%dma_wait3A_36 : memref<50x100xi32, #tpu.memory_space<hbm>>) dst(%arg7 : memref<50x100xi32, #tpu.memory_space<vmem>>)
      tpu.yield
    }) : () -> ()
    %run_scoped3A_10 = arith.constant 1 : i32
    "tpu.region"() ({
      %run_scoped3A_22 = tpu.sem_alloc : memref<!tpu.dma_semaphore, #tpu.memory_space<semaphore_mem>>
      %dma_start3A = arith.constant 0 : i32
      %dma_start3A_23 = arith.constant 0 : i32
      %dma_start3A_24 = tpu.memref_slice %arg4[%add3A, %run_scoped3A_10, %dma_start3A, %dma_start3A_23] : memref<32x2x50x100xi32, #tpu.memory_space<hbm>> -> memref<1x1x50x100xi32, #tpu.memory_space<hbm>>
      %dma_start3A_25 = tpu.memref_squeeze %dma_start3A_24 : memref<1x1x50x100xi32, #tpu.memory_space<hbm>> -> memref<50x100xi32, #tpu.memory_space<hbm>>
      %dma_start3A_26 = arith.constant 0 : i32
      %dma_start3A_27 = arith.constant 0 : i32
      %dma_start3A_28 = tpu.memref_slice %arg4[%add3A, %run_scoped3A_10, %dma_start3A_26, %dma_start3A_27] : memref<32x2x50x100xi32, #tpu.memory_space<hbm>> -> memref<1x1x50x100xi32, #tpu.memory_space<hbm>>
      %dma_start3A_29 = tpu.memref_squeeze %dma_start3A_28 : memref<1x1x50x100xi32, #tpu.memory_space<hbm>> -> memref<50x100xi32, #tpu.memory_space<hbm>>
      tpu.enqueue_dma source(%dma_start3A_29 : memref<50x100xi32, #tpu.memory_space<hbm>>) target(%arg8 : memref<50x100xi32, #tpu.memory_space<vmem>>) target_semaphore(%run_scoped3A_22 : memref<!tpu.dma_semaphore, #tpu.memory_space<semaphore_mem>>)
      %dma_wait3A = arith.constant 0 : i32
      %dma_wait3A_30 = arith.constant 0 : i32
      %dma_wait3A_31 = tpu.memref_slice %arg4[%add3A, %run_scoped3A_10, %dma_wait3A, %dma_wait3A_30] : memref<32x2x50x100xi32, #tpu.memory_space<hbm>> -> memref<1x1x50x100xi32, #tpu.memory_space<hbm>>
      %dma_wait3A_32 = tpu.memref_squeeze %dma_wait3A_31 : memref<1x1x50x100xi32, #tpu.memory_space<hbm>> -> memref<50x100xi32, #tpu.memory_space<hbm>>
      %dma_wait3A_33 = arith.constant 0 : i32
      %dma_wait3A_34 = arith.constant 0 : i32
      %dma_wait3A_35 = tpu.memref_slice %arg4[%add3A, %run_scoped3A_10, %dma_wait3A_33, %dma_wait3A_34] : memref<32x2x50x100xi32, #tpu.memory_space<hbm>> -> memref<1x1x50x100xi32, #tpu.memory_space<hbm>>
      %dma_wait3A_36 = tpu.memref_squeeze %dma_wait3A_35 : memref<1x1x50x100xi32, #tpu.memory_space<hbm>> -> memref<50x100xi32, #tpu.memory_space<hbm>>
      tpu.wait_dma2 semaphore(%run_scoped3A_22 : memref<!tpu.dma_semaphore, #tpu.memory_space<semaphore_mem>>) src(%dma_wait3A_36 : memref<50x100xi32, #tpu.memory_space<hbm>>) dst(%arg8 : memref<50x100xi32, #tpu.memory_space<vmem>>)
      tpu.yield
    }) : () -> ()
    %scan3A_11 = arith.constant 0 : i32
    %scan3A_12 = arith.constant 0 : i32
    %scan3A_13 = arith.constant 50 : i32
    %scan3A_14 = arith.addi %scan3A_12, %scan3A_13 : i32
    %scan3A_15 = arith.constant 1 : i32
    scf.for %scan3A_22 = %scan3A_12 to %scan3A_14 step %scan3A_15  : i32 {
      %dma_start3A = arith.constant 0 : i32
      %dma_start3A_23 = tpu.memref_slice %arg7[%scan3A_22, %dma_start3A] : memref<50x100xi32, #tpu.memory_space<vmem>> -> memref<1x100xi32, #tpu.memory_space<vmem>>
      %dma_start3A_24 = tpu.memref_squeeze %dma_start3A_23 : memref<1x100xi32, #tpu.memory_space<vmem>> -> memref<100xi32, #tpu.memory_space<vmem>>
      %dma_start3A_25 = arith.constant 0 : i32
      %dma_start3A_26 = arith.constant 0 : i32
      %dma_start3A_27 = tpu.memref_slice %arg2[%dma_start3A_25, %dma_start3A_26] : memref<10000x128xf32, #tpu.memory_space<hbm>> -> memref<10000x128xf32, #tpu.memory_space<hbm>>
      tpu.enqueue_indirect_dma source(%dma_start3A_27 : memref<10000x128xf32, #tpu.memory_space<hbm>>) target(%arg9 : memref<100x128xf32, #tpu.memory_space<vmem>>) offsets(%dma_start3A_24 : memref<100xi32, #tpu.memory_space<vmem>>) semaphore(%arg12 : memref<!tpu.dma_semaphore, #tpu.memory_space<semaphore_mem>>)
      %dma_wait3A = arith.constant 0 : i32
      %dma_wait3A_28 = tpu.memref_slice %arg7[%scan3A_22, %dma_wait3A] : memref<50x100xi32, #tpu.memory_space<vmem>> -> memref<1x100xi32, #tpu.memory_space<vmem>>
      %dma_wait3A_29 = tpu.memref_squeeze %dma_wait3A_28 : memref<1x100xi32, #tpu.memory_space<vmem>> -> memref<100xi32, #tpu.memory_space<vmem>>
      %dma_wait3A_30 = arith.constant 0 : i32
      %dma_wait3A_31 = arith.constant 0 : i32
      %dma_wait3A_32 = tpu.memref_slice %arg2[%dma_wait3A_30, %dma_wait3A_31] : memref<10000x128xf32, #tpu.memory_space<hbm>> -> memref<10000x128xf32, #tpu.memory_space<hbm>>
      tpu.wait_indirect_dma semaphore(%arg12 : memref<!tpu.dma_semaphore, #tpu.memory_space<semaphore_mem>>) src(%dma_wait3A_32 : memref<10000x128xf32, #tpu.memory_space<hbm>>) dst(%arg9 : memref<100x128xf32, #tpu.memory_space<vmem>>)
      "tpu.region"() ({
        %run_scoped3A_33 = tpu.sem_alloc : memref<!tpu.dma_semaphore, #tpu.memory_space<semaphore_mem>>
        %dma_start3A_34 = arith.constant 0 : i32
        %dma_start3A_35 = tpu.memref_slice %arg8[%scan3A_22, %dma_start3A_34] : memref<50x100xi32, #tpu.memory_space<vmem>> -> memref<1x100xi32, #tpu.memory_space<vmem>>
        %dma_start3A_36 = tpu.memref_squeeze %dma_start3A_35 : memref<1x100xi32, #tpu.memory_space<vmem>> -> memref<100xi32, #tpu.memory_space<vmem>>
        %dma_start3A_37 = arith.constant 0 : i32
        %dma_start3A_38 = arith.constant 0 : i32
        %dma_start3A_39 = tpu.memref_slice %arg11[%dma_start3A_37, %dma_start3A_38] : memref<10112x128xf32, #tpu.memory_space<vmem_shared>> -> memref<10112x128xf32, #tpu.memory_space<vmem_shared>>
        tpu.enqueue_indirect_dma source(%arg9 : memref<100x128xf32, #tpu.memory_space<vmem>>) target(%dma_start3A_39 : memref<10112x128xf32, #tpu.memory_space<vmem_shared>>) offsets(%dma_start3A_36 : memref<100xi32, #tpu.memory_space<vmem>>) semaphore(%run_scoped3A_33 : memref<!tpu.dma_semaphore, #tpu.memory_space<semaphore_mem>>) {add = true}
        %dma_wait3A_40 = arith.constant 0 : i32
        %dma_wait3A_41 = tpu.memref_slice %arg8[%scan3A_22, %dma_wait3A_40] : memref<50x100xi32, #tpu.memory_space<vmem>> -> memref<1x100xi32, #tpu.memory_space<vmem>>
        %dma_wait3A_42 = tpu.memref_squeeze %dma_wait3A_41 : memref<1x100xi32, #tpu.memory_space<vmem>> -> memref<100xi32, #tpu.memory_space<vmem>>
        %dma_wait3A_43 = arith.constant 0 : i32
        %dma_wait3A_44 = arith.constant 0 : i32
        %dma_wait3A_45 = tpu.memref_slice %arg11[%dma_wait3A_43, %dma_wait3A_44] : memref<10112x128xf32, #tpu.memory_space<vmem_shared>> -> memref<10112x128xf32, #tpu.memory_space<vmem_shared>>
        tpu.wait_indirect_dma semaphore(%run_scoped3A_33 : memref<!tpu.dma_semaphore, #tpu.memory_space<semaphore_mem>>) src(%arg9 : memref<100x128xf32, #tpu.memory_space<vmem>>) dst(%dma_wait3A_45 : memref<10112x128xf32, #tpu.memory_space<vmem_shared>>)
        tpu.yield
      }) : () -> ()
    }
    %scan3A_16 = arith.constant 50 : i32
    %barrier3A_17 = arith.constant 0 : index
    tpu.barrier barrier_id(%barrier3A_17)
    %mul3A_18 = arith.constant 632 : i32
    %mul3A_19 = arith.muli %arg1, %mul3A_18 : i32
    %mul3A_20 = arith.constant 632 : i32
    %mul3A_21 = arith.muli %arg1, %mul3A_20 : i32
    "tpu.region"() ({
      %run_scoped3A_22 = tpu.sem_alloc : memref<!tpu.dma_semaphore, #tpu.memory_space<semaphore_mem>>
      %dma_start3A = arith.constant 0 : i32
      %dma_start3A_23 = tpu.memref_slice %arg6[%arg0, %mul3A_21, %dma_start3A] : memref<2x10112x128xf32, #tpu.memory_space<hbm>> -> memref<1x632x128xf32, #tpu.memory_space<hbm>>
      %dma_start3A_24 = tpu.memref_squeeze %dma_start3A_23 : memref<1x632x128xf32, #tpu.memory_space<hbm>> -> memref<632x128xf32, #tpu.memory_space<hbm>>
      %dma_start3A_25 = arith.constant 0 : i32
      %dma_start3A_26 = tpu.memref_slice %arg11[%mul3A_19, %dma_start3A_25] : memref<10112x128xf32, #tpu.memory_space<vmem_shared>> -> memref<632x128xf32, #tpu.memory_space<vmem_shared>>
      tpu.enqueue_dma source(%dma_start3A_26 : memref<632x128xf32, #tpu.memory_space<vmem_shared>>) target(%dma_start3A_24 : memref<632x128xf32, #tpu.memory_space<hbm>>) target_semaphore(%run_scoped3A_22 : memref<!tpu.dma_semaphore, #tpu.memory_space<semaphore_mem>>)
      %dma_wait3A = arith.constant 0 : i32
      %dma_wait3A_27 = tpu.memref_slice %arg6[%arg0, %mul3A_21, %dma_wait3A] : memref<2x10112x128xf32, #tpu.memory_space<hbm>> -> memref<1x632x128xf32, #tpu.memory_space<hbm>>
      %dma_wait3A_28 = tpu.memref_squeeze %dma_wait3A_27 : memref<1x632x128xf32, #tpu.memory_space<hbm>> -> memref<632x128xf32, #tpu.memory_space<hbm>>
      %dma_wait3A_29 = arith.constant 0 : i32
      %dma_wait3A_30 = tpu.memref_slice %arg11[%mul3A_19, %dma_wait3A_29] : memref<10112x128xf32, #tpu.memory_space<vmem_shared>> -> memref<632x128xf32, #tpu.memory_space<vmem_shared>>
      tpu.wait_dma2 semaphore(%run_scoped3A_22 : memref<!tpu.dma_semaphore, #tpu.memory_space<semaphore_mem>>) src(%dma_wait3A_30 : memref<632x128xf32, #tpu.memory_space<vmem_shared>>) dst(%dma_wait3A_28 : memref<632x128xf32, #tpu.memory_space<hbm>>)
      tpu.yield
    }) : () -> ()
    return
  }
}

#map = affine_map<(d0, d1) -> (0, 0)>
#map1 = affine_map<(d0, d1) -> (0, 0, 0, 0)>
#map2 = affine_map<(d0, d1) -> (0, 0, 0)>
module attributes {stable_mosaic.version = 14 : i64} {
  func.func @_sc_scatter(%arg0: i32, %arg1: i32, %arg2: memref<10000x128xf32, #tpu.memory_space<hbm>>, %arg3: memref<32x2x50x100xi32, #tpu.memory_space<hbm>>, %arg4: memref<32x2x50x100xi32, #tpu.memory_space<hbm>>, %arg5: memref<632x128xf32, #tpu.memory_space<hbm>>, %arg6: memref<2x10112x128xf32, #tpu.memory_space<hbm>>, %arg7: memref<50x100xi32, #tpu.memory_space<vmem>>, %arg8: memref<50x100xi32, #tpu.memory_space<vmem>>, %arg9: memref<100x128xf32, #tpu.memory_space<vmem>>, %arg10: memref<100x128xf32, #tpu.memory_space<vmem>>, %arg11: memref<10112x128xf32, #tpu.memory_space<vmem_shared>>, %arg12: memref<!tpu.dma_semaphore, #tpu.memory_space<semaphore_mem>>, %arg13: memref<!tpu.dma_semaphore, #tpu.memory_space<semaphore_mem>>) attributes {dimension_semantics = [#tpu.dimension_semantics<core_parallel>, #tpu.dimension_semantics<subcore_parallel>], iteration_bounds = array<i64: 2, 16>, scalar_prefetch = 0 : i64, scratch_operands = 7 : i64, tpu.core_type = #tpu.core_type<sc_vector_subcore>, window_params = [{transform_indices = #map}, {transform_indices = #map1}, {transform_indices = #map1}, {transform_indices = #map}, {transform_indices = #map2}]} {
    %mul3A = arith.constant 16 : i32
    %mul3A_0 = arith.muli %arg0, %mul3A : i32
    %add3A = arith.addi %mul3A_0, %arg1 : i32
    %mul3A_1 = arith.constant 632 : i32
    %mul3A_2 = arith.muli %arg1, %mul3A_1 : i32
    "tpu.region"() ({
      %run_scoped3A_22 = tpu.sem_alloc : memref<!tpu.dma_semaphore, #tpu.memory_space<semaphore_mem>>
      %dma_start3A = arith.constant 0 : i32
      %dma_start3A_23 = tpu.memref_slice %arg11[%mul3A_2, %dma_start3A] : memref<10112x128xf32, #tpu.memory_space<vmem_shared>> -> memref<632x128xf32, #tpu.memory_space<vmem_shared>>
      tpu.enqueue_dma source(%arg5 : memref<632x128xf32, #tpu.memory_space<hbm>>) target(%dma_start3A_23 : memref<632x128xf32, #tpu.memory_space<vmem_shared>>) target_semaphore(%run_scoped3A_22 : memref<!tpu.dma_semaphore, #tpu.memory_space<semaphore_mem>>)
      %dma_wait3A = arith.constant 0 : i32
      %dma_wait3A_24 = tpu.memref_slice %arg11[%mul3A_2, %dma_wait3A] : memref<10112x128xf32, #tpu.memory_space<vmem_shared>> -> memref<632x128xf32, #tpu.memory_space<vmem_shared>>
      tpu.wait_dma2 semaphore(%run_scoped3A_22 : memref<!tpu.dma_semaphore, #tpu.memory_space<semaphore_mem>>) src(%arg5 : memref<632x128xf32, #tpu.memory_space<hbm>>) dst(%dma_wait3A_24 : memref<632x128xf32, #tpu.memory_space<vmem_shared>>)
      tpu.yield
    }) : () -> ()
    %barrier3A = arith.constant 0 : index
    tpu.barrier barrier_id(%barrier3A)
    %run_scoped3A = arith.constant 0 : i32
    "tpu.region"() ({
      %run_scoped3A_22 = tpu.sem_alloc : memref<!tpu.dma_semaphore, #tpu.memory_space<semaphore_mem>>
      %dma_start3A = arith.constant 0 : i32
      %dma_start3A_23 = arith.constant 0 : i32
      %dma_start3A_24 = tpu.memref_slice %arg3[%add3A, %run_scoped3A, %dma_start3A, %dma_start3A_23] : memref<32x2x50x100xi32, #tpu.memory_space<hbm>> -> memref<1x1x50x100xi32, #tpu.memory_space<hbm>>
      %dma_start3A_25 = tpu.memref_squeeze %dma_start3A_24 : memref<1x1x50x100xi32, #tpu.memory_space<hbm>> -> memref<50x100xi32, #tpu.memory_space<hbm>>
      %dma_start3A_26 = arith.constant 0 : i32
      %dma_start3A_27 = arith.constant 0 : i32
      %dma_start3A_28 = tpu.memref_slice %arg3[%add3A, %run_scoped3A, %dma_start3A_26, %dma_start3A_27] : memref<32x2x50x100xi32, #tpu.memory_space<hbm>> -> memref<1x1x50x100xi32, #tpu.memory_space<hbm>>
      %dma_start3A_29 = tpu.memref_squeeze %dma_start3A_28 : memref<1x1x50x100xi32, #tpu.memory_space<hbm>> -> memref<50x100xi32, #tpu.memory_space<hbm>>
      tpu.enqueue_dma source(%dma_start3A_29 : memref<50x100xi32, #tpu.memory_space<hbm>>) target(%arg7 : memref<50x100xi32, #tpu.memory_space<vmem>>) target_semaphore(%run_scoped3A_22 : memref<!tpu.dma_semaphore, #tpu.memory_space<semaphore_mem>>)
      %dma_wait3A = arith.constant 0 : i32
      %dma_wait3A_30 = arith.constant 0 : i32
      %dma_wait3A_31 = tpu.memref_slice %arg3[%add3A, %run_scoped3A, %dma_wait3A, %dma_wait3A_30] : memref<32x2x50x100xi32, #tpu.memory_space<hbm>> -> memref<1x1x50x100xi32, #tpu.memory_space<hbm>>
      %dma_wait3A_32 = tpu.memref_squeeze %dma_wait3A_31 : memref<1x1x50x100xi32, #tpu.memory_space<hbm>> -> memref<50x100xi32, #tpu.memory_space<hbm>>
      %dma_wait3A_33 = arith.constant 0 : i32
      %dma_wait3A_34 = arith.constant 0 : i32
      %dma_wait3A_35 = tpu.memref_slice %arg3[%add3A, %run_scoped3A, %dma_wait3A_33, %dma_wait3A_34] : memref<32x2x50x100xi32, #tpu.memory_space<hbm>> -> memref<1x1x50x100xi32, #tpu.memory_space<hbm>>
      %dma_wait3A_36 = tpu.memref_squeeze %dma_wait3A_35 : memref<1x1x50x100xi32, #tpu.memory_space<hbm>> -> memref<50x100xi32, #tpu.memory_space<hbm>>
      tpu.wait_dma2 semaphore(%run_scoped3A_22 : memref<!tpu.dma_semaphore, #tpu.memory_space<semaphore_mem>>) src(%dma_wait3A_36 : memref<50x100xi32, #tpu.memory_space<hbm>>) dst(%arg7 : memref<50x100xi32, #tpu.memory_space<vmem>>)
      tpu.yield
    }) : () -> ()
    %run_scoped3A_3 = arith.constant 0 : i32
    "tpu.region"() ({
      %run_scoped3A_22 = tpu.sem_alloc : memref<!tpu.dma_semaphore, #tpu.memory_space<semaphore_mem>>
      %dma_start3A = arith.constant 0 : i32
      %dma_start3A_23 = arith.constant 0 : i32
      %dma_start3A_24 = tpu.memref_slice %arg4[%add3A, %run_scoped3A_3, %dma_start3A, %dma_start3A_23] : memref<32x2x50x100xi32, #tpu.memory_space<hbm>> -> memref<1x1x50x100xi32, #tpu.memory_space<hbm>>
      %dma_start3A_25 = tpu.memref_squeeze %dma_start3A_24 : memref<1x1x50x100xi32, #tpu.memory_space<hbm>> -> memref<50x100xi32, #tpu.memory_space<hbm>>
      %dma_start3A_26 = arith.constant 0 : i32
      %dma_start3A_27 = arith.constant 0 : i32
      %dma_start3A_28 = tpu.memref_slice %arg4[%add3A, %run_scoped3A_3, %dma_start3A_26, %dma_start3A_27] : memref<32x2x50x100xi32, #tpu.memory_space<hbm>> -> memref<1x1x50x100xi32, #tpu.memory_space<hbm>>
      %dma_start3A_29 = tpu.memref_squeeze %dma_start3A_28 : memref<1x1x50x100xi32, #tpu.memory_space<hbm>> -> memref<50x100xi32, #tpu.memory_space<hbm>>
      tpu.enqueue_dma source(%dma_start3A_29 : memref<50x100xi32, #tpu.memory_space<hbm>>) target(%arg8 : memref<50x100xi32, #tpu.memory_space<vmem>>) target_semaphore(%run_scoped3A_22 : memref<!tpu.dma_semaphore, #tpu.memory_space<semaphore_mem>>)
      %dma_wait3A = arith.constant 0 : i32
      %dma_wait3A_30 = arith.constant 0 : i32
      %dma_wait3A_31 = tpu.memref_slice %arg4[%add3A, %run_scoped3A_3, %dma_wait3A, %dma_wait3A_30] : memref<32x2x50x100xi32, #tpu.memory_space<hbm>> -> memref<1x1x50x100xi32, #tpu.memory_space<hbm>>
      %dma_wait3A_32 = tpu.memref_squeeze %dma_wait3A_31 : memref<1x1x50x100xi32, #tpu.memory_space<hbm>> -> memref<50x100xi32, #tpu.memory_space<hbm>>
      %dma_wait3A_33 = arith.constant 0 : i32
      %dma_wait3A_34 = arith.constant 0 : i32
      %dma_wait3A_35 = tpu.memref_slice %arg4[%add3A, %run_scoped3A_3, %dma_wait3A_33, %dma_wait3A_34] : memref<32x2x50x100xi32, #tpu.memory_space<hbm>> -> memref<1x1x50x100xi32, #tpu.memory_space<hbm>>
      %dma_wait3A_36 = tpu.memref_squeeze %dma_wait3A_35 : memref<1x1x50x100xi32, #tpu.memory_space<hbm>> -> memref<50x100xi32, #tpu.memory_space<hbm>>
      tpu.wait_dma2 semaphore(%run_scoped3A_22 : memref<!tpu.dma_semaphore, #tpu.memory_space<semaphore_mem>>) src(%dma_wait3A_36 : memref<50x100xi32, #tpu.memory_space<hbm>>) dst(%arg8 : memref<50x100xi32, #tpu.memory_space<vmem>>)
      tpu.yield
    }) : () -> ()
    %scan3A = arith.constant 0 : i32
    %scan3A_4 = arith.constant 0 : i32
    %scan3A_5 = arith.constant 50 : i32
    %scan3A_6 = arith.addi %scan3A_4, %scan3A_5 : i32
    %scan3A_7 = arith.constant 1 : i32
    scf.for %scan3A_22 = %scan3A_4 to %scan3A_6 step %scan3A_7  : i32 {
      %dma_start3A = arith.constant 0 : i32
      %dma_start3A_23 = tpu.memref_slice %arg7[%scan3A_22, %dma_start3A] : memref<50x100xi32, #tpu.memory_space<vmem>> -> memref<1x100xi32, #tpu.memory_space<vmem>>
      %dma_start3A_24 = tpu.memref_squeeze %dma_start3A_23 : memref<1x100xi32, #tpu.memory_space<vmem>> -> memref<100xi32, #tpu.memory_space<vmem>>
      %dma_start3A_25 = arith.constant 0 : i32
      %dma_start3A_26 = arith.constant 0 : i32
      %dma_start3A_27 = tpu.memref_slice %arg2[%dma_start3A_25, %dma_start3A_26] : memref<10000x128xf32, #tpu.memory_space<hbm>> -> memref<10000x128xf32, #tpu.memory_space<hbm>>
      tpu.enqueue_indirect_dma source(%dma_start3A_27 : memref<10000x128xf32, #tpu.memory_space<hbm>>) target(%arg9 : memref<100x128xf32, #tpu.memory_space<vmem>>) offsets(%dma_start3A_24 : memref<100xi32, #tpu.memory_space<vmem>>) semaphore(%arg12 : memref<!tpu.dma_semaphore, #tpu.memory_space<semaphore_mem>>)
      %dma_wait3A = arith.constant 0 : i32
      %dma_wait3A_28 = tpu.memref_slice %arg7[%scan3A_22, %dma_wait3A] : memref<50x100xi32, #tpu.memory_space<vmem>> -> memref<1x100xi32, #tpu.memory_space<vmem>>
      %dma_wait3A_29 = tpu.memref_squeeze %dma_wait3A_28 : memref<1x100xi32, #tpu.memory_space<vmem>> -> memref<100xi32, #tpu.memory_space<vmem>>
      %dma_wait3A_30 = arith.constant 0 : i32
      %dma_wait3A_31 = arith.constant 0 : i32
      %dma_wait3A_32 = tpu.memref_slice %arg2[%dma_wait3A_30, %dma_wait3A_31] : memref<10000x128xf32, #tpu.memory_space<hbm>> -> memref<10000x128xf32, #tpu.memory_space<hbm>>
      tpu.wait_indirect_dma semaphore(%arg12 : memref<!tpu.dma_semaphore, #tpu.memory_space<semaphore_mem>>) src(%dma_wait3A_32 : memref<10000x128xf32, #tpu.memory_space<hbm>>) dst(%arg9 : memref<100x128xf32, #tpu.memory_space<vmem>>)
      "tpu.region"() ({
        %run_scoped3A_33 = tpu.sem_alloc : memref<!tpu.dma_semaphore, #tpu.memory_space<semaphore_mem>>
        %dma_start3A_34 = arith.constant 0 : i32
        %dma_start3A_35 = tpu.memref_slice %arg8[%scan3A_22, %dma_start3A_34] : memref<50x100xi32, #tpu.memory_space<vmem>> -> memref<1x100xi32, #tpu.memory_space<vmem>>
        %dma_start3A_36 = tpu.memref_squeeze %dma_start3A_35 : memref<1x100xi32, #tpu.memory_space<vmem>> -> memref<100xi32, #tpu.memory_space<vmem>>
        %dma_start3A_37 = arith.constant 0 : i32
        %dma_start3A_38 = arith.constant 0 : i32
        %dma_start3A_39 = tpu.memref_slice %arg11[%dma_start3A_37, %dma_start3A_38] : memref<10112x128xf32, #tpu.memory_space<vmem_shared>> -> memref<10112x128xf32, #tpu.memory_space<vmem_shared>>
        tpu.enqueue_indirect_dma source(%arg9 : memref<100x128xf32, #tpu.memory_space<vmem>>) target(%dma_start3A_39 : memref<10112x128xf32, #tpu.memory_space<vmem_shared>>) offsets(%dma_start3A_36 : memref<100xi32, #tpu.memory_space<vmem>>) semaphore(%run_scoped3A_33 : memref<!tpu.dma_semaphore, #tpu.memory_space<semaphore_mem>>) {add = true}
        %dma_wait3A_40 = arith.constant 0 : i32
        %dma_wait3A_41 = tpu.memref_slice %arg8[%scan3A_22, %dma_wait3A_40] : memref<50x100xi32, #tpu.memory_space<vmem>> -> memref<1x100xi32, #tpu.memory_space<vmem>>
        %dma_wait3A_42 = tpu.memref_squeeze %dma_wait3A_41 : memref<1x100xi32, #tpu.memory_space<vmem>> -> memref<100xi32, #tpu.memory_space<vmem>>
        %dma_wait3A_43 = arith.constant 0 : i32
        %dma_wait3A_44 = arith.constant 0 : i32
        %dma_wait3A_45 = tpu.memref_slice %arg11[%dma_wait3A_43, %dma_wait3A_44] : memref<10112x128xf32, #tpu.memory_space<vmem_shared>> -> memref<10112x128xf32, #tpu.memory_space<vmem_shared>>
        tpu.wait_indirect_dma semaphore(%run_scoped3A_33 : memref<!tpu.dma_semaphore, #tpu.memory_space<semaphore_mem>>) src(%arg9 : memref<100x128xf32, #tpu.memory_space<vmem>>) dst(%dma_wait3A_45 : memref<10112x128xf32, #tpu.memory_space<vmem_shared>>)
        tpu.yield
      }) : () -> ()
    }
    %scan3A_8 = arith.constant 50 : i32
    %run_scoped3A_9 = arith.constant 1 : i32
    "tpu.region"() ({
      %run_scoped3A_22 = tpu.sem_alloc : memref<!tpu.dma_semaphore, #tpu.memory_space<semaphore_mem>>
      %dma_start3A = arith.constant 0 : i32
      %dma_start3A_23 = arith.constant 0 : i32
      %dma_start3A_24 = tpu.memref_slice %arg3[%add3A, %run_scoped3A_9, %dma_start3A, %dma_start3A_23] : memref<32x2x50x100xi32, #tpu.memory_space<hbm>> -> memref<1x1x50x100xi32, #tpu.memory_space<hbm>>
      %dma_start3A_25 = tpu.memref_squeeze %dma_start3A_24 : memref<1x1x50x100xi32, #tpu.memory_space<hbm>> -> memref<50x100xi32, #tpu.memory_space<hbm>>
      %dma_start3A_26 = arith.constant 0 : i32
      %dma_start3A_27 = arith.constant 0 : i32
      %dma_start3A_28 = tpu.memref_slice %arg3[%add3A, %run_scoped3A_9, %dma_start3A_26, %dma_start3A_27] : memref<32x2x50x100xi32, #tpu.memory_space<hbm>> -> memref<1x1x50x100xi32, #tpu.memory_space<hbm>>
      %dma_start3A_29 = tpu.memref_squeeze %dma_start3A_28 : memref<1x1x50x100xi32, #tpu.memory_space<hbm>> -> memref<50x100xi32, #tpu.memory_space<hbm>>
      tpu.enqueue_dma source(%dma_start3A_29 : memref<50x100xi32, #tpu.memory_space<hbm>>) target(%arg7 : memref<50x100xi32, #tpu.memory_space<vmem>>) target_semaphore(%run_scoped3A_22 : memref<!tpu.dma_semaphore, #tpu.memory_space<semaphore_mem>>)
      %dma_wait3A = arith.constant 0 : i32
      %dma_wait3A_30 = arith.constant 0 : i32
      %dma_wait3A_31 = tpu.memref_slice %arg3[%add3A, %run_scoped3A_9, %dma_wait3A, %dma_wait3A_30] : memref<32x2x50x100xi32, #tpu.memory_space<hbm>> -> memref<1x1x50x100xi32, #tpu.memory_space<hbm>>
      %dma_wait3A_32 = tpu.memref_squeeze %dma_wait3A_31 : memref<1x1x50x100xi32, #tpu.memory_space<hbm>> -> memref<50x100xi32, #tpu.memory_space<hbm>>
      %dma_wait3A_33 = arith.constant 0 : i32
      %dma_wait3A_34 = arith.constant 0 : i32
      %dma_wait3A_35 = tpu.memref_slice %arg3[%add3A, %run_scoped3A_9, %dma_wait3A_33, %dma_wait3A_34] : memref<32x2x50x100xi32, #tpu.memory_space<hbm>> -> memref<1x1x50x100xi32, #tpu.memory_space<hbm>>
      %dma_wait3A_36 = tpu.memref_squeeze %dma_wait3A_35 : memref<1x1x50x100xi32, #tpu.memory_space<hbm>> -> memref<50x100xi32, #tpu.memory_space<hbm>>
      tpu.wait_dma2 semaphore(%run_scoped3A_22 : memref<!tpu.dma_semaphore, #tpu.memory_space<semaphore_mem>>) src(%dma_wait3A_36 : memref<50x100xi32, #tpu.memory_space<hbm>>) dst(%arg7 : memref<50x100xi32, #tpu.memory_space<vmem>>)
      tpu.yield
    }) : () -> ()
    %run_scoped3A_10 = arith.constant 1 : i32
    "tpu.region"() ({
      %run_scoped3A_22 = tpu.sem_alloc : memref<!tpu.dma_semaphore, #tpu.memory_space<semaphore_mem>>
      %dma_start3A = arith.constant 0 : i32
      %dma_start3A_23 = arith.constant 0 : i32
      %dma_start3A_24 = tpu.memref_slice %arg4[%add3A, %run_scoped3A_10, %dma_start3A, %dma_start3A_23] : memref<32x2x50x100xi32, #tpu.memory_space<hbm>> -> memref<1x1x50x100xi32, #tpu.memory_space<hbm>>
      %dma_start3A_25 = tpu.memref_squeeze %dma_start3A_24 : memref<1x1x50x100xi32, #tpu.memory_space<hbm>> -> memref<50x100xi32, #tpu.memory_space<hbm>>
      %dma_start3A_26 = arith.constant 0 : i32
      %dma_start3A_27 = arith.constant 0 : i32
      %dma_start3A_28 = tpu.memref_slice %arg4[%add3A, %run_scoped3A_10, %dma_start3A_26, %dma_start3A_27] : memref<32x2x50x100xi32, #tpu.memory_space<hbm>> -> memref<1x1x50x100xi32, #tpu.memory_space<hbm>>
      %dma_start3A_29 = tpu.memref_squeeze %dma_start3A_28 : memref<1x1x50x100xi32, #tpu.memory_space<hbm>> -> memref<50x100xi32, #tpu.memory_space<hbm>>
      tpu.enqueue_dma source(%dma_start3A_29 : memref<50x100xi32, #tpu.memory_space<hbm>>) target(%arg8 : memref<50x100xi32, #tpu.memory_space<vmem>>) target_semaphore(%run_scoped3A_22 : memref<!tpu.dma_semaphore, #tpu.memory_space<semaphore_mem>>)
      %dma_wait3A = arith.constant 0 : i32
      %dma_wait3A_30 = arith.constant 0 : i32
      %dma_wait3A_31 = tpu.memref_slice %arg4[%add3A, %run_scoped3A_10, %dma_wait3A, %dma_wait3A_30] : memref<32x2x50x100xi32, #tpu.memory_space<hbm>> -> memref<1x1x50x100xi32, #tpu.memory_space<hbm>>
      %dma_wait3A_32 = tpu.memref_squeeze %dma_wait3A_31 : memref<1x1x50x100xi32, #tpu.memory_space<hbm>> -> memref<50x100xi32, #tpu.memory_space<hbm>>
      %dma_wait3A_33 = arith.constant 0 : i32
      %dma_wait3A_34 = arith.constant 0 : i32
      %dma_wait3A_35 = tpu.memref_slice %arg4[%add3A, %run_scoped3A_10, %dma_wait3A_33, %dma_wait3A_34] : memref<32x2x50x100xi32, #tpu.memory_space<hbm>> -> memref<1x1x50x100xi32, #tpu.memory_space<hbm>>
      %dma_wait3A_36 = tpu.memref_squeeze %dma_wait3A_35 : memref<1x1x50x100xi32, #tpu.memory_space<hbm>> -> memref<50x100xi32, #tpu.memory_space<hbm>>
      tpu.wait_dma2 semaphore(%run_scoped3A_22 : memref<!tpu.dma_semaphore, #tpu.memory_space<semaphore_mem>>) src(%dma_wait3A_36 : memref<50x100xi32, #tpu.memory_space<hbm>>) dst(%arg8 : memref<50x100xi32, #tpu.memory_space<vmem>>)
      tpu.yield
    }) : () -> ()
    %scan3A_11 = arith.constant 0 : i32
    %scan3A_12 = arith.constant 0 : i32
    %scan3A_13 = arith.constant 50 : i32
    %scan3A_14 = arith.addi %scan3A_12, %scan3A_13 : i32
    %scan3A_15 = arith.constant 1 : i32
    scf.for %scan3A_22 = %scan3A_12 to %scan3A_14 step %scan3A_15  : i32 {
      %dma_start3A = arith.constant 0 : i32
      %dma_start3A_23 = tpu.memref_slice %arg7[%scan3A_22, %dma_start3A] : memref<50x100xi32, #tpu.memory_space<vmem>> -> memref<1x100xi32, #tpu.memory_space<vmem>>
      %dma_start3A_24 = tpu.memref_squeeze %dma_start3A_23 : memref<1x100xi32, #tpu.memory_space<vmem>> -> memref<100xi32, #tpu.memory_space<vmem>>
      %dma_start3A_25 = arith.constant 0 : i32
      %dma_start3A_26 = arith.constant 0 : i32
      %dma_start3A_27 = tpu.memref_slice %arg2[%dma_start3A_25, %dma_start3A_26] : memref<10000x128xf32, #tpu.memory_space<hbm>> -> memref<10000x128xf32, #tpu.memory_space<hbm>>
      tpu.enqueue_indirect_dma source(%dma_start3A_27 : memref<10000x128xf32, #tpu.memory_space<hbm>>) target(%arg9 : memref<100x128xf32, #tpu.memory_space<vmem>>) offsets(%dma_start3A_24 : memref<100xi32, #tpu.memory_space<vmem>>) semaphore(%arg12 : memref<!tpu.dma_semaphore, #tpu.memory_space<semaphore_mem>>)
      %dma_wait3A = arith.constant 0 : i32
      %dma_wait3A_28 = tpu.memref_slice %arg7[%scan3A_22, %dma_wait3A] : memref<50x100xi32, #tpu.memory_space<vmem>> -> memref<1x100xi32, #tpu.memory_space<vmem>>
      %dma_wait3A_29 = tpu.memref_squeeze %dma_wait3A_28 : memref<1x100xi32, #tpu.memory_space<vmem>> -> memref<100xi32, #tpu.memory_space<vmem>>
      %dma_wait3A_30 = arith.constant 0 : i32
      %dma_wait3A_31 = arith.constant 0 : i32
      %dma_wait3A_32 = tpu.memref_slice %arg2[%dma_wait3A_30, %dma_wait3A_31] : memref<10000x128xf32, #tpu.memory_space<hbm>> -> memref<10000x128xf32, #tpu.memory_space<hbm>>
      tpu.wait_indirect_dma semaphore(%arg12 : memref<!tpu.dma_semaphore, #tpu.memory_space<semaphore_mem>>) src(%dma_wait3A_32 : memref<10000x128xf32, #tpu.memory_space<hbm>>) dst(%arg9 : memref<100x128xf32, #tpu.memory_space<vmem>>)
      "tpu.region"() ({
        %run_scoped3A_33 = tpu.sem_alloc : memref<!tpu.dma_semaphore, #tpu.memory_space<semaphore_mem>>
        %dma_start3A_34 = arith.constant 0 : i32
        %dma_start3A_35 = tpu.memref_slice %arg8[%scan3A_22, %dma_start3A_34] : memref<50x100xi32, #tpu.memory_space<vmem>> -> memref<1x100xi32, #tpu.memory_space<vmem>>
        %dma_start3A_36 = tpu.memref_squeeze %dma_start3A_35 : memref<1x100xi32, #tpu.memory_space<vmem>> -> memref<100xi32, #tpu.memory_space<vmem>>
        %dma_start3A_37 = arith.constant 0 : i32
        %dma_start3A_38 = arith.constant 0 : i32
        %dma_start3A_39 = tpu.memref_slice %arg11[%dma_start3A_37, %dma_start3A_38] : memref<10112x128xf32, #tpu.memory_space<vmem_shared>> -> memref<10112x128xf32, #tpu.memory_space<vmem_shared>>
        tpu.enqueue_indirect_dma source(%arg9 : memref<100x128xf32, #tpu.memory_space<vmem>>) target(%dma_start3A_39 : memref<10112x128xf32, #tpu.memory_space<vmem_shared>>) offsets(%dma_start3A_36 : memref<100xi32, #tpu.memory_space<vmem>>) semaphore(%run_scoped3A_33 : memref<!tpu.dma_semaphore, #tpu.memory_space<semaphore_mem>>) {add = true}
        %dma_wait3A_40 = arith.constant 0 : i32
        %dma_wait3A_41 = tpu.memref_slice %arg8[%scan3A_22, %dma_wait3A_40] : memref<50x100xi32, #tpu.memory_space<vmem>> -> memref<1x100xi32, #tpu.memory_space<vmem>>
        %dma_wait3A_42 = tpu.memref_squeeze %dma_wait3A_41 : memref<1x100xi32, #tpu.memory_space<vmem>> -> memref<100xi32, #tpu.memory_space<vmem>>
        %dma_wait3A_43 = arith.constant 0 : i32
        %dma_wait3A_44 = arith.constant 0 : i32
        %dma_wait3A_45 = tpu.memref_slice %arg11[%dma_wait3A_43, %dma_wait3A_44] : memref<10112x128xf32, #tpu.memory_space<vmem_shared>> -> memref<10112x128xf32, #tpu.memory_space<vmem_shared>>
        tpu.wait_indirect_dma semaphore(%run_scoped3A_33 : memref<!tpu.dma_semaphore, #tpu.memory_space<semaphore_mem>>) src(%arg9 : memref<100x128xf32, #tpu.memory_space<vmem>>) dst(%dma_wait3A_45 : memref<10112x128xf32, #tpu.memory_space<vmem_shared>>)
        tpu.yield
      }) : () -> ()
    }
    %scan3A_16 = arith.constant 50 : i32
    %barrier3A_17 = arith.constant 0 : index
    tpu.barrier barrier_id(%barrier3A_17)
    %mul3A_18 = arith.constant 632 : i32
    %mul3A_19 = arith.muli %arg1, %mul3A_18 : i32
    %mul3A_20 = arith.constant 632 : i32
    %mul3A_21 = arith.muli %arg1, %mul3A_20 : i32
    "tpu.region"() ({
      %run_scoped3A_22 = tpu.sem_alloc : memref<!tpu.dma_semaphore, #tpu.memory_space<semaphore_mem>>
      %dma_start3A = arith.constant 0 : i32
      %dma_start3A_23 = tpu.memref_slice %arg6[%arg0, %mul3A_21, %dma_start3A] : memref<2x10112x128xf32, #tpu.memory_space<hbm>> -> memref<1x632x128xf32, #tpu.memory_space<hbm>>
      %dma_start3A_24 = tpu.memref_squeeze %dma_start3A_23 : memref<1x632x128xf32, #tpu.memory_space<hbm>> -> memref<632x128xf32, #tpu.memory_space<hbm>>
      %dma_start3A_25 = arith.constant 0 : i32
      %dma_start3A_26 = tpu.memref_slice %arg11[%mul3A_19, %dma_start3A_25] : memref<10112x128xf32, #tpu.memory_space<vmem_shared>> -> memref<632x128xf32, #tpu.memory_space<vmem_shared>>
      tpu.enqueue_dma source(%dma_start3A_26 : memref<632x128xf32, #tpu.memory_space<vmem_shared>>) target(%dma_start3A_24 : memref<632x128xf32, #tpu.memory_space<hbm>>) target_semaphore(%run_scoped3A_22 : memref<!tpu.dma_semaphore, #tpu.memory_space<semaphore_mem>>)
      %dma_wait3A = arith.constant 0 : i32
      %dma_wait3A_27 = tpu.memref_slice %arg6[%arg0, %mul3A_21, %dma_wait3A] : memref<2x10112x128xf32, #tpu.memory_space<hbm>> -> memref<1x632x128xf32, #tpu.memory_space<hbm>>
      %dma_wait3A_28 = tpu.memref_squeeze %dma_wait3A_27 : memref<1x632x128xf32, #tpu.memory_space<hbm>> -> memref<632x128xf32, #tpu.memory_space<hbm>>
      %dma_wait3A_29 = arith.constant 0 : i32
      %dma_wait3A_30 = tpu.memref_slice %arg11[%mul3A_19, %dma_wait3A_29] : memref<10112x128xf32, #tpu.memory_space<vmem_shared>> -> memref<632x128xf32, #tpu.memory_space<vmem_shared>>
      tpu.wait_dma2 semaphore(%run_scoped3A_22 : memref<!tpu.dma_semaphore, #tpu.memory_space<semaphore_mem>>) src(%dma_wait3A_30 : memref<632x128xf32, #tpu.memory_space<vmem_shared>>) dst(%dma_wait3A_28 : memref<632x128xf32, #tpu.memory_space<hbm>>)
      tpu.yield
    }) : () -> ()
    return
  }
}

#map = affine_map<(d0, d1) -> (0, 0)>
#map1 = affine_map<(d0, d1) -> (0, 0, 0, 0)>
#map2 = affine_map<(d0, d1) -> (0, 0, 0)>
module attributes {stable_mosaic.version = 14 : i64} {
  func.func @_sc_scatter(%arg0: i32, %arg1: i32, %arg2: memref<10000x128xf32, #tpu.memory_space<hbm>>, %arg3: memref<32x2x50x100xi32, #tpu.memory_space<hbm>>, %arg4: memref<32x2x50x100xi32, #tpu.memory_space<hbm>>, %arg5: memref<632x128xf32, #tpu.memory_space<hbm>>, %arg6: memref<2x10112x128xf32, #tpu.memory_space<hbm>>, %arg7: memref<50x100xi32, #tpu.memory_space<vmem>>, %arg8: memref<50x100xi32, #tpu.memory_space<vmem>>, %arg9: memref<100x128xf32, #tpu.memory_space<vmem>>, %arg10: memref<100x128xf32, #tpu.memory_space<vmem>>, %arg11: memref<10112x128xf32, #tpu.memory_space<vmem_shared>>, %arg12: memref<!tpu.dma_semaphore, #tpu.memory_space<semaphore_mem>>, %arg13: memref<!tpu.dma_semaphore, #tpu.memory_space<semaphore_mem>>) attributes {dimension_semantics = [#tpu.dimension_semantics<core_parallel>, #tpu.dimension_semantics<subcore_parallel>], iteration_bounds = array<i64: 2, 16>, scalar_prefetch = 0 : i64, scratch_operands = 7 : i64, tpu.core_type = #tpu.core_type<sc_vector_subcore>, window_params = [{transform_indices = #map}, {transform_indices = #map1}, {transform_indices = #map1}, {transform_indices = #map}, {transform_indices = #map2}]} {
    %mul3A = arith.constant 16 : i32
    %mul3A_0 = arith.muli %arg0, %mul3A : i32
    %add3A = arith.addi %mul3A_0, %arg1 : i32
    %mul3A_1 = arith.constant 632 : i32
    %mul3A_2 = arith.muli %arg1, %mul3A_1 : i32
    "tpu.region"() ({
      %run_scoped3A_22 = tpu.sem_alloc : memref<!tpu.dma_semaphore, #tpu.memory_space<semaphore_mem>>
      %dma_start3A = arith.constant 0 : i32
      %dma_start3A_23 = tpu.memref_slice %arg11[%mul3A_2, %dma_start3A] : memref<10112x128xf32, #tpu.memory_space<vmem_shared>> -> memref<632x128xf32, #tpu.memory_space<vmem_shared>>
      tpu.enqueue_dma source(%arg5 : memref<632x128xf32, #tpu.memory_space<hbm>>) target(%dma_start3A_23 : memref<632x128xf32, #tpu.memory_space<vmem_shared>>) target_semaphore(%run_scoped3A_22 : memref<!tpu.dma_semaphore, #tpu.memory_space<semaphore_mem>>)
      %dma_wait3A = arith.constant 0 : i32
      %dma_wait3A_24 = tpu.memref_slice %arg11[%mul3A_2, %dma_wait3A] : memref<10112x128xf32, #tpu.memory_space<vmem_shared>> -> memref<632x128xf32, #tpu.memory_space<vmem_shared>>
      tpu.wait_dma2 semaphore(%run_scoped3A_22 : memref<!tpu.dma_semaphore, #tpu.memory_space<semaphore_mem>>) src(%arg5 : memref<632x128xf32, #tpu.memory_space<hbm>>) dst(%dma_wait3A_24 : memref<632x128xf32, #tpu.memory_space<vmem_shared>>)
      tpu.yield
    }) : () -> ()
    %barrier3A = arith.constant 0 : index
    tpu.barrier barrier_id(%barrier3A)
    %run_scoped3A = arith.constant 0 : i32
    "tpu.region"() ({
      %run_scoped3A_22 = tpu.sem_alloc : memref<!tpu.dma_semaphore, #tpu.memory_space<semaphore_mem>>
      %dma_start3A = arith.constant 0 : i32
      %dma_start3A_23 = arith.constant 0 : i32
      %dma_start3A_24 = tpu.memref_slice %arg3[%add3A, %run_scoped3A, %dma_start3A, %dma_start3A_23] : memref<32x2x50x100xi32, #tpu.memory_space<hbm>> -> memref<1x1x50x100xi32, #tpu.memory_space<hbm>>
      %dma_start3A_25 = tpu.memref_squeeze %dma_start3A_24 : memref<1x1x50x100xi32, #tpu.memory_space<hbm>> -> memref<50x100xi32, #tpu.memory_space<hbm>>
      %dma_start3A_26 = arith.constant 0 : i32
      %dma_start3A_27 = arith.constant 0 : i32
      %dma_start3A_28 = tpu.memref_slice %arg3[%add3A, %run_scoped3A, %dma_start3A_26, %dma_start3A_27] : memref<32x2x50x100xi32, #tpu.memory_space<hbm>> -> memref<1x1x50x100xi32, #tpu.memory_space<hbm>>
      %dma_start3A_29 = tpu.memref_squeeze %dma_start3A_28 : memref<1x1x50x100xi32, #tpu.memory_space<hbm>> -> memref<50x100xi32, #tpu.memory_space<hbm>>
      tpu.enqueue_dma source(%dma_start3A_29 : memref<50x100xi32, #tpu.memory_space<hbm>>) target(%arg7 : memref<50x100xi32, #tpu.memory_space<vmem>>) target_semaphore(%run_scoped3A_22 : memref<!tpu.dma_semaphore, #tpu.memory_space<semaphore_mem>>)
      %dma_wait3A = arith.constant 0 : i32
      %dma_wait3A_30 = arith.constant 0 : i32
      %dma_wait3A_31 = tpu.memref_slice %arg3[%add3A, %run_scoped3A, %dma_wait3A, %dma_wait3A_30] : memref<32x2x50x100xi32, #tpu.memory_space<hbm>> -> memref<1x1x50x100xi32, #tpu.memory_space<hbm>>
      %dma_wait3A_32 = tpu.memref_squeeze %dma_wait3A_31 : memref<1x1x50x100xi32, #tpu.memory_space<hbm>> -> memref<50x100xi32, #tpu.memory_space<hbm>>
      %dma_wait3A_33 = arith.constant 0 : i32
      %dma_wait3A_34 = arith.constant 0 : i32
      %dma_wait3A_35 = tpu.memref_slice %arg3[%add3A, %run_scoped3A, %dma_wait3A_33, %dma_wait3A_34] : memref<32x2x50x100xi32, #tpu.memory_space<hbm>> -> memref<1x1x50x100xi32, #tpu.memory_space<hbm>>
      %dma_wait3A_36 = tpu.memref_squeeze %dma_wait3A_35 : memref<1x1x50x100xi32, #tpu.memory_space<hbm>> -> memref<50x100xi32, #tpu.memory_space<hbm>>
      tpu.wait_dma2 semaphore(%run_scoped3A_22 : memref<!tpu.dma_semaphore, #tpu.memory_space<semaphore_mem>>) src(%dma_wait3A_36 : memref<50x100xi32, #tpu.memory_space<hbm>>) dst(%arg7 : memref<50x100xi32, #tpu.memory_space<vmem>>)
      tpu.yield
    }) : () -> ()
    %run_scoped3A_3 = arith.constant 0 : i32
    "tpu.region"() ({
      %run_scoped3A_22 = tpu.sem_alloc : memref<!tpu.dma_semaphore, #tpu.memory_space<semaphore_mem>>
      %dma_start3A = arith.constant 0 : i32
      %dma_start3A_23 = arith.constant 0 : i32
      %dma_start3A_24 = tpu.memref_slice %arg4[%add3A, %run_scoped3A_3, %dma_start3A, %dma_start3A_23] : memref<32x2x50x100xi32, #tpu.memory_space<hbm>> -> memref<1x1x50x100xi32, #tpu.memory_space<hbm>>
      %dma_start3A_25 = tpu.memref_squeeze %dma_start3A_24 : memref<1x1x50x100xi32, #tpu.memory_space<hbm>> -> memref<50x100xi32, #tpu.memory_space<hbm>>
      %dma_start3A_26 = arith.constant 0 : i32
      %dma_start3A_27 = arith.constant 0 : i32
      %dma_start3A_28 = tpu.memref_slice %arg4[%add3A, %run_scoped3A_3, %dma_start3A_26, %dma_start3A_27] : memref<32x2x50x100xi32, #tpu.memory_space<hbm>> -> memref<1x1x50x100xi32, #tpu.memory_space<hbm>>
      %dma_start3A_29 = tpu.memref_squeeze %dma_start3A_28 : memref<1x1x50x100xi32, #tpu.memory_space<hbm>> -> memref<50x100xi32, #tpu.memory_space<hbm>>
      tpu.enqueue_dma source(%dma_start3A_29 : memref<50x100xi32, #tpu.memory_space<hbm>>) target(%arg8 : memref<50x100xi32, #tpu.memory_space<vmem>>) target_semaphore(%run_scoped3A_22 : memref<!tpu.dma_semaphore, #tpu.memory_space<semaphore_mem>>)
      %dma_wait3A = arith.constant 0 : i32
      %dma_wait3A_30 = arith.constant 0 : i32
      %dma_wait3A_31 = tpu.memref_slice %arg4[%add3A, %run_scoped3A_3, %dma_wait3A, %dma_wait3A_30] : memref<32x2x50x100xi32, #tpu.memory_space<hbm>> -> memref<1x1x50x100xi32, #tpu.memory_space<hbm>>
      %dma_wait3A_32 = tpu.memref_squeeze %dma_wait3A_31 : memref<1x1x50x100xi32, #tpu.memory_space<hbm>> -> memref<50x100xi32, #tpu.memory_space<hbm>>
      %dma_wait3A_33 = arith.constant 0 : i32
      %dma_wait3A_34 = arith.constant 0 : i32
      %dma_wait3A_35 = tpu.memref_slice %arg4[%add3A, %run_scoped3A_3, %dma_wait3A_33, %dma_wait3A_34] : memref<32x2x50x100xi32, #tpu.memory_space<hbm>> -> memref<1x1x50x100xi32, #tpu.memory_space<hbm>>
      %dma_wait3A_36 = tpu.memref_squeeze %dma_wait3A_35 : memref<1x1x50x100xi32, #tpu.memory_space<hbm>> -> memref<50x100xi32, #tpu.memory_space<hbm>>
      tpu.wait_dma2 semaphore(%run_scoped3A_22 : memref<!tpu.dma_semaphore, #tpu.memory_space<semaphore_mem>>) src(%dma_wait3A_36 : memref<50x100xi32, #tpu.memory_space<hbm>>) dst(%arg8 : memref<50x100xi32, #tpu.memory_space<vmem>>)
      tpu.yield
    }) : () -> ()
    %scan3A = arith.constant 0 : i32
    %scan3A_4 = arith.constant 0 : i32
    %scan3A_5 = arith.constant 50 : i32
    %scan3A_6 = arith.addi %scan3A_4, %scan3A_5 : i32
    %scan3A_7 = arith.constant 1 : i32
    scf.for %scan3A_22 = %scan3A_4 to %scan3A_6 step %scan3A_7  : i32 {
      %dma_start3A = arith.constant 0 : i32
      %dma_start3A_23 = tpu.memref_slice %arg7[%scan3A_22, %dma_start3A] : memref<50x100xi32, #tpu.memory_space<vmem>> -> memref<1x100xi32, #tpu.memory_space<vmem>>
      %dma_start3A_24 = tpu.memref_squeeze %dma_start3A_23 : memref<1x100xi32, #tpu.memory_space<vmem>> -> memref<100xi32, #tpu.memory_space<vmem>>
      %dma_start3A_25 = arith.constant 0 : i32
      %dma_start3A_26 = arith.constant 0 : i32
      %dma_start3A_27 = tpu.memref_slice %arg2[%dma_start3A_25, %dma_start3A_26] : memref<10000x128xf32, #tpu.memory_space<hbm>> -> memref<10000x128xf32, #tpu.memory_space<hbm>>
      tpu.enqueue_indirect_dma source(%dma_start3A_27 : memref<10000x128xf32, #tpu.memory_space<hbm>>) target(%arg9 : memref<100x128xf32, #tpu.memory_space<vmem>>) offsets(%dma_start3A_24 : memref<100xi32, #tpu.memory_space<vmem>>) semaphore(%arg12 : memref<!tpu.dma_semaphore, #tpu.memory_space<semaphore_mem>>)
      %dma_wait3A = arith.constant 0 : i32
      %dma_wait3A_28 = tpu.memref_slice %arg7[%scan3A_22, %dma_wait3A] : memref<50x100xi32, #tpu.memory_space<vmem>> -> memref<1x100xi32, #tpu.memory_space<vmem>>
      %dma_wait3A_29 = tpu.memref_squeeze %dma_wait3A_28 : memref<1x100xi32, #tpu.memory_space<vmem>> -> memref<100xi32, #tpu.memory_space<vmem>>
      %dma_wait3A_30 = arith.constant 0 : i32
      %dma_wait3A_31 = arith.constant 0 : i32
      %dma_wait3A_32 = tpu.memref_slice %arg2[%dma_wait3A_30, %dma_wait3A_31] : memref<10000x128xf32, #tpu.memory_space<hbm>> -> memref<10000x128xf32, #tpu.memory_space<hbm>>
      tpu.wait_indirect_dma semaphore(%arg12 : memref<!tpu.dma_semaphore, #tpu.memory_space<semaphore_mem>>) src(%dma_wait3A_32 : memref<10000x128xf32, #tpu.memory_space<hbm>>) dst(%arg9 : memref<100x128xf32, #tpu.memory_space<vmem>>)
      "tpu.region"() ({
        %run_scoped3A_33 = tpu.sem_alloc : memref<!tpu.dma_semaphore, #tpu.memory_space<semaphore_mem>>
        %dma_start3A_34 = arith.constant 0 : i32
        %dma_start3A_35 = tpu.memref_slice %arg8[%scan3A_22, %dma_start3A_34] : memref<50x100xi32, #tpu.memory_space<vmem>> -> memref<1x100xi32, #tpu.memory_space<vmem>>
        %dma_start3A_36 = tpu.memref_squeeze %dma_start3A_35 : memref<1x100xi32, #tpu.memory_space<vmem>> -> memref<100xi32, #tpu.memory_space<vmem>>
        %dma_start3A_37 = arith.constant 0 : i32
        %dma_start3A_38 = arith.constant 0 : i32
        %dma_start3A_39 = tpu.memref_slice %arg11[%dma_start3A_37, %dma_start3A_38] : memref<10112x128xf32, #tpu.memory_space<vmem_shared>> -> memref<10112x128xf32, #tpu.memory_space<vmem_shared>>
        tpu.enqueue_indirect_dma source(%arg9 : memref<100x128xf32, #tpu.memory_space<vmem>>) target(%dma_start3A_39 : memref<10112x128xf32, #tpu.memory_space<vmem_shared>>) offsets(%dma_start3A_36 : memref<100xi32, #tpu.memory_space<vmem>>) semaphore(%run_scoped3A_33 : memref<!tpu.dma_semaphore, #tpu.memory_space<semaphore_mem>>) {add = true}
        %dma_wait3A_40 = arith.constant 0 : i32
        %dma_wait3A_41 = tpu.memref_slice %arg8[%scan3A_22, %dma_wait3A_40] : memref<50x100xi32, #tpu.memory_space<vmem>> -> memref<1x100xi32, #tpu.memory_space<vmem>>
        %dma_wait3A_42 = tpu.memref_squeeze %dma_wait3A_41 : memref<1x100xi32, #tpu.memory_space<vmem>> -> memref<100xi32, #tpu.memory_space<vmem>>
        %dma_wait3A_43 = arith.constant 0 : i32
        %dma_wait3A_44 = arith.constant 0 : i32
        %dma_wait3A_45 = tpu.memref_slice %arg11[%dma_wait3A_43, %dma_wait3A_44] : memref<10112x128xf32, #tpu.memory_space<vmem_shared>> -> memref<10112x128xf32, #tpu.memory_space<vmem_shared>>
        tpu.wait_indirect_dma semaphore(%run_scoped3A_33 : memref<!tpu.dma_semaphore, #tpu.memory_space<semaphore_mem>>) src(%arg9 : memref<100x128xf32, #tpu.memory_space<vmem>>) dst(%dma_wait3A_45 : memref<10112x128xf32, #tpu.memory_space<vmem_shared>>)
        tpu.yield
      }) : () -> ()
    }
    %scan3A_8 = arith.constant 50 : i32
    %run_scoped3A_9 = arith.constant 1 : i32
    "tpu.region"() ({
      %run_scoped3A_22 = tpu.sem_alloc : memref<!tpu.dma_semaphore, #tpu.memory_space<semaphore_mem>>
      %dma_start3A = arith.constant 0 : i32
      %dma_start3A_23 = arith.constant 0 : i32
      %dma_start3A_24 = tpu.memref_slice %arg3[%add3A, %run_scoped3A_9, %dma_start3A, %dma_start3A_23] : memref<32x2x50x100xi32, #tpu.memory_space<hbm>> -> memref<1x1x50x100xi32, #tpu.memory_space<hbm>>
      %dma_start3A_25 = tpu.memref_squeeze %dma_start3A_24 : memref<1x1x50x100xi32, #tpu.memory_space<hbm>> -> memref<50x100xi32, #tpu.memory_space<hbm>>
      %dma_start3A_26 = arith.constant 0 : i32
      %dma_start3A_27 = arith.constant 0 : i32
      %dma_start3A_28 = tpu.memref_slice %arg3[%add3A, %run_scoped3A_9, %dma_start3A_26, %dma_start3A_27] : memref<32x2x50x100xi32, #tpu.memory_space<hbm>> -> memref<1x1x50x100xi32, #tpu.memory_space<hbm>>
      %dma_start3A_29 = tpu.memref_squeeze %dma_start3A_28 : memref<1x1x50x100xi32, #tpu.memory_space<hbm>> -> memref<50x100xi32, #tpu.memory_space<hbm>>
      tpu.enqueue_dma source(%dma_start3A_29 : memref<50x100xi32, #tpu.memory_space<hbm>>) target(%arg7 : memref<50x100xi32, #tpu.memory_space<vmem>>) target_semaphore(%run_scoped3A_22 : memref<!tpu.dma_semaphore, #tpu.memory_space<semaphore_mem>>)
      %dma_wait3A = arith.constant 0 : i32
      %dma_wait3A_30 = arith.constant 0 : i32
      %dma_wait3A_31 = tpu.memref_slice %arg3[%add3A, %run_scoped3A_9, %dma_wait3A, %dma_wait3A_30] : memref<32x2x50x100xi32, #tpu.memory_space<hbm>> -> memref<1x1x50x100xi32, #tpu.memory_space<hbm>>
      %dma_wait3A_32 = tpu.memref_squeeze %dma_wait3A_31 : memref<1x1x50x100xi32, #tpu.memory_space<hbm>> -> memref<50x100xi32, #tpu.memory_space<hbm>>
      %dma_wait3A_33 = arith.constant 0 : i32
      %dma_wait3A_34 = arith.constant 0 : i32
      %dma_wait3A_35 = tpu.memref_slice %arg3[%add3A, %run_scoped3A_9, %dma_wait3A_33, %dma_wait3A_34] : memref<32x2x50x100xi32, #tpu.memory_space<hbm>> -> memref<1x1x50x100xi32, #tpu.memory_space<hbm>>
      %dma_wait3A_36 = tpu.memref_squeeze %dma_wait3A_35 : memref<1x1x50x100xi32, #tpu.memory_space<hbm>> -> memref<50x100xi32, #tpu.memory_space<hbm>>
      tpu.wait_dma2 semaphore(%run_scoped3A_22 : memref<!tpu.dma_semaphore, #tpu.memory_space<semaphore_mem>>) src(%dma_wait3A_36 : memref<50x100xi32, #tpu.memory_space<hbm>>) dst(%arg7 : memref<50x100xi32, #tpu.memory_space<vmem>>)
      tpu.yield
    }) : () -> ()
    %run_scoped3A_10 = arith.constant 1 : i32
    "tpu.region"() ({
      %run_scoped3A_22 = tpu.sem_alloc : memref<!tpu.dma_semaphore, #tpu.memory_space<semaphore_mem>>
      %dma_start3A = arith.constant 0 : i32
      %dma_start3A_23 = arith.constant 0 : i32
      %dma_start3A_24 = tpu.memref_slice %arg4[%add3A, %run_scoped3A_10, %dma_start3A, %dma_start3A_23] : memref<32x2x50x100xi32, #tpu.memory_space<hbm>> -> memref<1x1x50x100xi32, #tpu.memory_space<hbm>>
      %dma_start3A_25 = tpu.memref_squeeze %dma_start3A_24 : memref<1x1x50x100xi32, #tpu.memory_space<hbm>> -> memref<50x100xi32, #tpu.memory_space<hbm>>
      %dma_start3A_26 = arith.constant 0 : i32
      %dma_start3A_27 = arith.constant 0 : i32
      %dma_start3A_28 = tpu.memref_slice %arg4[%add3A, %run_scoped3A_10, %dma_start3A_26, %dma_start3A_27] : memref<32x2x50x100xi32, #tpu.memory_space<hbm>> -> memref<1x1x50x100xi32, #tpu.memory_space<hbm>>
      %dma_start3A_29 = tpu.memref_squeeze %dma_start3A_28 : memref<1x1x50x100xi32, #tpu.memory_space<hbm>> -> memref<50x100xi32, #tpu.memory_space<hbm>>
      tpu.enqueue_dma source(%dma_start3A_29 : memref<50x100xi32, #tpu.memory_space<hbm>>) target(%arg8 : memref<50x100xi32, #tpu.memory_space<vmem>>) target_semaphore(%run_scoped3A_22 : memref<!tpu.dma_semaphore, #tpu.memory_space<semaphore_mem>>)
      %dma_wait3A = arith.constant 0 : i32
      %dma_wait3A_30 = arith.constant 0 : i32
      %dma_wait3A_31 = tpu.memref_slice %arg4[%add3A, %run_scoped3A_10, %dma_wait3A, %dma_wait3A_30] : memref<32x2x50x100xi32, #tpu.memory_space<hbm>> -> memref<1x1x50x100xi32, #tpu.memory_space<hbm>>
      %dma_wait3A_32 = tpu.memref_squeeze %dma_wait3A_31 : memref<1x1x50x100xi32, #tpu.memory_space<hbm>> -> memref<50x100xi32, #tpu.memory_space<hbm>>
      %dma_wait3A_33 = arith.constant 0 : i32
      %dma_wait3A_34 = arith.constant 0 : i32
      %dma_wait3A_35 = tpu.memref_slice %arg4[%add3A, %run_scoped3A_10, %dma_wait3A_33, %dma_wait3A_34] : memref<32x2x50x100xi32, #tpu.memory_space<hbm>> -> memref<1x1x50x100xi32, #tpu.memory_space<hbm>>
      %dma_wait3A_36 = tpu.memref_squeeze %dma_wait3A_35 : memref<1x1x50x100xi32, #tpu.memory_space<hbm>> -> memref<50x100xi32, #tpu.memory_space<hbm>>
      tpu.wait_dma2 semaphore(%run_scoped3A_22 : memref<!tpu.dma_semaphore, #tpu.memory_space<semaphore_mem>>) src(%dma_wait3A_36 : memref<50x100xi32, #tpu.memory_space<hbm>>) dst(%arg8 : memref<50x100xi32, #tpu.memory_space<vmem>>)
      tpu.yield
    }) : () -> ()
    %scan3A_11 = arith.constant 0 : i32
    %scan3A_12 = arith.constant 0 : i32
    %scan3A_13 = arith.constant 50 : i32
    %scan3A_14 = arith.addi %scan3A_12, %scan3A_13 : i32
    %scan3A_15 = arith.constant 1 : i32
    scf.for %scan3A_22 = %scan3A_12 to %scan3A_14 step %scan3A_15  : i32 {
      %dma_start3A = arith.constant 0 : i32
      %dma_start3A_23 = tpu.memref_slice %arg7[%scan3A_22, %dma_start3A] : memref<50x100xi32, #tpu.memory_space<vmem>> -> memref<1x100xi32, #tpu.memory_space<vmem>>
      %dma_start3A_24 = tpu.memref_squeeze %dma_start3A_23 : memref<1x100xi32, #tpu.memory_space<vmem>> -> memref<100xi32, #tpu.memory_space<vmem>>
      %dma_start3A_25 = arith.constant 0 : i32
      %dma_start3A_26 = arith.constant 0 : i32
      %dma_start3A_27 = tpu.memref_slice %arg2[%dma_start3A_25, %dma_start3A_26] : memref<10000x128xf32, #tpu.memory_space<hbm>> -> memref<10000x128xf32, #tpu.memory_space<hbm>>
      tpu.enqueue_indirect_dma source(%dma_start3A_27 : memref<10000x128xf32, #tpu.memory_space<hbm>>) target(%arg9 : memref<100x128xf32, #tpu.memory_space<vmem>>) offsets(%dma_start3A_24 : memref<100xi32, #tpu.memory_space<vmem>>) semaphore(%arg12 : memref<!tpu.dma_semaphore, #tpu.memory_space<semaphore_mem>>)
      %dma_wait3A = arith.constant 0 : i32
      %dma_wait3A_28 = tpu.memref_slice %arg7[%scan3A_22, %dma_wait3A] : memref<50x100xi32, #tpu.memory_space<vmem>> -> memref<1x100xi32, #tpu.memory_space<vmem>>
      %dma_wait3A_29 = tpu.memref_squeeze %dma_wait3A_28 : memref<1x100xi32, #tpu.memory_space<vmem>> -> memref<100xi32, #tpu.memory_space<vmem>>
      %dma_wait3A_30 = arith.constant 0 : i32
      %dma_wait3A_31 = arith.constant 0 : i32
      %dma_wait3A_32 = tpu.memref_slice %arg2[%dma_wait3A_30, %dma_wait3A_31] : memref<10000x128xf32, #tpu.memory_space<hbm>> -> memref<10000x128xf32, #tpu.memory_space<hbm>>
      tpu.wait_indirect_dma semaphore(%arg12 : memref<!tpu.dma_semaphore, #tpu.memory_space<semaphore_mem>>) src(%dma_wait3A_32 : memref<10000x128xf32, #tpu.memory_space<hbm>>) dst(%arg9 : memref<100x128xf32, #tpu.memory_space<vmem>>)
      "tpu.region"() ({
        %run_scoped3A_33 = tpu.sem_alloc : memref<!tpu.dma_semaphore, #tpu.memory_space<semaphore_mem>>
        %dma_start3A_34 = arith.constant 0 : i32
        %dma_start3A_35 = tpu.memref_slice %arg8[%scan3A_22, %dma_start3A_34] : memref<50x100xi32, #tpu.memory_space<vmem>> -> memref<1x100xi32, #tpu.memory_space<vmem>>
        %dma_start3A_36 = tpu.memref_squeeze %dma_start3A_35 : memref<1x100xi32, #tpu.memory_space<vmem>> -> memref<100xi32, #tpu.memory_space<vmem>>
        %dma_start3A_37 = arith.constant 0 : i32
        %dma_start3A_38 = arith.constant 0 : i32
        %dma_start3A_39 = tpu.memref_slice %arg11[%dma_start3A_37, %dma_start3A_38] : memref<10112x128xf32, #tpu.memory_space<vmem_shared>> -> memref<10112x128xf32, #tpu.memory_space<vmem_shared>>
        tpu.enqueue_indirect_dma source(%arg9 : memref<100x128xf32, #tpu.memory_space<vmem>>) target(%dma_start3A_39 : memref<10112x128xf32, #tpu.memory_space<vmem_shared>>) offsets(%dma_start3A_36 : memref<100xi32, #tpu.memory_space<vmem>>) semaphore(%run_scoped3A_33 : memref<!tpu.dma_semaphore, #tpu.memory_space<semaphore_mem>>) {add = true}
        %dma_wait3A_40 = arith.constant 0 : i32
        %dma_wait3A_41 = tpu.memref_slice %arg8[%scan3A_22, %dma_wait3A_40] : memref<50x100xi32, #tpu.memory_space<vmem>> -> memref<1x100xi32, #tpu.memory_space<vmem>>
        %dma_wait3A_42 = tpu.memref_squeeze %dma_wait3A_41 : memref<1x100xi32, #tpu.memory_space<vmem>> -> memref<100xi32, #tpu.memory_space<vmem>>
        %dma_wait3A_43 = arith.constant 0 : i32
        %dma_wait3A_44 = arith.constant 0 : i32
        %dma_wait3A_45 = tpu.memref_slice %arg11[%dma_wait3A_43, %dma_wait3A_44] : memref<10112x128xf32, #tpu.memory_space<vmem_shared>> -> memref<10112x128xf32, #tpu.memory_space<vmem_shared>>
        tpu.wait_indirect_dma semaphore(%run_scoped3A_33 : memref<!tpu.dma_semaphore, #tpu.memory_space<semaphore_mem>>) src(%arg9 : memref<100x128xf32, #tpu.memory_space<vmem>>) dst(%dma_wait3A_45 : memref<10112x128xf32, #tpu.memory_space<vmem_shared>>)
        tpu.yield
      }) : () -> ()
    }
    %scan3A_16 = arith.constant 50 : i32
    %barrier3A_17 = arith.constant 0 : index
    tpu.barrier barrier_id(%barrier3A_17)
    %mul3A_18 = arith.constant 632 : i32
    %mul3A_19 = arith.muli %arg1, %mul3A_18 : i32
    %mul3A_20 = arith.constant 632 : i32
    %mul3A_21 = arith.muli %arg1, %mul3A_20 : i32
    "tpu.region"() ({
      %run_scoped3A_22 = tpu.sem_alloc : memref<!tpu.dma_semaphore, #tpu.memory_space<semaphore_mem>>
      %dma_start3A = arith.constant 0 : i32
      %dma_start3A_23 = tpu.memref_slice %arg6[%arg0, %mul3A_21, %dma_start3A] : memref<2x10112x128xf32, #tpu.memory_space<hbm>> -> memref<1x632x128xf32, #tpu.memory_space<hbm>>
      %dma_start3A_24 = tpu.memref_squeeze %dma_start3A_23 : memref<1x632x128xf32, #tpu.memory_space<hbm>> -> memref<632x128xf32, #tpu.memory_space<hbm>>
      %dma_start3A_25 = arith.constant 0 : i32
      %dma_start3A_26 = tpu.memref_slice %arg11[%mul3A_19, %dma_start3A_25] : memref<10112x128xf32, #tpu.memory_space<vmem_shared>> -> memref<632x128xf32, #tpu.memory_space<vmem_shared>>
      tpu.enqueue_dma source(%dma_start3A_26 : memref<632x128xf32, #tpu.memory_space<vmem_shared>>) target(%dma_start3A_24 : memref<632x128xf32, #tpu.memory_space<hbm>>) target_semaphore(%run_scoped3A_22 : memref<!tpu.dma_semaphore, #tpu.memory_space<semaphore_mem>>)
      %dma_wait3A = arith.constant 0 : i32
      %dma_wait3A_27 = tpu.memref_slice %arg6[%arg0, %mul3A_21, %dma_wait3A] : memref<2x10112x128xf32, #tpu.memory_space<hbm>> -> memref<1x632x128xf32, #tpu.memory_space<hbm>>
      %dma_wait3A_28 = tpu.memref_squeeze %dma_wait3A_27 : memref<1x632x128xf32, #tpu.memory_space<hbm>> -> memref<632x128xf32, #tpu.memory_space<hbm>>
      %dma_wait3A_29 = arith.constant 0 : i32
      %dma_wait3A_30 = tpu.memref_slice %arg11[%mul3A_19, %dma_wait3A_29] : memref<10112x128xf32, #tpu.memory_space<vmem_shared>> -> memref<632x128xf32, #tpu.memory_space<vmem_shared>>
      tpu.wait_dma2 semaphore(%run_scoped3A_22 : memref<!tpu.dma_semaphore, #tpu.memory_space<semaphore_mem>>) src(%dma_wait3A_30 : memref<632x128xf32, #tpu.memory_space<vmem_shared>>) dst(%dma_wait3A_28 : memref<632x128xf32, #tpu.memory_space<hbm>>)
      tpu.yield
    }) : () -> ()
    return
  }
}

#map = affine_map<(d0, d1) -> (0, 0)>
#map1 = affine_map<(d0, d1) -> (0, 0, 0, 0)>
#map2 = affine_map<(d0, d1) -> (0, 0, 0)>
module attributes {stable_mosaic.version = 14 : i64} {
  func.func @_sc_scatter(%arg0: i32, %arg1: i32, %arg2: memref<10000x128xf32, #tpu.memory_space<hbm>>, %arg3: memref<32x2x50x100xi32, #tpu.memory_space<hbm>>, %arg4: memref<32x2x50x100xi32, #tpu.memory_space<hbm>>, %arg5: memref<632x128xf32, #tpu.memory_space<hbm>>, %arg6: memref<2x10112x128xf32, #tpu.memory_space<hbm>>, %arg7: memref<50x100xi32, #tpu.memory_space<vmem>>, %arg8: memref<50x100xi32, #tpu.memory_space<vmem>>, %arg9: memref<100x128xf32, #tpu.memory_space<vmem>>, %arg10: memref<100x128xf32, #tpu.memory_space<vmem>>, %arg11: memref<10112x128xf32, #tpu.memory_space<vmem_shared>>, %arg12: memref<!tpu.dma_semaphore, #tpu.memory_space<semaphore_mem>>, %arg13: memref<!tpu.dma_semaphore, #tpu.memory_space<semaphore_mem>>) attributes {dimension_semantics = [#tpu.dimension_semantics<core_parallel>, #tpu.dimension_semantics<subcore_parallel>], iteration_bounds = array<i64: 2, 16>, scalar_prefetch = 0 : i64, scratch_operands = 7 : i64, tpu.core_type = #tpu.core_type<sc_vector_subcore>, window_params = [{transform_indices = #map}, {transform_indices = #map1}, {transform_indices = #map1}, {transform_indices = #map}, {transform_indices = #map2}]} {
    %mul3A = arith.constant 16 : i32
    %mul3A_0 = arith.muli %arg0, %mul3A : i32
    %add3A = arith.addi %mul3A_0, %arg1 : i32
    %mul3A_1 = arith.constant 632 : i32
    %mul3A_2 = arith.muli %arg1, %mul3A_1 : i32
    "tpu.region"() ({
      %run_scoped3A_22 = tpu.sem_alloc : memref<!tpu.dma_semaphore, #tpu.memory_space<semaphore_mem>>
      %dma_start3A = arith.constant 0 : i32
      %dma_start3A_23 = tpu.memref_slice %arg11[%mul3A_2, %dma_start3A] : memref<10112x128xf32, #tpu.memory_space<vmem_shared>> -> memref<632x128xf32, #tpu.memory_space<vmem_shared>>
      tpu.enqueue_dma source(%arg5 : memref<632x128xf32, #tpu.memory_space<hbm>>) target(%dma_start3A_23 : memref<632x128xf32, #tpu.memory_space<vmem_shared>>) target_semaphore(%run_scoped3A_22 : memref<!tpu.dma_semaphore, #tpu.memory_space<semaphore_mem>>)
      %dma_wait3A = arith.constant 0 : i32
      %dma_wait3A_24 = tpu.memref_slice %arg11[%mul3A_2, %dma_wait3A] : memref<10112x128xf32, #tpu.memory_space<vmem_shared>> -> memref<632x128xf32, #tpu.memory_space<vmem_shared>>
      tpu.wait_dma2 semaphore(%run_scoped3A_22 : memref<!tpu.dma_semaphore, #tpu.memory_space<semaphore_mem>>) src(%arg5 : memref<632x128xf32, #tpu.memory_space<hbm>>) dst(%dma_wait3A_24 : memref<632x128xf32, #tpu.memory_space<vmem_shared>>)
      tpu.yield
    }) : () -> ()
    %barrier3A = arith.constant 0 : index
    tpu.barrier barrier_id(%barrier3A)
    %run_scoped3A = arith.constant 0 : i32
    "tpu.region"() ({
      %run_scoped3A_22 = tpu.sem_alloc : memref<!tpu.dma_semaphore, #tpu.memory_space<semaphore_mem>>
      %dma_start3A = arith.constant 0 : i32
      %dma_start3A_23 = arith.constant 0 : i32
      %dma_start3A_24 = tpu.memref_slice %arg3[%add3A, %run_scoped3A, %dma_start3A, %dma_start3A_23] : memref<32x2x50x100xi32, #tpu.memory_space<hbm>> -> memref<1x1x50x100xi32, #tpu.memory_space<hbm>>
      %dma_start3A_25 = tpu.memref_squeeze %dma_start3A_24 : memref<1x1x50x100xi32, #tpu.memory_space<hbm>> -> memref<50x100xi32, #tpu.memory_space<hbm>>
      %dma_start3A_26 = arith.constant 0 : i32
      %dma_start3A_27 = arith.constant 0 : i32
      %dma_start3A_28 = tpu.memref_slice %arg3[%add3A, %run_scoped3A, %dma_start3A_26, %dma_start3A_27] : memref<32x2x50x100xi32, #tpu.memory_space<hbm>> -> memref<1x1x50x100xi32, #tpu.memory_space<hbm>>
      %dma_start3A_29 = tpu.memref_squeeze %dma_start3A_28 : memref<1x1x50x100xi32, #tpu.memory_space<hbm>> -> memref<50x100xi32, #tpu.memory_space<hbm>>
      tpu.enqueue_dma source(%dma_start3A_29 : memref<50x100xi32, #tpu.memory_space<hbm>>) target(%arg7 : memref<50x100xi32, #tpu.memory_space<vmem>>) target_semaphore(%run_scoped3A_22 : memref<!tpu.dma_semaphore, #tpu.memory_space<semaphore_mem>>)
      %dma_wait3A = arith.constant 0 : i32
      %dma_wait3A_30 = arith.constant 0 : i32
      %dma_wait3A_31 = tpu.memref_slice %arg3[%add3A, %run_scoped3A, %dma_wait3A, %dma_wait3A_30] : memref<32x2x50x100xi32, #tpu.memory_space<hbm>> -> memref<1x1x50x100xi32, #tpu.memory_space<hbm>>
      %dma_wait3A_32 = tpu.memref_squeeze %dma_wait3A_31 : memref<1x1x50x100xi32, #tpu.memory_space<hbm>> -> memref<50x100xi32, #tpu.memory_space<hbm>>
      %dma_wait3A_33 = arith.constant 0 : i32
      %dma_wait3A_34 = arith.constant 0 : i32
      %dma_wait3A_35 = tpu.memref_slice %arg3[%add3A, %run_scoped3A, %dma_wait3A_33, %dma_wait3A_34] : memref<32x2x50x100xi32, #tpu.memory_space<hbm>> -> memref<1x1x50x100xi32, #tpu.memory_space<hbm>>
      %dma_wait3A_36 = tpu.memref_squeeze %dma_wait3A_35 : memref<1x1x50x100xi32, #tpu.memory_space<hbm>> -> memref<50x100xi32, #tpu.memory_space<hbm>>
      tpu.wait_dma2 semaphore(%run_scoped3A_22 : memref<!tpu.dma_semaphore, #tpu.memory_space<semaphore_mem>>) src(%dma_wait3A_36 : memref<50x100xi32, #tpu.memory_space<hbm>>) dst(%arg7 : memref<50x100xi32, #tpu.memory_space<vmem>>)
      tpu.yield
    }) : () -> ()
    %run_scoped3A_3 = arith.constant 0 : i32
    "tpu.region"() ({
      %run_scoped3A_22 = tpu.sem_alloc : memref<!tpu.dma_semaphore, #tpu.memory_space<semaphore_mem>>
      %dma_start3A = arith.constant 0 : i32
      %dma_start3A_23 = arith.constant 0 : i32
      %dma_start3A_24 = tpu.memref_slice %arg4[%add3A, %run_scoped3A_3, %dma_start3A, %dma_start3A_23] : memref<32x2x50x100xi32, #tpu.memory_space<hbm>> -> memref<1x1x50x100xi32, #tpu.memory_space<hbm>>
      %dma_start3A_25 = tpu.memref_squeeze %dma_start3A_24 : memref<1x1x50x100xi32, #tpu.memory_space<hbm>> -> memref<50x100xi32, #tpu.memory_space<hbm>>
      %dma_start3A_26 = arith.constant 0 : i32
      %dma_start3A_27 = arith.constant 0 : i32
      %dma_start3A_28 = tpu.memref_slice %arg4[%add3A, %run_scoped3A_3, %dma_start3A_26, %dma_start3A_27] : memref<32x2x50x100xi32, #tpu.memory_space<hbm>> -> memref<1x1x50x100xi32, #tpu.memory_space<hbm>>
      %dma_start3A_29 = tpu.memref_squeeze %dma_start3A_28 : memref<1x1x50x100xi32, #tpu.memory_space<hbm>> -> memref<50x100xi32, #tpu.memory_space<hbm>>
      tpu.enqueue_dma source(%dma_start3A_29 : memref<50x100xi32, #tpu.memory_space<hbm>>) target(%arg8 : memref<50x100xi32, #tpu.memory_space<vmem>>) target_semaphore(%run_scoped3A_22 : memref<!tpu.dma_semaphore, #tpu.memory_space<semaphore_mem>>)
      %dma_wait3A = arith.constant 0 : i32
      %dma_wait3A_30 = arith.constant 0 : i32
      %dma_wait3A_31 = tpu.memref_slice %arg4[%add3A, %run_scoped3A_3, %dma_wait3A, %dma_wait3A_30] : memref<32x2x50x100xi32, #tpu.memory_space<hbm>> -> memref<1x1x50x100xi32, #tpu.memory_space<hbm>>
      %dma_wait3A_32 = tpu.memref_squeeze %dma_wait3A_31 : memref<1x1x50x100xi32, #tpu.memory_space<hbm>> -> memref<50x100xi32, #tpu.memory_space<hbm>>
      %dma_wait3A_33 = arith.constant 0 : i32
      %dma_wait3A_34 = arith.constant 0 : i32
      %dma_wait3A_35 = tpu.memref_slice %arg4[%add3A, %run_scoped3A_3, %dma_wait3A_33, %dma_wait3A_34] : memref<32x2x50x100xi32, #tpu.memory_space<hbm>> -> memref<1x1x50x100xi32, #tpu.memory_space<hbm>>
      %dma_wait3A_36 = tpu.memref_squeeze %dma_wait3A_35 : memref<1x1x50x100xi32, #tpu.memory_space<hbm>> -> memref<50x100xi32, #tpu.memory_space<hbm>>
      tpu.wait_dma2 semaphore(%run_scoped3A_22 : memref<!tpu.dma_semaphore, #tpu.memory_space<semaphore_mem>>) src(%dma_wait3A_36 : memref<50x100xi32, #tpu.memory_space<hbm>>) dst(%arg8 : memref<50x100xi32, #tpu.memory_space<vmem>>)
      tpu.yield
    }) : () -> ()
    %scan3A = arith.constant 0 : i32
    %scan3A_4 = arith.constant 0 : i32
    %scan3A_5 = arith.constant 50 : i32
    %scan3A_6 = arith.addi %scan3A_4, %scan3A_5 : i32
    %scan3A_7 = arith.constant 1 : i32
    scf.for %scan3A_22 = %scan3A_4 to %scan3A_6 step %scan3A_7  : i32 {
      %dma_start3A = arith.constant 0 : i32
      %dma_start3A_23 = tpu.memref_slice %arg7[%scan3A_22, %dma_start3A] : memref<50x100xi32, #tpu.memory_space<vmem>> -> memref<1x100xi32, #tpu.memory_space<vmem>>
      %dma_start3A_24 = tpu.memref_squeeze %dma_start3A_23 : memref<1x100xi32, #tpu.memory_space<vmem>> -> memref<100xi32, #tpu.memory_space<vmem>>
      %dma_start3A_25 = arith.constant 0 : i32
      %dma_start3A_26 = arith.constant 0 : i32
      %dma_start3A_27 = tpu.memref_slice %arg2[%dma_start3A_25, %dma_start3A_26] : memref<10000x128xf32, #tpu.memory_space<hbm>> -> memref<10000x128xf32, #tpu.memory_space<hbm>>
      tpu.enqueue_indirect_dma source(%dma_start3A_27 : memref<10000x128xf32, #tpu.memory_space<hbm>>) target(%arg9 : memref<100x128xf32, #tpu.memory_space<vmem>>) offsets(%dma_start3A_24 : memref<100xi32, #tpu.memory_space<vmem>>) semaphore(%arg12 : memref<!tpu.dma_semaphore, #tpu.memory_space<semaphore_mem>>)
      %dma_wait3A = arith.constant 0 : i32
      %dma_wait3A_28 = tpu.memref_slice %arg7[%scan3A_22, %dma_wait3A] : memref<50x100xi32, #tpu.memory_space<vmem>> -> memref<1x100xi32, #tpu.memory_space<vmem>>
      %dma_wait3A_29 = tpu.memref_squeeze %dma_wait3A_28 : memref<1x100xi32, #tpu.memory_space<vmem>> -> memref<100xi32, #tpu.memory_space<vmem>>
      %dma_wait3A_30 = arith.constant 0 : i32
      %dma_wait3A_31 = arith.constant 0 : i32
      %dma_wait3A_32 = tpu.memref_slice %arg2[%dma_wait3A_30, %dma_wait3A_31] : memref<10000x128xf32, #tpu.memory_space<hbm>> -> memref<10000x128xf32, #tpu.memory_space<hbm>>
      tpu.wait_indirect_dma semaphore(%arg12 : memref<!tpu.dma_semaphore, #tpu.memory_space<semaphore_mem>>) src(%dma_wait3A_32 : memref<10000x128xf32, #tpu.memory_space<hbm>>) dst(%arg9 : memref<100x128xf32, #tpu.memory_space<vmem>>)
      "tpu.region"() ({
        %run_scoped3A_33 = tpu.sem_alloc : memref<!tpu.dma_semaphore, #tpu.memory_space<semaphore_mem>>
        %dma_start3A_34 = arith.constant 0 : i32
        %dma_start3A_35 = tpu.memref_slice %arg8[%scan3A_22, %dma_start3A_34] : memref<50x100xi32, #tpu.memory_space<vmem>> -> memref<1x100xi32, #tpu.memory_space<vmem>>
        %dma_start3A_36 = tpu.memref_squeeze %dma_start3A_35 : memref<1x100xi32, #tpu.memory_space<vmem>> -> memref<100xi32, #tpu.memory_space<vmem>>
        %dma_start3A_37 = arith.constant 0 : i32
        %dma_start3A_38 = arith.constant 0 : i32
        %dma_start3A_39 = tpu.memref_slice %arg11[%dma_start3A_37, %dma_start3A_38] : memref<10112x128xf32, #tpu.memory_space<vmem_shared>> -> memref<10112x128xf32, #tpu.memory_space<vmem_shared>>
        tpu.enqueue_indirect_dma source(%arg9 : memref<100x128xf32, #tpu.memory_space<vmem>>) target(%dma_start3A_39 : memref<10112x128xf32, #tpu.memory_space<vmem_shared>>) offsets(%dma_start3A_36 : memref<100xi32, #tpu.memory_space<vmem>>) semaphore(%run_scoped3A_33 : memref<!tpu.dma_semaphore, #tpu.memory_space<semaphore_mem>>) {add = true}
        %dma_wait3A_40 = arith.constant 0 : i32
        %dma_wait3A_41 = tpu.memref_slice %arg8[%scan3A_22, %dma_wait3A_40] : memref<50x100xi32, #tpu.memory_space<vmem>> -> memref<1x100xi32, #tpu.memory_space<vmem>>
        %dma_wait3A_42 = tpu.memref_squeeze %dma_wait3A_41 : memref<1x100xi32, #tpu.memory_space<vmem>> -> memref<100xi32, #tpu.memory_space<vmem>>
        %dma_wait3A_43 = arith.constant 0 : i32
        %dma_wait3A_44 = arith.constant 0 : i32
        %dma_wait3A_45 = tpu.memref_slice %arg11[%dma_wait3A_43, %dma_wait3A_44] : memref<10112x128xf32, #tpu.memory_space<vmem_shared>> -> memref<10112x128xf32, #tpu.memory_space<vmem_shared>>
        tpu.wait_indirect_dma semaphore(%run_scoped3A_33 : memref<!tpu.dma_semaphore, #tpu.memory_space<semaphore_mem>>) src(%arg9 : memref<100x128xf32, #tpu.memory_space<vmem>>) dst(%dma_wait3A_45 : memref<10112x128xf32, #tpu.memory_space<vmem_shared>>)
        tpu.yield
      }) : () -> ()
    }
    %scan3A_8 = arith.constant 50 : i32
    %run_scoped3A_9 = arith.constant 1 : i32
    "tpu.region"() ({
      %run_scoped3A_22 = tpu.sem_alloc : memref<!tpu.dma_semaphore, #tpu.memory_space<semaphore_mem>>
      %dma_start3A = arith.constant 0 : i32
      %dma_start3A_23 = arith.constant 0 : i32
      %dma_start3A_24 = tpu.memref_slice %arg3[%add3A, %run_scoped3A_9, %dma_start3A, %dma_start3A_23] : memref<32x2x50x100xi32, #tpu.memory_space<hbm>> -> memref<1x1x50x100xi32, #tpu.memory_space<hbm>>
      %dma_start3A_25 = tpu.memref_squeeze %dma_start3A_24 : memref<1x1x50x100xi32, #tpu.memory_space<hbm>> -> memref<50x100xi32, #tpu.memory_space<hbm>>
      %dma_start3A_26 = arith.constant 0 : i32
      %dma_start3A_27 = arith.constant 0 : i32
      %dma_start3A_28 = tpu.memref_slice %arg3[%add3A, %run_scoped3A_9, %dma_start3A_26, %dma_start3A_27] : memref<32x2x50x100xi32, #tpu.memory_space<hbm>> -> memref<1x1x50x100xi32, #tpu.memory_space<hbm>>
      %dma_start3A_29 = tpu.memref_squeeze %dma_start3A_28 : memref<1x1x50x100xi32, #tpu.memory_space<hbm>> -> memref<50x100xi32, #tpu.memory_space<hbm>>
      tpu.enqueue_dma source(%dma_start3A_29 : memref<50x100xi32, #tpu.memory_space<hbm>>) target(%arg7 : memref<50x100xi32, #tpu.memory_space<vmem>>) target_semaphore(%run_scoped3A_22 : memref<!tpu.dma_semaphore, #tpu.memory_space<semaphore_mem>>)
      %dma_wait3A = arith.constant 0 : i32
      %dma_wait3A_30 = arith.constant 0 : i32
      %dma_wait3A_31 = tpu.memref_slice %arg3[%add3A, %run_scoped3A_9, %dma_wait3A, %dma_wait3A_30] : memref<32x2x50x100xi32, #tpu.memory_space<hbm>> -> memref<1x1x50x100xi32, #tpu.memory_space<hbm>>
      %dma_wait3A_32 = tpu.memref_squeeze %dma_wait3A_31 : memref<1x1x50x100xi32, #tpu.memory_space<hbm>> -> memref<50x100xi32, #tpu.memory_space<hbm>>
      %dma_wait3A_33 = arith.constant 0 : i32
      %dma_wait3A_34 = arith.constant 0 : i32
      %dma_wait3A_35 = tpu.memref_slice %arg3[%add3A, %run_scoped3A_9, %dma_wait3A_33, %dma_wait3A_34] : memref<32x2x50x100xi32, #tpu.memory_space<hbm>> -> memref<1x1x50x100xi32, #tpu.memory_space<hbm>>
      %dma_wait3A_36 = tpu.memref_squeeze %dma_wait3A_35 : memref<1x1x50x100xi32, #tpu.memory_space<hbm>> -> memref<50x100xi32, #tpu.memory_space<hbm>>
      tpu.wait_dma2 semaphore(%run_scoped3A_22 : memref<!tpu.dma_semaphore, #tpu.memory_space<semaphore_mem>>) src(%dma_wait3A_36 : memref<50x100xi32, #tpu.memory_space<hbm>>) dst(%arg7 : memref<50x100xi32, #tpu.memory_space<vmem>>)
      tpu.yield
    }) : () -> ()
    %run_scoped3A_10 = arith.constant 1 : i32
    "tpu.region"() ({
      %run_scoped3A_22 = tpu.sem_alloc : memref<!tpu.dma_semaphore, #tpu.memory_space<semaphore_mem>>
      %dma_start3A = arith.constant 0 : i32
      %dma_start3A_23 = arith.constant 0 : i32
      %dma_start3A_24 = tpu.memref_slice %arg4[%add3A, %run_scoped3A_10, %dma_start3A, %dma_start3A_23] : memref<32x2x50x100xi32, #tpu.memory_space<hbm>> -> memref<1x1x50x100xi32, #tpu.memory_space<hbm>>
      %dma_start3A_25 = tpu.memref_squeeze %dma_start3A_24 : memref<1x1x50x100xi32, #tpu.memory_space<hbm>> -> memref<50x100xi32, #tpu.memory_space<hbm>>
      %dma_start3A_26 = arith.constant 0 : i32
      %dma_start3A_27 = arith.constant 0 : i32
      %dma_start3A_28 = tpu.memref_slice %arg4[%add3A, %run_scoped3A_10, %dma_start3A_26, %dma_start3A_27] : memref<32x2x50x100xi32, #tpu.memory_space<hbm>> -> memref<1x1x50x100xi32, #tpu.memory_space<hbm>>
      %dma_start3A_29 = tpu.memref_squeeze %dma_start3A_28 : memref<1x1x50x100xi32, #tpu.memory_space<hbm>> -> memref<50x100xi32, #tpu.memory_space<hbm>>
      tpu.enqueue_dma source(%dma_start3A_29 : memref<50x100xi32, #tpu.memory_space<hbm>>) target(%arg8 : memref<50x100xi32, #tpu.memory_space<vmem>>) target_semaphore(%run_scoped3A_22 : memref<!tpu.dma_semaphore, #tpu.memory_space<semaphore_mem>>)
      %dma_wait3A = arith.constant 0 : i32
      %dma_wait3A_30 = arith.constant 0 : i32
      %dma_wait3A_31 = tpu.memref_slice %arg4[%add3A, %run_scoped3A_10, %dma_wait3A, %dma_wait3A_30] : memref<32x2x50x100xi32, #tpu.memory_space<hbm>> -> memref<1x1x50x100xi32, #tpu.memory_space<hbm>>
      %dma_wait3A_32 = tpu.memref_squeeze %dma_wait3A_31 : memref<1x1x50x100xi32, #tpu.memory_space<hbm>> -> memref<50x100xi32, #tpu.memory_space<hbm>>
      %dma_wait3A_33 = arith.constant 0 : i32
      %dma_wait3A_34 = arith.constant 0 : i32
      %dma_wait3A_35 = tpu.memref_slice %arg4[%add3A, %run_scoped3A_10, %dma_wait3A_33, %dma_wait3A_34] : memref<32x2x50x100xi32, #tpu.memory_space<hbm>> -> memref<1x1x50x100xi32, #tpu.memory_space<hbm>>
      %dma_wait3A_36 = tpu.memref_squeeze %dma_wait3A_35 : memref<1x1x50x100xi32, #tpu.memory_space<hbm>> -> memref<50x100xi32, #tpu.memory_space<hbm>>
      tpu.wait_dma2 semaphore(%run_scoped3A_22 : memref<!tpu.dma_semaphore, #tpu.memory_space<semaphore_mem>>) src(%dma_wait3A_36 : memref<50x100xi32, #tpu.memory_space<hbm>>) dst(%arg8 : memref<50x100xi32, #tpu.memory_space<vmem>>)
      tpu.yield
    }) : () -> ()
    %scan3A_11 = arith.constant 0 : i32
    %scan3A_12 = arith.constant 0 : i32
    %scan3A_13 = arith.constant 50 : i32
    %scan3A_14 = arith.addi %scan3A_12, %scan3A_13 : i32
    %scan3A_15 = arith.constant 1 : i32
    scf.for %scan3A_22 = %scan3A_12 to %scan3A_14 step %scan3A_15  : i32 {
      %dma_start3A = arith.constant 0 : i32
      %dma_start3A_23 = tpu.memref_slice %arg7[%scan3A_22, %dma_start3A] : memref<50x100xi32, #tpu.memory_space<vmem>> -> memref<1x100xi32, #tpu.memory_space<vmem>>
      %dma_start3A_24 = tpu.memref_squeeze %dma_start3A_23 : memref<1x100xi32, #tpu.memory_space<vmem>> -> memref<100xi32, #tpu.memory_space<vmem>>
      %dma_start3A_25 = arith.constant 0 : i32
      %dma_start3A_26 = arith.constant 0 : i32
      %dma_start3A_27 = tpu.memref_slice %arg2[%dma_start3A_25, %dma_start3A_26] : memref<10000x128xf32, #tpu.memory_space<hbm>> -> memref<10000x128xf32, #tpu.memory_space<hbm>>
      tpu.enqueue_indirect_dma source(%dma_start3A_27 : memref<10000x128xf32, #tpu.memory_space<hbm>>) target(%arg9 : memref<100x128xf32, #tpu.memory_space<vmem>>) offsets(%dma_start3A_24 : memref<100xi32, #tpu.memory_space<vmem>>) semaphore(%arg12 : memref<!tpu.dma_semaphore, #tpu.memory_space<semaphore_mem>>)
      %dma_wait3A = arith.constant 0 : i32
      %dma_wait3A_28 = tpu.memref_slice %arg7[%scan3A_22, %dma_wait3A] : memref<50x100xi32, #tpu.memory_space<vmem>> -> memref<1x100xi32, #tpu.memory_space<vmem>>
      %dma_wait3A_29 = tpu.memref_squeeze %dma_wait3A_28 : memref<1x100xi32, #tpu.memory_space<vmem>> -> memref<100xi32, #tpu.memory_space<vmem>>
      %dma_wait3A_30 = arith.constant 0 : i32
      %dma_wait3A_31 = arith.constant 0 : i32
      %dma_wait3A_32 = tpu.memref_slice %arg2[%dma_wait3A_30, %dma_wait3A_31] : memref<10000x128xf32, #tpu.memory_space<hbm>> -> memref<10000x128xf32, #tpu.memory_space<hbm>>
      tpu.wait_indirect_dma semaphore(%arg12 : memref<!tpu.dma_semaphore, #tpu.memory_space<semaphore_mem>>) src(%dma_wait3A_32 : memref<10000x128xf32, #tpu.memory_space<hbm>>) dst(%arg9 : memref<100x128xf32, #tpu.memory_space<vmem>>)
      "tpu.region"() ({
        %run_scoped3A_33 = tpu.sem_alloc : memref<!tpu.dma_semaphore, #tpu.memory_space<semaphore_mem>>
        %dma_start3A_34 = arith.constant 0 : i32
        %dma_start3A_35 = tpu.memref_slice %arg8[%scan3A_22, %dma_start3A_34] : memref<50x100xi32, #tpu.memory_space<vmem>> -> memref<1x100xi32, #tpu.memory_space<vmem>>
        %dma_start3A_36 = tpu.memref_squeeze %dma_start3A_35 : memref<1x100xi32, #tpu.memory_space<vmem>> -> memref<100xi32, #tpu.memory_space<vmem>>
        %dma_start3A_37 = arith.constant 0 : i32
        %dma_start3A_38 = arith.constant 0 : i32
        %dma_start3A_39 = tpu.memref_slice %arg11[%dma_start3A_37, %dma_start3A_38] : memref<10112x128xf32, #tpu.memory_space<vmem_shared>> -> memref<10112x128xf32, #tpu.memory_space<vmem_shared>>
        tpu.enqueue_indirect_dma source(%arg9 : memref<100x128xf32, #tpu.memory_space<vmem>>) target(%dma_start3A_39 : memref<10112x128xf32, #tpu.memory_space<vmem_shared>>) offsets(%dma_start3A_36 : memref<100xi32, #tpu.memory_space<vmem>>) semaphore(%run_scoped3A_33 : memref<!tpu.dma_semaphore, #tpu.memory_space<semaphore_mem>>) {add = true}
        %dma_wait3A_40 = arith.constant 0 : i32
        %dma_wait3A_41 = tpu.memref_slice %arg8[%scan3A_22, %dma_wait3A_40] : memref<50x100xi32, #tpu.memory_space<vmem>> -> memref<1x100xi32, #tpu.memory_space<vmem>>
        %dma_wait3A_42 = tpu.memref_squeeze %dma_wait3A_41 : memref<1x100xi32, #tpu.memory_space<vmem>> -> memref<100xi32, #tpu.memory_space<vmem>>
        %dma_wait3A_43 = arith.constant 0 : i32
        %dma_wait3A_44 = arith.constant 0 : i32
        %dma_wait3A_45 = tpu.memref_slice %arg11[%dma_wait3A_43, %dma_wait3A_44] : memref<10112x128xf32, #tpu.memory_space<vmem_shared>> -> memref<10112x128xf32, #tpu.memory_space<vmem_shared>>
        tpu.wait_indirect_dma semaphore(%run_scoped3A_33 : memref<!tpu.dma_semaphore, #tpu.memory_space<semaphore_mem>>) src(%arg9 : memref<100x128xf32, #tpu.memory_space<vmem>>) dst(%dma_wait3A_45 : memref<10112x128xf32, #tpu.memory_space<vmem_shared>>)
        tpu.yield
      }) : () -> ()
    }
    %scan3A_16 = arith.constant 50 : i32
    %barrier3A_17 = arith.constant 0 : index
    tpu.barrier barrier_id(%barrier3A_17)
    %mul3A_18 = arith.constant 632 : i32
    %mul3A_19 = arith.muli %arg1, %mul3A_18 : i32
    %mul3A_20 = arith.constant 632 : i32
    %mul3A_21 = arith.muli %arg1, %mul3A_20 : i32
    "tpu.region"() ({
      %run_scoped3A_22 = tpu.sem_alloc : memref<!tpu.dma_semaphore, #tpu.memory_space<semaphore_mem>>
      %dma_start3A = arith.constant 0 : i32
      %dma_start3A_23 = tpu.memref_slice %arg6[%arg0, %mul3A_21, %dma_start3A] : memref<2x10112x128xf32, #tpu.memory_space<hbm>> -> memref<1x632x128xf32, #tpu.memory_space<hbm>>
      %dma_start3A_24 = tpu.memref_squeeze %dma_start3A_23 : memref<1x632x128xf32, #tpu.memory_space<hbm>> -> memref<632x128xf32, #tpu.memory_space<hbm>>
      %dma_start3A_25 = arith.constant 0 : i32
      %dma_start3A_26 = tpu.memref_slice %arg11[%mul3A_19, %dma_start3A_25] : memref<10112x128xf32, #tpu.memory_space<vmem_shared>> -> memref<632x128xf32, #tpu.memory_space<vmem_shared>>
      tpu.enqueue_dma source(%dma_start3A_26 : memref<632x128xf32, #tpu.memory_space<vmem_shared>>) target(%dma_start3A_24 : memref<632x128xf32, #tpu.memory_space<hbm>>) target_semaphore(%run_scoped3A_22 : memref<!tpu.dma_semaphore, #tpu.memory_space<semaphore_mem>>)
      %dma_wait3A = arith.constant 0 : i32
      %dma_wait3A_27 = tpu.memref_slice %arg6[%arg0, %mul3A_21, %dma_wait3A] : memref<2x10112x128xf32, #tpu.memory_space<hbm>> -> memref<1x632x128xf32, #tpu.memory_space<hbm>>
      %dma_wait3A_28 = tpu.memref_squeeze %dma_wait3A_27 : memref<1x632x128xf32, #tpu.memory_space<hbm>> -> memref<632x128xf32, #tpu.memory_space<hbm>>
      %dma_wait3A_29 = arith.constant 0 : i32
      %dma_wait3A_30 = tpu.memref_slice %arg11[%mul3A_19, %dma_wait3A_29] : memref<10112x128xf32, #tpu.memory_space<vmem_shared>> -> memref<632x128xf32, #tpu.memory_space<vmem_shared>>
      tpu.wait_dma2 semaphore(%run_scoped3A_22 : memref<!tpu.dma_semaphore, #tpu.memory_space<semaphore_mem>>) src(%dma_wait3A_30 : memref<632x128xf32, #tpu.memory_space<vmem_shared>>) dst(%dma_wait3A_28 : memref<632x128xf32, #tpu.memory_space<hbm>>)
      tpu.yield
    }) : () -> ()
    return
  }
}

#map = affine_map<(d0, d1) -> (0, 0)>
#map1 = affine_map<(d0, d1) -> (0, 0, 0, 0)>
#map2 = affine_map<(d0, d1) -> (0, 0, 0)>
module attributes {stable_mosaic.version = 14 : i64} {
  func.func @_sc_scatter(%arg0: i32, %arg1: i32, %arg2: memref<10000x128xf32, #tpu.memory_space<hbm>>, %arg3: memref<32x2x50x100xi32, #tpu.memory_space<hbm>>, %arg4: memref<32x2x50x100xi32, #tpu.memory_space<hbm>>, %arg5: memref<632x128xf32, #tpu.memory_space<hbm>>, %arg6: memref<2x10112x128xf32, #tpu.memory_space<hbm>>, %arg7: memref<50x100xi32, #tpu.memory_space<vmem>>, %arg8: memref<50x100xi32, #tpu.memory_space<vmem>>, %arg9: memref<100x128xf32, #tpu.memory_space<vmem>>, %arg10: memref<100x128xf32, #tpu.memory_space<vmem>>, %arg11: memref<10112x128xf32, #tpu.memory_space<vmem_shared>>, %arg12: memref<!tpu.dma_semaphore, #tpu.memory_space<semaphore_mem>>, %arg13: memref<!tpu.dma_semaphore, #tpu.memory_space<semaphore_mem>>) attributes {dimension_semantics = [#tpu.dimension_semantics<core_parallel>, #tpu.dimension_semantics<subcore_parallel>], iteration_bounds = array<i64: 2, 16>, scalar_prefetch = 0 : i64, scratch_operands = 7 : i64, tpu.core_type = #tpu.core_type<sc_vector_subcore>, window_params = [{transform_indices = #map}, {transform_indices = #map1}, {transform_indices = #map1}, {transform_indices = #map}, {transform_indices = #map2}]} {
    %mul3A = arith.constant 16 : i32
    %mul3A_0 = arith.muli %arg0, %mul3A : i32
    %add3A = arith.addi %mul3A_0, %arg1 : i32
    %mul3A_1 = arith.constant 632 : i32
    %mul3A_2 = arith.muli %arg1, %mul3A_1 : i32
    "tpu.region"() ({
      %run_scoped3A_22 = tpu.sem_alloc : memref<!tpu.dma_semaphore, #tpu.memory_space<semaphore_mem>>
      %dma_start3A = arith.constant 0 : i32
      %dma_start3A_23 = tpu.memref_slice %arg11[%mul3A_2, %dma_start3A] : memref<10112x128xf32, #tpu.memory_space<vmem_shared>> -> memref<632x128xf32, #tpu.memory_space<vmem_shared>>
      tpu.enqueue_dma source(%arg5 : memref<632x128xf32, #tpu.memory_space<hbm>>) target(%dma_start3A_23 : memref<632x128xf32, #tpu.memory_space<vmem_shared>>) target_semaphore(%run_scoped3A_22 : memref<!tpu.dma_semaphore, #tpu.memory_space<semaphore_mem>>)
      %dma_wait3A = arith.constant 0 : i32
      %dma_wait3A_24 = tpu.memref_slice %arg11[%mul3A_2, %dma_wait3A] : memref<10112x128xf32, #tpu.memory_space<vmem_shared>> -> memref<632x128xf32, #tpu.memory_space<vmem_shared>>
      tpu.wait_dma2 semaphore(%run_scoped3A_22 : memref<!tpu.dma_semaphore, #tpu.memory_space<semaphore_mem>>) src(%arg5 : memref<632x128xf32, #tpu.memory_space<hbm>>) dst(%dma_wait3A_24 : memref<632x128xf32, #tpu.memory_space<vmem_shared>>)
      tpu.yield
    }) : () -> ()
    %barrier3A = arith.constant 0 : index
    tpu.barrier barrier_id(%barrier3A)
    %run_scoped3A = arith.constant 0 : i32
    "tpu.region"() ({
      %run_scoped3A_22 = tpu.sem_alloc : memref<!tpu.dma_semaphore, #tpu.memory_space<semaphore_mem>>
      %dma_start3A = arith.constant 0 : i32
      %dma_start3A_23 = arith.constant 0 : i32
      %dma_start3A_24 = tpu.memref_slice %arg3[%add3A, %run_scoped3A, %dma_start3A, %dma_start3A_23] : memref<32x2x50x100xi32, #tpu.memory_space<hbm>> -> memref<1x1x50x100xi32, #tpu.memory_space<hbm>>
      %dma_start3A_25 = tpu.memref_squeeze %dma_start3A_24 : memref<1x1x50x100xi32, #tpu.memory_space<hbm>> -> memref<50x100xi32, #tpu.memory_space<hbm>>
      %dma_start3A_26 = arith.constant 0 : i32
      %dma_start3A_27 = arith.constant 0 : i32
      %dma_start3A_28 = tpu.memref_slice %arg3[%add3A, %run_scoped3A, %dma_start3A_26, %dma_start3A_27] : memref<32x2x50x100xi32, #tpu.memory_space<hbm>> -> memref<1x1x50x100xi32, #tpu.memory_space<hbm>>
      %dma_start3A_29 = tpu.memref_squeeze %dma_start3A_28 : memref<1x1x50x100xi32, #tpu.memory_space<hbm>> -> memref<50x100xi32, #tpu.memory_space<hbm>>
      tpu.enqueue_dma source(%dma_start3A_29 : memref<50x100xi32, #tpu.memory_space<hbm>>) target(%arg7 : memref<50x100xi32, #tpu.memory_space<vmem>>) target_semaphore(%run_scoped3A_22 : memref<!tpu.dma_semaphore, #tpu.memory_space<semaphore_mem>>)
      %dma_wait3A = arith.constant 0 : i32
      %dma_wait3A_30 = arith.constant 0 : i32
      %dma_wait3A_31 = tpu.memref_slice %arg3[%add3A, %run_scoped3A, %dma_wait3A, %dma_wait3A_30] : memref<32x2x50x100xi32, #tpu.memory_space<hbm>> -> memref<1x1x50x100xi32, #tpu.memory_space<hbm>>
      %dma_wait3A_32 = tpu.memref_squeeze %dma_wait3A_31 : memref<1x1x50x100xi32, #tpu.memory_space<hbm>> -> memref<50x100xi32, #tpu.memory_space<hbm>>
      %dma_wait3A_33 = arith.constant 0 : i32
      %dma_wait3A_34 = arith.constant 0 : i32
      %dma_wait3A_35 = tpu.memref_slice %arg3[%add3A, %run_scoped3A, %dma_wait3A_33, %dma_wait3A_34] : memref<32x2x50x100xi32, #tpu.memory_space<hbm>> -> memref<1x1x50x100xi32, #tpu.memory_space<hbm>>
      %dma_wait3A_36 = tpu.memref_squeeze %dma_wait3A_35 : memref<1x1x50x100xi32, #tpu.memory_space<hbm>> -> memref<50x100xi32, #tpu.memory_space<hbm>>
      tpu.wait_dma2 semaphore(%run_scoped3A_22 : memref<!tpu.dma_semaphore, #tpu.memory_space<semaphore_mem>>) src(%dma_wait3A_36 : memref<50x100xi32, #tpu.memory_space<hbm>>) dst(%arg7 : memref<50x100xi32, #tpu.memory_space<vmem>>)
      tpu.yield
    }) : () -> ()
    %run_scoped3A_3 = arith.constant 0 : i32
    "tpu.region"() ({
      %run_scoped3A_22 = tpu.sem_alloc : memref<!tpu.dma_semaphore, #tpu.memory_space<semaphore_mem>>
      %dma_start3A = arith.constant 0 : i32
      %dma_start3A_23 = arith.constant 0 : i32
      %dma_start3A_24 = tpu.memref_slice %arg4[%add3A, %run_scoped3A_3, %dma_start3A, %dma_start3A_23] : memref<32x2x50x100xi32, #tpu.memory_space<hbm>> -> memref<1x1x50x100xi32, #tpu.memory_space<hbm>>
      %dma_start3A_25 = tpu.memref_squeeze %dma_start3A_24 : memref<1x1x50x100xi32, #tpu.memory_space<hbm>> -> memref<50x100xi32, #tpu.memory_space<hbm>>
      %dma_start3A_26 = arith.constant 0 : i32
      %dma_start3A_27 = arith.constant 0 : i32
      %dma_start3A_28 = tpu.memref_slice %arg4[%add3A, %run_scoped3A_3, %dma_start3A_26, %dma_start3A_27] : memref<32x2x50x100xi32, #tpu.memory_space<hbm>> -> memref<1x1x50x100xi32, #tpu.memory_space<hbm>>
      %dma_start3A_29 = tpu.memref_squeeze %dma_start3A_28 : memref<1x1x50x100xi32, #tpu.memory_space<hbm>> -> memref<50x100xi32, #tpu.memory_space<hbm>>
      tpu.enqueue_dma source(%dma_start3A_29 : memref<50x100xi32, #tpu.memory_space<hbm>>) target(%arg8 : memref<50x100xi32, #tpu.memory_space<vmem>>) target_semaphore(%run_scoped3A_22 : memref<!tpu.dma_semaphore, #tpu.memory_space<semaphore_mem>>)
      %dma_wait3A = arith.constant 0 : i32
      %dma_wait3A_30 = arith.constant 0 : i32
      %dma_wait3A_31 = tpu.memref_slice %arg4[%add3A, %run_scoped3A_3, %dma_wait3A, %dma_wait3A_30] : memref<32x2x50x100xi32, #tpu.memory_space<hbm>> -> memref<1x1x50x100xi32, #tpu.memory_space<hbm>>
      %dma_wait3A_32 = tpu.memref_squeeze %dma_wait3A_31 : memref<1x1x50x100xi32, #tpu.memory_space<hbm>> -> memref<50x100xi32, #tpu.memory_space<hbm>>
      %dma_wait3A_33 = arith.constant 0 : i32
      %dma_wait3A_34 = arith.constant 0 : i32
      %dma_wait3A_35 = tpu.memref_slice %arg4[%add3A, %run_scoped3A_3, %dma_wait3A_33, %dma_wait3A_34] : memref<32x2x50x100xi32, #tpu.memory_space<hbm>> -> memref<1x1x50x100xi32, #tpu.memory_space<hbm>>
      %dma_wait3A_36 = tpu.memref_squeeze %dma_wait3A_35 : memref<1x1x50x100xi32, #tpu.memory_space<hbm>> -> memref<50x100xi32, #tpu.memory_space<hbm>>
      tpu.wait_dma2 semaphore(%run_scoped3A_22 : memref<!tpu.dma_semaphore, #tpu.memory_space<semaphore_mem>>) src(%dma_wait3A_36 : memref<50x100xi32, #tpu.memory_space<hbm>>) dst(%arg8 : memref<50x100xi32, #tpu.memory_space<vmem>>)
      tpu.yield
    }) : () -> ()
    %scan3A = arith.constant 0 : i32
    %scan3A_4 = arith.constant 0 : i32
    %scan3A_5 = arith.constant 50 : i32
    %scan3A_6 = arith.addi %scan3A_4, %scan3A_5 : i32
    %scan3A_7 = arith.constant 1 : i32
    scf.for %scan3A_22 = %scan3A_4 to %scan3A_6 step %scan3A_7  : i32 {
      %dma_start3A = arith.constant 0 : i32
      %dma_start3A_23 = tpu.memref_slice %arg7[%scan3A_22, %dma_start3A] : memref<50x100xi32, #tpu.memory_space<vmem>> -> memref<1x100xi32, #tpu.memory_space<vmem>>
      %dma_start3A_24 = tpu.memref_squeeze %dma_start3A_23 : memref<1x100xi32, #tpu.memory_space<vmem>> -> memref<100xi32, #tpu.memory_space<vmem>>
      %dma_start3A_25 = arith.constant 0 : i32
      %dma_start3A_26 = arith.constant 0 : i32
      %dma_start3A_27 = tpu.memref_slice %arg2[%dma_start3A_25, %dma_start3A_26] : memref<10000x128xf32, #tpu.memory_space<hbm>> -> memref<10000x128xf32, #tpu.memory_space<hbm>>
      tpu.enqueue_indirect_dma source(%dma_start3A_27 : memref<10000x128xf32, #tpu.memory_space<hbm>>) target(%arg9 : memref<100x128xf32, #tpu.memory_space<vmem>>) offsets(%dma_start3A_24 : memref<100xi32, #tpu.memory_space<vmem>>) semaphore(%arg12 : memref<!tpu.dma_semaphore, #tpu.memory_space<semaphore_mem>>)
      %dma_wait3A = arith.constant 0 : i32
      %dma_wait3A_28 = tpu.memref_slice %arg7[%scan3A_22, %dma_wait3A] : memref<50x100xi32, #tpu.memory_space<vmem>> -> memref<1x100xi32, #tpu.memory_space<vmem>>
      %dma_wait3A_29 = tpu.memref_squeeze %dma_wait3A_28 : memref<1x100xi32, #tpu.memory_space<vmem>> -> memref<100xi32, #tpu.memory_space<vmem>>
      %dma_wait3A_30 = arith.constant 0 : i32
      %dma_wait3A_31 = arith.constant 0 : i32
      %dma_wait3A_32 = tpu.memref_slice %arg2[%dma_wait3A_30, %dma_wait3A_31] : memref<10000x128xf32, #tpu.memory_space<hbm>> -> memref<10000x128xf32, #tpu.memory_space<hbm>>
      tpu.wait_indirect_dma semaphore(%arg12 : memref<!tpu.dma_semaphore, #tpu.memory_space<semaphore_mem>>) src(%dma_wait3A_32 : memref<10000x128xf32, #tpu.memory_space<hbm>>) dst(%arg9 : memref<100x128xf32, #tpu.memory_space<vmem>>)
      "tpu.region"() ({
        %run_scoped3A_33 = tpu.sem_alloc : memref<!tpu.dma_semaphore, #tpu.memory_space<semaphore_mem>>
        %dma_start3A_34 = arith.constant 0 : i32
        %dma_start3A_35 = tpu.memref_slice %arg8[%scan3A_22, %dma_start3A_34] : memref<50x100xi32, #tpu.memory_space<vmem>> -> memref<1x100xi32, #tpu.memory_space<vmem>>
        %dma_start3A_36 = tpu.memref_squeeze %dma_start3A_35 : memref<1x100xi32, #tpu.memory_space<vmem>> -> memref<100xi32, #tpu.memory_space<vmem>>
        %dma_start3A_37 = arith.constant 0 : i32
        %dma_start3A_38 = arith.constant 0 : i32
        %dma_start3A_39 = tpu.memref_slice %arg11[%dma_start3A_37, %dma_start3A_38] : memref<10112x128xf32, #tpu.memory_space<vmem_shared>> -> memref<10112x128xf32, #tpu.memory_space<vmem_shared>>
        tpu.enqueue_indirect_dma source(%arg9 : memref<100x128xf32, #tpu.memory_space<vmem>>) target(%dma_start3A_39 : memref<10112x128xf32, #tpu.memory_space<vmem_shared>>) offsets(%dma_start3A_36 : memref<100xi32, #tpu.memory_space<vmem>>) semaphore(%run_scoped3A_33 : memref<!tpu.dma_semaphore, #tpu.memory_space<semaphore_mem>>) {add = true}
        %dma_wait3A_40 = arith.constant 0 : i32
        %dma_wait3A_41 = tpu.memref_slice %arg8[%scan3A_22, %dma_wait3A_40] : memref<50x100xi32, #tpu.memory_space<vmem>> -> memref<1x100xi32, #tpu.memory_space<vmem>>
        %dma_wait3A_42 = tpu.memref_squeeze %dma_wait3A_41 : memref<1x100xi32, #tpu.memory_space<vmem>> -> memref<100xi32, #tpu.memory_space<vmem>>
        %dma_wait3A_43 = arith.constant 0 : i32
        %dma_wait3A_44 = arith.constant 0 : i32
        %dma_wait3A_45 = tpu.memref_slice %arg11[%dma_wait3A_43, %dma_wait3A_44] : memref<10112x128xf32, #tpu.memory_space<vmem_shared>> -> memref<10112x128xf32, #tpu.memory_space<vmem_shared>>
        tpu.wait_indirect_dma semaphore(%run_scoped3A_33 : memref<!tpu.dma_semaphore, #tpu.memory_space<semaphore_mem>>) src(%arg9 : memref<100x128xf32, #tpu.memory_space<vmem>>) dst(%dma_wait3A_45 : memref<10112x128xf32, #tpu.memory_space<vmem_shared>>)
        tpu.yield
      }) : () -> ()
    }
    %scan3A_8 = arith.constant 50 : i32
    %run_scoped3A_9 = arith.constant 1 : i32
    "tpu.region"() ({
      %run_scoped3A_22 = tpu.sem_alloc : memref<!tpu.dma_semaphore, #tpu.memory_space<semaphore_mem>>
      %dma_start3A = arith.constant 0 : i32
      %dma_start3A_23 = arith.constant 0 : i32
      %dma_start3A_24 = tpu.memref_slice %arg3[%add3A, %run_scoped3A_9, %dma_start3A, %dma_start3A_23] : memref<32x2x50x100xi32, #tpu.memory_space<hbm>> -> memref<1x1x50x100xi32, #tpu.memory_space<hbm>>
      %dma_start3A_25 = tpu.memref_squeeze %dma_start3A_24 : memref<1x1x50x100xi32, #tpu.memory_space<hbm>> -> memref<50x100xi32, #tpu.memory_space<hbm>>
      %dma_start3A_26 = arith.constant 0 : i32
      %dma_start3A_27 = arith.constant 0 : i32
      %dma_start3A_28 = tpu.memref_slice %arg3[%add3A, %run_scoped3A_9, %dma_start3A_26, %dma_start3A_27] : memref<32x2x50x100xi32, #tpu.memory_space<hbm>> -> memref<1x1x50x100xi32, #tpu.memory_space<hbm>>
      %dma_start3A_29 = tpu.memref_squeeze %dma_start3A_28 : memref<1x1x50x100xi32, #tpu.memory_space<hbm>> -> memref<50x100xi32, #tpu.memory_space<hbm>>
      tpu.enqueue_dma source(%dma_start3A_29 : memref<50x100xi32, #tpu.memory_space<hbm>>) target(%arg7 : memref<50x100xi32, #tpu.memory_space<vmem>>) target_semaphore(%run_scoped3A_22 : memref<!tpu.dma_semaphore, #tpu.memory_space<semaphore_mem>>)
      %dma_wait3A = arith.constant 0 : i32
      %dma_wait3A_30 = arith.constant 0 : i32
      %dma_wait3A_31 = tpu.memref_slice %arg3[%add3A, %run_scoped3A_9, %dma_wait3A, %dma_wait3A_30] : memref<32x2x50x100xi32, #tpu.memory_space<hbm>> -> memref<1x1x50x100xi32, #tpu.memory_space<hbm>>
      %dma_wait3A_32 = tpu.memref_squeeze %dma_wait3A_31 : memref<1x1x50x100xi32, #tpu.memory_space<hbm>> -> memref<50x100xi32, #tpu.memory_space<hbm>>
      %dma_wait3A_33 = arith.constant 0 : i32
      %dma_wait3A_34 = arith.constant 0 : i32
      %dma_wait3A_35 = tpu.memref_slice %arg3[%add3A, %run_scoped3A_9, %dma_wait3A_33, %dma_wait3A_34] : memref<32x2x50x100xi32, #tpu.memory_space<hbm>> -> memref<1x1x50x100xi32, #tpu.memory_space<hbm>>
      %dma_wait3A_36 = tpu.memref_squeeze %dma_wait3A_35 : memref<1x1x50x100xi32, #tpu.memory_space<hbm>> -> memref<50x100xi32, #tpu.memory_space<hbm>>
      tpu.wait_dma2 semaphore(%run_scoped3A_22 : memref<!tpu.dma_semaphore, #tpu.memory_space<semaphore_mem>>) src(%dma_wait3A_36 : memref<50x100xi32, #tpu.memory_space<hbm>>) dst(%arg7 : memref<50x100xi32, #tpu.memory_space<vmem>>)
      tpu.yield
    }) : () -> ()
    %run_scoped3A_10 = arith.constant 1 : i32
    "tpu.region"() ({
      %run_scoped3A_22 = tpu.sem_alloc : memref<!tpu.dma_semaphore, #tpu.memory_space<semaphore_mem>>
      %dma_start3A = arith.constant 0 : i32
      %dma_start3A_23 = arith.constant 0 : i32
      %dma_start3A_24 = tpu.memref_slice %arg4[%add3A, %run_scoped3A_10, %dma_start3A, %dma_start3A_23] : memref<32x2x50x100xi32, #tpu.memory_space<hbm>> -> memref<1x1x50x100xi32, #tpu.memory_space<hbm>>
      %dma_start3A_25 = tpu.memref_squeeze %dma_start3A_24 : memref<1x1x50x100xi32, #tpu.memory_space<hbm>> -> memref<50x100xi32, #tpu.memory_space<hbm>>
      %dma_start3A_26 = arith.constant 0 : i32
      %dma_start3A_27 = arith.constant 0 : i32
      %dma_start3A_28 = tpu.memref_slice %arg4[%add3A, %run_scoped3A_10, %dma_start3A_26, %dma_start3A_27] : memref<32x2x50x100xi32, #tpu.memory_space<hbm>> -> memref<1x1x50x100xi32, #tpu.memory_space<hbm>>
      %dma_start3A_29 = tpu.memref_squeeze %dma_start3A_28 : memref<1x1x50x100xi32, #tpu.memory_space<hbm>> -> memref<50x100xi32, #tpu.memory_space<hbm>>
      tpu.enqueue_dma source(%dma_start3A_29 : memref<50x100xi32, #tpu.memory_space<hbm>>) target(%arg8 : memref<50x100xi32, #tpu.memory_space<vmem>>) target_semaphore(%run_scoped3A_22 : memref<!tpu.dma_semaphore, #tpu.memory_space<semaphore_mem>>)
      %dma_wait3A = arith.constant 0 : i32
      %dma_wait3A_30 = arith.constant 0 : i32
      %dma_wait3A_31 = tpu.memref_slice %arg4[%add3A, %run_scoped3A_10, %dma_wait3A, %dma_wait3A_30] : memref<32x2x50x100xi32, #tpu.memory_space<hbm>> -> memref<1x1x50x100xi32, #tpu.memory_space<hbm>>
      %dma_wait3A_32 = tpu.memref_squeeze %dma_wait3A_31 : memref<1x1x50x100xi32, #tpu.memory_space<hbm>> -> memref<50x100xi32, #tpu.memory_space<hbm>>
      %dma_wait3A_33 = arith.constant 0 : i32
      %dma_wait3A_34 = arith.constant 0 : i32
      %dma_wait3A_35 = tpu.memref_slice %arg4[%add3A, %run_scoped3A_10, %dma_wait3A_33, %dma_wait3A_34] : memref<32x2x50x100xi32, #tpu.memory_space<hbm>> -> memref<1x1x50x100xi32, #tpu.memory_space<hbm>>
      %dma_wait3A_36 = tpu.memref_squeeze %dma_wait3A_35 : memref<1x1x50x100xi32, #tpu.memory_space<hbm>> -> memref<50x100xi32, #tpu.memory_space<hbm>>
      tpu.wait_dma2 semaphore(%run_scoped3A_22 : memref<!tpu.dma_semaphore, #tpu.memory_space<semaphore_mem>>) src(%dma_wait3A_36 : memref<50x100xi32, #tpu.memory_space<hbm>>) dst(%arg8 : memref<50x100xi32, #tpu.memory_space<vmem>>)
      tpu.yield
    }) : () -> ()
    %scan3A_11 = arith.constant 0 : i32
    %scan3A_12 = arith.constant 0 : i32
    %scan3A_13 = arith.constant 50 : i32
    %scan3A_14 = arith.addi %scan3A_12, %scan3A_13 : i32
    %scan3A_15 = arith.constant 1 : i32
    scf.for %scan3A_22 = %scan3A_12 to %scan3A_14 step %scan3A_15  : i32 {
      %dma_start3A = arith.constant 0 : i32
      %dma_start3A_23 = tpu.memref_slice %arg7[%scan3A_22, %dma_start3A] : memref<50x100xi32, #tpu.memory_space<vmem>> -> memref<1x100xi32, #tpu.memory_space<vmem>>
      %dma_start3A_24 = tpu.memref_squeeze %dma_start3A_23 : memref<1x100xi32, #tpu.memory_space<vmem>> -> memref<100xi32, #tpu.memory_space<vmem>>
      %dma_start3A_25 = arith.constant 0 : i32
      %dma_start3A_26 = arith.constant 0 : i32
      %dma_start3A_27 = tpu.memref_slice %arg2[%dma_start3A_25, %dma_start3A_26] : memref<10000x128xf32, #tpu.memory_space<hbm>> -> memref<10000x128xf32, #tpu.memory_space<hbm>>
      tpu.enqueue_indirect_dma source(%dma_start3A_27 : memref<10000x128xf32, #tpu.memory_space<hbm>>) target(%arg9 : memref<100x128xf32, #tpu.memory_space<vmem>>) offsets(%dma_start3A_24 : memref<100xi32, #tpu.memory_space<vmem>>) semaphore(%arg12 : memref<!tpu.dma_semaphore, #tpu.memory_space<semaphore_mem>>)
      %dma_wait3A = arith.constant 0 : i32
      %dma_wait3A_28 = tpu.memref_slice %arg7[%scan3A_22, %dma_wait3A] : memref<50x100xi32, #tpu.memory_space<vmem>> -> memref<1x100xi32, #tpu.memory_space<vmem>>
      %dma_wait3A_29 = tpu.memref_squeeze %dma_wait3A_28 : memref<1x100xi32, #tpu.memory_space<vmem>> -> memref<100xi32, #tpu.memory_space<vmem>>
      %dma_wait3A_30 = arith.constant 0 : i32
      %dma_wait3A_31 = arith.constant 0 : i32
      %dma_wait3A_32 = tpu.memref_slice %arg2[%dma_wait3A_30, %dma_wait3A_31] : memref<10000x128xf32, #tpu.memory_space<hbm>> -> memref<10000x128xf32, #tpu.memory_space<hbm>>
      tpu.wait_indirect_dma semaphore(%arg12 : memref<!tpu.dma_semaphore, #tpu.memory_space<semaphore_mem>>) src(%dma_wait3A_32 : memref<10000x128xf32, #tpu.memory_space<hbm>>) dst(%arg9 : memref<100x128xf32, #tpu.memory_space<vmem>>)
      "tpu.region"() ({
        %run_scoped3A_33 = tpu.sem_alloc : memref<!tpu.dma_semaphore, #tpu.memory_space<semaphore_mem>>
        %dma_start3A_34 = arith.constant 0 : i32
        %dma_start3A_35 = tpu.memref_slice %arg8[%scan3A_22, %dma_start3A_34] : memref<50x100xi32, #tpu.memory_space<vmem>> -> memref<1x100xi32, #tpu.memory_space<vmem>>
        %dma_start3A_36 = tpu.memref_squeeze %dma_start3A_35 : memref<1x100xi32, #tpu.memory_space<vmem>> -> memref<100xi32, #tpu.memory_space<vmem>>
        %dma_start3A_37 = arith.constant 0 : i32
        %dma_start3A_38 = arith.constant 0 : i32
        %dma_start3A_39 = tpu.memref_slice %arg11[%dma_start3A_37, %dma_start3A_38] : memref<10112x128xf32, #tpu.memory_space<vmem_shared>> -> memref<10112x128xf32, #tpu.memory_space<vmem_shared>>
        tpu.enqueue_indirect_dma source(%arg9 : memref<100x128xf32, #tpu.memory_space<vmem>>) target(%dma_start3A_39 : memref<10112x128xf32, #tpu.memory_space<vmem_shared>>) offsets(%dma_start3A_36 : memref<100xi32, #tpu.memory_space<vmem>>) semaphore(%run_scoped3A_33 : memref<!tpu.dma_semaphore, #tpu.memory_space<semaphore_mem>>) {add = true}
        %dma_wait3A_40 = arith.constant 0 : i32
        %dma_wait3A_41 = tpu.memref_slice %arg8[%scan3A_22, %dma_wait3A_40] : memref<50x100xi32, #tpu.memory_space<vmem>> -> memref<1x100xi32, #tpu.memory_space<vmem>>
        %dma_wait3A_42 = tpu.memref_squeeze %dma_wait3A_41 : memref<1x100xi32, #tpu.memory_space<vmem>> -> memref<100xi32, #tpu.memory_space<vmem>>
        %dma_wait3A_43 = arith.constant 0 : i32
        %dma_wait3A_44 = arith.constant 0 : i32
        %dma_wait3A_45 = tpu.memref_slice %arg11[%dma_wait3A_43, %dma_wait3A_44] : memref<10112x128xf32, #tpu.memory_space<vmem_shared>> -> memref<10112x128xf32, #tpu.memory_space<vmem_shared>>
        tpu.wait_indirect_dma semaphore(%run_scoped3A_33 : memref<!tpu.dma_semaphore, #tpu.memory_space<semaphore_mem>>) src(%arg9 : memref<100x128xf32, #tpu.memory_space<vmem>>) dst(%dma_wait3A_45 : memref<10112x128xf32, #tpu.memory_space<vmem_shared>>)
        tpu.yield
      }) : () -> ()
    }
    %scan3A_16 = arith.constant 50 : i32
    %barrier3A_17 = arith.constant 0 : index
    tpu.barrier barrier_id(%barrier3A_17)
    %mul3A_18 = arith.constant 632 : i32
    %mul3A_19 = arith.muli %arg1, %mul3A_18 : i32
    %mul3A_20 = arith.constant 632 : i32
    %mul3A_21 = arith.muli %arg1, %mul3A_20 : i32
    "tpu.region"() ({
      %run_scoped3A_22 = tpu.sem_alloc : memref<!tpu.dma_semaphore, #tpu.memory_space<semaphore_mem>>
      %dma_start3A = arith.constant 0 : i32
      %dma_start3A_23 = tpu.memref_slice %arg6[%arg0, %mul3A_21, %dma_start3A] : memref<2x10112x128xf32, #tpu.memory_space<hbm>> -> memref<1x632x128xf32, #tpu.memory_space<hbm>>
      %dma_start3A_24 = tpu.memref_squeeze %dma_start3A_23 : memref<1x632x128xf32, #tpu.memory_space<hbm>> -> memref<632x128xf32, #tpu.memory_space<hbm>>
      %dma_start3A_25 = arith.constant 0 : i32
      %dma_start3A_26 = tpu.memref_slice %arg11[%mul3A_19, %dma_start3A_25] : memref<10112x128xf32, #tpu.memory_space<vmem_shared>> -> memref<632x128xf32, #tpu.memory_space<vmem_shared>>
      tpu.enqueue_dma source(%dma_start3A_26 : memref<632x128xf32, #tpu.memory_space<vmem_shared>>) target(%dma_start3A_24 : memref<632x128xf32, #tpu.memory_space<hbm>>) target_semaphore(%run_scoped3A_22 : memref<!tpu.dma_semaphore, #tpu.memory_space<semaphore_mem>>)
      %dma_wait3A = arith.constant 0 : i32
      %dma_wait3A_27 = tpu.memref_slice %arg6[%arg0, %mul3A_21, %dma_wait3A] : memref<2x10112x128xf32, #tpu.memory_space<hbm>> -> memref<1x632x128xf32, #tpu.memory_space<hbm>>
      %dma_wait3A_28 = tpu.memref_squeeze %dma_wait3A_27 : memref<1x632x128xf32, #tpu.memory_space<hbm>> -> memref<632x128xf32, #tpu.memory_space<hbm>>
      %dma_wait3A_29 = arith.constant 0 : i32
      %dma_wait3A_30 = tpu.memref_slice %arg11[%mul3A_19, %dma_wait3A_29] : memref<10112x128xf32, #tpu.memory_space<vmem_shared>> -> memref<632x128xf32, #tpu.memory_space<vmem_shared>>
      tpu.wait_dma2 semaphore(%run_scoped3A_22 : memref<!tpu.dma_semaphore, #tpu.memory_space<semaphore_mem>>) src(%dma_wait3A_30 : memref<632x128xf32, #tpu.memory_space<vmem_shared>>) dst(%dma_wait3A_28 : memref<632x128xf32, #tpu.memory_space<hbm>>)
      tpu.yield
    }) : () -> ()
    return
  }
}

#map = affine_map<(d0, d1) -> (0, 0)>
#map1 = affine_map<(d0, d1) -> (0, 0, 0, 0)>
#map2 = affine_map<(d0, d1) -> (0, 0, 0)>
module attributes {stable_mosaic.version = 14 : i64} {
  func.func @_sc_scatter(%arg0: i32, %arg1: i32, %arg2: memref<10000x128xf32, #tpu.memory_space<hbm>>, %arg3: memref<32x2x50x100xi32, #tpu.memory_space<hbm>>, %arg4: memref<32x2x50x100xi32, #tpu.memory_space<hbm>>, %arg5: memref<632x128xf32, #tpu.memory_space<hbm>>, %arg6: memref<2x10112x128xf32, #tpu.memory_space<hbm>>, %arg7: memref<50x100xi32, #tpu.memory_space<vmem>>, %arg8: memref<50x100xi32, #tpu.memory_space<vmem>>, %arg9: memref<100x128xf32, #tpu.memory_space<vmem>>, %arg10: memref<100x128xf32, #tpu.memory_space<vmem>>, %arg11: memref<10112x128xf32, #tpu.memory_space<vmem_shared>>, %arg12: memref<!tpu.dma_semaphore, #tpu.memory_space<semaphore_mem>>, %arg13: memref<!tpu.dma_semaphore, #tpu.memory_space<semaphore_mem>>) attributes {dimension_semantics = [#tpu.dimension_semantics<core_parallel>, #tpu.dimension_semantics<subcore_parallel>], iteration_bounds = array<i64: 2, 16>, scalar_prefetch = 0 : i64, scratch_operands = 7 : i64, tpu.core_type = #tpu.core_type<sc_vector_subcore>, window_params = [{transform_indices = #map}, {transform_indices = #map1}, {transform_indices = #map1}, {transform_indices = #map}, {transform_indices = #map2}]} {
    %mul3A = arith.constant 16 : i32
    %mul3A_0 = arith.muli %arg0, %mul3A : i32
    %add3A = arith.addi %mul3A_0, %arg1 : i32
    %mul3A_1 = arith.constant 632 : i32
    %mul3A_2 = arith.muli %arg1, %mul3A_1 : i32
    "tpu.region"() ({
      %run_scoped3A_22 = tpu.sem_alloc : memref<!tpu.dma_semaphore, #tpu.memory_space<semaphore_mem>>
      %dma_start3A = arith.constant 0 : i32
      %dma_start3A_23 = tpu.memref_slice %arg11[%mul3A_2, %dma_start3A] : memref<10112x128xf32, #tpu.memory_space<vmem_shared>> -> memref<632x128xf32, #tpu.memory_space<vmem_shared>>
      tpu.enqueue_dma source(%arg5 : memref<632x128xf32, #tpu.memory_space<hbm>>) target(%dma_start3A_23 : memref<632x128xf32, #tpu.memory_space<vmem_shared>>) target_semaphore(%run_scoped3A_22 : memref<!tpu.dma_semaphore, #tpu.memory_space<semaphore_mem>>)
      %dma_wait3A = arith.constant 0 : i32
      %dma_wait3A_24 = tpu.memref_slice %arg11[%mul3A_2, %dma_wait3A] : memref<10112x128xf32, #tpu.memory_space<vmem_shared>> -> memref<632x128xf32, #tpu.memory_space<vmem_shared>>
      tpu.wait_dma2 semaphore(%run_scoped3A_22 : memref<!tpu.dma_semaphore, #tpu.memory_space<semaphore_mem>>) src(%arg5 : memref<632x128xf32, #tpu.memory_space<hbm>>) dst(%dma_wait3A_24 : memref<632x128xf32, #tpu.memory_space<vmem_shared>>)
      tpu.yield
    }) : () -> ()
    %barrier3A = arith.constant 0 : index
    tpu.barrier barrier_id(%barrier3A)
    %run_scoped3A = arith.constant 0 : i32
    "tpu.region"() ({
      %run_scoped3A_22 = tpu.sem_alloc : memref<!tpu.dma_semaphore, #tpu.memory_space<semaphore_mem>>
      %dma_start3A = arith.constant 0 : i32
      %dma_start3A_23 = arith.constant 0 : i32
      %dma_start3A_24 = tpu.memref_slice %arg3[%add3A, %run_scoped3A, %dma_start3A, %dma_start3A_23] : memref<32x2x50x100xi32, #tpu.memory_space<hbm>> -> memref<1x1x50x100xi32, #tpu.memory_space<hbm>>
      %dma_start3A_25 = tpu.memref_squeeze %dma_start3A_24 : memref<1x1x50x100xi32, #tpu.memory_space<hbm>> -> memref<50x100xi32, #tpu.memory_space<hbm>>
      %dma_start3A_26 = arith.constant 0 : i32
      %dma_start3A_27 = arith.constant 0 : i32
      %dma_start3A_28 = tpu.memref_slice %arg3[%add3A, %run_scoped3A, %dma_start3A_26, %dma_start3A_27] : memref<32x2x50x100xi32, #tpu.memory_space<hbm>> -> memref<1x1x50x100xi32, #tpu.memory_space<hbm>>
      %dma_start3A_29 = tpu.memref_squeeze %dma_start3A_28 : memref<1x1x50x100xi32, #tpu.memory_space<hbm>> -> memref<50x100xi32, #tpu.memory_space<hbm>>
      tpu.enqueue_dma source(%dma_start3A_29 : memref<50x100xi32, #tpu.memory_space<hbm>>) target(%arg7 : memref<50x100xi32, #tpu.memory_space<vmem>>) target_semaphore(%run_scoped3A_22 : memref<!tpu.dma_semaphore, #tpu.memory_space<semaphore_mem>>)
      %dma_wait3A = arith.constant 0 : i32
      %dma_wait3A_30 = arith.constant 0 : i32
      %dma_wait3A_31 = tpu.memref_slice %arg3[%add3A, %run_scoped3A, %dma_wait3A, %dma_wait3A_30] : memref<32x2x50x100xi32, #tpu.memory_space<hbm>> -> memref<1x1x50x100xi32, #tpu.memory_space<hbm>>
      %dma_wait3A_32 = tpu.memref_squeeze %dma_wait3A_31 : memref<1x1x50x100xi32, #tpu.memory_space<hbm>> -> memref<50x100xi32, #tpu.memory_space<hbm>>
      %dma_wait3A_33 = arith.constant 0 : i32
      %dma_wait3A_34 = arith.constant 0 : i32
      %dma_wait3A_35 = tpu.memref_slice %arg3[%add3A, %run_scoped3A, %dma_wait3A_33, %dma_wait3A_34] : memref<32x2x50x100xi32, #tpu.memory_space<hbm>> -> memref<1x1x50x100xi32, #tpu.memory_space<hbm>>
      %dma_wait3A_36 = tpu.memref_squeeze %dma_wait3A_35 : memref<1x1x50x100xi32, #tpu.memory_space<hbm>> -> memref<50x100xi32, #tpu.memory_space<hbm>>
      tpu.wait_dma2 semaphore(%run_scoped3A_22 : memref<!tpu.dma_semaphore, #tpu.memory_space<semaphore_mem>>) src(%dma_wait3A_36 : memref<50x100xi32, #tpu.memory_space<hbm>>) dst(%arg7 : memref<50x100xi32, #tpu.memory_space<vmem>>)
      tpu.yield
    }) : () -> ()
    %run_scoped3A_3 = arith.constant 0 : i32
    "tpu.region"() ({
      %run_scoped3A_22 = tpu.sem_alloc : memref<!tpu.dma_semaphore, #tpu.memory_space<semaphore_mem>>
      %dma_start3A = arith.constant 0 : i32
      %dma_start3A_23 = arith.constant 0 : i32
      %dma_start3A_24 = tpu.memref_slice %arg4[%add3A, %run_scoped3A_3, %dma_start3A, %dma_start3A_23] : memref<32x2x50x100xi32, #tpu.memory_space<hbm>> -> memref<1x1x50x100xi32, #tpu.memory_space<hbm>>
      %dma_start3A_25 = tpu.memref_squeeze %dma_start3A_24 : memref<1x1x50x100xi32, #tpu.memory_space<hbm>> -> memref<50x100xi32, #tpu.memory_space<hbm>>
      %dma_start3A_26 = arith.constant 0 : i32
      %dma_start3A_27 = arith.constant 0 : i32
      %dma_start3A_28 = tpu.memref_slice %arg4[%add3A, %run_scoped3A_3, %dma_start3A_26, %dma_start3A_27] : memref<32x2x50x100xi32, #tpu.memory_space<hbm>> -> memref<1x1x50x100xi32, #tpu.memory_space<hbm>>
      %dma_start3A_29 = tpu.memref_squeeze %dma_start3A_28 : memref<1x1x50x100xi32, #tpu.memory_space<hbm>> -> memref<50x100xi32, #tpu.memory_space<hbm>>
      tpu.enqueue_dma source(%dma_start3A_29 : memref<50x100xi32, #tpu.memory_space<hbm>>) target(%arg8 : memref<50x100xi32, #tpu.memory_space<vmem>>) target_semaphore(%run_scoped3A_22 : memref<!tpu.dma_semaphore, #tpu.memory_space<semaphore_mem>>)
      %dma_wait3A = arith.constant 0 : i32
      %dma_wait3A_30 = arith.constant 0 : i32
      %dma_wait3A_31 = tpu.memref_slice %arg4[%add3A, %run_scoped3A_3, %dma_wait3A, %dma_wait3A_30] : memref<32x2x50x100xi32, #tpu.memory_space<hbm>> -> memref<1x1x50x100xi32, #tpu.memory_space<hbm>>
      %dma_wait3A_32 = tpu.memref_squeeze %dma_wait3A_31 : memref<1x1x50x100xi32, #tpu.memory_space<hbm>> -> memref<50x100xi32, #tpu.memory_space<hbm>>
      %dma_wait3A_33 = arith.constant 0 : i32
      %dma_wait3A_34 = arith.constant 0 : i32
      %dma_wait3A_35 = tpu.memref_slice %arg4[%add3A, %run_scoped3A_3, %dma_wait3A_33, %dma_wait3A_34] : memref<32x2x50x100xi32, #tpu.memory_space<hbm>> -> memref<1x1x50x100xi32, #tpu.memory_space<hbm>>
      %dma_wait3A_36 = tpu.memref_squeeze %dma_wait3A_35 : memref<1x1x50x100xi32, #tpu.memory_space<hbm>> -> memref<50x100xi32, #tpu.memory_space<hbm>>
      tpu.wait_dma2 semaphore(%run_scoped3A_22 : memref<!tpu.dma_semaphore, #tpu.memory_space<semaphore_mem>>) src(%dma_wait3A_36 : memref<50x100xi32, #tpu.memory_space<hbm>>) dst(%arg8 : memref<50x100xi32, #tpu.memory_space<vmem>>)
      tpu.yield
    }) : () -> ()
    %scan3A = arith.constant 0 : i32
    %scan3A_4 = arith.constant 0 : i32
    %scan3A_5 = arith.constant 50 : i32
    %scan3A_6 = arith.addi %scan3A_4, %scan3A_5 : i32
    %scan3A_7 = arith.constant 1 : i32
    scf.for %scan3A_22 = %scan3A_4 to %scan3A_6 step %scan3A_7  : i32 {
      %dma_start3A = arith.constant 0 : i32
      %dma_start3A_23 = tpu.memref_slice %arg7[%scan3A_22, %dma_start3A] : memref<50x100xi32, #tpu.memory_space<vmem>> -> memref<1x100xi32, #tpu.memory_space<vmem>>
      %dma_start3A_24 = tpu.memref_squeeze %dma_start3A_23 : memref<1x100xi32, #tpu.memory_space<vmem>> -> memref<100xi32, #tpu.memory_space<vmem>>
      %dma_start3A_25 = arith.constant 0 : i32
      %dma_start3A_26 = arith.constant 0 : i32
      %dma_start3A_27 = tpu.memref_slice %arg2[%dma_start3A_25, %dma_start3A_26] : memref<10000x128xf32, #tpu.memory_space<hbm>> -> memref<10000x128xf32, #tpu.memory_space<hbm>>
      tpu.enqueue_indirect_dma source(%dma_start3A_27 : memref<10000x128xf32, #tpu.memory_space<hbm>>) target(%arg9 : memref<100x128xf32, #tpu.memory_space<vmem>>) offsets(%dma_start3A_24 : memref<100xi32, #tpu.memory_space<vmem>>) semaphore(%arg12 : memref<!tpu.dma_semaphore, #tpu.memory_space<semaphore_mem>>)
      %dma_wait3A = arith.constant 0 : i32
      %dma_wait3A_28 = tpu.memref_slice %arg7[%scan3A_22, %dma_wait3A] : memref<50x100xi32, #tpu.memory_space<vmem>> -> memref<1x100xi32, #tpu.memory_space<vmem>>
      %dma_wait3A_29 = tpu.memref_squeeze %dma_wait3A_28 : memref<1x100xi32, #tpu.memory_space<vmem>> -> memref<100xi32, #tpu.memory_space<vmem>>
      %dma_wait3A_30 = arith.constant 0 : i32
      %dma_wait3A_31 = arith.constant 0 : i32
      %dma_wait3A_32 = tpu.memref_slice %arg2[%dma_wait3A_30, %dma_wait3A_31] : memref<10000x128xf32, #tpu.memory_space<hbm>> -> memref<10000x128xf32, #tpu.memory_space<hbm>>
      tpu.wait_indirect_dma semaphore(%arg12 : memref<!tpu.dma_semaphore, #tpu.memory_space<semaphore_mem>>) src(%dma_wait3A_32 : memref<10000x128xf32, #tpu.memory_space<hbm>>) dst(%arg9 : memref<100x128xf32, #tpu.memory_space<vmem>>)
      "tpu.region"() ({
        %run_scoped3A_33 = tpu.sem_alloc : memref<!tpu.dma_semaphore, #tpu.memory_space<semaphore_mem>>
        %dma_start3A_34 = arith.constant 0 : i32
        %dma_start3A_35 = tpu.memref_slice %arg8[%scan3A_22, %dma_start3A_34] : memref<50x100xi32, #tpu.memory_space<vmem>> -> memref<1x100xi32, #tpu.memory_space<vmem>>
        %dma_start3A_36 = tpu.memref_squeeze %dma_start3A_35 : memref<1x100xi32, #tpu.memory_space<vmem>> -> memref<100xi32, #tpu.memory_space<vmem>>
        %dma_start3A_37 = arith.constant 0 : i32
        %dma_start3A_38 = arith.constant 0 : i32
        %dma_start3A_39 = tpu.memref_slice %arg11[%dma_start3A_37, %dma_start3A_38] : memref<10112x128xf32, #tpu.memory_space<vmem_shared>> -> memref<10112x128xf32, #tpu.memory_space<vmem_shared>>
        tpu.enqueue_indirect_dma source(%arg9 : memref<100x128xf32, #tpu.memory_space<vmem>>) target(%dma_start3A_39 : memref<10112x128xf32, #tpu.memory_space<vmem_shared>>) offsets(%dma_start3A_36 : memref<100xi32, #tpu.memory_space<vmem>>) semaphore(%run_scoped3A_33 : memref<!tpu.dma_semaphore, #tpu.memory_space<semaphore_mem>>) {add = true}
        %dma_wait3A_40 = arith.constant 0 : i32
        %dma_wait3A_41 = tpu.memref_slice %arg8[%scan3A_22, %dma_wait3A_40] : memref<50x100xi32, #tpu.memory_space<vmem>> -> memref<1x100xi32, #tpu.memory_space<vmem>>
        %dma_wait3A_42 = tpu.memref_squeeze %dma_wait3A_41 : memref<1x100xi32, #tpu.memory_space<vmem>> -> memref<100xi32, #tpu.memory_space<vmem>>
        %dma_wait3A_43 = arith.constant 0 : i32
        %dma_wait3A_44 = arith.constant 0 : i32
        %dma_wait3A_45 = tpu.memref_slice %arg11[%dma_wait3A_43, %dma_wait3A_44] : memref<10112x128xf32, #tpu.memory_space<vmem_shared>> -> memref<10112x128xf32, #tpu.memory_space<vmem_shared>>
        tpu.wait_indirect_dma semaphore(%run_scoped3A_33 : memref<!tpu.dma_semaphore, #tpu.memory_space<semaphore_mem>>) src(%arg9 : memref<100x128xf32, #tpu.memory_space<vmem>>) dst(%dma_wait3A_45 : memref<10112x128xf32, #tpu.memory_space<vmem_shared>>)
        tpu.yield
      }) : () -> ()
    }
    %scan3A_8 = arith.constant 50 : i32
    %run_scoped3A_9 = arith.constant 1 : i32
    "tpu.region"() ({
      %run_scoped3A_22 = tpu.sem_alloc : memref<!tpu.dma_semaphore, #tpu.memory_space<semaphore_mem>>
      %dma_start3A = arith.constant 0 : i32
      %dma_start3A_23 = arith.constant 0 : i32
      %dma_start3A_24 = tpu.memref_slice %arg3[%add3A, %run_scoped3A_9, %dma_start3A, %dma_start3A_23] : memref<32x2x50x100xi32, #tpu.memory_space<hbm>> -> memref<1x1x50x100xi32, #tpu.memory_space<hbm>>
      %dma_start3A_25 = tpu.memref_squeeze %dma_start3A_24 : memref<1x1x50x100xi32, #tpu.memory_space<hbm>> -> memref<50x100xi32, #tpu.memory_space<hbm>>
      %dma_start3A_26 = arith.constant 0 : i32
      %dma_start3A_27 = arith.constant 0 : i32
      %dma_start3A_28 = tpu.memref_slice %arg3[%add3A, %run_scoped3A_9, %dma_start3A_26, %dma_start3A_27] : memref<32x2x50x100xi32, #tpu.memory_space<hbm>> -> memref<1x1x50x100xi32, #tpu.memory_space<hbm>>
      %dma_start3A_29 = tpu.memref_squeeze %dma_start3A_28 : memref<1x1x50x100xi32, #tpu.memory_space<hbm>> -> memref<50x100xi32, #tpu.memory_space<hbm>>
      tpu.enqueue_dma source(%dma_start3A_29 : memref<50x100xi32, #tpu.memory_space<hbm>>) target(%arg7 : memref<50x100xi32, #tpu.memory_space<vmem>>) target_semaphore(%run_scoped3A_22 : memref<!tpu.dma_semaphore, #tpu.memory_space<semaphore_mem>>)
      %dma_wait3A = arith.constant 0 : i32
      %dma_wait3A_30 = arith.constant 0 : i32
      %dma_wait3A_31 = tpu.memref_slice %arg3[%add3A, %run_scoped3A_9, %dma_wait3A, %dma_wait3A_30] : memref<32x2x50x100xi32, #tpu.memory_space<hbm>> -> memref<1x1x50x100xi32, #tpu.memory_space<hbm>>
      %dma_wait3A_32 = tpu.memref_squeeze %dma_wait3A_31 : memref<1x1x50x100xi32, #tpu.memory_space<hbm>> -> memref<50x100xi32, #tpu.memory_space<hbm>>
      %dma_wait3A_33 = arith.constant 0 : i32
      %dma_wait3A_34 = arith.constant 0 : i32
      %dma_wait3A_35 = tpu.memref_slice %arg3[%add3A, %run_scoped3A_9, %dma_wait3A_33, %dma_wait3A_34] : memref<32x2x50x100xi32, #tpu.memory_space<hbm>> -> memref<1x1x50x100xi32, #tpu.memory_space<hbm>>
      %dma_wait3A_36 = tpu.memref_squeeze %dma_wait3A_35 : memref<1x1x50x100xi32, #tpu.memory_space<hbm>> -> memref<50x100xi32, #tpu.memory_space<hbm>>
      tpu.wait_dma2 semaphore(%run_scoped3A_22 : memref<!tpu.dma_semaphore, #tpu.memory_space<semaphore_mem>>) src(%dma_wait3A_36 : memref<50x100xi32, #tpu.memory_space<hbm>>) dst(%arg7 : memref<50x100xi32, #tpu.memory_space<vmem>>)
      tpu.yield
    }) : () -> ()
    %run_scoped3A_10 = arith.constant 1 : i32
    "tpu.region"() ({
      %run_scoped3A_22 = tpu.sem_alloc : memref<!tpu.dma_semaphore, #tpu.memory_space<semaphore_mem>>
      %dma_start3A = arith.constant 0 : i32
      %dma_start3A_23 = arith.constant 0 : i32
      %dma_start3A_24 = tpu.memref_slice %arg4[%add3A, %run_scoped3A_10, %dma_start3A, %dma_start3A_23] : memref<32x2x50x100xi32, #tpu.memory_space<hbm>> -> memref<1x1x50x100xi32, #tpu.memory_space<hbm>>
      %dma_start3A_25 = tpu.memref_squeeze %dma_start3A_24 : memref<1x1x50x100xi32, #tpu.memory_space<hbm>> -> memref<50x100xi32, #tpu.memory_space<hbm>>
      %dma_start3A_26 = arith.constant 0 : i32
      %dma_start3A_27 = arith.constant 0 : i32
      %dma_start3A_28 = tpu.memref_slice %arg4[%add3A, %run_scoped3A_10, %dma_start3A_26, %dma_start3A_27] : memref<32x2x50x100xi32, #tpu.memory_space<hbm>> -> memref<1x1x50x100xi32, #tpu.memory_space<hbm>>
      %dma_start3A_29 = tpu.memref_squeeze %dma_start3A_28 : memref<1x1x50x100xi32, #tpu.memory_space<hbm>> -> memref<50x100xi32, #tpu.memory_space<hbm>>
      tpu.enqueue_dma source(%dma_start3A_29 : memref<50x100xi32, #tpu.memory_space<hbm>>) target(%arg8 : memref<50x100xi32, #tpu.memory_space<vmem>>) target_semaphore(%run_scoped3A_22 : memref<!tpu.dma_semaphore, #tpu.memory_space<semaphore_mem>>)
      %dma_wait3A = arith.constant 0 : i32
      %dma_wait3A_30 = arith.constant 0 : i32
      %dma_wait3A_31 = tpu.memref_slice %arg4[%add3A, %run_scoped3A_10, %dma_wait3A, %dma_wait3A_30] : memref<32x2x50x100xi32, #tpu.memory_space<hbm>> -> memref<1x1x50x100xi32, #tpu.memory_space<hbm>>
      %dma_wait3A_32 = tpu.memref_squeeze %dma_wait3A_31 : memref<1x1x50x100xi32, #tpu.memory_space<hbm>> -> memref<50x100xi32, #tpu.memory_space<hbm>>
      %dma_wait3A_33 = arith.constant 0 : i32
      %dma_wait3A_34 = arith.constant 0 : i32
      %dma_wait3A_35 = tpu.memref_slice %arg4[%add3A, %run_scoped3A_10, %dma_wait3A_33, %dma_wait3A_34] : memref<32x2x50x100xi32, #tpu.memory_space<hbm>> -> memref<1x1x50x100xi32, #tpu.memory_space<hbm>>
      %dma_wait3A_36 = tpu.memref_squeeze %dma_wait3A_35 : memref<1x1x50x100xi32, #tpu.memory_space<hbm>> -> memref<50x100xi32, #tpu.memory_space<hbm>>
      tpu.wait_dma2 semaphore(%run_scoped3A_22 : memref<!tpu.dma_semaphore, #tpu.memory_space<semaphore_mem>>) src(%dma_wait3A_36 : memref<50x100xi32, #tpu.memory_space<hbm>>) dst(%arg8 : memref<50x100xi32, #tpu.memory_space<vmem>>)
      tpu.yield
    }) : () -> ()
    %scan3A_11 = arith.constant 0 : i32
    %scan3A_12 = arith.constant 0 : i32
    %scan3A_13 = arith.constant 50 : i32
    %scan3A_14 = arith.addi %scan3A_12, %scan3A_13 : i32
    %scan3A_15 = arith.constant 1 : i32
    scf.for %scan3A_22 = %scan3A_12 to %scan3A_14 step %scan3A_15  : i32 {
      %dma_start3A = arith.constant 0 : i32
      %dma_start3A_23 = tpu.memref_slice %arg7[%scan3A_22, %dma_start3A] : memref<50x100xi32, #tpu.memory_space<vmem>> -> memref<1x100xi32, #tpu.memory_space<vmem>>
      %dma_start3A_24 = tpu.memref_squeeze %dma_start3A_23 : memref<1x100xi32, #tpu.memory_space<vmem>> -> memref<100xi32, #tpu.memory_space<vmem>>
      %dma_start3A_25 = arith.constant 0 : i32
      %dma_start3A_26 = arith.constant 0 : i32
      %dma_start3A_27 = tpu.memref_slice %arg2[%dma_start3A_25, %dma_start3A_26] : memref<10000x128xf32, #tpu.memory_space<hbm>> -> memref<10000x128xf32, #tpu.memory_space<hbm>>
      tpu.enqueue_indirect_dma source(%dma_start3A_27 : memref<10000x128xf32, #tpu.memory_space<hbm>>) target(%arg9 : memref<100x128xf32, #tpu.memory_space<vmem>>) offsets(%dma_start3A_24 : memref<100xi32, #tpu.memory_space<vmem>>) semaphore(%arg12 : memref<!tpu.dma_semaphore, #tpu.memory_space<semaphore_mem>>)
      %dma_wait3A = arith.constant 0 : i32
      %dma_wait3A_28 = tpu.memref_slice %arg7[%scan3A_22, %dma_wait3A] : memref<50x100xi32, #tpu.memory_space<vmem>> -> memref<1x100xi32, #tpu.memory_space<vmem>>
      %dma_wait3A_29 = tpu.memref_squeeze %dma_wait3A_28 : memref<1x100xi32, #tpu.memory_space<vmem>> -> memref<100xi32, #tpu.memory_space<vmem>>
      %dma_wait3A_30 = arith.constant 0 : i32
      %dma_wait3A_31 = arith.constant 0 : i32
      %dma_wait3A_32 = tpu.memref_slice %arg2[%dma_wait3A_30, %dma_wait3A_31] : memref<10000x128xf32, #tpu.memory_space<hbm>> -> memref<10000x128xf32, #tpu.memory_space<hbm>>
      tpu.wait_indirect_dma semaphore(%arg12 : memref<!tpu.dma_semaphore, #tpu.memory_space<semaphore_mem>>) src(%dma_wait3A_32 : memref<10000x128xf32, #tpu.memory_space<hbm>>) dst(%arg9 : memref<100x128xf32, #tpu.memory_space<vmem>>)
      "tpu.region"() ({
        %run_scoped3A_33 = tpu.sem_alloc : memref<!tpu.dma_semaphore, #tpu.memory_space<semaphore_mem>>
        %dma_start3A_34 = arith.constant 0 : i32
        %dma_start3A_35 = tpu.memref_slice %arg8[%scan3A_22, %dma_start3A_34] : memref<50x100xi32, #tpu.memory_space<vmem>> -> memref<1x100xi32, #tpu.memory_space<vmem>>
        %dma_start3A_36 = tpu.memref_squeeze %dma_start3A_35 : memref<1x100xi32, #tpu.memory_space<vmem>> -> memref<100xi32, #tpu.memory_space<vmem>>
        %dma_start3A_37 = arith.constant 0 : i32
        %dma_start3A_38 = arith.constant 0 : i32
        %dma_start3A_39 = tpu.memref_slice %arg11[%dma_start3A_37, %dma_start3A_38] : memref<10112x128xf32, #tpu.memory_space<vmem_shared>> -> memref<10112x128xf32, #tpu.memory_space<vmem_shared>>
        tpu.enqueue_indirect_dma source(%arg9 : memref<100x128xf32, #tpu.memory_space<vmem>>) target(%dma_start3A_39 : memref<10112x128xf32, #tpu.memory_space<vmem_shared>>) offsets(%dma_start3A_36 : memref<100xi32, #tpu.memory_space<vmem>>) semaphore(%run_scoped3A_33 : memref<!tpu.dma_semaphore, #tpu.memory_space<semaphore_mem>>) {add = true}
        %dma_wait3A_40 = arith.constant 0 : i32
        %dma_wait3A_41 = tpu.memref_slice %arg8[%scan3A_22, %dma_wait3A_40] : memref<50x100xi32, #tpu.memory_space<vmem>> -> memref<1x100xi32, #tpu.memory_space<vmem>>
        %dma_wait3A_42 = tpu.memref_squeeze %dma_wait3A_41 : memref<1x100xi32, #tpu.memory_space<vmem>> -> memref<100xi32, #tpu.memory_space<vmem>>
        %dma_wait3A_43 = arith.constant 0 : i32
        %dma_wait3A_44 = arith.constant 0 : i32
        %dma_wait3A_45 = tpu.memref_slice %arg11[%dma_wait3A_43, %dma_wait3A_44] : memref<10112x128xf32, #tpu.memory_space<vmem_shared>> -> memref<10112x128xf32, #tpu.memory_space<vmem_shared>>
        tpu.wait_indirect_dma semaphore(%run_scoped3A_33 : memref<!tpu.dma_semaphore, #tpu.memory_space<semaphore_mem>>) src(%arg9 : memref<100x128xf32, #tpu.memory_space<vmem>>) dst(%dma_wait3A_45 : memref<10112x128xf32, #tpu.memory_space<vmem_shared>>)
        tpu.yield
      }) : () -> ()
    }
    %scan3A_16 = arith.constant 50 : i32
    %barrier3A_17 = arith.constant 0 : index
    tpu.barrier barrier_id(%barrier3A_17)
    %mul3A_18 = arith.constant 632 : i32
    %mul3A_19 = arith.muli %arg1, %mul3A_18 : i32
    %mul3A_20 = arith.constant 632 : i32
    %mul3A_21 = arith.muli %arg1, %mul3A_20 : i32
    "tpu.region"() ({
      %run_scoped3A_22 = tpu.sem_alloc : memref<!tpu.dma_semaphore, #tpu.memory_space<semaphore_mem>>
      %dma_start3A = arith.constant 0 : i32
      %dma_start3A_23 = tpu.memref_slice %arg6[%arg0, %mul3A_21, %dma_start3A] : memref<2x10112x128xf32, #tpu.memory_space<hbm>> -> memref<1x632x128xf32, #tpu.memory_space<hbm>>
      %dma_start3A_24 = tpu.memref_squeeze %dma_start3A_23 : memref<1x632x128xf32, #tpu.memory_space<hbm>> -> memref<632x128xf32, #tpu.memory_space<hbm>>
      %dma_start3A_25 = arith.constant 0 : i32
      %dma_start3A_26 = tpu.memref_slice %arg11[%mul3A_19, %dma_start3A_25] : memref<10112x128xf32, #tpu.memory_space<vmem_shared>> -> memref<632x128xf32, #tpu.memory_space<vmem_shared>>
      tpu.enqueue_dma source(%dma_start3A_26 : memref<632x128xf32, #tpu.memory_space<vmem_shared>>) target(%dma_start3A_24 : memref<632x128xf32, #tpu.memory_space<hbm>>) target_semaphore(%run_scoped3A_22 : memref<!tpu.dma_semaphore, #tpu.memory_space<semaphore_mem>>)
      %dma_wait3A = arith.constant 0 : i32
      %dma_wait3A_27 = tpu.memref_slice %arg6[%arg0, %mul3A_21, %dma_wait3A] : memref<2x10112x128xf32, #tpu.memory_space<hbm>> -> memref<1x632x128xf32, #tpu.memory_space<hbm>>
      %dma_wait3A_28 = tpu.memref_squeeze %dma_wait3A_27 : memref<1x632x128xf32, #tpu.memory_space<hbm>> -> memref<632x128xf32, #tpu.memory_space<hbm>>
      %dma_wait3A_29 = arith.constant 0 : i32
      %dma_wait3A_30 = tpu.memref_slice %arg11[%mul3A_19, %dma_wait3A_29] : memref<10112x128xf32, #tpu.memory_space<vmem_shared>> -> memref<632x128xf32, #tpu.memory_space<vmem_shared>>
      tpu.wait_dma2 semaphore(%run_scoped3A_22 : memref<!tpu.dma_semaphore, #tpu.memory_space<semaphore_mem>>) src(%dma_wait3A_30 : memref<632x128xf32, #tpu.memory_space<vmem_shared>>) dst(%dma_wait3A_28 : memref<632x128xf32, #tpu.memory_space<hbm>>)
      tpu.yield
    }) : () -> ()
    return
  }
}

module attributes {stable_mosaic.version = 14 : i64} {
  func.func @_tc_prologue_body(%arg0: i32, %arg1: memref<2x1000x128xf32, #tpu.memory_space<vmem>>, %arg2: memref<1000x128xf32, #tpu.memory_space<vmem>>, %arg3: memref<1000x16xf32, #tpu.memory_space<vmem>>, %arg4: memref<1000x128xf32, #tpu.memory_space<vmem>>) attributes {dimension_semantics = [#tpu.dimension_semantics<arbitrary>], iteration_bounds = array<i64: 10>, scalar_prefetch = 0 : i64, scratch_operands = 0 : i64, tpu.core_type = #tpu.core_type<tc>, window_params = [{transform_indices = @transform_0, window_bounds = array<i64: 2, 1000, 128>}, {transform_indices = @transform_1, window_bounds = array<i64: 1000, 128>}, {transform_indices = @transform_2, window_bounds = array<i64: 1000, 16>}, {transform_indices = @transform_3, window_bounds = array<i64: 1000, 128>}]} {
    %get3A = arith.constant 0 : index
    %get3A_0 = arith.constant 0 : index
    %get3A_1 = arith.constant 0 : index
    %get3A_2 = vector.load %arg1[%get3A, %get3A_0, %get3A_1] : memref<2x1000x128xf32, #tpu.memory_space<vmem>>, vector<1x1000x1xf32>
    %get3A_3 = vector.shape_cast %get3A_2 : vector<1x1000x1xf32> to vector<1000x1xf32>
    %get3A_4 = arith.constant 1 : index
    %get3A_5 = arith.constant 0 : index
    %get3A_6 = arith.constant 0 : index
    %get3A_7 = vector.load %arg1[%get3A_4, %get3A_5, %get3A_6] : memref<2x1000x128xf32, #tpu.memory_space<vmem>>, vector<1x1000x1xf32>
    %get3A_8 = vector.shape_cast %get3A_7 : vector<1x1000x1xf32> to vector<1000x1xf32>
    %add3A = arith.addf %get3A_3, %get3A_8 : vector<1000x1xf32>
    %gt3A = arith.constant 0.000000e+00 : f32
    %gt3A_9 = vector.broadcast %gt3A : f32 to vector<1000x1xf32>
    %gt3A_10 = arith.cmpf ogt, %add3A, %gt3A_9 : vector<1000x1xf32>
    %max3A = arith.constant 1.000000e-30 : f32
    %max3A_11 = vector.broadcast %max3A : f32 to vector<1000x1xf32>
    %max3A_12 = arith.maximumf %add3A, %max3A_11 : vector<1000x1xf32>
    %rsqrt3A = math.rsqrt %max3A_12 : vector<1000x1xf32>
    %jit3A = arith.constant 0.000000e+00 : f32
    %broadcast_in_dim3A = vector.broadcast %jit3A : f32 to vector<1000x1xf32>
    %select_n3A = arith.select %gt3A_10, %rsqrt3A, %broadcast_in_dim3A : vector<1000x1xi1>, vector<1000x1xf32>
    %broadcast_in_dim3A_13 = vector.shape_cast %select_n3A : vector<1000x1xf32> to vector<1000x1xf32>
    %broadcast_in_dim3A_14 = vector.broadcast %broadcast_in_dim3A_13 : vector<1000x1xf32> to vector<1000x16xf32>
    %swap3A = arith.constant 0 : index
    %swap3A_15 = arith.constant 0 : index
    %swap3A_16 = vector.load %arg3[%swap3A, %swap3A_15] : memref<1000x16xf32, #tpu.memory_space<vmem>>, vector<1000x16xf32>
    tpu.vector_store %arg3[%swap3A, %swap3A_15], %broadcast_in_dim3A_14 {strides = array<i32>} : memref<1000x16xf32, #tpu.memory_space<vmem>>, vector<1000x16xf32>,
    %get3A_17 = arith.constant 0 : index
    %get3A_18 = arith.constant 0 : index
    %get3A_19 = vector.load %arg2[%get3A_17, %get3A_18] : memref<1000x128xf32, #tpu.memory_space<vmem>>, vector<1000x128xf32>
    %mul3A = vector.broadcast %select_n3A : vector<1000x1xf32> to vector<1000x128xf32>
    %mul3A_20 = arith.mulf %mul3A, %get3A_19 : vector<1000x128xf32>
    %swap3A_21 = arith.constant 0 : index
    %swap3A_22 = arith.constant 0 : index
    %swap3A_23 = vector.load %arg4[%swap3A_21, %swap3A_22] : memref<1000x128xf32, #tpu.memory_space<vmem>>, vector<1000x128xf32>
    tpu.vector_store %arg4[%swap3A_21, %swap3A_22], %mul3A_20 {strides = array<i32>} : memref<1000x128xf32, #tpu.memory_space<vmem>>, vector<1000x128xf32>,
    return
  }
  func.func @transform_0(%arg0: i32) -> (i32, i32, i32) {
    %c0_i32 = arith.constant 0 : i32
    %c0_i32_0 = arith.constant 0 : i32
    %c0_i32_1 = arith.constant 0 : i32
    return %c0_i32, %arg0, %c0_i32_0 : i32, i32, i32
  }
  func.func @transform_1(%arg0: i32) -> (i32, i32) {
    %c0_i32 = arith.constant 0 : i32
    %c0_i32_0 = arith.constant 0 : i32
    return %arg0, %c0_i32 : i32, i32
  }
  func.func @transform_2(%arg0: i32) -> (i32, i32) {
    %c0_i32 = arith.constant 0 : i32
    %c0_i32_0 = arith.constant 0 : i32
    return %arg0, %c0_i32 : i32, i32
  }
  func.func @transform_3(%arg0: i32) -> (i32, i32) {
    %c0_i32 = arith.constant 0 : i32
    %c0_i32_0 = arith.constant 0 : i32
    return %arg0, %c0_i32 : i32, i32
  }
}

module attributes {stable_mosaic.version = 14 : i64} {
  func.func @_tc_stage_a_body(%arg0: i32, %arg1: memref<2x1000x128xf32, #tpu.memory_space<vmem>>, %arg2: memref<1000x128xf32, #tpu.memory_space<vmem>>, %arg3: memref<1000x16xf32, #tpu.memory_space<vmem>>, %arg4: memref<128x128xf32, #tpu.memory_space<vmem>>, %arg5: memref<128x128xf32, #tpu.memory_space<vmem>>, %arg6: memref<1x128xf32, #tpu.memory_space<vmem>>, %arg7: memref<1000x128xf32, #tpu.memory_space<vmem>>, %arg8: memref<1000x128xf32, #tpu.memory_space<vmem>>) attributes {dimension_semantics = [#tpu.dimension_semantics<arbitrary>], iteration_bounds = array<i64: 10>, scalar_prefetch = 0 : i64, scratch_operands = 0 : i64, tpu.core_type = #tpu.core_type<tc>, window_params = [{transform_indices = @transform_0, window_bounds = array<i64: 2, 1000, 128>}, {transform_indices = @transform_1, window_bounds = array<i64: 1000, 128>}, {transform_indices = @transform_2, window_bounds = array<i64: 1000, 16>}, {pipeline_mode = #tpu.pipeline_mode<synchronous>, transform_indices = @transform_3, window_bounds = array<i64: 128, 128>}, {pipeline_mode = #tpu.pipeline_mode<synchronous>, transform_indices = @transform_4, window_bounds = array<i64: 128, 128>}, {pipeline_mode = #tpu.pipeline_mode<synchronous>, transform_indices = @transform_5, window_bounds = array<i64: 1, 128>}, {transform_indices = @transform_6, window_bounds = array<i64: 1000, 128>}, {transform_indices = @transform_7, window_bounds = array<i64: 1000, 128>}]} {
    %get3A = arith.constant 0 : index
    %get3A_0 = arith.constant 0 : index
    %get3A_1 = vector.load %arg3[%get3A, %get3A_0] : memref<1000x16xf32, #tpu.memory_space<vmem>>, vector<1000x1xf32>
    %get3A_2 = arith.constant 0 : index
    %get3A_3 = arith.constant 0 : index
    %get3A_4 = arith.constant 0 : index
    %get3A_5 = vector.load %arg1[%get3A_2, %get3A_3, %get3A_4] : memref<2x1000x128xf32, #tpu.memory_space<vmem>>, vector<1x1000x128xf32>
    %get3A_6 = vector.shape_cast %get3A_5 : vector<1x1000x128xf32> to vector<1000x128xf32>
    %get3A_7 = arith.constant 1 : index
    %get3A_8 = arith.constant 0 : index
    %get3A_9 = arith.constant 0 : index
    %get3A_10 = vector.load %arg1[%get3A_7, %get3A_8, %get3A_9] : memref<2x1000x128xf32, #tpu.memory_space<vmem>>, vector<1x1000x128xf32>
    %get3A_11 = vector.shape_cast %get3A_10 : vector<1x1000x128xf32> to vector<1000x128xf32>
    %add3A = arith.addf %get3A_6, %get3A_11 : vector<1000x128xf32>
    %neg3A = arith.constant 0.000000e+00 : f32
    %neg3A_12 = vector.broadcast %neg3A : f32 to vector<1000x1xf32>
    %neg3A_13 = arith.subf %neg3A_12, %get3A_1 : vector<1000x1xf32>
    %mul3A = vector.broadcast %neg3A_13 : vector<1000x1xf32> to vector<1000x128xf32>
    %mul3A_14 = arith.mulf %mul3A, %add3A : vector<1000x128xf32>
    %get3A_15 = arith.constant 0 : index
    %get3A_16 = arith.constant 0 : index
    %get3A_17 = vector.load %arg2[%get3A_15, %get3A_16] : memref<1000x128xf32, #tpu.memory_space<vmem>>, vector<1000x128xf32>
    %get3A_18 = arith.constant 0 : index
    %get3A_19 = arith.constant 0 : index
    %get3A_20 = vector.load %arg4[%get3A_18, %get3A_19] : memref<128x128xf32, #tpu.memory_space<vmem>>, vector<128x128xf32>
    %dot_general3A = arith.constant dense<0.000000e+00> : vector<1000x128xf32>
    %dot_general3A_21 = tpu.matmul %get3A_17, %get3A_20, %dot_general3A {dimension_numbers = #tpu.dot_dimension_numbers<[1], [0], [0], [1], [0, 0, 1, 1], [], []>, precision = #tpu.contract_precision<fp32>, transpose_lhs_hint = false} : vector<1000x128xf32>, vector<128x128xf32>, vector<1000x128xf32> -> vector<1000x128xf32>
    %get3A_22 = arith.constant 0 : index
    %get3A_23 = arith.constant 0 : index
    %get3A_24 = vector.load %arg5[%get3A_22, %get3A_23] : memref<128x128xf32, #tpu.memory_space<vmem>>, vector<128x128xf32>
    %dot_general3A_25 = arith.constant dense<0.000000e+00> : vector<1000x128xf32>
    %dot_general3A_26 = tpu.matmul %mul3A_14, %get3A_24, %dot_general3A_25 {dimension_numbers = #tpu.dot_dimension_numbers<[1], [0], [0], [1], [0, 0, 1, 1], [], []>, precision = #tpu.contract_precision<fp32>, transpose_lhs_hint = false} : vector<1000x128xf32>, vector<128x128xf32>, vector<1000x128xf32> -> vector<1000x128xf32>
    %add3A_27 = arith.addf %dot_general3A_21, %dot_general3A_26 : vector<1000x128xf32>
    %get3A_28 = arith.constant 0 : index
    %get3A_29 = arith.constant 0 : index
    %get3A_30 = vector.load %arg6[%get3A_28, %get3A_29] : memref<1x128xf32, #tpu.memory_space<vmem>>, vector<1x128xf32>
    %add3A_31 = vector.broadcast %get3A_30 : vector<1x128xf32> to vector<1000x128xf32>
    %add3A_32 = arith.addf %add3A_27, %add3A_31 : vector<1000x128xf32>
    %swap3A = arith.constant 0 : index
    %swap3A_33 = arith.constant 0 : index
    %swap3A_34 = vector.load %arg7[%swap3A, %swap3A_33] : memref<1000x128xf32, #tpu.memory_space<vmem>>, vector<1000x128xf32>
    tpu.vector_store %arg7[%swap3A, %swap3A_33], %add3A_32 {strides = array<i32>} : memref<1000x128xf32, #tpu.memory_space<vmem>>, vector<1000x128xf32>,
    %mul3A_35 = vector.broadcast %get3A_1 : vector<1000x1xf32> to vector<1000x128xf32>
    %mul3A_36 = arith.mulf %mul3A_35, %mul3A_14 : vector<1000x128xf32>
    %swap3A_37 = arith.constant 0 : index
    %swap3A_38 = arith.constant 0 : index
    %swap3A_39 = vector.load %arg8[%swap3A_37, %swap3A_38] : memref<1000x128xf32, #tpu.memory_space<vmem>>, vector<1000x128xf32>
    tpu.vector_store %arg8[%swap3A_37, %swap3A_38], %mul3A_36 {strides = array<i32>} : memref<1000x128xf32, #tpu.memory_space<vmem>>, vector<1000x128xf32>,
    return
  }
  func.func @transform_0(%arg0: i32) -> (i32, i32, i32) {
    %c0_i32 = arith.constant 0 : i32
    %c0_i32_0 = arith.constant 0 : i32
    %c0_i32_1 = arith.constant 0 : i32
    return %c0_i32, %arg0, %c0_i32_0 : i32, i32, i32
  }
  func.func @transform_1(%arg0: i32) -> (i32, i32) {
    %c0_i32 = arith.constant 0 : i32
    %c0_i32_0 = arith.constant 0 : i32
    return %arg0, %c0_i32 : i32, i32
  }
  func.func @transform_2(%arg0: i32) -> (i32, i32) {
    %c0_i32 = arith.constant 0 : i32
    %c0_i32_0 = arith.constant 0 : i32
    return %arg0, %c0_i32 : i32, i32
  }
  func.func @transform_3(%arg0: i32) -> (i32, i32) {
    %c0_i32 = arith.constant 0 : i32
    %c0_i32_0 = arith.constant 0 : i32
    %c0_i32_1 = arith.constant 0 : i32
    return %c0_i32, %c0_i32_0 : i32, i32
  }
  func.func @transform_4(%arg0: i32) -> (i32, i32) {
    %c0_i32 = arith.constant 0 : i32
    %c0_i32_0 = arith.constant 0 : i32
    %c0_i32_1 = arith.constant 0 : i32
    return %c0_i32, %c0_i32_0 : i32, i32
  }
  func.func @transform_5(%arg0: i32) -> (i32, i32) {
    %c0_i32 = arith.constant 0 : i32
    %c0_i32_0 = arith.constant 0 : i32
    %c0_i32_1 = arith.constant 0 : i32
    return %c0_i32, %c0_i32_0 : i32, i32
  }
  func.func @transform_6(%arg0: i32) -> (i32, i32) {
    %c0_i32 = arith.constant 0 : i32
    %c0_i32_0 = arith.constant 0 : i32
    return %arg0, %c0_i32 : i32, i32
  }
  func.func @transform_7(%arg0: i32) -> (i32, i32) {
    %c0_i32 = arith.constant 0 : i32
    %c0_i32_0 = arith.constant 0 : i32
    return %arg0, %c0_i32 : i32, i32
  }
}

module attributes {stable_mosaic.version = 14 : i64} {
  func.func @_tc_stage_b_body(%arg0: i32, %arg1: memref<2x1000x128xf32, #tpu.memory_space<vmem>>, %arg2: memref<1000x128xf32, #tpu.memory_space<vmem>>, %arg3: memref<1000x128xf32, #tpu.memory_space<vmem>>, %arg4: memref<1000x16xf32, #tpu.memory_space<vmem>>, %arg5: memref<128x128xf32, #tpu.memory_space<vmem>>, %arg6: memref<1000x128xf32, #tpu.memory_space<vmem>>, %arg7: memref<1000x128xf32, #tpu.memory_space<vmem>>) attributes {dimension_semantics = [#tpu.dimension_semantics<arbitrary>], iteration_bounds = array<i64: 10>, scalar_prefetch = 0 : i64, scratch_operands = 0 : i64, tpu.core_type = #tpu.core_type<tc>, window_params = [{transform_indices = @transform_0, window_bounds = array<i64: 2, 1000, 128>}, {transform_indices = @transform_1, window_bounds = array<i64: 1000, 128>}, {transform_indices = @transform_2, window_bounds = array<i64: 1000, 128>}, {transform_indices = @transform_3, window_bounds = array<i64: 1000, 16>}, {pipeline_mode = #tpu.pipeline_mode<synchronous>, transform_indices = @transform_4, window_bounds = array<i64: 128, 128>}, {transform_indices = @transform_5, window_bounds = array<i64: 1000, 128>}, {transform_indices = @transform_6, window_bounds = array<i64: 1000, 128>}]} {
    %get3A = arith.constant 0 : index
    %get3A_0 = arith.constant 0 : index
    %get3A_1 = vector.load %arg4[%get3A, %get3A_0] : memref<1000x16xf32, #tpu.memory_space<vmem>>, vector<1000x1xf32>
    %get3A_2 = arith.constant 0 : index
    %get3A_3 = arith.constant 0 : index
    %get3A_4 = arith.constant 0 : index
    %get3A_5 = vector.load %arg1[%get3A_2, %get3A_3, %get3A_4] : memref<2x1000x128xf32, #tpu.memory_space<vmem>>, vector<1x1000x128xf32>
    %get3A_6 = vector.shape_cast %get3A_5 : vector<1x1000x128xf32> to vector<1000x128xf32>
    %get3A_7 = arith.constant 1 : index
    %get3A_8 = arith.constant 0 : index
    %get3A_9 = arith.constant 0 : index
    %get3A_10 = vector.load %arg1[%get3A_7, %get3A_8, %get3A_9] : memref<2x1000x128xf32, #tpu.memory_space<vmem>>, vector<1x1000x128xf32>
    %get3A_11 = vector.shape_cast %get3A_10 : vector<1x1000x128xf32> to vector<1000x128xf32>
    %add3A = arith.addf %get3A_6, %get3A_11 : vector<1000x128xf32>
    %mul3A = arith.constant -2.000000e+00 : f32
    %mul3A_12 = vector.broadcast %mul3A : f32 to vector<1000x1xf32>
    %mul3A_13 = arith.mulf %mul3A_12, %get3A_1 : vector<1000x1xf32>
    %mul3A_14 = vector.broadcast %mul3A_13 : vector<1000x1xf32> to vector<1000x128xf32>
    %mul3A_15 = arith.mulf %mul3A_14, %add3A : vector<1000x128xf32>
    %get3A_16 = arith.constant 0 : index
    %get3A_17 = arith.constant 0 : index
    %get3A_18 = vector.load %arg3[%get3A_16, %get3A_17] : memref<1000x128xf32, #tpu.memory_space<vmem>>, vector<1000x128xf32>
    %sub3A = arith.subf %mul3A_15, %get3A_18 : vector<1000x128xf32>
    %get3A_19 = arith.constant 0 : index
    %get3A_20 = arith.constant 0 : index
    %get3A_21 = vector.load %arg2[%get3A_19, %get3A_20] : memref<1000x128xf32, #tpu.memory_space<vmem>>, vector<1000x128xf32>
    %get3A_22 = arith.constant 0 : index
    %get3A_23 = arith.constant 0 : index
    %get3A_24 = vector.load %arg5[%get3A_22, %get3A_23] : memref<128x128xf32, #tpu.memory_space<vmem>>, vector<128x128xf32>
    %dot_general3A = arith.constant dense<0.000000e+00> : vector<1000x128xf32>
    %dot_general3A_25 = tpu.matmul %sub3A, %get3A_24, %dot_general3A {dimension_numbers = #tpu.dot_dimension_numbers<[1], [0], [0], [1], [0, 0, 1, 1], [], []>, precision = #tpu.contract_precision<fp32>, transpose_lhs_hint = false} : vector<1000x128xf32>, vector<128x128xf32>, vector<1000x128xf32> -> vector<1000x128xf32>
    %add3A_26 = arith.addf %get3A_21, %dot_general3A_25 : vector<1000x128xf32>
    %swap3A = arith.constant 0 : index
    %swap3A_27 = arith.constant 0 : index
    %swap3A_28 = vector.load %arg6[%swap3A, %swap3A_27] : memref<1000x128xf32, #tpu.memory_space<vmem>>, vector<1000x128xf32>
    tpu.vector_store %arg6[%swap3A, %swap3A_27], %add3A_26 {strides = array<i32>} : memref<1000x128xf32, #tpu.memory_space<vmem>>, vector<1000x128xf32>,
    %mul3A_29 = vector.broadcast %get3A_1 : vector<1000x1xf32> to vector<1000x128xf32>
    %mul3A_30 = arith.mulf %mul3A_29, %add3A_26 : vector<1000x128xf32>
    %swap3A_31 = arith.constant 0 : index
    %swap3A_32 = arith.constant 0 : index
    %swap3A_33 = vector.load %arg7[%swap3A_31, %swap3A_32] : memref<1000x128xf32, #tpu.memory_space<vmem>>, vector<1000x128xf32>
    tpu.vector_store %arg7[%swap3A_31, %swap3A_32], %mul3A_30 {strides = array<i32>} : memref<1000x128xf32, #tpu.memory_space<vmem>>, vector<1000x128xf32>,
    return
  }
  func.func @transform_0(%arg0: i32) -> (i32, i32, i32) {
    %c0_i32 = arith.constant 0 : i32
    %c0_i32_0 = arith.constant 0 : i32
    %c0_i32_1 = arith.constant 0 : i32
    return %c0_i32, %arg0, %c0_i32_0 : i32, i32, i32
  }
  func.func @transform_1(%arg0: i32) -> (i32, i32) {
    %c0_i32 = arith.constant 0 : i32
    %c0_i32_0 = arith.constant 0 : i32
    return %arg0, %c0_i32 : i32, i32
  }
  func.func @transform_2(%arg0: i32) -> (i32, i32) {
    %c0_i32 = arith.constant 0 : i32
    %c0_i32_0 = arith.constant 0 : i32
    return %arg0, %c0_i32 : i32, i32
  }
  func.func @transform_3(%arg0: i32) -> (i32, i32) {
    %c0_i32 = arith.constant 0 : i32
    %c0_i32_0 = arith.constant 0 : i32
    return %arg0, %c0_i32 : i32, i32
  }
  func.func @transform_4(%arg0: i32) -> (i32, i32) {
    %c0_i32 = arith.constant 0 : i32
    %c0_i32_0 = arith.constant 0 : i32
    %c0_i32_1 = arith.constant 0 : i32
    return %c0_i32, %c0_i32_0 : i32, i32
  }
  func.func @transform_5(%arg0: i32) -> (i32, i32) {
    %c0_i32 = arith.constant 0 : i32
    %c0_i32_0 = arith.constant 0 : i32
    return %arg0, %c0_i32 : i32, i32
  }
  func.func @transform_6(%arg0: i32) -> (i32, i32) {
    %c0_i32 = arith.constant 0 : i32
    %c0_i32_0 = arith.constant 0 : i32
    return %arg0, %c0_i32 : i32, i32
  }
}

module attributes {stable_mosaic.version = 14 : i64} {
  func.func @_tc_stage_b_body(%arg0: i32, %arg1: memref<2x1000x128xf32, #tpu.memory_space<vmem>>, %arg2: memref<1000x128xf32, #tpu.memory_space<vmem>>, %arg3: memref<1000x128xf32, #tpu.memory_space<vmem>>, %arg4: memref<1000x16xf32, #tpu.memory_space<vmem>>, %arg5: memref<128x128xf32, #tpu.memory_space<vmem>>, %arg6: memref<1000x128xf32, #tpu.memory_space<vmem>>, %arg7: memref<1000x128xf32, #tpu.memory_space<vmem>>) attributes {dimension_semantics = [#tpu.dimension_semantics<arbitrary>], iteration_bounds = array<i64: 10>, scalar_prefetch = 0 : i64, scratch_operands = 0 : i64, tpu.core_type = #tpu.core_type<tc>, window_params = [{transform_indices = @transform_0, window_bounds = array<i64: 2, 1000, 128>}, {transform_indices = @transform_1, window_bounds = array<i64: 1000, 128>}, {transform_indices = @transform_2, window_bounds = array<i64: 1000, 128>}, {transform_indices = @transform_3, window_bounds = array<i64: 1000, 16>}, {pipeline_mode = #tpu.pipeline_mode<synchronous>, transform_indices = @transform_4, window_bounds = array<i64: 128, 128>}, {transform_indices = @transform_5, window_bounds = array<i64: 1000, 128>}, {transform_indices = @transform_6, window_bounds = array<i64: 1000, 128>}]} {
    %get3A = arith.constant 0 : index
    %get3A_0 = arith.constant 0 : index
    %get3A_1 = vector.load %arg4[%get3A, %get3A_0] : memref<1000x16xf32, #tpu.memory_space<vmem>>, vector<1000x1xf32>
    %get3A_2 = arith.constant 0 : index
    %get3A_3 = arith.constant 0 : index
    %get3A_4 = arith.constant 0 : index
    %get3A_5 = vector.load %arg1[%get3A_2, %get3A_3, %get3A_4] : memref<2x1000x128xf32, #tpu.memory_space<vmem>>, vector<1x1000x128xf32>
    %get3A_6 = vector.shape_cast %get3A_5 : vector<1x1000x128xf32> to vector<1000x128xf32>
    %get3A_7 = arith.constant 1 : index
    %get3A_8 = arith.constant 0 : index
    %get3A_9 = arith.constant 0 : index
    %get3A_10 = vector.load %arg1[%get3A_7, %get3A_8, %get3A_9] : memref<2x1000x128xf32, #tpu.memory_space<vmem>>, vector<1x1000x128xf32>
    %get3A_11 = vector.shape_cast %get3A_10 : vector<1x1000x128xf32> to vector<1000x128xf32>
    %add3A = arith.addf %get3A_6, %get3A_11 : vector<1000x128xf32>
    %mul3A = arith.constant -2.000000e+00 : f32
    %mul3A_12 = vector.broadcast %mul3A : f32 to vector<1000x1xf32>
    %mul3A_13 = arith.mulf %mul3A_12, %get3A_1 : vector<1000x1xf32>
    %mul3A_14 = vector.broadcast %mul3A_13 : vector<1000x1xf32> to vector<1000x128xf32>
    %mul3A_15 = arith.mulf %mul3A_14, %add3A : vector<1000x128xf32>
    %get3A_16 = arith.constant 0 : index
    %get3A_17 = arith.constant 0 : index
    %get3A_18 = vector.load %arg3[%get3A_16, %get3A_17] : memref<1000x128xf32, #tpu.memory_space<vmem>>, vector<1000x128xf32>
    %sub3A = arith.subf %mul3A_15, %get3A_18 : vector<1000x128xf32>
    %get3A_19 = arith.constant 0 : index
    %get3A_20 = arith.constant 0 : index
    %get3A_21 = vector.load %arg2[%get3A_19, %get3A_20] : memref<1000x128xf32, #tpu.memory_space<vmem>>, vector<1000x128xf32>
    %get3A_22 = arith.constant 0 : index
    %get3A_23 = arith.constant 0 : index
    %get3A_24 = vector.load %arg5[%get3A_22, %get3A_23] : memref<128x128xf32, #tpu.memory_space<vmem>>, vector<128x128xf32>
    %dot_general3A = arith.constant dense<0.000000e+00> : vector<1000x128xf32>
    %dot_general3A_25 = tpu.matmul %sub3A, %get3A_24, %dot_general3A {dimension_numbers = #tpu.dot_dimension_numbers<[1], [0], [0], [1], [0, 0, 1, 1], [], []>, precision = #tpu.contract_precision<fp32>, transpose_lhs_hint = false} : vector<1000x128xf32>, vector<128x128xf32>, vector<1000x128xf32> -> vector<1000x128xf32>
    %add3A_26 = arith.addf %get3A_21, %dot_general3A_25 : vector<1000x128xf32>
    %logistic3A = arith.negf %add3A_26 : vector<1000x128xf32>
    %logistic3A_27 = math.exp %logistic3A : vector<1000x128xf32>
    %logistic3A_28 = arith.constant 1.000000e+00 : f32
    %logistic3A_29 = vector.broadcast %logistic3A_28 : f32 to vector<1000x128xf32>
    %logistic3A_30 = arith.addf %logistic3A_29, %logistic3A_27 : vector<1000x128xf32>
    %logistic3A_31 = arith.divf %logistic3A_29, %logistic3A_30 : vector<1000x128xf32>
    %mul3A_32 = arith.mulf %add3A_26, %logistic3A_31 : vector<1000x128xf32>
    %swap3A = arith.constant 0 : index
    %swap3A_33 = arith.constant 0 : index
    %swap3A_34 = vector.load %arg6[%swap3A, %swap3A_33] : memref<1000x128xf32, #tpu.memory_space<vmem>>, vector<1000x128xf32>
    tpu.vector_store %arg6[%swap3A, %swap3A_33], %mul3A_32 {strides = array<i32>} : memref<1000x128xf32, #tpu.memory_space<vmem>>, vector<1000x128xf32>,
    %mul3A_35 = vector.broadcast %get3A_1 : vector<1000x1xf32> to vector<1000x128xf32>
    %mul3A_36 = arith.mulf %mul3A_35, %mul3A_32 : vector<1000x128xf32>
    %swap3A_37 = arith.constant 0 : index
    %swap3A_38 = arith.constant 0 : index
    %swap3A_39 = vector.load %arg7[%swap3A_37, %swap3A_38] : memref<1000x128xf32, #tpu.memory_space<vmem>>, vector<1000x128xf32>
    tpu.vector_store %arg7[%swap3A_37, %swap3A_38], %mul3A_36 {strides = array<i32>} : memref<1000x128xf32, #tpu.memory_space<vmem>>, vector<1000x128xf32>,
    return
  }
  func.func @transform_0(%arg0: i32) -> (i32, i32, i32) {
    %c0_i32 = arith.constant 0 : i32
    %c0_i32_0 = arith.constant 0 : i32
    %c0_i32_1 = arith.constant 0 : i32
    return %c0_i32, %arg0, %c0_i32_0 : i32, i32, i32
  }
  func.func @transform_1(%arg0: i32) -> (i32, i32) {
    %c0_i32 = arith.constant 0 : i32
    %c0_i32_0 = arith.constant 0 : i32
    return %arg0, %c0_i32 : i32, i32
  }
  func.func @transform_2(%arg0: i32) -> (i32, i32) {
    %c0_i32 = arith.constant 0 : i32
    %c0_i32_0 = arith.constant 0 : i32
    return %arg0, %c0_i32 : i32, i32
  }
  func.func @transform_3(%arg0: i32) -> (i32, i32) {
    %c0_i32 = arith.constant 0 : i32
    %c0_i32_0 = arith.constant 0 : i32
    return %arg0, %c0_i32 : i32, i32
  }
  func.func @transform_4(%arg0: i32) -> (i32, i32) {
    %c0_i32 = arith.constant 0 : i32
    %c0_i32_0 = arith.constant 0 : i32
    %c0_i32_1 = arith.constant 0 : i32
    return %c0_i32, %c0_i32_0 : i32, i32
  }
  func.func @transform_5(%arg0: i32) -> (i32, i32) {
    %c0_i32 = arith.constant 0 : i32
    %c0_i32_0 = arith.constant 0 : i32
    return %arg0, %c0_i32 : i32, i32
  }
  func.func @transform_6(%arg0: i32) -> (i32, i32) {
    %c0_i32 = arith.constant 0 : i32
    %c0_i32_0 = arith.constant 0 : i32
    return %arg0, %c0_i32 : i32, i32
  }
}

module attributes {stable_mosaic.version = 14 : i64} {
  func.func @_tc_stage_b_body(%arg0: i32, %arg1: memref<2x1000x128xf32, #tpu.memory_space<vmem>>, %arg2: memref<1000x128xf32, #tpu.memory_space<vmem>>, %arg3: memref<1000x128xf32, #tpu.memory_space<vmem>>, %arg4: memref<1000x16xf32, #tpu.memory_space<vmem>>, %arg5: memref<128x128xf32, #tpu.memory_space<vmem>>, %arg6: memref<1000x128xf32, #tpu.memory_space<vmem>>, %arg7: memref<1000x128xf32, #tpu.memory_space<vmem>>) attributes {dimension_semantics = [#tpu.dimension_semantics<arbitrary>], iteration_bounds = array<i64: 10>, scalar_prefetch = 0 : i64, scratch_operands = 0 : i64, tpu.core_type = #tpu.core_type<tc>, window_params = [{transform_indices = @transform_0, window_bounds = array<i64: 2, 1000, 128>}, {transform_indices = @transform_1, window_bounds = array<i64: 1000, 128>}, {transform_indices = @transform_2, window_bounds = array<i64: 1000, 128>}, {transform_indices = @transform_3, window_bounds = array<i64: 1000, 16>}, {pipeline_mode = #tpu.pipeline_mode<synchronous>, transform_indices = @transform_4, window_bounds = array<i64: 128, 128>}, {transform_indices = @transform_5, window_bounds = array<i64: 1000, 128>}, {transform_indices = @transform_6, window_bounds = array<i64: 1000, 128>}]} {
    %get3A = arith.constant 0 : index
    %get3A_0 = arith.constant 0 : index
    %get3A_1 = vector.load %arg4[%get3A, %get3A_0] : memref<1000x16xf32, #tpu.memory_space<vmem>>, vector<1000x1xf32>
    %get3A_2 = arith.constant 0 : index
    %get3A_3 = arith.constant 0 : index
    %get3A_4 = arith.constant 0 : index
    %get3A_5 = vector.load %arg1[%get3A_2, %get3A_3, %get3A_4] : memref<2x1000x128xf32, #tpu.memory_space<vmem>>, vector<1x1000x128xf32>
    %get3A_6 = vector.shape_cast %get3A_5 : vector<1x1000x128xf32> to vector<1000x128xf32>
    %get3A_7 = arith.constant 1 : index
    %get3A_8 = arith.constant 0 : index
    %get3A_9 = arith.constant 0 : index
    %get3A_10 = vector.load %arg1[%get3A_7, %get3A_8, %get3A_9] : memref<2x1000x128xf32, #tpu.memory_space<vmem>>, vector<1x1000x128xf32>
    %get3A_11 = vector.shape_cast %get3A_10 : vector<1x1000x128xf32> to vector<1000x128xf32>
    %add3A = arith.addf %get3A_6, %get3A_11 : vector<1000x128xf32>
    %mul3A = arith.constant -2.000000e+00 : f32
    %mul3A_12 = vector.broadcast %mul3A : f32 to vector<1000x1xf32>
    %mul3A_13 = arith.mulf %mul3A_12, %get3A_1 : vector<1000x1xf32>
    %mul3A_14 = vector.broadcast %mul3A_13 : vector<1000x1xf32> to vector<1000x128xf32>
    %mul3A_15 = arith.mulf %mul3A_14, %add3A : vector<1000x128xf32>
    %get3A_16 = arith.constant 0 : index
    %get3A_17 = arith.constant 0 : index
    %get3A_18 = vector.load %arg3[%get3A_16, %get3A_17] : memref<1000x128xf32, #tpu.memory_space<vmem>>, vector<1000x128xf32>
    %sub3A = arith.subf %mul3A_15, %get3A_18 : vector<1000x128xf32>
    %get3A_19 = arith.constant 0 : index
    %get3A_20 = arith.constant 0 : index
    %get3A_21 = vector.load %arg2[%get3A_19, %get3A_20] : memref<1000x128xf32, #tpu.memory_space<vmem>>, vector<1000x128xf32>
    %get3A_22 = arith.constant 0 : index
    %get3A_23 = arith.constant 0 : index
    %get3A_24 = vector.load %arg5[%get3A_22, %get3A_23] : memref<128x128xf32, #tpu.memory_space<vmem>>, vector<128x128xf32>
    %dot_general3A = arith.constant dense<0.000000e+00> : vector<1000x128xf32>
    %dot_general3A_25 = tpu.matmul %sub3A, %get3A_24, %dot_general3A {dimension_numbers = #tpu.dot_dimension_numbers<[1], [0], [0], [1], [0, 0, 1, 1], [], []>, precision = #tpu.contract_precision<fp32>, transpose_lhs_hint = false} : vector<1000x128xf32>, vector<128x128xf32>, vector<1000x128xf32> -> vector<1000x128xf32>
    %add3A_26 = arith.addf %get3A_21, %dot_general3A_25 : vector<1000x128xf32>
    %swap3A = arith.constant 0 : index
    %swap3A_27 = arith.constant 0 : index
    %swap3A_28 = vector.load %arg6[%swap3A, %swap3A_27] : memref<1000x128xf32, #tpu.memory_space<vmem>>, vector<1000x128xf32>
    tpu.vector_store %arg6[%swap3A, %swap3A_27], %add3A_26 {strides = array<i32>} : memref<1000x128xf32, #tpu.memory_space<vmem>>, vector<1000x128xf32>,
    %mul3A_29 = vector.broadcast %get3A_1 : vector<1000x1xf32> to vector<1000x128xf32>
    %mul3A_30 = arith.mulf %mul3A_29, %add3A_26 : vector<1000x128xf32>
    %swap3A_31 = arith.constant 0 : index
    %swap3A_32 = arith.constant 0 : index
    %swap3A_33 = vector.load %arg7[%swap3A_31, %swap3A_32] : memref<1000x128xf32, #tpu.memory_space<vmem>>, vector<1000x128xf32>
    tpu.vector_store %arg7[%swap3A_31, %swap3A_32], %mul3A_30 {strides = array<i32>} : memref<1000x128xf32, #tpu.memory_space<vmem>>, vector<1000x128xf32>,
    return
  }
  func.func @transform_0(%arg0: i32) -> (i32, i32, i32) {
    %c0_i32 = arith.constant 0 : i32
    %c0_i32_0 = arith.constant 0 : i32
    %c0_i32_1 = arith.constant 0 : i32
    return %c0_i32, %arg0, %c0_i32_0 : i32, i32, i32
  }
  func.func @transform_1(%arg0: i32) -> (i32, i32) {
    %c0_i32 = arith.constant 0 : i32
    %c0_i32_0 = arith.constant 0 : i32
    return %arg0, %c0_i32 : i32, i32
  }
  func.func @transform_2(%arg0: i32) -> (i32, i32) {
    %c0_i32 = arith.constant 0 : i32
    %c0_i32_0 = arith.constant 0 : i32
    return %arg0, %c0_i32 : i32, i32
  }
  func.func @transform_3(%arg0: i32) -> (i32, i32) {
    %c0_i32 = arith.constant 0 : i32
    %c0_i32_0 = arith.constant 0 : i32
    return %arg0, %c0_i32 : i32, i32
  }
  func.func @transform_4(%arg0: i32) -> (i32, i32) {
    %c0_i32 = arith.constant 0 : i32
    %c0_i32_0 = arith.constant 0 : i32
    %c0_i32_1 = arith.constant 0 : i32
    return %c0_i32, %c0_i32_0 : i32, i32
  }
  func.func @transform_5(%arg0: i32) -> (i32, i32) {
    %c0_i32 = arith.constant 0 : i32
    %c0_i32_0 = arith.constant 0 : i32
    return %arg0, %c0_i32 : i32, i32
  }
  func.func @transform_6(%arg0: i32) -> (i32, i32) {
    %c0_i32 = arith.constant 0 : i32
    %c0_i32_0 = arith.constant 0 : i32
    return %arg0, %c0_i32 : i32, i32
  }
}

module attributes {stable_mosaic.version = 14 : i64} {
  func.func @_tc_pool_body(%arg0: i32, %arg1: memref<1000x1xi32, #tpu.memory_space<vmem>>, %arg2: memref<1000x128xf32, #tpu.memory_space<vmem>>, %arg3: memref<128x32xf32, #tpu.memory_space<vmem>>, %arg4: memref<1x32xf32, #tpu.memory_space<vmem>>, %arg5: memref<32x16xf32, #tpu.memory_space<vmem>>, %arg6: memref<1x16xf32, #tpu.memory_space<vmem>>, %arg7: memref<16x16xf32, #tpu.memory_space<vmem>>, %arg8: memref<16x128xf32, #tpu.memory_space<vmem>>) attributes {dimension_semantics = [#tpu.dimension_semantics<arbitrary>], iteration_bounds = array<i64: 10>, scalar_prefetch = 0 : i64, scratch_operands = 1 : i64, tpu.core_type = #tpu.core_type<tc>, window_params = [{transform_indices = @transform_0, window_bounds = array<i64: 1000, 1>}, {transform_indices = @transform_1, window_bounds = array<i64: 1000, 128>}, {pipeline_mode = #tpu.pipeline_mode<synchronous>, transform_indices = @transform_2, window_bounds = array<i64: 128, 32>}, {pipeline_mode = #tpu.pipeline_mode<synchronous>, transform_indices = @transform_3, window_bounds = array<i64: 1, 32>}, {pipeline_mode = #tpu.pipeline_mode<synchronous>, transform_indices = @transform_4, window_bounds = array<i64: 32, 16>}, {pipeline_mode = #tpu.pipeline_mode<synchronous>, transform_indices = @transform_5, window_bounds = array<i64: 1, 16>}, {pipeline_mode = #tpu.pipeline_mode<synchronous>, transform_indices = @transform_6, window_bounds = array<i64: 16, 16>}]} {
    %eq3A = arith.constant 0 : i32
    %eq3A_0 = arith.cmpi eq, %arg0, %eq3A : i32
    %convert_element_type3A = arith.extui %eq3A_0 : i1 to i32
    %cond3A = arith.constant 0 : i32
    %cond3A_1 = arith.cmpi ne, %convert_element_type3A, %cond3A : i32
    scf.if %cond3A_1 {
      %broadcast_in_dim3A = arith.constant 0.000000e+00 : f32
      %broadcast_in_dim3A_22 = vector.broadcast %broadcast_in_dim3A : f32 to vector<16x128xf32>
      %swap3A_23 = arith.constant 0 : index
      %swap3A_24 = arith.constant 0 : index
      %swap3A_25 = vector.load %arg8[%swap3A_23, %swap3A_24] : memref<16x128xf32, #tpu.memory_space<vmem>>, vector<16x128xf32>
      tpu.vector_store %arg8[%swap3A_23, %swap3A_24], %broadcast_in_dim3A_22 {strides = array<i32>} : memref<16x128xf32, #tpu.memory_space<vmem>>, vector<16x128xf32>,
    } else {
    }
    %get3A = arith.constant 0 : index
    %get3A_2 = arith.constant 0 : index
    %get3A_3 = vector.load %arg1[%get3A, %get3A_2] : memref<1000x1xi32, #tpu.memory_space<vmem>>, vector<1000x1xi32>
    %iota3A = tpu.iota {dimensions = array<i32: 1>} : vector<1000x16xi32>
    %eq3A_4 = vector.broadcast %get3A_3 : vector<1000x1xi32> to vector<1000x16xi32>
    %eq3A_5 = arith.cmpi eq, %eq3A_4, %iota3A : vector<1000x16xi32>
    %convert_element_type3A_6 = arith.extui %eq3A_5 : vector<1000x16xi1> to vector<1000x16xi32>
    %convert_element_type3A_7 = arith.sitofp %convert_element_type3A_6 : vector<1000x16xi32> to vector<1000x16xf32>
    %get3A_8 = arith.constant 0 : index
    %get3A_9 = arith.constant 0 : index
    %get3A_10 = vector.load %arg8[%get3A_8, %get3A_9] : memref<16x128xf32, #tpu.memory_space<vmem>>, vector<16x128xf32>
    %get3A_11 = arith.constant 0 : index
    %get3A_12 = arith.constant 0 : index
    %get3A_13 = vector.load %arg2[%get3A_11, %get3A_12] : memref<1000x128xf32, #tpu.memory_space<vmem>>, vector<1000x128xf32>
    %dot_general3A = arith.constant dense<0.000000e+00> : vector<16x128xf32>
    %dot_general3A_14 = tpu.matmul %convert_element_type3A_7, %get3A_13, %dot_general3A {dimension_numbers = #tpu.dot_dimension_numbers<[0], [0], [1], [1], [0, 1, 1, 1], [], []>, precision = #tpu.contract_precision<fp32>, transpose_lhs_hint = false} : vector<1000x16xf32>, vector<1000x128xf32>, vector<16x128xf32> -> vector<16x128xf32>
    %add3A = arith.addf %get3A_10, %dot_general3A_14 : vector<16x128xf32>
    %swap3A = arith.constant 0 : index
    %swap3A_15 = arith.constant 0 : index
    %swap3A_16 = vector.load %arg8[%swap3A, %swap3A_15] : memref<16x128xf32, #tpu.memory_space<vmem>>, vector<16x128xf32>
    tpu.vector_store %arg8[%swap3A, %swap3A_15], %add3A {strides = array<i32>} : memref<16x128xf32, #tpu.memory_space<vmem>>, vector<16x128xf32>,
    %eq3A_17 = arith.constant 9 : i32
    %eq3A_18 = arith.cmpi eq, %arg0, %eq3A_17 : i32
    %convert_element_type3A_19 = arith.extui %eq3A_18 : i1 to i32
    %cond3A_20 = arith.constant 0 : i32
    %cond3A_21 = arith.cmpi ne, %convert_element_type3A_19, %cond3A_20 : i32
    scf.if %cond3A_21 {
      %get3A_22 = arith.constant 0 : index
      %get3A_23 = arith.constant 0 : index
      %get3A_24 = vector.load %arg8[%get3A_22, %get3A_23] : memref<16x128xf32, #tpu.memory_space<vmem>>, vector<16x128xf32>
      %get3A_25 = arith.constant 0 : index
      %get3A_26 = arith.constant 0 : index
      %get3A_27 = vector.load %arg3[%get3A_25, %get3A_26] : memref<128x32xf32, #tpu.memory_space<vmem>>, vector<128x32xf32>
      %dot_general3A_28 = arith.constant dense<0.000000e+00> : vector<16x32xf32>
      %dot_general3A_29 = tpu.matmul %get3A_24, %get3A_27, %dot_general3A_28 {dimension_numbers = #tpu.dot_dimension_numbers<[1], [0], [0], [1], [0, 0, 1, 1], [], []>, precision = #tpu.contract_precision<fp32>, transpose_lhs_hint = false} : vector<16x128xf32>, vector<128x32xf32>, vector<16x32xf32> -> vector<16x32xf32>
      %get3A_30 = arith.constant 0 : index
      %get3A_31 = arith.constant 0 : index
      %get3A_32 = vector.load %arg4[%get3A_30, %get3A_31] : memref<1x32xf32, #tpu.memory_space<vmem>>, vector<1x32xf32>
      %add3A_33 = vector.broadcast %get3A_32 : vector<1x32xf32> to vector<16x32xf32>
      %add3A_34 = arith.addf %dot_general3A_29, %add3A_33 : vector<16x32xf32>
      %max3A = arith.constant 0.000000e+00 : f32
      %max3A_35 = vector.broadcast %max3A : f32 to vector<16x32xf32>
      %max3A_36 = arith.maximumf %add3A_34, %max3A_35 : vector<16x32xf32>
      %get3A_37 = arith.constant 0 : index
      %get3A_38 = arith.constant 0 : index
      %get3A_39 = vector.load %arg5[%get3A_37, %get3A_38] : memref<32x16xf32, #tpu.memory_space<vmem>>, vector<32x16xf32>
      %dot_general3A_40 = arith.constant dense<0.000000e+00> : vector<16x16xf32>
      %dot_general3A_41 = tpu.matmul %max3A_36, %get3A_39, %dot_general3A_40 {dimension_numbers = #tpu.dot_dimension_numbers<[1], [0], [0], [1], [0, 0, 1, 1], [], []>, precision = #tpu.contract_precision<fp32>, transpose_lhs_hint = false} : vector<16x32xf32>, vector<32x16xf32>, vector<16x16xf32> -> vector<16x16xf32>
      %get3A_42 = arith.constant 0 : index
      %get3A_43 = arith.constant 0 : index
      %get3A_44 = vector.load %arg6[%get3A_42, %get3A_43] : memref<1x16xf32, #tpu.memory_space<vmem>>, vector<1x16xf32>
      %add3A_45 = vector.broadcast %get3A_44 : vector<1x16xf32> to vector<16x16xf32>
      %add3A_46 = arith.addf %dot_general3A_41, %add3A_45 : vector<16x16xf32>
      %swap3A_47 = arith.constant 0 : index
      %swap3A_48 = arith.constant 0 : index
      %swap3A_49 = vector.load %arg7[%swap3A_47, %swap3A_48] : memref<16x16xf32, #tpu.memory_space<vmem>>, vector<16x16xf32>
      tpu.vector_store %arg7[%swap3A_47, %swap3A_48], %add3A_46 {strides = array<i32>} : memref<16x16xf32, #tpu.memory_space<vmem>>, vector<16x16xf32>,
    } else {
    }
    return
  }
  func.func @transform_0(%arg0: i32) -> (i32, i32) {
    %c0_i32 = arith.constant 0 : i32
    %c0_i32_0 = arith.constant 0 : i32
    return %arg0, %c0_i32 : i32, i32
  }
  func.func @transform_1(%arg0: i32) -> (i32, i32) {
    %c0_i32 = arith.constant 0 : i32
    %c0_i32_0 = arith.constant 0 : i32
    return %arg0, %c0_i32 : i32, i32
  }
  func.func @transform_2(%arg0: i32) -> (i32, i32) {
    %c0_i32 = arith.constant 0 : i32
    %c0_i32_0 = arith.constant 0 : i32
    %c0_i32_1 = arith.constant 0 : i32
    return %c0_i32, %c0_i32_0 : i32, i32
  }
  func.func @transform_3(%arg0: i32) -> (i32, i32) {
    %c0_i32 = arith.constant 0 : i32
    %c0_i32_0 = arith.constant 0 : i32
    %c0_i32_1 = arith.constant 0 : i32
    return %c0_i32, %c0_i32_0 : i32, i32
  }
  func.func @transform_4(%arg0: i32) -> (i32, i32) {
    %c0_i32 = arith.constant 0 : i32
    %c0_i32_0 = arith.constant 0 : i32
    %c0_i32_1 = arith.constant 0 : i32
    return %c0_i32, %c0_i32_0 : i32, i32
  }
  func.func @transform_5(%arg0: i32) -> (i32, i32) {
    %c0_i32 = arith.constant 0 : i32
    %c0_i32_0 = arith.constant 0 : i32
    %c0_i32_1 = arith.constant 0 : i32
    return %c0_i32, %c0_i32_0 : i32, i32
  }
  func.func @transform_6(%arg0: i32) -> (i32, i32) {
    %c0_i32 = arith.constant 0 : i32
    %c0_i32_0 = arith.constant 0 : i32
    %c0_i32_1 = arith.constant 0 : i32
    return %c0_i32, %c0_i32_0 : i32, i32
  }
}

</mosaic_0001>

<sc_bundles>
// kernel: kernel.21.cloned.1.call-start
scs
__scs_entry_jumppad:
0x0: {  	(pc) =	sbr.rel $0x88, $3  }
0x1: {  	(tag) =	ssettag $0x0;
	lr =	simm.s32 $0x1  }
0x2: {  	[smem:$0x3F94] =	sst lr;
	_ =	strace $0xD0000000  }
0x3: {  	_ = 	snop  }
0x4: {  	_ = 	snop  }
0x5: {  	_ = 	snop  }
0x6: {  	_ = 	snop  }
0x7: {  	_ = 	snop  }
__scs_overlays_trampoline_lowered:
0x8: {  	[smem:$0x3FA3] =	sst s0  }
0x9: {  	[smem:$0x3FA4] =	sst s1  }
0xa: {  	[smem:$0x3FA5] =	sst s2  }
0xb: {  	[smem:$0x3FA6] =	sst s3  }
0xc: {  	[smem:$0x3FA7] =	sst s4  }
0xd: {  	[smem:$0x3FA8] =	sst s5  }
0xe: {  	[smem:$0x3FA9] =	sst s6  }
0xf: {  	[smem:$0x3FAA] =	sst s7  }
0x10: {  	[smem:$0x3FAB] =	sst s8  }
0x11: {  	[smem:$0x3FAC] =	sst s9;
	s0 =	simm.s32 @!p0 $0x0  }
0x12: {  	s1 =	sld [smem:$0x3F92];
	s0 =	simm.s32 @p0 $0x1  }
0x13: {  	[smem:$0x3FAD] =	sst s0;
	s0 =	simm.s32 @!p1 $0x0  }
0x14: {  	s2 =	sld [smem:$0x3F91];
	s0 =	simm.s32 @p1 $0x1  }
0x15: {  	[smem:$0x3FAE] =	sst s0;
	s0 =	simm.s32 @!p2 $0x0  }
0x16: {  	s3 =	sld [smem:$0x3FDB];
	s0 =	simm.s32 @p2 $0x1  }
0x17: {  	s4 =	simm.s32 $0x1BF5;
	[smem:$0x3FB0] =	sst s0  }
0x18: {  	s0 =	sld [smem:$0x3F93];
	_ =	swait.ge [sflag:s4], $0x0  }
0x19: {  	s7 =	sld [smem:$0x3F94]  }
0x1a: {  	s8 =	sadd.s32 $0xFFFFE003, lr  }
0x1b: {  	s9 =	sadd.s32 $0xFFFFFEF7, lr;
	s5 =	simm.s32 $0xFFFFFFFF;
	p2 =	slt.u32 s8, $0xFFFFF086  }
0x1c: {  	p1 =	slt.u32 s9, $0xF7A;
	s5 =	simm.s32 @!p2 $0x0  }
0x1d: {  	s5 =	simm.s32 @p1 $0x1;
	p0 =	seq.s32 s7, s2  }
0x1e: {  	s7 =	smul.u32 @!p0 $0xF7A, s2;
	p2 =	seq.s32 @!p0 s5, $0x0  }
0x1f: {  	s9 =	smul.u32 $0xF7A, s1;
	s8 =	simm.s32 @!p0 $0x1BF5;
	p2 =	por !p2, p0  }
0x20: {  	[sflag:s8] =	ssyncset.s32 @!p0 $0xFFFFF086;
	s6 =	sadd.s32 @!p0 s3, s7;
	s7 =	simm.s32 @!p0 $0x108  }
0x21: {  	s3 =	sadd.s32 s3, s9;
	s6 =	sadd.s32 @!p0 $0x88, s6;
	s7 =	simm.s32 @p2 $0x1082  }
0x22: {  	[simem:s7], [sflag:s8] =	dma.local @!p0 [hbm:s6], $0xF7A  }
0x23: {  	s9 =	sor.u32 $0xD0000000, s2;
	s6 =	simm.s32 $0x108;
	_ =	swait.ge @!p0 [sflag:s8], $0x0  }
0x24: {  	s3 =	sadd.s32 $0x88, s3;
	s6 =	simm.s32 @!p1 $0x1082;
	[sflag:s4] =	ssyncset.s32 $0xFFFFF086  }
0x25: {  	[simem:s6], [sflag:s4] =	dma.local [hbm:s3], $0xF7A  }
0x26: {  	[smem:$0x3F94] =	sst s1;
	(tag) =	ssettag s2;
	_ =	strace s9  }
0x27: {  	s1 =	sld [smem:$0x3FA4]  }
0x28: {  	s2 =	sld [smem:$0x3FA5]  }
0x29: {  	s4 =	sld [smem:$0x3FA7]  }
0x2a: {  	p0 =	seq.s32 s5, $0x0;
	s5 =	sld [smem:$0x3FA8]  }
0x2b: {  	s6 =	sld [smem:$0x3FA9]  }
0x2c: {  	s7 =	sld [smem:$0x3FAA]  }
0x2d: {  	s3 =	simm.s32 $0x108;
	s8 =	sld [smem:$0x3FAB]  }
0x2e: {  	s3 =	simm.s32 @!p0 $0x1082;
	s9 =	sld [smem:$0x3FAC]  }
0x2f: {  	lr =	sadd.s32 s0, s3;
	s0 =	sld [smem:$0x3FA3]  }
0x30: {  	s3 =	sld [smem:$0x3FA6]  }
0x31: {  	[smem:$0x3FAF] =	sst s10  }
0x32: {  	s10 =	sld [smem:$0x3FAD];
	_ =	sdelay $0x3  }
0x33: {  	p0 =	seq.s32 s10, $0x1;
	s10 =	sld [smem:$0x3FAF];
	_ =	sdelay $0x3  }
0x34: {  	[smem:$0x3FAF] =	sst s10  }
0x35: {  	s10 =	sld [smem:$0x3FAE];
	_ =	sdelay $0x3  }
0x36: {  	p1 =	seq.s32 s10, $0x1;
	s10 =	sld [smem:$0x3FAF];
	_ =	sdelay $0x3  }
0x37: {  	[smem:$0x3FAF] =	sst s10  }
0x38: {  	s10 =	sld [smem:$0x3FB0]  }
0x39: {  	_ = 	snop;
	(pc) =	sbr.ind lr, $3  }
0x3a: {  	_ = 	snop  }
0x3b: {  	_ = 	snop  }
0x3c: {  	p2 =	seq.s32 s10, $0x1;
	s10 =	sld [smem:$0x3FAF]  }
0x3d: {  	_ =	shalt  }
0x3e: {  	_ =	shalt  }
0x3f: {  	_ =	shalt  }
0x40: {  	_ =	shalt  }
0x41: {  	_ =	shalt  }
0x42: {  	_ =	shalt  }
0x43: {  	_ =	shalt  }
0x44: {  	_ =	shalt  }
0x45: {  	_ =	shalt  }
0x46: {  	_ =	shalt  }
0x47: {  	_ =	shalt  }
0x48: {  	_ =	shalt  }
0x49: {  	_ =	shalt  }
0x4a: {  	_ =	shalt  }
0x4b: {  	_ =	shalt  }
0x4c: {  	_ =	shalt  }
0x4d: {  	_ =	shalt  }
0x4e: {  	_ =	shalt  }
0x4f: {  	_ =	shalt  }
0x50: {  	_ =	shalt  }
0x51: {  	_ =	shalt  }
0x52: {  	_ =	shalt  }
0x53: {  	_ =	shalt  }
0x54: {  	_ =	shalt  }
0x55: {  	_ =	shalt  }
0x56: {  	_ =	shalt  }
0x57: {  	_ =	shalt  }
0x58: {  	_ =	shalt  }
0x59: {  	_ =	shalt  }
0x5a: {  	_ =	shalt  }
0x5b: {  	_ =	shalt  }
0x5c: {  	_ =	shalt  }
0x5d: {  	_ =	shalt  }
0x5e: {  	_ =	shalt  }
0x5f: {  	_ =	shalt  }
0x60: {  	_ =	shalt  }
0x61: {  	_ =	shalt  }
0x62: {  	_ =	shalt  }
0x63: {  	_ =	shalt  }
0x64: {  	_ =	shalt  }
0x65: {  	_ =	shalt  }
0x66: {  	_ =	shalt  }
0x67: {  	_ =	shalt  }
0x68: {  	_ =	shalt  }
0x69: {  	_ =	shalt  }
0x6a: {  	_ =	shalt  }
0x6b: {  	_ =	shalt  }
0x6c: {  	_ =	shalt  }
0x6d: {  	_ =	shalt  }
0x6e: {  	_ =	shalt  }
0x6f: {  	_ =	shalt  }
0x70: {  	_ =	shalt  }
0x71: {  	_ =	shalt  }
0x72: {  	_ =	shalt  }
0x73: {  	_ =	shalt  }
0x74: {  	_ =	shalt  }
0x75: {  	_ =	shalt  }
0x76: {  	_ =	shalt  }
0x77: {  	_ =	shalt  }
0x78: {  	_ =	shalt  }
0x79: {  	_ =	shalt  }
0x7a: {  	_ =	shalt  }
0x7b: {  	_ =	shalt  }
0x7c: {  	_ =	shalt  }
0x7d: {  	_ =	shalt  }
0x7e: {  	_ =	shalt  }
0x7f: {  	_ =	shalt  }
0x80: {  	_ =	shalt  }
0x81: {  	_ =	shalt  }
0x82: {  	_ =	shalt  }
0x83: {  	_ =	shalt  }
0x84: {  	_ =	shalt  }
0x85: {  	_ =	shalt  }
0x86: {  	_ =	shalt  }
0x87: {  	_ =	shalt  }
.Lfunc_end0:
.L_simem_size_0:
called_computation_lowered:
.L_overlay_start_0:
0x88: {  	s2 =	sld [smem:$0x3FD9]  }
0x89: {  	s3 =	sld [smem:$0x3FFE];
	_ =	sdelay $0x1  }
0x8a: {  	s1 =	srdreg.scid  }
0x8b: {  	s0 =	sand.u32 $0x1, s1  }
0x8c: {  	s16 =	sshll.u32 s0, $0xA;
	s2 =	sadd.s32 s3, s2  }
0x8d: {  	s2 =	sadd.s32 s2, s16  }
0x8e: {  	[smem:$0x3FBB] =	sst s2  }
0x8f: {  	_ = 	snop  }
0x90: {  	(tm) =	ssettm $0x1  }
0x91: {  	s17 =	sld [smem:$0x3FFB];
	_ =	sdelay $0x3  }
0x92: {  	_ =	strace s17  }
0x93: {  	s2 =	sld [smem:$0x3FFC];
	_ =	sdelay $0x3  }
0x94: {  	_ =	strace s2  }
0x95: {  	s2 =	sld [smem:$0x3FFD];
	_ =	sdelay $0x3  }
0x96: {  	_ =	strace s2  }
0x97: {  	_ =	strace $0x8FFFFFFF  }
0x98: {  	s18 =	sld [smem:$0x3FDB];
	_ =	sdelay $0x1  }
0x99: {  	s19 =	simm.s32 $_scs_section_size  }
0x9a: {  	s4 =	simm.s32 $_size__tile_overlayer_lowered;
	s5 =	simm.s32 $_tile_overlayer_lowered  }
0x9b: {  	s22 =	simm.s32 $0x1BFF;
	s21 =	sshll.u32 s5, $0x1;
	s2 =	sadd.s32 s19, s18  }
0x9c: {  	s6 =	simm.s32 $0x0;
	s20 =	sshll.u32 s4, $0x1;
	s4 =	sadd.s32 s21, s2  }
0x9d: {  	[timem:s6], [sflag:s22] =	dma.local [hbm:s4], s20  }
0x9e: {  	_ =	swait.ge [sflag:s22], s20  }
0x9f: {  	s3 =	ssub.s32 $0x0, s20;
	[sflag:s22] =	ssyncset.done $0x0  }
0xa0: {  	[sflag:s22] =	ssyncadd.s32 s3;
	_ =	sdelay $0x1  }
0xa1: {  	s23 =	simm.s32 $0x1B8B  }
0xa2: {  	_ =	swait.ge [sflag:s23], $0x1  }
0xa3: {  	[sflag:s23] =	ssyncset.done $0x0  }
0xa4: {  	s25 =	simm.s32 $0x1B8E;
	s24 =	sld [smem:$0x3FFE];
	[sflag:s23] =	ssyncadd.s32 $0xFFFFFFFF  }
0xa5: {  	s26 =	simm.s32 $execute0_lowered;
	[smem:$0x3FD2] =	sst s25  }
0xa6: {  	s4 =	sshll.u32 s26, $0x1;
	_ =	strace $0x80000046;
	[dreg:$0x1] =	wrdreg $0xFFFFFFFF  }
0xa7: {  	s28 =	simm.s32 $_size_execute0_lowered;
	s2 =	sadd.s32 s2, s4;
	[dreg:$0x0] =	wrdreg $0x0  }
0xa8: {  	s4 =	sshll.u32 s28, $0x1;
	[dreg:$0x2] =	wrdreg s2  }
0xa9: {  	[dreg:$0x3] =	wrdreg s4  }
0xaa: {  	[dreg:$0x4] =	wrdreg $0xC0  }
0xab: {  	_ =	task [dreg:s6], $0x5FFFF  }
0xac: {  	[dreg:$0x1] =	wrdreg $0xFFFFFFFF  }
0xad: {  	[dreg:$0x0] =	wrdreg $0x60  }
0xae: {  	[dreg:$0x2] =	wrdreg s24  }
0xaf: {  	[dreg:$0x3] =	wrdreg $0x80000  }
0xb0: {  	[dreg:$0x4] =	wrdreg $0x9  }
0xb1: {  	_ =	task.clear_ibuf [dreg:s6], $0x5FFFF;
	_ =	strace $0x90000046  }
0xb2: {  	s29 =	simm.s32 $0x9;
	_ =	strace $0x80000048  }
0xb3: {  	_ =	swait.ge [sflag:s29], $0x1  }
0xb4: {  	[sflag:s29] =	ssyncadd.s32 $0xFFFFFFFF  }
0xb5: {  	_ =	strace $0x90000048  }
0xb6: {  	_ =	sfence  }
0xb7: {  	s30 =	sld [smem:$0x0];
	_ =	sdelay $0x2  }
0xb8: {  	s31 =	sshll.u32 s1, $0xD;
	s1 =	sshrl.u32 s1, $0x2  }
0xb9: {  	s3 =	sand.u32 $0x4000, s31;
	s1 =	sadd.s32 s1, s30  }
0xba: {  	s0 =	sor.u32 s3, s0;
	s1 =	sshll.u32 s1, $0x11  }
0xbb: {  	s0 =	sor.u32 s1, s0  }
0xbc: {  	s0 =	sadd.s32 $0x8F2B, s0  }
0xbd: {  	[sflag:s0] =	ssyncadd.remote.s32 $0x1  }
0xbe: {  	_ =	sfence.sel $0xFFFF  }
0xbf: {  	[dreg:$0x0] =	wrdreg $0xFFFFFFFF;
	(pc) =	sbr.abs _section_cstart, $3  }
0xc0: {  	[dreg:$0x1] =	wrdreg $0xFFFFFFFF  }
0xc1: {  	_ =	task.clear_ibuf [dreg:s6], $0x2FFFF;
	_ =	strace $0x9FFFFFFF  }
0xc2: {  	(tm) =	ssettm $0x7FFFFFFF  }
0xc3: {  	_ =	shalt  }
tec
execute0_lowered:
.L_overlay_start_1:
0x0: {  	(tag) =	ssettag $0x1  }
0x1: {  	s7 =	rddreg [dreg:$0x0]  }
0x2: {  	s0 =	srdreg.scid;
	s2 =	rddreg [dreg:$0x1]  }
0x3: {  	s3 =	simm.s32 $0x0;
	s12 =	simm.s32 $0x6400;
	s6 =	sand.u32 $0x1, s0  }
0x4: {  	s13 =	simm.s32 $0x32;
	s0 =	stileid.u32;
	s5 =	smul.u32 $0x13C000, s6  }
0x5: {  	s14 =	simm.s32 $0x0;
	[smem:$0x7FF] =	sst s3;
	s8 =	smul.u32 $0x13C00, s0  }
0x6: {  	s1 =	sshll.u32 s6, $0x4;
	s10 =	smul.u32 $0x4F000, s0;
	s6 =	ssub.s32 $0x2, s6  }
0x7: {  	s31 =	sshll.u32 s0, $0x6;
	s1 =	sor.u32 s0, s1;
	s30 =	sshrl.u32 s6, $0x1  }
0x8: {  	s4 =	smul.u32 $0xC80, s1;
	s1 =	rddreg [dreg:$0x2];
	_ =	strace $0x80000047  }
0x9: {  	s8 =	sadd.s32 s8, s5;
	s5 =	sadd.s32 $0x21200, s7;
	s10 =	sshrl.u32 s10, $0x2  }
0xa: {  	s11 =	ssub.s32 s6, s30;
	s6 =	sor.u32 $0x1C01, s31;
	s8 =	sshrl.u32 s8, $0x3  }
0xb: {  	s10 =	sadd.s32 s10, s2;
	s9 =	sadd.s32 s4, s7;
	s4 =	sadd.s32 $0x23A00, s7  }
0xc: {  	s8 =	sadd.s32 s8, s7;
	s10 =	sshrl.u32 s10, $0x3;
	s7 =	sadd.s32 $0x8200, s9  }
0xd: {  	s8 =	sadd.s32 $0x23E00, s8;
	s9 =	smax.u32 s11, $0x1;
	s11 =	simm.s32 $0x1  }
.LBB2_1:
0xe: {  	[spmem:s10], [sflag:s6] =	dma.local [hbm:s5], $0x2780  }
0xf: {  	_ =	swait.ge [sflag:s11], $0x2780  }
0x10: {  	[sflag:s11] =	ssyncset.done $0x0  }
0x11: {  	[sflag:s11] =	ssyncadd.s32 $0xFFFFD880  }
0x12: {  	[tilespmem:s3], [sflag:$0x1] =	stream.linear.gather [hbm4b:s7+s3], $0x6400, $0x38;
	[tilespmem:$0x1BC00] =	vst v63  }
0x13: {  	_ =	swait.ge [sflag:s11], $0x6400  }
0x14: {  	[sflag:s11] =	ssyncset.done $0x0  }
0x15: {  	[sflag:s11] =	ssyncadd.s32 $0xFFFF9C00  }
0x16: {  	[tilespmem:s12], [sflag:$0x1] =	stream.linear.gather [hbm4b:s4+s3], $0x1900, $0x38;
	[tilespmem:$0x1BC00] =	vst v63  }
0x17: {  	_ =	swait.ge [sflag:s11], $0x1900  }
0x18: {  	[sflag:s11] =	ssyncset.done $0x0  }
0x19: {  	[sflag:s11] =	ssyncadd.s32 $0xFFFFE700  }
0x1a: {  	s15 =	simm.s32 $0x0;
	[bflag:$0x0] =	sbarrier.arrive $0xFFFF  }
0x1b: {  	[spmem:s2] =	stream.indirect.scatter.add.f32 [tilespmem:s12], [sflag:$0x1], $0x80, s15, s13, $0xb8;
	[tilespmem:$0x1BC00] =	vst v63  }
0x1c: {  	_ =	swait.ge [sflag:s11], $0x1900  }
0x1d: {  	s15 =	simm.s32 $0x200;
	[sflag:s11] =	ssyncset.done $0x0  }
.LBB2_2:
0x1e: {  	s16 =	sshra.s32 s15, $0x2;
	[sflag:s11] =	ssyncadd.s32 $0xFFFFE700;
	p0 =	sne.s32 s15, $0x18E00  }
0x1f: {  	[spmem:s2] =	stream.indirect.scatter.add.f32 [tilespmem:s12], [sflag:$0x1], $0x80, s16, s13, $0xb8;
	[tilespmem:$0x1BC00] =	vst v63  }
.Ltmp0:
0x20: {  	_ = 	snop;
	(pc) =	sbr.rel @p0 .LBB2_2-.Ltmp0, $4  }
0x21: {  	_ = 	snop  }
0x22: {  	s15 =	sadd.s32 $0x200, s15  }
0x23: {  	_ =	swait.ge [sflag:s11], $0x1900  }
0x24: {  	[sflag:s11] =	ssyncset.done $0x0  }
0x25: {  	s14 =	sadd.s32 $0x1, s14  }
0x26: {  	[sflag:s11] =	ssyncadd.s32 $0xFFFFE700;
	p0 =	sne.s32 s14, s9  }
.Ltmp1:
0x27: {  	[bflag:$0x0] =	sbarrier.arrive $0xFFFF;
	(pc) =	sbr.rel @p0 .LBB2_1-.Ltmp1, $4  }
0x28: {  	[hbm:s8], [sflag:s6] =	dma.local [spmem:s10], $0x2780  }
0x29: {  	_ =	swait.ge [sflag:s11], $0x2780  }
0x2a: {  	[sflag:s11] =	ssyncset.done $0x0  }
0x2b: {  	[sflag:s11] =	ssyncadd.s32 $0xFFFFD880  }
0x2c: {  	_ =	sfence.sel $0x180000  }
0x2d: {  	[bflag:$0x0] =	sbarrier.arrive $0xFFFF  }
0x2e: {  	p0 =	sne.s32 s0, $0x0;
	_ =	strace $0x90000047  }
0x2f: {  	s0 =	sadd.s32 @!p0 $0x100000, s1;
	[bflag:$0x2] =	sbarrier.arrive $0xFFFF  }
0x30: {  	[sflag:s0] =	ssyncadd.tile.s32 @!p0 $0x1;
	_ =	shalt  }
.Lfunc_end2:
_tile_overlayer_lowered:
.L_overlay_start_2:
0x31: {  	(tag) =	ssettag $0x2  }
0x32: {  	s0 =	rddreg [dreg:$0x0];
	s2 =	stileid.u32  }
0x33: {  	s1 =	rddreg [dreg:$0x1];
	p0 =	sne.s32 s2, $0x0  }
0x34: {  	s3 =	rddreg [dreg:$0x2];
	[bflag:$0x3] =	sbarrier.arrive $0xFFFF;
	s2 =	simm.s32 @!p0 $0x1C01  }
0x35: {  	[timem:s3], [sflag:s2] =	dma.local @!p0 [hbm:s0], s1  }
0x36: {  	s0 =	simm.s32 @!p0 $0x1  }
0x37: {  	_ =	swait.ge @!p0 [sflag:s0], s1  }
0x38: {  	s1 =	ssub.s32 @!p0 $0x0, s1;
	[sflag:s0] =	ssyncset.done @!p0 $0x0  }
0x39: {  	[sflag:s0] =	ssyncadd.s32 @!p0 s1  }
0x3a: {  	[bflag:$0x3] =	sbarrier.arrive $0xFFFF  }
0x3b: {  	_ =	shalt  }

// kernel: kernel.24.cloned.1.call-start
scs
__scs_entry_jumppad:
0x0: {  	(pc) =	sbr.rel $0x88, $3  }
0x1: {  	(tag) =	ssettag $0x0;
	lr =	simm.s32 $0x1  }
0x2: {  	[smem:$0x3F94] =	sst lr;
	_ =	strace $0xD0000000  }
0x3: {  	_ = 	snop  }
0x4: {  	_ = 	snop  }
0x5: {  	_ = 	snop  }
0x6: {  	_ = 	snop  }
0x7: {  	_ = 	snop  }
__scs_overlays_trampoline_lowered:
0x8: {  	[smem:$0x3FA3] =	sst s0  }
0x9: {  	[smem:$0x3FA4] =	sst s1  }
0xa: {  	[smem:$0x3FA5] =	sst s2  }
0xb: {  	[smem:$0x3FA6] =	sst s3  }
0xc: {  	[smem:$0x3FA7] =	sst s4  }
0xd: {  	[smem:$0x3FA8] =	sst s5  }
0xe: {  	[smem:$0x3FA9] =	sst s6  }
0xf: {  	[smem:$0x3FAA] =	sst s7  }
0x10: {  	[smem:$0x3FAB] =	sst s8  }
0x11: {  	[smem:$0x3FAC] =	sst s9;
	s0 =	simm.s32 @!p0 $0x0  }
0x12: {  	s1 =	sld [smem:$0x3F92];
	s0 =	simm.s32 @p0 $0x1  }
0x13: {  	[smem:$0x3FAD] =	sst s0;
	s0 =	simm.s32 @!p1 $0x0  }
0x14: {  	s2 =	sld [smem:$0x3F91];
	s0 =	simm.s32 @p1 $0x1  }
0x15: {  	[smem:$0x3FAE] =	sst s0;
	s0 =	simm.s32 @!p2 $0x0  }
0x16: {  	s3 =	sld [smem:$0x3FDB];
	s0 =	simm.s32 @p2 $0x1  }
0x17: {  	s4 =	simm.s32 $0x1BF5;
	[smem:$0x3FB0] =	sst s0  }
0x18: {  	s0 =	sld [smem:$0x3F93];
	_ =	swait.ge [sflag:s4], $0x0  }
0x19: {  	s7 =	sld [smem:$0x3F94]  }
0x1a: {  	s8 =	sadd.s32 $0xFFFFE003, lr  }
0x1b: {  	s9 =	sadd.s32 $0xFFFFFEF7, lr;
	s5 =	simm.s32 $0xFFFFFFFF;
	p2 =	slt.u32 s8, $0xFFFFF086  }
0x1c: {  	p1 =	slt.u32 s9, $0xF7A;
	s5 =	simm.s32 @!p2 $0x0  }
0x1d: {  	s5 =	simm.s32 @p1 $0x1;
	p0 =	seq.s32 s7, s2  }
0x1e: {  	s7 =	smul.u32 @!p0 $0xF7A, s2;
	p2 =	seq.s32 @!p0 s5, $0x0  }
0x1f: {  	s9 =	smul.u32 $0xF7A, s1;
	s8 =	simm.s32 @!p0 $0x1BF5;
	p2 =	por !p2, p0  }
0x20: {  	[sflag:s8] =	ssyncset.s32 @!p0 $0xFFFFF086;
	s6 =	sadd.s32 @!p0 s3, s7;
	s7 =	simm.s32 @!p0 $0x108  }
0x21: {  	s3 =	sadd.s32 s3, s9;
	s6 =	sadd.s32 @!p0 $0x88, s6;
	s7 =	simm.s32 @p2 $0x1082  }
0x22: {  	[simem:s7], [sflag:s8] =	dma.local @!p0 [hbm:s6], $0xF7A  }
0x23: {  	s9 =	sor.u32 $0xD0000000, s2;
	s6 =	simm.s32 $0x108;
	_ =	swait.ge @!p0 [sflag:s8], $0x0  }
0x24: {  	s3 =	sadd.s32 $0x88, s3;
	s6 =	simm.s32 @!p1 $0x1082;
	[sflag:s4] =	ssyncset.s32 $0xFFFFF086  }
0x25: {  	[simem:s6], [sflag:s4] =	dma.local [hbm:s3], $0xF7A  }
0x26: {  	[smem:$0x3F94] =	sst s1;
	(tag) =	ssettag s2;
	_ =	strace s9  }
0x27: {  	s1 =	sld [smem:$0x3FA4]  }
0x28: {  	s2 =	sld [smem:$0x3FA5]  }
0x29: {  	s4 =	sld [smem:$0x3FA7]  }
0x2a: {  	p0 =	seq.s32 s5, $0x0;
	s5 =	sld [smem:$0x3FA8]  }
0x2b: {  	s6 =	sld [smem:$0x3FA9]  }
0x2c: {  	s7 =	sld [smem:$0x3FAA]  }
0x2d: {  	s3 =	simm.s32 $0x108;
	s8 =	sld [smem:$0x3FAB]  }
0x2e: {  	s3 =	simm.s32 @!p0 $0x1082;
	s9 =	sld [smem:$0x3FAC]  }
0x2f: {  	lr =	sadd.s32 s0, s3;
	s0 =	sld [smem:$0x3FA3]  }
0x30: {  	s3 =	sld [smem:$0x3FA6]  }
0x31: {  	[smem:$0x3FAF] =	sst s10  }
0x32: {  	s10 =	sld [smem:$0x3FAD];
	_ =	sdelay $0x3  }
0x33: {  	p0 =	seq.s32 s10, $0x1;
	s10 =	sld [smem:$0x3FAF];
	_ =	sdelay $0x3  }
0x34: {  	[smem:$0x3FAF] =	sst s10  }
0x35: {  	s10 =	sld [smem:$0x3FAE];
	_ =	sdelay $0x3  }
0x36: {  	p1 =	seq.s32 s10, $0x1;
	s10 =	sld [smem:$0x3FAF];
	_ =	sdelay $0x3  }
0x37: {  	[smem:$0x3FAF] =	sst s10  }
0x38: {  	s10 =	sld [smem:$0x3FB0]  }
0x39: {  	_ = 	snop;
	(pc) =	sbr.ind lr, $3  }
0x3a: {  	_ = 	snop  }
0x3b: {  	_ = 	snop  }
0x3c: {  	p2 =	seq.s32 s10, $0x1;
	s10 =	sld [smem:$0x3FAF]  }
0x3d: {  	_ =	shalt  }
0x3e: {  	_ =	shalt  }
0x3f: {  	_ =	shalt  }
0x40: {  	_ =	shalt  }
0x41: {  	_ =	shalt  }
0x42: {  	_ =	shalt  }
0x43: {  	_ =	shalt  }
0x44: {  	_ =	shalt  }
0x45: {  	_ =	shalt  }
0x46: {  	_ =	shalt  }
0x47: {  	_ =	shalt  }
0x48: {  	_ =	shalt  }
0x49: {  	_ =	shalt  }
0x4a: {  	_ =	shalt  }
0x4b: {  	_ =	shalt  }
0x4c: {  	_ =	shalt  }
0x4d: {  	_ =	shalt  }
0x4e: {  	_ =	shalt  }
0x4f: {  	_ =	shalt  }
0x50: {  	_ =	shalt  }
0x51: {  	_ =	shalt  }
0x52: {  	_ =	shalt  }
0x53: {  	_ =	shalt  }
0x54: {  	_ =	shalt  }
0x55: {  	_ =	shalt  }
0x56: {  	_ =	shalt  }
0x57: {  	_ =	shalt  }
0x58: {  	_ =	shalt  }
0x59: {  	_ =	shalt  }
0x5a: {  	_ =	shalt  }
0x5b: {  	_ =	shalt  }
0x5c: {  	_ =	shalt  }
0x5d: {  	_ =	shalt  }
0x5e: {  	_ =	shalt  }
0x5f: {  	_ =	shalt  }
0x60: {  	_ =	shalt  }
0x61: {  	_ =	shalt  }
0x62: {  	_ =	shalt  }
0x63: {  	_ =	shalt  }
0x64: {  	_ =	shalt  }
0x65: {  	_ =	shalt  }
0x66: {  	_ =	shalt  }
0x67: {  	_ =	shalt  }
0x68: {  	_ =	shalt  }
0x69: {  	_ =	shalt  }
0x6a: {  	_ =	shalt  }
0x6b: {  	_ =	shalt  }
0x6c: {  	_ =	shalt  }
0x6d: {  	_ =	shalt  }
0x6e: {  	_ =	shalt  }
0x6f: {  	_ =	shalt  }
0x70: {  	_ =	shalt  }
0x71: {  	_ =	shalt  }
0x72: {  	_ =	shalt  }
0x73: {  	_ =	shalt  }
0x74: {  	_ =	shalt  }
0x75: {  	_ =	shalt  }
0x76: {  	_ =	shalt  }
0x77: {  	_ =	shalt  }
0x78: {  	_ =	shalt  }
0x79: {  	_ =	shalt  }
0x7a: {  	_ =	shalt  }
0x7b: {  	_ =	shalt  }
0x7c: {  	_ =	shalt  }
0x7d: {  	_ =	shalt  }
0x7e: {  	_ =	shalt  }
0x7f: {  	_ =	shalt  }
0x80: {  	_ =	shalt  }
0x81: {  	_ =	shalt  }
0x82: {  	_ =	shalt  }
0x83: {  	_ =	shalt  }
0x84: {  	_ =	shalt  }
0x85: {  	_ =	shalt  }
0x86: {  	_ =	shalt  }
0x87: {  	_ =	shalt  }
.Lfunc_end0:
.L_simem_size_0:
called_computation.1_lowered:
.L_overlay_start_0:
0x88: {  	s2 =	sld [smem:$0x3FD9]  }
0x89: {  	s3 =	sld [smem:$0x3FFE];
	_ =	sdelay $0x1  }
0x8a: {  	s1 =	srdreg.scid  }
0x8b: {  	s0 =	sand.u32 $0x1, s1  }
0x8c: {  	s16 =	sshll.u32 s0, $0xA;
	s2 =	sadd.s32 s3, s2  }
0x8d: {  	s2 =	sadd.s32 s2, s16  }
0x8e: {  	[smem:$0x3FBB] =	sst s2  }
0x8f: {  	_ = 	snop  }
0x90: {  	(tm) =	ssettm $0x1  }
0x91: {  	s17 =	sld [smem:$0x3FFB];
	_ =	sdelay $0x3  }
0x92: {  	_ =	strace s17  }
0x93: {  	s2 =	sld [smem:$0x3FFC];
	_ =	sdelay $0x3  }
0x94: {  	_ =	strace s2  }
0x95: {  	s2 =	sld [smem:$0x3FFD];
	_ =	sdelay $0x3  }
0x96: {  	_ =	strace s2  }
0x97: {  	_ =	strace $0x8FFFFFFF  }
0x98: {  	s18 =	sld [smem:$0x3FDB];
	_ =	sdelay $0x1  }
0x99: {  	s19 =	simm.s32 $_scs_section_size  }
0x9a: {  	s4 =	simm.s32 $_size__tile_overlayer_lowered;
	s5 =	simm.s32 $_tile_overlayer_lowered  }
0x9b: {  	s22 =	simm.s32 $0x1BFF;
	s21 =	sshll.u32 s5, $0x1;
	s2 =	sadd.s32 s19, s18  }
0x9c: {  	s6 =	simm.s32 $0x0;
	s20 =	sshll.u32 s4, $0x1;
	s4 =	sadd.s32 s21, s2  }
0x9d: {  	[timem:s6], [sflag:s22] =	dma.local [hbm:s4], s20  }
0x9e: {  	_ =	swait.ge [sflag:s22], s20  }
0x9f: {  	s3 =	ssub.s32 $0x0, s20;
	[sflag:s22] =	ssyncset.done $0x0  }
0xa0: {  	[sflag:s22] =	ssyncadd.s32 s3;
	_ =	sdelay $0x1  }
0xa1: {  	s23 =	simm.s32 $0x1B8B  }
0xa2: {  	_ =	swait.ge [sflag:s23], $0x1  }
0xa3: {  	[sflag:s23] =	ssyncset.done $0x0  }
0xa4: {  	s25 =	simm.s32 $0x1B8E;
	s24 =	sld [smem:$0x3FFE];
	[sflag:s23] =	ssyncadd.s32 $0xFFFFFFFF  }
0xa5: {  	s26 =	simm.s32 $execute0_lowered;
	[smem:$0x3FD2] =	sst s25  }
0xa6: {  	s4 =	sshll.u32 s26, $0x1;
	_ =	strace $0x80000049;
	[dreg:$0x1] =	wrdreg $0xFFFFFFFF  }
0xa7: {  	s28 =	simm.s32 $_size_execute0_lowered;
	s2 =	sadd.s32 s2, s4;
	[dreg:$0x0] =	wrdreg $0x0  }
0xa8: {  	s4 =	sshll.u32 s28, $0x1;
	[dreg:$0x2] =	wrdreg s2  }
0xa9: {  	[dreg:$0x3] =	wrdreg s4  }
0xaa: {  	[dreg:$0x4] =	wrdreg $0xC0  }
0xab: {  	_ =	task [dreg:s6], $0x5FFFF  }
0xac: {  	[dreg:$0x1] =	wrdreg $0xFFFFFFFF  }
0xad: {  	[dreg:$0x0] =	wrdreg $0x60  }
0xae: {  	[dreg:$0x2] =	wrdreg s24  }
0xaf: {  	[dreg:$0x3] =	wrdreg $0x6C000  }
0xb0: {  	[dreg:$0x4] =	wrdreg $0x9  }
0xb1: {  	_ =	task.clear_ibuf [dreg:s6], $0x5FFFF;
	_ =	strace $0x90000049  }
0xb2: {  	s29 =	simm.s32 $0x9;
	_ =	strace $0x8000004B  }
0xb3: {  	_ =	swait.ge [sflag:s29], $0x1  }
0xb4: {  	[sflag:s29] =	ssyncadd.s32 $0xFFFFFFFF  }
0xb5: {  	_ =	strace $0x9000004B  }
0xb6: {  	_ =	sfence  }
0xb7: {  	s30 =	sld [smem:$0x0];
	_ =	sdelay $0x2  }
0xb8: {  	s31 =	sshll.u32 s1, $0xD;
	s1 =	sshrl.u32 s1, $0x2  }
0xb9: {  	s3 =	sand.u32 $0x4000, s31;
	s1 =	sadd.s32 s1, s30  }
0xba: {  	s0 =	sor.u32 s3, s0;
	s1 =	sshll.u32 s1, $0x11  }
0xbb: {  	s0 =	sor.u32 s1, s0  }
0xbc: {  	s0 =	sadd.s32 $0x8F2B, s0  }
0xbd: {  	[sflag:s0] =	ssyncadd.remote.s32 $0x1  }
0xbe: {  	_ =	sfence.sel $0xFFFF  }
0xbf: {  	[dreg:$0x0] =	wrdreg $0xFFFFFFFF;
	(pc) =	sbr.abs _section_cstart, $3  }
0xc0: {  	[dreg:$0x1] =	wrdreg $0xFFFFFFFF  }
0xc1: {  	_ =	task.clear_ibuf [dreg:s6], $0x2FFFF;
	_ =	strace $0x9FFFFFFF  }
0xc2: {  	(tm) =	ssettm $0x7FFFFFFF  }
0xc3: {  	_ =	shalt  }
tec
execute0_lowered:
.L_overlay_start_1:
0x0: {  	(tag) =	ssettag $0x1  }
0x1: {  	s6 =	rddreg [dreg:$0x0]  }
0x2: {  	s1 =	rddreg [dreg:$0x1]  }
0x3: {  	s0 =	rddreg [dreg:$0x2];
	s3 =	simm.s32 $0x0;
	s2 =	srdreg.scid  }
0x4: {  	s16 =	simm.s32 $0x64;
	s17 =	simm.s32 $0x3800;
	s18 =	simm.s32 $0x1  }
0x5: {  	s19 =	simm.s32 $0x0;
	[smem:$0x7FF] =	sst s3;
	s7 =	sand.u32 $0x1, s2  }
0x6: {  	s2 =	stileid.u32;
	s4 =	sadd.s32 $0x23A00, s6;
	s10 =	sadd.s32 $0x72E00, s6  }
0x7: {  	s11 =	sadd.s32 $0x80E00, s6;
	s5 =	sadd.s32 $0x21200, s6;
	s8 =	smul.u32 $0x13C000, s7  }
0x8: {  	_ =	strace $0x8000004A;
	s9 =	smul.u32 $0x13C00, s2;
	s26 =	sshll.u32 s7, $0x4  }
0x9: {  	s7 =	ssub.s32 $0x2, s7;
	s12 =	smul.u32 $0x4F000, s2;
	s29 =	sshll.u32 s2, $0x6  }
0xa: {  	s13 =	sshrl.u32 s7, $0x1;
	s8 =	sadd.s32 s9, s8;
	s9 =	sor.u32 s2, s26  }
0xb: {  	s13 =	ssub.s32 s7, s13;
	s28 =	sshrl.u32 s12, $0x2;
	s9 =	smul.u32 $0x3800, s9  }
0xc: {  	s8 =	sshrl.u32 s8, $0x3;
	s15 =	sadd.s32 s28, s1;
	s12 =	smax.u32 s13, $0x1  }
0xd: {  	s14 =	sadd.s32 s8, s6;
	s6 =	sor.u32 $0x1C02, s29;
	s30 =	sshrl.u32 s9, $0x3  }
0xe: {  	s13 =	sshrl.u32 s15, $0x3;
	s15 =	simm.s32 $0x1C00;
	s31 =	sadd.s32 $0x380, s30  }
0xf: {  	s7 =	sadd.s32 s10, s30;
	s8 =	sadd.s32 s11, s30;
	s9 =	sadd.s32 s10, s31  }
0x10: {  	s10 =	sadd.s32 s11, s31;
	s11 =	sadd.s32 $0x8EE00, s14;
	s14 =	simm.s32 $0x2  }
.LBB2_1:
0x11: {  	[spmem:s13], [sflag:s6] =	dma.local [hbm:s5], $0x2780  }
0x12: {  	_ =	swait.ge [sflag:s14], $0x2780  }
0x13: {  	[sflag:s14] =	ssyncset.done $0x0  }
0x14: {  	[sflag:s14] =	ssyncadd.s32 $0xFFFFD880  }
0x15: {  	[bflag:$0x0] =	sbarrier.arrive $0xFFFF  }
0x16: {  	[tilespmem:s3], [sflag:$0x2] =	stream.linear.gather [hbm4b:s7+s3], $0x1900, $0x38;
	[tilespmem:$0x1A800] =	vst v63  }
0x17: {  	_ =	swait.ge [sflag:s14], $0x1900  }
0x18: {  	[sflag:s14] =	ssyncset.done $0x0  }
0x19: {  	[sflag:s14] =	ssyncadd.s32 $0xFFFFE700  }
0x1a: {  	[tilespmem:s15], [sflag:$0x2] =	stream.linear.gather [hbm4b:s8+s3], $0x1900, $0x38;
	[tilespmem:$0x1A800] =	vst v63  }
0x1b: {  	_ =	swait.ge [sflag:s14], $0x1900  }
0x1c: {  	[sflag:s14] =	ssyncset.done $0x0  }
0x1d: {  	s20 =	simm.s32 $0x0;
	[sflag:s14] =	ssyncadd.s32 $0xFFFFE700  }
0x1e: {  	[tilespmem:s17], [sflag:$0x1] =	stream.indirect.gather [hbm4b:s4+s16], $0x80, s20, s16, $0xb8;
	[tilespmem:$0x1A800] =	vst v63  }
0x1f: {  	_ =	swait.ge [sflag:s18], $0x3200  }
0x20: {  	[sflag:s18] =	ssyncset.done $0x0  }
0x21: {  	s31 =	simm.s32 $0x1C00;
	[sflag:s18] =	ssyncadd.s32 $0xFFFFCE00  }
0x22: {  	[spmem:s1] =	stream.indirect.scatter.add.f32 [tilespmem:s17], [sflag:$0x2], $0x80, s31, s16, $0xb8;
	[tilespmem:$0x1A800] =	vst v63  }
0x23: {  	_ =	swait.ge [sflag:s14], $0x3200  }
0x24: {  	s21 =	simm.s32 $0x400;
	s20 =	simm.s32 $0x200;
	[sflag:s14] =	ssyncset.done $0x0  }
.LBB2_2:
0x25: {  	s22 =	sshra.s32 s20, $0x2  }
0x26: {  	[sflag:s14] =	ssyncadd.s32 $0xFFFFCE00;
	s20 =	smov.u32 s21;
	s23 =	sadd.s32 $0x200, s21  }
0x27: {  	[tilespmem:s17], [sflag:$0x1] =	stream.indirect.gather [hbm4b:s4+s16], $0x80, s22, s16, $0xb8;
	[tilespmem:$0x1A800] =	vst v63  }
0x28: {  	p0 =	sne.s32 s21, $0x6200;
	_ =	swait.ge [sflag:s18], $0x3200  }
.Ltmp0:
0x29: {  	[sflag:s18] =	ssyncset.done $0x0;
	(pc) =	sbr.rel @p0 .LBB2_2-.Ltmp0, $4  }
0x2a: {  	s21 =	sadd.s32 $0x1C00, s22;
	[sflag:s18] =	ssyncadd.s32 $0xFFFFCE00  }
0x2b: {  	[spmem:s1] =	stream.indirect.scatter.add.f32 [tilespmem:s17], [sflag:$0x2], $0x80, s21, s16, $0xb8;
	[tilespmem:$0x1A800] =	vst v63  }
0x2c: {  	_ =	swait.ge [sflag:s14], $0x3200  }
0x2d: {  	s21 =	smov.u32 s23;
	[sflag:s14] =	ssyncset.done $0x0  }
0x2e: {  	s20 =	sshra.s32 s20, $0x2;
	[sflag:s14] =	ssyncadd.s32 $0xFFFFCE00  }
0x2f: {  	[tilespmem:s17], [sflag:$0x1] =	stream.indirect.gather [hbm4b:s4+s16], $0x80, s20, s16, $0xb8;
	[tilespmem:$0x1A800] =	vst v63  }
0x30: {  	_ =	swait.ge [sflag:s18], $0x3200  }
0x31: {  	[sflag:s18] =	ssyncset.done $0x0  }
0x32: {  	s20 =	sadd.s32 $0x1C00, s20;
	[sflag:s18] =	ssyncadd.s32 $0xFFFFCE00  }
0x33: {  	[spmem:s1] =	stream.indirect.scatter.add.f32 [tilespmem:s17], [sflag:$0x2], $0x80, s20, s16, $0xb8;
	[tilespmem:$0x1A800] =	vst v63  }
0x34: {  	_ =	swait.ge [sflag:s14], $0x3200  }
0x35: {  	[sflag:s14] =	ssyncset.done $0x0  }
0x36: {  	s29 =	simm.s32 $0x0;
	[sflag:s14] =	ssyncadd.s32 $0xFFFFCE00  }
0x37: {  	[tilespmem:s29], [sflag:$0x2] =	stream.linear.gather [hbm4b:s9+s29], $0x1900, $0x38;
	[tilespmem:$0x1A800] =	vst v63  }
0x38: {  	_ =	swait.ge [sflag:s14], $0x1900  }
0x39: {  	[sflag:s14] =	ssyncset.done $0x0  }
0x3a: {  	[sflag:s14] =	ssyncadd.s32 $0xFFFFE700  }
0x3b: {  	[tilespmem:s15], [sflag:$0x2] =	stream.linear.gather [hbm4b:s10+s29], $0x1900, $0x38;
	[tilespmem:$0x1A800] =	vst v63  }
0x3c: {  	_ =	swait.ge [sflag:s14], $0x1900  }
0x3d: {  	[sflag:s14] =	ssyncset.done $0x0  }
0x3e: {  	s30 =	simm.s32 $0x0;
	[sflag:s14] =	ssyncadd.s32 $0xFFFFE700  }
0x3f: {  	[tilespmem:s17], [sflag:$0x1] =	stream.indirect.gather [hbm4b:s4+s16], $0x80, s30, s16, $0xb8;
	[tilespmem:$0x1A800] =	vst v63  }
0x40: {  	_ =	swait.ge [sflag:s18], $0x3200  }
0x41: {  	[sflag:s18] =	ssyncset.done $0x0  }
0x42: {  	s31 =	simm.s32 $0x1C00;
	[sflag:s18] =	ssyncadd.s32 $0xFFFFCE00  }
0x43: {  	[spmem:s1] =	stream.indirect.scatter.add.f32 [tilespmem:s17], [sflag:$0x2], $0x80, s31, s16, $0xb8;
	[tilespmem:$0x1A800] =	vst v63  }
0x44: {  	_ =	swait.ge [sflag:s14], $0x3200  }
0x45: {  	s21 =	simm.s32 $0x400;
	s20 =	simm.s32 $0x200;
	[sflag:s14] =	ssyncset.done $0x0  }
.LBB2_4:
0x46: {  	s22 =	sshra.s32 s20, $0x2  }
0x47: {  	[sflag:s14] =	ssyncadd.s32 $0xFFFFCE00;
	s20 =	smov.u32 s21;
	s23 =	sadd.s32 $0x200, s21  }
0x48: {  	[tilespmem:s17], [sflag:$0x1] =	stream.indirect.gather [hbm4b:s4+s16], $0x80, s22, s16, $0xb8;
	[tilespmem:$0x1A800] =	vst v63  }
0x49: {  	p0 =	sne.s32 s21, $0x6200;
	_ =	swait.ge [sflag:s18], $0x3200  }
.Ltmp1:
0x4a: {  	[sflag:s18] =	ssyncset.done $0x0;
	(pc) =	sbr.rel @p0 .LBB2_4-.Ltmp1, $4  }
0x4b: {  	s21 =	sadd.s32 $0x1C00, s22;
	[sflag:s18] =	ssyncadd.s32 $0xFFFFCE00  }
0x4c: {  	[spmem:s1] =	stream.indirect.scatter.add.f32 [tilespmem:s17], [sflag:$0x2], $0x80, s21, s16, $0xb8;
	[tilespmem:$0x1A800] =	vst v63  }
0x4d: {  	_ =	swait.ge [sflag:s14], $0x3200  }
0x4e: {  	s21 =	smov.u32 s23;
	[sflag:s14] =	ssyncset.done $0x0  }
0x4f: {  	s20 =	sshra.s32 s20, $0x2;
	[sflag:s14] =	ssyncadd.s32 $0xFFFFCE00  }
0x50: {  	[tilespmem:s17], [sflag:$0x1] =	stream.indirect.gather [hbm4b:s4+s16], $0x80, s20, s16, $0xb8;
	[tilespmem:$0x1A800] =	vst v63  }
0x51: {  	_ =	swait.ge [sflag:s18], $0x3200  }
0x52: {  	[sflag:s18] =	ssyncset.done $0x0  }
0x53: {  	s20 =	sadd.s32 $0x1C00, s20;
	[sflag:s18] =	ssyncadd.s32 $0xFFFFCE00  }
0x54: {  	[spmem:s1] =	stream.indirect.scatter.add.f32 [tilespmem:s17], [sflag:$0x2], $0x80, s20, s16, $0xb8;
	[tilespmem:$0x1A800] =	vst v63  }
0x55: {  	_ =	swait.ge [sflag:s14], $0x3200  }
0x56: {  	s19 =	sadd.s32 $0x1, s19;
	[sflag:s14] =	ssyncset.done $0x0  }
0x57: {  	p0 =	sne.s32 s19, s12;
	[sflag:s14] =	ssyncadd.s32 $0xFFFFCE00  }
.Ltmp2:
0x58: {  	[bflag:$0x0] =	sbarrier.arrive $0xFFFF;
	(pc) =	sbr.rel @p0 .LBB2_1-.Ltmp2, $4  }
0x59: {  	[hbm:s11], [sflag:s6] =	dma.local [spmem:s13], $0x2780  }
0x5a: {  	_ =	swait.ge [sflag:s14], $0x2780  }
0x5b: {  	[sflag:s14] =	ssyncset.done $0x0  }
0x5c: {  	[sflag:s14] =	ssyncadd.s32 $0xFFFFD880  }
0x5d: {  	_ =	sfence.sel $0x180000  }
0x5e: {  	[bflag:$0x0] =	sbarrier.arrive $0xFFFF  }
0x5f: {  	p0 =	sne.s32 s2, $0x0;
	_ =	strace $0x9000004A  }
0x60: {  	s0 =	sadd.s32 @!p0 $0x100000, s0;
	[bflag:$0x2] =	sbarrier.arrive $0xFFFF  }
0x61: {  	[sflag:s0] =	ssyncadd.tile.s32 @!p0 $0x1;
	_ =	shalt  }
.Lfunc_end2:
_tile_overlayer_lowered:
.L_overlay_start_2:
0x62: {  	(tag) =	ssettag $0x2  }
0x63: {  	s0 =	rddreg [dreg:$0x0];
	s2 =	stileid.u32  }
0x64: {  	s1 =	rddreg [dreg:$0x1];
	p0 =	sne.s32 s2, $0x0  }
0x65: {  	s3 =	rddreg [dreg:$0x2];
	[bflag:$0x3] =	sbarrier.arrive $0xFFFF;
	s2 =	simm.s32 @!p0 $0x1C02  }
0x66: {  	[timem:s3], [sflag:s2] =	dma.local @!p0 [hbm:s0], s1  }
0x67: {  	s0 =	simm.s32 @!p0 $0x2  }
0x68: {  	_ =	swait.ge @!p0 [sflag:s0], s1  }
0x69: {  	s1 =	ssub.s32 @!p0 $0x0, s1;
	[sflag:s0] =	ssyncset.done @!p0 $0x0  }
0x6a: {  	[sflag:s0] =	ssyncadd.s32 @!p0 s1  }
0x6b: {  	[bflag:$0x3] =	sbarrier.arrive $0xFFFF  }
0x6c: {  	_ =	shalt  }

// kernel: kernel.27.cloned.1.call-start
scs
__scs_entry_jumppad:
0x0: {  	(pc) =	sbr.rel $0x88, $3  }
0x1: {  	(tag) =	ssettag $0x0;
	lr =	simm.s32 $0x1  }
0x2: {  	[smem:$0x3F94] =	sst lr;
	_ =	strace $0xD0000000  }
0x3: {  	_ = 	snop  }
0x4: {  	_ = 	snop  }
0x5: {  	_ = 	snop  }
0x6: {  	_ = 	snop  }
0x7: {  	_ = 	snop  }
__scs_overlays_trampoline_lowered:
0x8: {  	[smem:$0x3FA3] =	sst s0  }
0x9: {  	[smem:$0x3FA4] =	sst s1  }
0xa: {  	[smem:$0x3FA5] =	sst s2  }
0xb: {  	[smem:$0x3FA6] =	sst s3  }
0xc: {  	[smem:$0x3FA7] =	sst s4  }
0xd: {  	[smem:$0x3FA8] =	sst s5  }
0xe: {  	[smem:$0x3FA9] =	sst s6  }
0xf: {  	[smem:$0x3FAA] =	sst s7  }
0x10: {  	[smem:$0x3FAB] =	sst s8  }
0x11: {  	[smem:$0x3FAC] =	sst s9;
	s0 =	simm.s32 @!p0 $0x0  }
0x12: {  	s1 =	sld [smem:$0x3F92];
	s0 =	simm.s32 @p0 $0x1  }
0x13: {  	[smem:$0x3FAD] =	sst s0;
	s0 =	simm.s32 @!p1 $0x0  }
0x14: {  	s2 =	sld [smem:$0x3F91];
	s0 =	simm.s32 @p1 $0x1  }
0x15: {  	[smem:$0x3FAE] =	sst s0;
	s0 =	simm.s32 @!p2 $0x0  }
0x16: {  	s3 =	sld [smem:$0x3FDB];
	s0 =	simm.s32 @p2 $0x1  }
0x17: {  	s4 =	simm.s32 $0x1BF5;
	[smem:$0x3FB0] =	sst s0  }
0x18: {  	s0 =	sld [smem:$0x3F93];
	_ =	swait.ge [sflag:s4], $0x0  }
0x19: {  	s7 =	sld [smem:$0x3F94]  }
0x1a: {  	s8 =	sadd.s32 $0xFFFFE003, lr  }
0x1b: {  	s9 =	sadd.s32 $0xFFFFFEF7, lr;
	s5 =	simm.s32 $0xFFFFFFFF;
	p2 =	slt.u32 s8, $0xFFFFF086  }
0x1c: {  	p1 =	slt.u32 s9, $0xF7A;
	s5 =	simm.s32 @!p2 $0x0  }
0x1d: {  	s5 =	simm.s32 @p1 $0x1;
	p0 =	seq.s32 s7, s2  }
0x1e: {  	s7 =	smul.u32 @!p0 $0xF7A, s2;
	p2 =	seq.s32 @!p0 s5, $0x0  }
0x1f: {  	s9 =	smul.u32 $0xF7A, s1;
	s8 =	simm.s32 @!p0 $0x1BF5;
	p2 =	por !p2, p0  }
0x20: {  	[sflag:s8] =	ssyncset.s32 @!p0 $0xFFFFF086;
	s6 =	sadd.s32 @!p0 s3, s7;
	s7 =	simm.s32 @!p0 $0x108  }
0x21: {  	s3 =	sadd.s32 s3, s9;
	s6 =	sadd.s32 @!p0 $0x88, s6;
	s7 =	simm.s32 @p2 $0x1082  }
0x22: {  	[simem:s7], [sflag:s8] =	dma.local @!p0 [hbm:s6], $0xF7A  }
0x23: {  	s9 =	sor.u32 $0xD0000000, s2;
	s6 =	simm.s32 $0x108;
	_ =	swait.ge @!p0 [sflag:s8], $0x0  }
0x24: {  	s3 =	sadd.s32 $0x88, s3;
	s6 =	simm.s32 @!p1 $0x1082;
	[sflag:s4] =	ssyncset.s32 $0xFFFFF086  }
0x25: {  	[simem:s6], [sflag:s4] =	dma.local [hbm:s3], $0xF7A  }
0x26: {  	[smem:$0x3F94] =	sst s1;
	(tag) =	ssettag s2;
	_ =	strace s9  }
0x27: {  	s1 =	sld [smem:$0x3FA4]  }
0x28: {  	s2 =	sld [smem:$0x3FA5]  }
0x29: {  	s4 =	sld [smem:$0x3FA7]  }
0x2a: {  	p0 =	seq.s32 s5, $0x0;
	s5 =	sld [smem:$0x3FA8]  }
0x2b: {  	s6 =	sld [smem:$0x3FA9]  }
0x2c: {  	s7 =	sld [smem:$0x3FAA]  }
0x2d: {  	s3 =	simm.s32 $0x108;
	s8 =	sld [smem:$0x3FAB]  }
0x2e: {  	s3 =	simm.s32 @!p0 $0x1082;
	s9 =	sld [smem:$0x3FAC]  }
0x2f: {  	lr =	sadd.s32 s0, s3;
	s0 =	sld [smem:$0x3FA3]  }
0x30: {  	s3 =	sld [smem:$0x3FA6]  }
0x31: {  	[smem:$0x3FAF] =	sst s10  }
0x32: {  	s10 =	sld [smem:$0x3FAD];
	_ =	sdelay $0x3  }
0x33: {  	p0 =	seq.s32 s10, $0x1;
	s10 =	sld [smem:$0x3FAF];
	_ =	sdelay $0x3  }
0x34: {  	[smem:$0x3FAF] =	sst s10  }
0x35: {  	s10 =	sld [smem:$0x3FAE];
	_ =	sdelay $0x3  }
0x36: {  	p1 =	seq.s32 s10, $0x1;
	s10 =	sld [smem:$0x3FAF];
	_ =	sdelay $0x3  }
0x37: {  	[smem:$0x3FAF] =	sst s10  }
0x38: {  	s10 =	sld [smem:$0x3FB0]  }
0x39: {  	_ = 	snop;
	(pc) =	sbr.ind lr, $3  }
0x3a: {  	_ = 	snop  }
0x3b: {  	_ = 	snop  }
0x3c: {  	p2 =	seq.s32 s10, $0x1;
	s10 =	sld [smem:$0x3FAF]  }
0x3d: {  	_ =	shalt  }
0x3e: {  	_ =	shalt  }
0x3f: {  	_ =	shalt  }
0x40: {  	_ =	shalt  }
0x41: {  	_ =	shalt  }
0x42: {  	_ =	shalt  }
0x43: {  	_ =	shalt  }
0x44: {  	_ =	shalt  }
0x45: {  	_ =	shalt  }
0x46: {  	_ =	shalt  }
0x47: {  	_ =	shalt  }
0x48: {  	_ =	shalt  }
0x49: {  	_ =	shalt  }
0x4a: {  	_ =	shalt  }
0x4b: {  	_ =	shalt  }
0x4c: {  	_ =	shalt  }
0x4d: {  	_ =	shalt  }
0x4e: {  	_ =	shalt  }
0x4f: {  	_ =	shalt  }
0x50: {  	_ =	shalt  }
0x51: {  	_ =	shalt  }
0x52: {  	_ =	shalt  }
0x53: {  	_ =	shalt  }
0x54: {  	_ =	shalt  }
0x55: {  	_ =	shalt  }
0x56: {  	_ =	shalt  }
0x57: {  	_ =	shalt  }
0x58: {  	_ =	shalt  }
0x59: {  	_ =	shalt  }
0x5a: {  	_ =	shalt  }
0x5b: {  	_ =	shalt  }
0x5c: {  	_ =	shalt  }
0x5d: {  	_ =	shalt  }
0x5e: {  	_ =	shalt  }
0x5f: {  	_ =	shalt  }
0x60: {  	_ =	shalt  }
0x61: {  	_ =	shalt  }
0x62: {  	_ =	shalt  }
0x63: {  	_ =	shalt  }
0x64: {  	_ =	shalt  }
0x65: {  	_ =	shalt  }
0x66: {  	_ =	shalt  }
0x67: {  	_ =	shalt  }
0x68: {  	_ =	shalt  }
0x69: {  	_ =	shalt  }
0x6a: {  	_ =	shalt  }
0x6b: {  	_ =	shalt  }
0x6c: {  	_ =	shalt  }
0x6d: {  	_ =	shalt  }
0x6e: {  	_ =	shalt  }
0x6f: {  	_ =	shalt  }
0x70: {  	_ =	shalt  }
0x71: {  	_ =	shalt  }
0x72: {  	_ =	shalt  }
0x73: {  	_ =	shalt  }
0x74: {  	_ =	shalt  }
0x75: {  	_ =	shalt  }
0x76: {  	_ =	shalt  }
0x77: {  	_ =	shalt  }
0x78: {  	_ =	shalt  }
0x79: {  	_ =	shalt  }
0x7a: {  	_ =	shalt  }
0x7b: {  	_ =	shalt  }
0x7c: {  	_ =	shalt  }
0x7d: {  	_ =	shalt  }
0x7e: {  	_ =	shalt  }
0x7f: {  	_ =	shalt  }
0x80: {  	_ =	shalt  }
0x81: {  	_ =	shalt  }
0x82: {  	_ =	shalt  }
0x83: {  	_ =	shalt  }
0x84: {  	_ =	shalt  }
0x85: {  	_ =	shalt  }
0x86: {  	_ =	shalt  }
0x87: {  	_ =	shalt  }
.Lfunc_end0:
.L_simem_size_0:
called_computation.2_lowered:
.L_overlay_start_0:
0x88: {  	s2 =	sld [smem:$0x3FD9]  }
0x89: {  	s3 =	sld [smem:$0x3FFE];
	_ =	sdelay $0x1  }
0x8a: {  	s1 =	srdreg.scid  }
0x8b: {  	s0 =	sand.u32 $0x1, s1  }
0x8c: {  	s16 =	sshll.u32 s0, $0xA;
	s2 =	sadd.s32 s3, s2  }
0x8d: {  	s2 =	sadd.s32 s2, s16  }
0x8e: {  	[smem:$0x3FBB] =	sst s2  }
0x8f: {  	_ = 	snop  }
0x90: {  	(tm) =	ssettm $0x1  }
0x91: {  	s17 =	sld [smem:$0x3FFB];
	_ =	sdelay $0x3  }
0x92: {  	_ =	strace s17  }
0x93: {  	s2 =	sld [smem:$0x3FFC];
	_ =	sdelay $0x3  }
0x94: {  	_ =	strace s2  }
0x95: {  	s2 =	sld [smem:$0x3FFD];
	_ =	sdelay $0x3  }
0x96: {  	_ =	strace s2  }
0x97: {  	_ =	strace $0x8FFFFFFF  }
0x98: {  	s18 =	sld [smem:$0x3FDB];
	_ =	sdelay $0x1  }
0x99: {  	s19 =	simm.s32 $_scs_section_size  }
0x9a: {  	s4 =	simm.s32 $_size__tile_overlayer_lowered;
	s5 =	simm.s32 $_tile_overlayer_lowered  }
0x9b: {  	s22 =	simm.s32 $0x1BFF;
	s21 =	sshll.u32 s5, $0x1;
	s2 =	sadd.s32 s19, s18  }
0x9c: {  	s6 =	simm.s32 $0x0;
	s20 =	sshll.u32 s4, $0x1;
	s4 =	sadd.s32 s21, s2  }
0x9d: {  	[timem:s6], [sflag:s22] =	dma.local [hbm:s4], s20  }
0x9e: {  	_ =	swait.ge [sflag:s22], s20  }
0x9f: {  	s3 =	ssub.s32 $0x0, s20;
	[sflag:s22] =	ssyncset.done $0x0  }
0xa0: {  	[sflag:s22] =	ssyncadd.s32 s3;
	_ =	sdelay $0x1  }
0xa1: {  	s23 =	simm.s32 $0x1B8B  }
0xa2: {  	_ =	swait.ge [sflag:s23], $0x1  }
0xa3: {  	[sflag:s23] =	ssyncset.done $0x0  }
0xa4: {  	s25 =	simm.s32 $0x1B8E;
	s24 =	sld [smem:$0x3FFE];
	[sflag:s23] =	ssyncadd.s32 $0xFFFFFFFF  }
0xa5: {  	s26 =	simm.s32 $execute0_lowered;
	[smem:$0x3FD2] =	sst s25  }
0xa6: {  	s4 =	sshll.u32 s26, $0x1;
	_ =	strace $0x8000004C;
	[dreg:$0x1] =	wrdreg $0xFFFFFFFF  }
0xa7: {  	s28 =	simm.s32 $_size_execute0_lowered;
	s2 =	sadd.s32 s2, s4;
	[dreg:$0x0] =	wrdreg $0x0  }
0xa8: {  	s4 =	sshll.u32 s28, $0x1;
	[dreg:$0x2] =	wrdreg s2  }
0xa9: {  	[dreg:$0x3] =	wrdreg s4  }
0xaa: {  	[dreg:$0x4] =	wrdreg $0xC0  }
0xab: {  	_ =	task [dreg:s6], $0x5FFFF  }
0xac: {  	[dreg:$0x1] =	wrdreg $0xFFFFFFFF  }
0xad: {  	[dreg:$0x0] =	wrdreg $0x60  }
0xae: {  	[dreg:$0x2] =	wrdreg s24  }
0xaf: {  	[dreg:$0x3] =	wrdreg $0x6C000  }
0xb0: {  	[dreg:$0x4] =	wrdreg $0x9  }
0xb1: {  	_ =	task.clear_ibuf [dreg:s6], $0x5FFFF;
	_ =	strace $0x9000004C  }
0xb2: {  	s29 =	simm.s32 $0x9;
	_ =	strace $0x8000004E  }
0xb3: {  	_ =	swait.ge [sflag:s29], $0x1  }
0xb4: {  	[sflag:s29] =	ssyncadd.s32 $0xFFFFFFFF  }
0xb5: {  	_ =	strace $0x9000004E  }
0xb6: {  	_ =	sfence  }
0xb7: {  	s30 =	sld [smem:$0x0];
	_ =	sdelay $0x2  }
0xb8: {  	s31 =	sshll.u32 s1, $0xD;
	s1 =	sshrl.u32 s1, $0x2  }
0xb9: {  	s3 =	sand.u32 $0x4000, s31;
	s1 =	sadd.s32 s1, s30  }
0xba: {  	s0 =	sor.u32 s3, s0;
	s1 =	sshll.u32 s1, $0x11  }
0xbb: {  	s0 =	sor.u32 s1, s0  }
0xbc: {  	s0 =	sadd.s32 $0x8F2B, s0  }
0xbd: {  	[sflag:s0] =	ssyncadd.remote.s32 $0x1  }
0xbe: {  	_ =	sfence.sel $0xFFFF  }
0xbf: {  	[dreg:$0x0] =	wrdreg $0xFFFFFFFF;
	(pc) =	sbr.abs _section_cstart, $3  }
0xc0: {  	[dreg:$0x1] =	wrdreg $0xFFFFFFFF  }
0xc1: {  	_ =	task.clear_ibuf [dreg:s6], $0x2FFFF;
	_ =	strace $0x9FFFFFFF  }
0xc2: {  	(tm) =	ssettm $0x7FFFFFFF  }
0xc3: {  	_ =	shalt  }
tec
execute0_lowered:
.L_overlay_start_1:
0x0: {  	(tag) =	ssettag $0x1  }
0x1: {  	s6 =	rddreg [dreg:$0x0]  }
0x2: {  	s1 =	rddreg [dreg:$0x1]  }
0x3: {  	s0 =	rddreg [dreg:$0x2];
	s3 =	simm.s32 $0x0;
	s2 =	srdreg.scid  }
0x4: {  	s16 =	simm.s32 $0x64;
	s17 =	simm.s32 $0x3800;
	s18 =	simm.s32 $0x1  }
0x5: {  	s19 =	simm.s32 $0x0;
	[smem:$0x7FF] =	sst s3;
	s7 =	sand.u32 $0x1, s2  }
0x6: {  	s2 =	stileid.u32;
	s4 =	sadd.s32 $0x23A00, s6;
	s10 =	sadd.s32 $0x72E00, s6  }
0x7: {  	s11 =	sadd.s32 $0x80E00, s6;
	s5 =	sadd.s32 $0x21200, s6;
	s8 =	smul.u32 $0x13C000, s7  }
0x8: {  	_ =	strace $0x8000004D;
	s9 =	smul.u32 $0x13C00, s2;
	s26 =	sshll.u32 s7, $0x4  }
0x9: {  	s7 =	ssub.s32 $0x2, s7;
	s12 =	smul.u32 $0x4F000, s2;
	s29 =	sshll.u32 s2, $0x6  }
0xa: {  	s13 =	sshrl.u32 s7, $0x1;
	s8 =	sadd.s32 s9, s8;
	s9 =	sor.u32 s2, s26  }
0xb: {  	s13 =	ssub.s32 s7, s13;
	s28 =	sshrl.u32 s12, $0x2;
	s9 =	smul.u32 $0x3800, s9  }
0xc: {  	s8 =	sshrl.u32 s8, $0x3;
	s15 =	sadd.s32 s28, s1;
	s12 =	smax.u32 s13, $0x1  }
0xd: {  	s14 =	sadd.s32 s8, s6;
	s6 =	sor.u32 $0x1C02, s29;
	s30 =	sshrl.u32 s9, $0x3  }
0xe: {  	s13 =	sshrl.u32 s15, $0x3;
	s15 =	simm.s32 $0x1C00;
	s31 =	sadd.s32 $0x380, s30  }
0xf: {  	s7 =	sadd.s32 s10, s30;
	s8 =	sadd.s32 s11, s30;
	s9 =	sadd.s32 s10, s31  }
0x10: {  	s10 =	sadd.s32 s11, s31;
	s11 =	sadd.s32 $0x8EE00, s14;
	s14 =	simm.s32 $0x2  }
.LBB2_1:
0x11: {  	[spmem:s13], [sflag:s6] =	dma.local [hbm:s5], $0x2780  }
0x12: {  	_ =	swait.ge [sflag:s14], $0x2780  }
0x13: {  	[sflag:s14] =	ssyncset.done $0x0  }
0x14: {  	[sflag:s14] =	ssyncadd.s32 $0xFFFFD880  }
0x15: {  	[bflag:$0x0] =	sbarrier.arrive $0xFFFF  }
0x16: {  	[tilespmem:s3], [sflag:$0x2] =	stream.linear.gather [hbm4b:s7+s3], $0x1900, $0x38;
	[tilespmem:$0x1A800] =	vst v63  }
0x17: {  	_ =	swait.ge [sflag:s14], $0x1900  }
0x18: {  	[sflag:s14] =	ssyncset.done $0x0  }
0x19: {  	[sflag:s14] =	ssyncadd.s32 $0xFFFFE700  }
0x1a: {  	[tilespmem:s15], [sflag:$0x2] =	stream.linear.gather [hbm4b:s8+s3], $0x1900, $0x38;
	[tilespmem:$0x1A800] =	vst v63  }
0x1b: {  	_ =	swait.ge [sflag:s14], $0x1900  }
0x1c: {  	[sflag:s14] =	ssyncset.done $0x0  }
0x1d: {  	s20 =	simm.s32 $0x0;
	[sflag:s14] =	ssyncadd.s32 $0xFFFFE700  }
0x1e: {  	[tilespmem:s17], [sflag:$0x1] =	stream.indirect.gather [hbm4b:s4+s16], $0x80, s20, s16, $0xb8;
	[tilespmem:$0x1A800] =	vst v63  }
0x1f: {  	_ =	swait.ge [sflag:s18], $0x3200  }
0x20: {  	[sflag:s18] =	ssyncset.done $0x0  }
0x21: {  	s31 =	simm.s32 $0x1C00;
	[sflag:s18] =	ssyncadd.s32 $0xFFFFCE00  }
0x22: {  	[spmem:s1] =	stream.indirect.scatter.add.f32 [tilespmem:s17], [sflag:$0x2], $0x80, s31, s16, $0xb8;
	[tilespmem:$0x1A800] =	vst v63  }
0x23: {  	_ =	swait.ge [sflag:s14], $0x3200  }
0x24: {  	s21 =	simm.s32 $0x400;
	s20 =	simm.s32 $0x200;
	[sflag:s14] =	ssyncset.done $0x0  }
.LBB2_2:
0x25: {  	s22 =	sshra.s32 s20, $0x2  }
0x26: {  	[sflag:s14] =	ssyncadd.s32 $0xFFFFCE00;
	s20 =	smov.u32 s21;
	s23 =	sadd.s32 $0x200, s21  }
0x27: {  	[tilespmem:s17], [sflag:$0x1] =	stream.indirect.gather [hbm4b:s4+s16], $0x80, s22, s16, $0xb8;
	[tilespmem:$0x1A800] =	vst v63  }
0x28: {  	p0 =	sne.s32 s21, $0x6200;
	_ =	swait.ge [sflag:s18], $0x3200  }
.Ltmp0:
0x29: {  	[sflag:s18] =	ssyncset.done $0x0;
	(pc) =	sbr.rel @p0 .LBB2_2-.Ltmp0, $4  }
0x2a: {  	s21 =	sadd.s32 $0x1C00, s22;
	[sflag:s18] =	ssyncadd.s32 $0xFFFFCE00  }
0x2b: {  	[spmem:s1] =	stream.indirect.scatter.add.f32 [tilespmem:s17], [sflag:$0x2], $0x80, s21, s16, $0xb8;
	[tilespmem:$0x1A800] =	vst v63  }
0x2c: {  	_ =	swait.ge [sflag:s14], $0x3200  }
0x2d: {  	s21 =	smov.u32 s23;
	[sflag:s14] =	ssyncset.done $0x0  }
0x2e: {  	s20 =	sshra.s32 s20, $0x2;
	[sflag:s14] =	ssyncadd.s32 $0xFFFFCE00  }
0x2f: {  	[tilespmem:s17], [sflag:$0x1] =	stream.indirect.gather [hbm4b:s4+s16], $0x80, s20, s16, $0xb8;
	[tilespmem:$0x1A800] =	vst v63  }
0x30: {  	_ =	swait.ge [sflag:s18], $0x3200  }
0x31: {  	[sflag:s18] =	ssyncset.done $0x0  }
0x32: {  	s20 =	sadd.s32 $0x1C00, s20;
	[sflag:s18] =	ssyncadd.s32 $0xFFFFCE00  }
0x33: {  	[spmem:s1] =	stream.indirect.scatter.add.f32 [tilespmem:s17], [sflag:$0x2], $0x80, s20, s16, $0xb8;
	[tilespmem:$0x1A800] =	vst v63  }
0x34: {  	_ =	swait.ge [sflag:s14], $0x3200  }
0x35: {  	[sflag:s14] =	ssyncset.done $0x0  }
0x36: {  	s29 =	simm.s32 $0x0;
	[sflag:s14] =	ssyncadd.s32 $0xFFFFCE00  }
0x37: {  	[tilespmem:s29], [sflag:$0x2] =	stream.linear.gather [hbm4b:s9+s29], $0x1900, $0x38;
	[tilespmem:$0x1A800] =	vst v63  }
0x38: {  	_ =	swait.ge [sflag:s14], $0x1900  }
0x39: {  	[sflag:s14] =	ssyncset.done $0x0  }
0x3a: {  	[sflag:s14] =	ssyncadd.s32 $0xFFFFE700  }
0x3b: {  	[tilespmem:s15], [sflag:$0x2] =	stream.linear.gather [hbm4b:s10+s29], $0x1900, $0x38;
	[tilespmem:$0x1A800] =	vst v63  }
0x3c: {  	_ =	swait.ge [sflag:s14], $0x1900  }
0x3d: {  	[sflag:s14] =	ssyncset.done $0x0  }
0x3e: {  	s30 =	simm.s32 $0x0;
	[sflag:s14] =	ssyncadd.s32 $0xFFFFE700  }
0x3f: {  	[tilespmem:s17], [sflag:$0x1] =	stream.indirect.gather [hbm4b:s4+s16], $0x80, s30, s16, $0xb8;
	[tilespmem:$0x1A800] =	vst v63  }
0x40: {  	_ =	swait.ge [sflag:s18], $0x3200  }
0x41: {  	[sflag:s18] =	ssyncset.done $0x0  }
0x42: {  	s31 =	simm.s32 $0x1C00;
	[sflag:s18] =	ssyncadd.s32 $0xFFFFCE00  }
0x43: {  	[spmem:s1] =	stream.indirect.scatter.add.f32 [tilespmem:s17], [sflag:$0x2], $0x80, s31, s16, $0xb8;
	[tilespmem:$0x1A800] =	vst v63  }
0x44: {  	_ =	swait.ge [sflag:s14], $0x3200  }
0x45: {  	s21 =	simm.s32 $0x400;
	s20 =	simm.s32 $0x200;
	[sflag:s14] =	ssyncset.done $0x0  }
.LBB2_4:
0x46: {  	s22 =	sshra.s32 s20, $0x2  }
0x47: {  	[sflag:s14] =	ssyncadd.s32 $0xFFFFCE00;
	s20 =	smov.u32 s21;
	s23 =	sadd.s32 $0x200, s21  }
0x48: {  	[tilespmem:s17], [sflag:$0x1] =	stream.indirect.gather [hbm4b:s4+s16], $0x80, s22, s16, $0xb8;
	[tilespmem:$0x1A800] =	vst v63  }
0x49: {  	p0 =	sne.s32 s21, $0x6200;
	_ =	swait.ge [sflag:s18], $0x3200  }
.Ltmp1:
0x4a: {  	[sflag:s18] =	ssyncset.done $0x0;
	(pc) =	sbr.rel @p0 .LBB2_4-.Ltmp1, $4  }
0x4b: {  	s21 =	sadd.s32 $0x1C00, s22;
	[sflag:s18] =	ssyncadd.s32 $0xFFFFCE00  }
0x4c: {  	[spmem:s1] =	stream.indirect.scatter.add.f32 [tilespmem:s17], [sflag:$0x2], $0x80, s21, s16, $0xb8;
	[tilespmem:$0x1A800] =	vst v63  }
0x4d: {  	_ =	swait.ge [sflag:s14], $0x3200  }
0x4e: {  	s21 =	smov.u32 s23;
	[sflag:s14] =	ssyncset.done $0x0  }
0x4f: {  	s20 =	sshra.s32 s20, $0x2;
	[sflag:s14] =	ssyncadd.s32 $0xFFFFCE00  }
0x50: {  	[tilespmem:s17], [sflag:$0x1] =	stream.indirect.gather [hbm4b:s4+s16], $0x80, s20, s16, $0xb8;
	[tilespmem:$0x1A800] =	vst v63  }
0x51: {  	_ =	swait.ge [sflag:s18], $0x3200  }
0x52: {  	[sflag:s18] =	ssyncset.done $0x0  }
0x53: {  	s20 =	sadd.s32 $0x1C00, s20;
	[sflag:s18] =	ssyncadd.s32 $0xFFFFCE00  }
0x54: {  	[spmem:s1] =	stream.indirect.scatter.add.f32 [tilespmem:s17], [sflag:$0x2], $0x80, s20, s16, $0xb8;
	[tilespmem:$0x1A800] =	vst v63  }
0x55: {  	_ =	swait.ge [sflag:s14], $0x3200  }
0x56: {  	s19 =	sadd.s32 $0x1, s19;
	[sflag:s14] =	ssyncset.done $0x0  }
0x57: {  	p0 =	sne.s32 s19, s12;
	[sflag:s14] =	ssyncadd.s32 $0xFFFFCE00  }
.Ltmp2:
0x58: {  	[bflag:$0x0] =	sbarrier.arrive $0xFFFF;
	(pc) =	sbr.rel @p0 .LBB2_1-.Ltmp2, $4  }
0x59: {  	[hbm:s11], [sflag:s6] =	dma.local [spmem:s13], $0x2780  }
0x5a: {  	_ =	swait.ge [sflag:s14], $0x2780  }
0x5b: {  	[sflag:s14] =	ssyncset.done $0x0  }
0x5c: {  	[sflag:s14] =	ssyncadd.s32 $0xFFFFD880  }
0x5d: {  	_ =	sfence.sel $0x180000  }
0x5e: {  	[bflag:$0x0] =	sbarrier.arrive $0xFFFF  }
0x5f: {  	p0 =	sne.s32 s2, $0x0;
	_ =	strace $0x9000004D  }
0x60: {  	s0 =	sadd.s32 @!p0 $0x100000, s0;
	[bflag:$0x2] =	sbarrier.arrive $0xFFFF  }
0x61: {  	[sflag:s0] =	ssyncadd.tile.s32 @!p0 $0x1;
	_ =	shalt  }
.Lfunc_end2:
_tile_overlayer_lowered:
.L_overlay_start_2:
0x62: {  	(tag) =	ssettag $0x2  }
0x63: {  	s0 =	rddreg [dreg:$0x0];
	s2 =	stileid.u32  }
0x64: {  	s1 =	rddreg [dreg:$0x1];
	p0 =	sne.s32 s2, $0x0  }
0x65: {  	s3 =	rddreg [dreg:$0x2];
	[bflag:$0x3] =	sbarrier.arrive $0xFFFF;
	s2 =	simm.s32 @!p0 $0x1C02  }
0x66: {  	[timem:s3], [sflag:s2] =	dma.local @!p0 [hbm:s0], s1  }
0x67: {  	s0 =	simm.s32 @!p0 $0x2  }
0x68: {  	_ =	swait.ge @!p0 [sflag:s0], s1  }
0x69: {  	s1 =	ssub.s32 @!p0 $0x0, s1;
	[sflag:s0] =	ssyncset.done @!p0 $0x0  }
0x6a: {  	[sflag:s0] =	ssyncadd.s32 @!p0 s1  }
0x6b: {  	[bflag:$0x3] =	sbarrier.arrive $0xFFFF  }
0x6c: {  	_ =	shalt  }

// kernel: kernel.30.cloned.1.call-start
scs
__scs_entry_jumppad:
0x0: {  	(pc) =	sbr.rel $0x88, $3  }
0x1: {  	(tag) =	ssettag $0x0;
	lr =	simm.s32 $0x1  }
0x2: {  	[smem:$0x3F94] =	sst lr;
	_ =	strace $0xD0000000  }
0x3: {  	_ = 	snop  }
0x4: {  	_ = 	snop  }
0x5: {  	_ = 	snop  }
0x6: {  	_ = 	snop  }
0x7: {  	_ = 	snop  }
__scs_overlays_trampoline_lowered:
0x8: {  	[smem:$0x3FA3] =	sst s0  }
0x9: {  	[smem:$0x3FA4] =	sst s1  }
0xa: {  	[smem:$0x3FA5] =	sst s2  }
0xb: {  	[smem:$0x3FA6] =	sst s3  }
0xc: {  	[smem:$0x3FA7] =	sst s4  }
0xd: {  	[smem:$0x3FA8] =	sst s5  }
0xe: {  	[smem:$0x3FA9] =	sst s6  }
0xf: {  	[smem:$0x3FAA] =	sst s7  }
0x10: {  	[smem:$0x3FAB] =	sst s8  }
0x11: {  	[smem:$0x3FAC] =	sst s9;
	s0 =	simm.s32 @!p0 $0x0  }
0x12: {  	s1 =	sld [smem:$0x3F92];
	s0 =	simm.s32 @p0 $0x1  }
0x13: {  	[smem:$0x3FAD] =	sst s0;
	s0 =	simm.s32 @!p1 $0x0  }
0x14: {  	s2 =	sld [smem:$0x3F91];
	s0 =	simm.s32 @p1 $0x1  }
0x15: {  	[smem:$0x3FAE] =	sst s0;
	s0 =	simm.s32 @!p2 $0x0  }
0x16: {  	s3 =	sld [smem:$0x3FDB];
	s0 =	simm.s32 @p2 $0x1  }
0x17: {  	s4 =	simm.s32 $0x1BF5;
	[smem:$0x3FB0] =	sst s0  }
0x18: {  	s0 =	sld [smem:$0x3F93];
	_ =	swait.ge [sflag:s4], $0x0  }
0x19: {  	s7 =	sld [smem:$0x3F94]  }
0x1a: {  	s8 =	sadd.s32 $0xFFFFE003, lr  }
0x1b: {  	s9 =	sadd.s32 $0xFFFFFEF7, lr;
	s5 =	simm.s32 $0xFFFFFFFF;
	p2 =	slt.u32 s8, $0xFFFFF086  }
0x1c: {  	p1 =	slt.u32 s9, $0xF7A;
	s5 =	simm.s32 @!p2 $0x0  }
0x1d: {  	s5 =	simm.s32 @p1 $0x1;
	p0 =	seq.s32 s7, s2  }
0x1e: {  	s7 =	smul.u32 @!p0 $0xF7A, s2;
	p2 =	seq.s32 @!p0 s5, $0x0  }
0x1f: {  	s9 =	smul.u32 $0xF7A, s1;
	s8 =	simm.s32 @!p0 $0x1BF5;
	p2 =	por !p2, p0  }
0x20: {  	[sflag:s8] =	ssyncset.s32 @!p0 $0xFFFFF086;
	s6 =	sadd.s32 @!p0 s3, s7;
	s7 =	simm.s32 @!p0 $0x108  }
0x21: {  	s3 =	sadd.s32 s3, s9;
	s6 =	sadd.s32 @!p0 $0x88, s6;
	s7 =	simm.s32 @p2 $0x1082  }
0x22: {  	[simem:s7], [sflag:s8] =	dma.local @!p0 [hbm:s6], $0xF7A  }
0x23: {  	s9 =	sor.u32 $0xD0000000, s2;
	s6 =	simm.s32 $0x108;
	_ =	swait.ge @!p0 [sflag:s8], $0x0  }
0x24: {  	s3 =	sadd.s32 $0x88, s3;
	s6 =	simm.s32 @!p1 $0x1082;
	[sflag:s4] =	ssyncset.s32 $0xFFFFF086  }
0x25: {  	[simem:s6], [sflag:s4] =	dma.local [hbm:s3], $0xF7A  }
0x26: {  	[smem:$0x3F94] =	sst s1;
	(tag) =	ssettag s2;
	_ =	strace s9  }
0x27: {  	s1 =	sld [smem:$0x3FA4]  }
0x28: {  	s2 =	sld [smem:$0x3FA5]  }
0x29: {  	s4 =	sld [smem:$0x3FA7]  }
0x2a: {  	p0 =	seq.s32 s5, $0x0;
	s5 =	sld [smem:$0x3FA8]  }
0x2b: {  	s6 =	sld [smem:$0x3FA9]  }
0x2c: {  	s7 =	sld [smem:$0x3FAA]  }
0x2d: {  	s3 =	simm.s32 $0x108;
	s8 =	sld [smem:$0x3FAB]  }
0x2e: {  	s3 =	simm.s32 @!p0 $0x1082;
	s9 =	sld [smem:$0x3FAC]  }
0x2f: {  	lr =	sadd.s32 s0, s3;
	s0 =	sld [smem:$0x3FA3]  }
0x30: {  	s3 =	sld [smem:$0x3FA6]  }
0x31: {  	[smem:$0x3FAF] =	sst s10  }
0x32: {  	s10 =	sld [smem:$0x3FAD];
	_ =	sdelay $0x3  }
0x33: {  	p0 =	seq.s32 s10, $0x1;
	s10 =	sld [smem:$0x3FAF];
	_ =	sdelay $0x3  }
0x34: {  	[smem:$0x3FAF] =	sst s10  }
0x35: {  	s10 =	sld [smem:$0x3FAE];
	_ =	sdelay $0x3  }
0x36: {  	p1 =	seq.s32 s10, $0x1;
	s10 =	sld [smem:$0x3FAF];
	_ =	sdelay $0x3  }
0x37: {  	[smem:$0x3FAF] =	sst s10  }
0x38: {  	s10 =	sld [smem:$0x3FB0]  }
0x39: {  	_ = 	snop;
	(pc) =	sbr.ind lr, $3  }
0x3a: {  	_ = 	snop  }
0x3b: {  	_ = 	snop  }
0x3c: {  	p2 =	seq.s32 s10, $0x1;
	s10 =	sld [smem:$0x3FAF]  }
0x3d: {  	_ =	shalt  }
0x3e: {  	_ =	shalt  }
0x3f: {  	_ =	shalt  }
0x40: {  	_ =	shalt  }
0x41: {  	_ =	shalt  }
0x42: {  	_ =	shalt  }
0x43: {  	_ =	shalt  }
0x44: {  	_ =	shalt  }
0x45: {  	_ =	shalt  }
0x46: {  	_ =	shalt  }
0x47: {  	_ =	shalt  }
0x48: {  	_ =	shalt  }
0x49: {  	_ =	shalt  }
0x4a: {  	_ =	shalt  }
0x4b: {  	_ =	shalt  }
0x4c: {  	_ =	shalt  }
0x4d: {  	_ =	shalt  }
0x4e: {  	_ =	shalt  }
0x4f: {  	_ =	shalt  }
0x50: {  	_ =	shalt  }
0x51: {  	_ =	shalt  }
0x52: {  	_ =	shalt  }
0x53: {  	_ =	shalt  }
0x54: {  	_ =	shalt  }
0x55: {  	_ =	shalt  }
0x56: {  	_ =	shalt  }
0x57: {  	_ =	shalt  }
0x58: {  	_ =	shalt  }
0x59: {  	_ =	shalt  }
0x5a: {  	_ =	shalt  }
0x5b: {  	_ =	shalt  }
0x5c: {  	_ =	shalt  }
0x5d: {  	_ =	shalt  }
0x5e: {  	_ =	shalt  }
0x5f: {  	_ =	shalt  }
0x60: {  	_ =	shalt  }
0x61: {  	_ =	shalt  }
0x62: {  	_ =	shalt  }
0x63: {  	_ =	shalt  }
0x64: {  	_ =	shalt  }
0x65: {  	_ =	shalt  }
0x66: {  	_ =	shalt  }
0x67: {  	_ =	shalt  }
0x68: {  	_ =	shalt  }
0x69: {  	_ =	shalt  }
0x6a: {  	_ =	shalt  }
0x6b: {  	_ =	shalt  }
0x6c: {  	_ =	shalt  }
0x6d: {  	_ =	shalt  }
0x6e: {  	_ =	shalt  }
0x6f: {  	_ =	shalt  }
0x70: {  	_ =	shalt  }
0x71: {  	_ =	shalt  }
0x72: {  	_ =	shalt  }
0x73: {  	_ =	shalt  }
0x74: {  	_ =	shalt  }
0x75: {  	_ =	shalt  }
0x76: {  	_ =	shalt  }
0x77: {  	_ =	shalt  }
0x78: {  	_ =	shalt  }
0x79: {  	_ =	shalt  }
0x7a: {  	_ =	shalt  }
0x7b: {  	_ =	shalt  }
0x7c: {  	_ =	shalt  }
0x7d: {  	_ =	shalt  }
0x7e: {  	_ =	shalt  }
0x7f: {  	_ =	shalt  }
0x80: {  	_ =	shalt  }
0x81: {  	_ =	shalt  }
0x82: {  	_ =	shalt  }
0x83: {  	_ =	shalt  }
0x84: {  	_ =	shalt  }
0x85: {  	_ =	shalt  }
0x86: {  	_ =	shalt  }
0x87: {  	_ =	shalt  }
.Lfunc_end0:
.L_simem_size_0:
called_computation.3_lowered:
.L_overlay_start_0:
0x88: {  	s2 =	sld [smem:$0x3FD9]  }
0x89: {  	s3 =	sld [smem:$0x3FFE];
	_ =	sdelay $0x1  }
0x8a: {  	s1 =	srdreg.scid  }
0x8b: {  	s0 =	sand.u32 $0x1, s1  }
0x8c: {  	s16 =	sshll.u32 s0, $0xA;
	s2 =	sadd.s32 s3, s2  }
0x8d: {  	s2 =	sadd.s32 s2, s16  }
0x8e: {  	[smem:$0x3FBB] =	sst s2  }
0x8f: {  	_ = 	snop  }
0x90: {  	(tm) =	ssettm $0x1  }
0x91: {  	s17 =	sld [smem:$0x3FFB];
	_ =	sdelay $0x3  }
0x92: {  	_ =	strace s17  }
0x93: {  	s2 =	sld [smem:$0x3FFC];
	_ =	sdelay $0x3  }
0x94: {  	_ =	strace s2  }
0x95: {  	s2 =	sld [smem:$0x3FFD];
	_ =	sdelay $0x3  }
0x96: {  	_ =	strace s2  }
0x97: {  	_ =	strace $0x8FFFFFFF  }
0x98: {  	s18 =	sld [smem:$0x3FDB];
	_ =	sdelay $0x1  }
0x99: {  	s19 =	simm.s32 $_scs_section_size  }
0x9a: {  	s4 =	simm.s32 $_size__tile_overlayer_lowered;
	s5 =	simm.s32 $_tile_overlayer_lowered  }
0x9b: {  	s22 =	simm.s32 $0x1BFF;
	s21 =	sshll.u32 s5, $0x1;
	s2 =	sadd.s32 s19, s18  }
0x9c: {  	s6 =	simm.s32 $0x0;
	s20 =	sshll.u32 s4, $0x1;
	s4 =	sadd.s32 s21, s2  }
0x9d: {  	[timem:s6], [sflag:s22] =	dma.local [hbm:s4], s20  }
0x9e: {  	_ =	swait.ge [sflag:s22], s20  }
0x9f: {  	s3 =	ssub.s32 $0x0, s20;
	[sflag:s22] =	ssyncset.done $0x0  }
0xa0: {  	[sflag:s22] =	ssyncadd.s32 s3;
	_ =	sdelay $0x1  }
0xa1: {  	s23 =	simm.s32 $0x1B8B  }
0xa2: {  	_ =	swait.ge [sflag:s23], $0x1  }
0xa3: {  	[sflag:s23] =	ssyncset.done $0x0  }
0xa4: {  	s25 =	simm.s32 $0x1B8E;
	s24 =	sld [smem:$0x3FFE];
	[sflag:s23] =	ssyncadd.s32 $0xFFFFFFFF  }
0xa5: {  	s26 =	simm.s32 $execute0_lowered;
	[smem:$0x3FD2] =	sst s25  }
0xa6: {  	s4 =	sshll.u32 s26, $0x1;
	_ =	strace $0x8000004F;
	[dreg:$0x1] =	wrdreg $0xFFFFFFFF  }
0xa7: {  	s28 =	simm.s32 $_size_execute0_lowered;
	s2 =	sadd.s32 s2, s4;
	[dreg:$0x0] =	wrdreg $0x0  }
0xa8: {  	s4 =	sshll.u32 s28, $0x1;
	[dreg:$0x2] =	wrdreg s2  }
0xa9: {  	[dreg:$0x3] =	wrdreg s4  }
0xaa: {  	[dreg:$0x4] =	wrdreg $0xC0  }
0xab: {  	_ =	task [dreg:s6], $0x5FFFF  }
0xac: {  	[dreg:$0x1] =	wrdreg $0xFFFFFFFF  }
0xad: {  	[dreg:$0x0] =	wrdreg $0x60  }
0xae: {  	[dreg:$0x2] =	wrdreg s24  }
0xaf: {  	[dreg:$0x3] =	wrdreg $0x6C000  }
0xb0: {  	[dreg:$0x4] =	wrdreg $0x9  }
0xb1: {  	_ =	task.clear_ibuf [dreg:s6], $0x5FFFF;
	_ =	strace $0x9000004F  }
0xb2: {  	s29 =	simm.s32 $0x9;
	_ =	strace $0x80000051  }
0xb3: {  	_ =	swait.ge [sflag:s29], $0x1  }
0xb4: {  	[sflag:s29] =	ssyncadd.s32 $0xFFFFFFFF  }
0xb5: {  	_ =	strace $0x90000051  }
0xb6: {  	_ =	sfence  }
0xb7: {  	s30 =	sld [smem:$0x0];
	_ =	sdelay $0x2  }
0xb8: {  	s31 =	sshll.u32 s1, $0xD;
	s1 =	sshrl.u32 s1, $0x2  }
0xb9: {  	s3 =	sand.u32 $0x4000, s31;
	s1 =	sadd.s32 s1, s30  }
0xba: {  	s0 =	sor.u32 s3, s0;
	s1 =	sshll.u32 s1, $0x11  }
0xbb: {  	s0 =	sor.u32 s1, s0  }
0xbc: {  	s0 =	sadd.s32 $0x8F2B, s0  }
0xbd: {  	[sflag:s0] =	ssyncadd.remote.s32 $0x1  }
0xbe: {  	_ =	sfence.sel $0xFFFF  }
0xbf: {  	[dreg:$0x0] =	wrdreg $0xFFFFFFFF;
	(pc) =	sbr.abs _section_cstart, $3  }
0xc0: {  	[dreg:$0x1] =	wrdreg $0xFFFFFFFF  }
0xc1: {  	_ =	task.clear_ibuf [dreg:s6], $0x2FFFF;
	_ =	strace $0x9FFFFFFF  }
0xc2: {  	(tm) =	ssettm $0x7FFFFFFF  }
0xc3: {  	_ =	shalt  }
tec
execute0_lowered:
.L_overlay_start_1:
0x0: {  	(tag) =	ssettag $0x1  }
0x1: {  	s6 =	rddreg [dreg:$0x0]  }
0x2: {  	s1 =	rddreg [dreg:$0x1]  }
0x3: {  	s0 =	rddreg [dreg:$0x2];
	s3 =	simm.s32 $0x0;
	s2 =	srdreg.scid  }
0x4: {  	s16 =	simm.s32 $0x64;
	s17 =	simm.s32 $0x3800;
	s18 =	simm.s32 $0x1  }
0x5: {  	s19 =	simm.s32 $0x0;
	[smem:$0x7FF] =	sst s3;
	s7 =	sand.u32 $0x1, s2  }
0x6: {  	s2 =	stileid.u32;
	s4 =	sadd.s32 $0x23A00, s6;
	s10 =	sadd.s32 $0x72E00, s6  }
0x7: {  	s11 =	sadd.s32 $0x80E00, s6;
	s5 =	sadd.s32 $0x21200, s6;
	s8 =	smul.u32 $0x13C000, s7  }
0x8: {  	_ =	strace $0x80000050;
	s9 =	smul.u32 $0x13C00, s2;
	s26 =	sshll.u32 s7, $0x4  }
0x9: {  	s7 =	ssub.s32 $0x2, s7;
	s12 =	smul.u32 $0x4F000, s2;
	s29 =	sshll.u32 s2, $0x6  }
0xa: {  	s13 =	sshrl.u32 s7, $0x1;
	s8 =	sadd.s32 s9, s8;
	s9 =	sor.u32 s2, s26  }
0xb: {  	s13 =	ssub.s32 s7, s13;
	s28 =	sshrl.u32 s12, $0x2;
	s9 =	smul.u32 $0x3800, s9  }
0xc: {  	s8 =	sshrl.u32 s8, $0x3;
	s15 =	sadd.s32 s28, s1;
	s12 =	smax.u32 s13, $0x1  }
0xd: {  	s14 =	sadd.s32 s8, s6;
	s6 =	sor.u32 $0x1C02, s29;
	s30 =	sshrl.u32 s9, $0x3  }
0xe: {  	s13 =	sshrl.u32 s15, $0x3;
	s15 =	simm.s32 $0x1C00;
	s31 =	sadd.s32 $0x380, s30  }
0xf: {  	s7 =	sadd.s32 s10, s30;
	s8 =	sadd.s32 s11, s30;
	s9 =	sadd.s32 s10, s31  }
0x10: {  	s10 =	sadd.s32 s11, s31;
	s11 =	sadd.s32 $0x8EE00, s14;
	s14 =	simm.s32 $0x2  }
.LBB2_1:
0x11: {  	[spmem:s13], [sflag:s6] =	dma.local [hbm:s5], $0x2780  }
0x12: {  	_ =	swait.ge [sflag:s14], $0x2780  }
0x13: {  	[sflag:s14] =	ssyncset.done $0x0  }
0x14: {  	[sflag:s14] =	ssyncadd.s32 $0xFFFFD880  }
0x15: {  	[bflag:$0x0] =	sbarrier.arrive $0xFFFF  }
0x16: {  	[tilespmem:s3], [sflag:$0x2] =	stream.linear.gather [hbm4b:s7+s3], $0x1900, $0x38;
	[tilespmem:$0x1A800] =	vst v63  }
0x17: {  	_ =	swait.ge [sflag:s14], $0x1900  }
0x18: {  	[sflag:s14] =	ssyncset.done $0x0  }
0x19: {  	[sflag:s14] =	ssyncadd.s32 $0xFFFFE700  }
0x1a: {  	[tilespmem:s15], [sflag:$0x2] =	stream.linear.gather [hbm4b:s8+s3], $0x1900, $0x38;
	[tilespmem:$0x1A800] =	vst v63  }
0x1b: {  	_ =	swait.ge [sflag:s14], $0x1900  }
0x1c: {  	[sflag:s14] =	ssyncset.done $0x0  }
0x1d: {  	s20 =	simm.s32 $0x0;
	[sflag:s14] =	ssyncadd.s32 $0xFFFFE700  }
0x1e: {  	[tilespmem:s17], [sflag:$0x1] =	stream.indirect.gather [hbm4b:s4+s16], $0x80, s20, s16, $0xb8;
	[tilespmem:$0x1A800] =	vst v63  }
0x1f: {  	_ =	swait.ge [sflag:s18], $0x3200  }
0x20: {  	[sflag:s18] =	ssyncset.done $0x0  }
0x21: {  	s31 =	simm.s32 $0x1C00;
	[sflag:s18] =	ssyncadd.s32 $0xFFFFCE00  }
0x22: {  	[spmem:s1] =	stream.indirect.scatter.add.f32 [tilespmem:s17], [sflag:$0x2], $0x80, s31, s16, $0xb8;
	[tilespmem:$0x1A800] =	vst v63  }
0x23: {  	_ =	swait.ge [sflag:s14], $0x3200  }
0x24: {  	s21 =	simm.s32 $0x400;
	s20 =	simm.s32 $0x200;
	[sflag:s14] =	ssyncset.done $0x0  }
.LBB2_2:
0x25: {  	s22 =	sshra.s32 s20, $0x2  }
0x26: {  	[sflag:s14] =	ssyncadd.s32 $0xFFFFCE00;
	s20 =	smov.u32 s21;
	s23 =	sadd.s32 $0x200, s21  }
0x27: {  	[tilespmem:s17], [sflag:$0x1] =	stream.indirect.gather [hbm4b:s4+s16], $0x80, s22, s16, $0xb8;
	[tilespmem:$0x1A800] =	vst v63  }
0x28: {  	p0 =	sne.s32 s21, $0x6200;
	_ =	swait.ge [sflag:s18], $0x3200  }
.Ltmp0:
0x29: {  	[sflag:s18] =	ssyncset.done $0x0;
	(pc) =	sbr.rel @p0 .LBB2_2-.Ltmp0, $4  }
0x2a: {  	s21 =	sadd.s32 $0x1C00, s22;
	[sflag:s18] =	ssyncadd.s32 $0xFFFFCE00  }
0x2b: {  	[spmem:s1] =	stream.indirect.scatter.add.f32 [tilespmem:s17], [sflag:$0x2], $0x80, s21, s16, $0xb8;
	[tilespmem:$0x1A800] =	vst v63  }
0x2c: {  	_ =	swait.ge [sflag:s14], $0x3200  }
0x2d: {  	s21 =	smov.u32 s23;
	[sflag:s14] =	ssyncset.done $0x0  }
0x2e: {  	s20 =	sshra.s32 s20, $0x2;
	[sflag:s14] =	ssyncadd.s32 $0xFFFFCE00  }
0x2f: {  	[tilespmem:s17], [sflag:$0x1] =	stream.indirect.gather [hbm4b:s4+s16], $0x80, s20, s16, $0xb8;
	[tilespmem:$0x1A800] =	vst v63  }
0x30: {  	_ =	swait.ge [sflag:s18], $0x3200  }
0x31: {  	[sflag:s18] =	ssyncset.done $0x0  }
0x32: {  	s20 =	sadd.s32 $0x1C00, s20;
	[sflag:s18] =	ssyncadd.s32 $0xFFFFCE00  }
0x33: {  	[spmem:s1] =	stream.indirect.scatter.add.f32 [tilespmem:s17], [sflag:$0x2], $0x80, s20, s16, $0xb8;
	[tilespmem:$0x1A800] =	vst v63  }
0x34: {  	_ =	swait.ge [sflag:s14], $0x3200  }
0x35: {  	[sflag:s14] =	ssyncset.done $0x0  }
0x36: {  	s29 =	simm.s32 $0x0;
	[sflag:s14] =	ssyncadd.s32 $0xFFFFCE00  }
0x37: {  	[tilespmem:s29], [sflag:$0x2] =	stream.linear.gather [hbm4b:s9+s29], $0x1900, $0x38;
	[tilespmem:$0x1A800] =	vst v63  }
0x38: {  	_ =	swait.ge [sflag:s14], $0x1900  }
0x39: {  	[sflag:s14] =	ssyncset.done $0x0  }
0x3a: {  	[sflag:s14] =	ssyncadd.s32 $0xFFFFE700  }
0x3b: {  	[tilespmem:s15], [sflag:$0x2] =	stream.linear.gather [hbm4b:s10+s29], $0x1900, $0x38;
	[tilespmem:$0x1A800] =	vst v63  }
0x3c: {  	_ =	swait.ge [sflag:s14], $0x1900  }
0x3d: {  	[sflag:s14] =	ssyncset.done $0x0  }
0x3e: {  	s30 =	simm.s32 $0x0;
	[sflag:s14] =	ssyncadd.s32 $0xFFFFE700  }
0x3f: {  	[tilespmem:s17], [sflag:$0x1] =	stream.indirect.gather [hbm4b:s4+s16], $0x80, s30, s16, $0xb8;
	[tilespmem:$0x1A800] =	vst v63  }
0x40: {  	_ =	swait.ge [sflag:s18], $0x3200  }
0x41: {  	[sflag:s18] =	ssyncset.done $0x0  }
0x42: {  	s31 =	simm.s32 $0x1C00;
	[sflag:s18] =	ssyncadd.s32 $0xFFFFCE00  }
0x43: {  	[spmem:s1] =	stream.indirect.scatter.add.f32 [tilespmem:s17], [sflag:$0x2], $0x80, s31, s16, $0xb8;
	[tilespmem:$0x1A800] =	vst v63  }
0x44: {  	_ =	swait.ge [sflag:s14], $0x3200  }
0x45: {  	s21 =	simm.s32 $0x400;
	s20 =	simm.s32 $0x200;
	[sflag:s14] =	ssyncset.done $0x0  }
.LBB2_4:
0x46: {  	s22 =	sshra.s32 s20, $0x2  }
0x47: {  	[sflag:s14] =	ssyncadd.s32 $0xFFFFCE00;
	s20 =	smov.u32 s21;
	s23 =	sadd.s32 $0x200, s21  }
0x48: {  	[tilespmem:s17], [sflag:$0x1] =	stream.indirect.gather [hbm4b:s4+s16], $0x80, s22, s16, $0xb8;
	[tilespmem:$0x1A800] =	vst v63  }
0x49: {  	p0 =	sne.s32 s21, $0x6200;
	_ =	swait.ge [sflag:s18], $0x3200  }
.Ltmp1:
0x4a: {  	[sflag:s18] =	ssyncset.done $0x0;
	(pc) =	sbr.rel @p0 .LBB2_4-.Ltmp1, $4  }
0x4b: {  	s21 =	sadd.s32 $0x1C00, s22;
	[sflag:s18] =	ssyncadd.s32 $0xFFFFCE00  }
0x4c: {  	[spmem:s1] =	stream.indirect.scatter.add.f32 [tilespmem:s17], [sflag:$0x2], $0x80, s21, s16, $0xb8;
	[tilespmem:$0x1A800] =	vst v63  }
0x4d: {  	_ =	swait.ge [sflag:s14], $0x3200  }
0x4e: {  	s21 =	smov.u32 s23;
	[sflag:s14] =	ssyncset.done $0x0  }
0x4f: {  	s20 =	sshra.s32 s20, $0x2;
	[sflag:s14] =	ssyncadd.s32 $0xFFFFCE00  }
0x50: {  	[tilespmem:s17], [sflag:$0x1] =	stream.indirect.gather [hbm4b:s4+s16], $0x80, s20, s16, $0xb8;
	[tilespmem:$0x1A800] =	vst v63  }
0x51: {  	_ =	swait.ge [sflag:s18], $0x3200  }
0x52: {  	[sflag:s18] =	ssyncset.done $0x0  }
0x53: {  	s20 =	sadd.s32 $0x1C00, s20;
	[sflag:s18] =	ssyncadd.s32 $0xFFFFCE00  }
0x54: {  	[spmem:s1] =	stream.indirect.scatter.add.f32 [tilespmem:s17], [sflag:$0x2], $0x80, s20, s16, $0xb8;
	[tilespmem:$0x1A800] =	vst v63  }
0x55: {  	_ =	swait.ge [sflag:s14], $0x3200  }
0x56: {  	s19 =	sadd.s32 $0x1, s19;
	[sflag:s14] =	ssyncset.done $0x0  }
0x57: {  	p0 =	sne.s32 s19, s12;
	[sflag:s14] =	ssyncadd.s32 $0xFFFFCE00  }
.Ltmp2:
0x58: {  	[bflag:$0x0] =	sbarrier.arrive $0xFFFF;
	(pc) =	sbr.rel @p0 .LBB2_1-.Ltmp2, $4  }
0x59: {  	[hbm:s11], [sflag:s6] =	dma.local [spmem:s13], $0x2780  }
0x5a: {  	_ =	swait.ge [sflag:s14], $0x2780  }
0x5b: {  	[sflag:s14] =	ssyncset.done $0x0  }
0x5c: {  	[sflag:s14] =	ssyncadd.s32 $0xFFFFD880  }
0x5d: {  	_ =	sfence.sel $0x180000  }
0x5e: {  	[bflag:$0x0] =	sbarrier.arrive $0xFFFF  }
0x5f: {  	p0 =	sne.s32 s2, $0x0;
	_ =	strace $0x90000050  }
0x60: {  	s0 =	sadd.s32 @!p0 $0x100000, s0;
	[bflag:$0x2] =	sbarrier.arrive $0xFFFF  }
0x61: {  	[sflag:s0] =	ssyncadd.tile.s32 @!p0 $0x1;
	_ =	shalt  }
.Lfunc_end2:
_tile_overlayer_lowered:
.L_overlay_start_2:
0x62: {  	(tag) =	ssettag $0x2  }
0x63: {  	s0 =	rddreg [dreg:$0x0];
	s2 =	stileid.u32  }
0x64: {  	s1 =	rddreg [dreg:$0x1];
	p0 =	sne.s32 s2, $0x0  }
0x65: {  	s3 =	rddreg [dreg:$0x2];
	[bflag:$0x3] =	sbarrier.arrive $0xFFFF;
	s2 =	simm.s32 @!p0 $0x1C02  }
0x66: {  	[timem:s3], [sflag:s2] =	dma.local @!p0 [hbm:s0], s1  }
0x67: {  	s0 =	simm.s32 @!p0 $0x2  }
0x68: {  	_ =	swait.ge @!p0 [sflag:s0], s1  }
0x69: {  	s1 =	ssub.s32 @!p0 $0x0, s1;
	[sflag:s0] =	ssyncset.done @!p0 $0x0  }
0x6a: {  	[sflag:s0] =	ssyncadd.s32 @!p0 s1  }
0x6b: {  	[bflag:$0x3] =	sbarrier.arrive $0xFFFF  }
0x6c: {  	_ =	shalt  }

// kernel: kernel.33.cloned.1.call-start
scs
__scs_entry_jumppad:
0x0: {  	(pc) =	sbr.rel $0x88, $3  }
0x1: {  	(tag) =	ssettag $0x0;
	lr =	simm.s32 $0x1  }
0x2: {  	[smem:$0x3F94] =	sst lr;
	_ =	strace $0xD0000000  }
0x3: {  	_ = 	snop  }
0x4: {  	_ = 	snop  }
0x5: {  	_ = 	snop  }
0x6: {  	_ = 	snop  }
0x7: {  	_ = 	snop  }
__scs_overlays_trampoline_lowered:
0x8: {  	[smem:$0x3FA3] =	sst s0  }
0x9: {  	[smem:$0x3FA4] =	sst s1  }
0xa: {  	[smem:$0x3FA5] =	sst s2  }
0xb: {  	[smem:$0x3FA6] =	sst s3  }
0xc: {  	[smem:$0x3FA7] =	sst s4  }
0xd: {  	[smem:$0x3FA8] =	sst s5  }
0xe: {  	[smem:$0x3FA9] =	sst s6  }
0xf: {  	[smem:$0x3FAA] =	sst s7  }
0x10: {  	[smem:$0x3FAB] =	sst s8  }
0x11: {  	[smem:$0x3FAC] =	sst s9;
	s0 =	simm.s32 @!p0 $0x0  }
0x12: {  	s1 =	sld [smem:$0x3F92];
	s0 =	simm.s32 @p0 $0x1  }
0x13: {  	[smem:$0x3FAD] =	sst s0;
	s0 =	simm.s32 @!p1 $0x0  }
0x14: {  	s2 =	sld [smem:$0x3F91];
	s0 =	simm.s32 @p1 $0x1  }
0x15: {  	[smem:$0x3FAE] =	sst s0;
	s0 =	simm.s32 @!p2 $0x0  }
0x16: {  	s3 =	sld [smem:$0x3FDB];
	s0 =	simm.s32 @p2 $0x1  }
0x17: {  	s4 =	simm.s32 $0x1BF5;
	[smem:$0x3FB0] =	sst s0  }
0x18: {  	s0 =	sld [smem:$0x3F93];
	_ =	swait.ge [sflag:s4], $0x0  }
0x19: {  	s7 =	sld [smem:$0x3F94]  }
0x1a: {  	s8 =	sadd.s32 $0xFFFFE003, lr  }
0x1b: {  	s9 =	sadd.s32 $0xFFFFFEF7, lr;
	s5 =	simm.s32 $0xFFFFFFFF;
	p2 =	slt.u32 s8, $0xFFFFF086  }
0x1c: {  	p1 =	slt.u32 s9, $0xF7A;
	s5 =	simm.s32 @!p2 $0x0  }
0x1d: {  	s5 =	simm.s32 @p1 $0x1;
	p0 =	seq.s32 s7, s2  }
0x1e: {  	s7 =	smul.u32 @!p0 $0xF7A, s2;
	p2 =	seq.s32 @!p0 s5, $0x0  }
0x1f: {  	s9 =	smul.u32 $0xF7A, s1;
	s8 =	simm.s32 @!p0 $0x1BF5;
	p2 =	por !p2, p0  }
0x20: {  	[sflag:s8] =	ssyncset.s32 @!p0 $0xFFFFF086;
	s6 =	sadd.s32 @!p0 s3, s7;
	s7 =	simm.s32 @!p0 $0x108  }
0x21: {  	s3 =	sadd.s32 s3, s9;
	s6 =	sadd.s32 @!p0 $0x88, s6;
	s7 =	simm.s32 @p2 $0x1082  }
0x22: {  	[simem:s7], [sflag:s8] =	dma.local @!p0 [hbm:s6], $0xF7A  }
0x23: {  	s9 =	sor.u32 $0xD0000000, s2;
	s6 =	simm.s32 $0x108;
	_ =	swait.ge @!p0 [sflag:s8], $0x0  }
0x24: {  	s3 =	sadd.s32 $0x88, s3;
	s6 =	simm.s32 @!p1 $0x1082;
	[sflag:s4] =	ssyncset.s32 $0xFFFFF086  }
0x25: {  	[simem:s6], [sflag:s4] =	dma.local [hbm:s3], $0xF7A  }
0x26: {  	[smem:$0x3F94] =	sst s1;
	(tag) =	ssettag s2;
	_ =	strace s9  }
0x27: {  	s1 =	sld [smem:$0x3FA4]  }
0x28: {  	s2 =	sld [smem:$0x3FA5]  }
0x29: {  	s4 =	sld [smem:$0x3FA7]  }
0x2a: {  	p0 =	seq.s32 s5, $0x0;
	s5 =	sld [smem:$0x3FA8]  }
0x2b: {  	s6 =	sld [smem:$0x3FA9]  }
0x2c: {  	s7 =	sld [smem:$0x3FAA]  }
0x2d: {  	s3 =	simm.s32 $0x108;
	s8 =	sld [smem:$0x3FAB]  }
0x2e: {  	s3 =	simm.s32 @!p0 $0x1082;
	s9 =	sld [smem:$0x3FAC]  }
0x2f: {  	lr =	sadd.s32 s0, s3;
	s0 =	sld [smem:$0x3FA3]  }
0x30: {  	s3 =	sld [smem:$0x3FA6]  }
0x31: {  	[smem:$0x3FAF] =	sst s10  }
0x32: {  	s10 =	sld [smem:$0x3FAD];
	_ =	sdelay $0x3  }
0x33: {  	p0 =	seq.s32 s10, $0x1;
	s10 =	sld [smem:$0x3FAF];
	_ =	sdelay $0x3  }
0x34: {  	[smem:$0x3FAF] =	sst s10  }
0x35: {  	s10 =	sld [smem:$0x3FAE];
	_ =	sdelay $0x3  }
0x36: {  	p1 =	seq.s32 s10, $0x1;
	s10 =	sld [smem:$0x3FAF];
	_ =	sdelay $0x3  }
0x37: {  	[smem:$0x3FAF] =	sst s10  }
0x38: {  	s10 =	sld [smem:$0x3FB0]  }
0x39: {  	_ = 	snop;
	(pc) =	sbr.ind lr, $3  }
0x3a: {  	_ = 	snop  }
0x3b: {  	_ = 	snop  }
0x3c: {  	p2 =	seq.s32 s10, $0x1;
	s10 =	sld [smem:$0x3FAF]  }
0x3d: {  	_ =	shalt  }
0x3e: {  	_ =	shalt  }
0x3f: {  	_ =	shalt  }
0x40: {  	_ =	shalt  }
0x41: {  	_ =	shalt  }
0x42: {  	_ =	shalt  }
0x43: {  	_ =	shalt  }
0x44: {  	_ =	shalt  }
0x45: {  	_ =	shalt  }
0x46: {  	_ =	shalt  }
0x47: {  	_ =	shalt  }
0x48: {  	_ =	shalt  }
0x49: {  	_ =	shalt  }
0x4a: {  	_ =	shalt  }
0x4b: {  	_ =	shalt  }
0x4c: {  	_ =	shalt  }
0x4d: {  	_ =	shalt  }
0x4e: {  	_ =	shalt  }
0x4f: {  	_ =	shalt  }
0x50: {  	_ =	shalt  }
0x51: {  	_ =	shalt  }
0x52: {  	_ =	shalt  }
0x53: {  	_ =	shalt  }
0x54: {  	_ =	shalt  }
0x55: {  	_ =	shalt  }
0x56: {  	_ =	shalt  }
0x57: {  	_ =	shalt  }
0x58: {  	_ =	shalt  }
0x59: {  	_ =	shalt  }
0x5a: {  	_ =	shalt  }
0x5b: {  	_ =	shalt  }
0x5c: {  	_ =	shalt  }
0x5d: {  	_ =	shalt  }
0x5e: {  	_ =	shalt  }
0x5f: {  	_ =	shalt  }
0x60: {  	_ =	shalt  }
0x61: {  	_ =	shalt  }
0x62: {  	_ =	shalt  }
0x63: {  	_ =	shalt  }
0x64: {  	_ =	shalt  }
0x65: {  	_ =	shalt  }
0x66: {  	_ =	shalt  }
0x67: {  	_ =	shalt  }
0x68: {  	_ =	shalt  }
0x69: {  	_ =	shalt  }
0x6a: {  	_ =	shalt  }
0x6b: {  	_ =	shalt  }
0x6c: {  	_ =	shalt  }
0x6d: {  	_ =	shalt  }
0x6e: {  	_ =	shalt  }
0x6f: {  	_ =	shalt  }
0x70: {  	_ =	shalt  }
0x71: {  	_ =	shalt  }
0x72: {  	_ =	shalt  }
0x73: {  	_ =	shalt  }
0x74: {  	_ =	shalt  }
0x75: {  	_ =	shalt  }
0x76: {  	_ =	shalt  }
0x77: {  	_ =	shalt  }
0x78: {  	_ =	shalt  }
0x79: {  	_ =	shalt  }
0x7a: {  	_ =	shalt  }
0x7b: {  	_ =	shalt  }
0x7c: {  	_ =	shalt  }
0x7d: {  	_ =	shalt  }
0x7e: {  	_ =	shalt  }
0x7f: {  	_ =	shalt  }
0x80: {  	_ =	shalt  }
0x81: {  	_ =	shalt  }
0x82: {  	_ =	shalt  }
0x83: {  	_ =	shalt  }
0x84: {  	_ =	shalt  }
0x85: {  	_ =	shalt  }
0x86: {  	_ =	shalt  }
0x87: {  	_ =	shalt  }
.Lfunc_end0:
.L_simem_size_0:
called_computation.4_lowered:
.L_overlay_start_0:
0x88: {  	s2 =	sld [smem:$0x3FD9]  }
0x89: {  	s3 =	sld [smem:$0x3FFE];
	_ =	sdelay $0x1  }
0x8a: {  	s1 =	srdreg.scid  }
0x8b: {  	s0 =	sand.u32 $0x1, s1  }
0x8c: {  	s16 =	sshll.u32 s0, $0xA;
	s2 =	sadd.s32 s3, s2  }
0x8d: {  	s2 =	sadd.s32 s2, s16  }
0x8e: {  	[smem:$0x3FBB] =	sst s2  }
0x8f: {  	_ = 	snop  }
0x90: {  	(tm) =	ssettm $0x1  }
0x91: {  	s17 =	sld [smem:$0x3FFB];
	_ =	sdelay $0x3  }
0x92: {  	_ =	strace s17  }
0x93: {  	s2 =	sld [smem:$0x3FFC];
	_ =	sdelay $0x3  }
0x94: {  	_ =	strace s2  }
0x95: {  	s2 =	sld [smem:$0x3FFD];
	_ =	sdelay $0x3  }
0x96: {  	_ =	strace s2  }
0x97: {  	_ =	strace $0x8FFFFFFF  }
0x98: {  	s18 =	sld [smem:$0x3FDB];
	_ =	sdelay $0x1  }
0x99: {  	s19 =	simm.s32 $_scs_section_size  }
0x9a: {  	s4 =	simm.s32 $_size__tile_overlayer_lowered;
	s5 =	simm.s32 $_tile_overlayer_lowered  }
0x9b: {  	s22 =	simm.s32 $0x1BFF;
	s21 =	sshll.u32 s5, $0x1;
	s2 =	sadd.s32 s19, s18  }
0x9c: {  	s6 =	simm.s32 $0x0;
	s20 =	sshll.u32 s4, $0x1;
	s4 =	sadd.s32 s21, s2  }
0x9d: {  	[timem:s6], [sflag:s22] =	dma.local [hbm:s4], s20  }
0x9e: {  	_ =	swait.ge [sflag:s22], s20  }
0x9f: {  	s3 =	ssub.s32 $0x0, s20;
	[sflag:s22] =	ssyncset.done $0x0  }
0xa0: {  	[sflag:s22] =	ssyncadd.s32 s3;
	_ =	sdelay $0x1  }
0xa1: {  	s23 =	simm.s32 $0x1B8B  }
0xa2: {  	_ =	swait.ge [sflag:s23], $0x1  }
0xa3: {  	[sflag:s23] =	ssyncset.done $0x0  }
0xa4: {  	s25 =	simm.s32 $0x1B8E;
	s24 =	sld [smem:$0x3FFE];
	[sflag:s23] =	ssyncadd.s32 $0xFFFFFFFF  }
0xa5: {  	s26 =	simm.s32 $execute0_lowered;
	[smem:$0x3FD2] =	sst s25  }
0xa6: {  	s4 =	sshll.u32 s26, $0x1;
	_ =	strace $0x80000052;
	[dreg:$0x1] =	wrdreg $0xFFFFFFFF  }
0xa7: {  	s28 =	simm.s32 $_size_execute0_lowered;
	s2 =	sadd.s32 s2, s4;
	[dreg:$0x0] =	wrdreg $0x0  }
0xa8: {  	s4 =	sshll.u32 s28, $0x1;
	[dreg:$0x2] =	wrdreg s2  }
0xa9: {  	[dreg:$0x3] =	wrdreg s4  }
0xaa: {  	[dreg:$0x4] =	wrdreg $0xC0  }
0xab: {  	_ =	task [dreg:s6], $0x5FFFF  }
0xac: {  	[dreg:$0x1] =	wrdreg $0xFFFFFFFF  }
0xad: {  	[dreg:$0x0] =	wrdreg $0x60  }
0xae: {  	[dreg:$0x2] =	wrdreg s24  }
0xaf: {  	[dreg:$0x3] =	wrdreg $0x6C000  }
0xb0: {  	[dreg:$0x4] =	wrdreg $0x9  }
0xb1: {  	_ =	task.clear_ibuf [dreg:s6], $0x5FFFF;
	_ =	strace $0x90000052  }
0xb2: {  	s29 =	simm.s32 $0x9;
	_ =	strace $0x80000054  }
0xb3: {  	_ =	swait.ge [sflag:s29], $0x1  }
0xb4: {  	[sflag:s29] =	ssyncadd.s32 $0xFFFFFFFF  }
0xb5: {  	_ =	strace $0x90000054  }
0xb6: {  	_ =	sfence  }
0xb7: {  	s30 =	sld [smem:$0x0];
	_ =	sdelay $0x2  }
0xb8: {  	s31 =	sshll.u32 s1, $0xD;
	s1 =	sshrl.u32 s1, $0x2  }
0xb9: {  	s3 =	sand.u32 $0x4000, s31;
	s1 =	sadd.s32 s1, s30  }
0xba: {  	s0 =	sor.u32 s3, s0;
	s1 =	sshll.u32 s1, $0x11  }
0xbb: {  	s0 =	sor.u32 s1, s0  }
0xbc: {  	s0 =	sadd.s32 $0x8F2B, s0  }
0xbd: {  	[sflag:s0] =	ssyncadd.remote.s32 $0x1  }
0xbe: {  	_ =	sfence.sel $0xFFFF  }
0xbf: {  	[dreg:$0x0] =	wrdreg $0xFFFFFFFF;
	(pc) =	sbr.abs _section_cstart, $3  }
0xc0: {  	[dreg:$0x1] =	wrdreg $0xFFFFFFFF  }
0xc1: {  	_ =	task.clear_ibuf [dreg:s6], $0x2FFFF;
	_ =	strace $0x9FFFFFFF  }
0xc2: {  	(tm) =	ssettm $0x7FFFFFFF  }
0xc3: {  	_ =	shalt  }
tec
execute0_lowered:
.L_overlay_start_1:
0x0: {  	(tag) =	ssettag $0x1  }
0x1: {  	s6 =	rddreg [dreg:$0x0]  }
0x2: {  	s1 =	rddreg [dreg:$0x1]  }
0x3: {  	s0 =	rddreg [dreg:$0x2];
	s3 =	simm.s32 $0x0;
	s2 =	srdreg.scid  }
0x4: {  	s16 =	simm.s32 $0x64;
	s17 =	simm.s32 $0x3800;
	s18 =	simm.s32 $0x1  }
0x5: {  	s19 =	simm.s32 $0x0;
	[smem:$0x7FF] =	sst s3;
	s7 =	sand.u32 $0x1, s2  }
0x6: {  	s2 =	stileid.u32;
	s4 =	sadd.s32 $0x23A00, s6;
	s10 =	sadd.s32 $0x72E00, s6  }
0x7: {  	s11 =	sadd.s32 $0x80E00, s6;
	s5 =	sadd.s32 $0x21200, s6;
	s8 =	smul.u32 $0x13C000, s7  }
0x8: {  	_ =	strace $0x80000053;
	s9 =	smul.u32 $0x13C00, s2;
	s26 =	sshll.u32 s7, $0x4  }
0x9: {  	s7 =	ssub.s32 $0x2, s7;
	s12 =	smul.u32 $0x4F000, s2;
	s29 =	sshll.u32 s2, $0x6  }
0xa: {  	s13 =	sshrl.u32 s7, $0x1;
	s8 =	sadd.s32 s9, s8;
	s9 =	sor.u32 s2, s26  }
0xb: {  	s13 =	ssub.s32 s7, s13;
	s28 =	sshrl.u32 s12, $0x2;
	s9 =	smul.u32 $0x3800, s9  }
0xc: {  	s8 =	sshrl.u32 s8, $0x3;
	s15 =	sadd.s32 s28, s1;
	s12 =	smax.u32 s13, $0x1  }
0xd: {  	s14 =	sadd.s32 s8, s6;
	s6 =	sor.u32 $0x1C02, s29;
	s30 =	sshrl.u32 s9, $0x3  }
0xe: {  	s13 =	sshrl.u32 s15, $0x3;
	s15 =	simm.s32 $0x1C00;
	s31 =	sadd.s32 $0x380, s30  }
0xf: {  	s7 =	sadd.s32 s10, s30;
	s8 =	sadd.s32 s11, s30;
	s9 =	sadd.s32 s10, s31  }
0x10: {  	s10 =	sadd.s32 s11, s31;
	s11 =	sadd.s32 $0x8EE00, s14;
	s14 =	simm.s32 $0x2  }
.LBB2_1:
0x11: {  	[spmem:s13], [sflag:s6] =	dma.local [hbm:s5], $0x2780  }
0x12: {  	_ =	swait.ge [sflag:s14], $0x2780  }
0x13: {  	[sflag:s14] =	ssyncset.done $0x0  }
0x14: {  	[sflag:s14] =	ssyncadd.s32 $0xFFFFD880  }
0x15: {  	[bflag:$0x0] =	sbarrier.arrive $0xFFFF  }
0x16: {  	[tilespmem:s3], [sflag:$0x2] =	stream.linear.gather [hbm4b:s7+s3], $0x1900, $0x38;
	[tilespmem:$0x1A800] =	vst v63  }
0x17: {  	_ =	swait.ge [sflag:s14], $0x1900  }
0x18: {  	[sflag:s14] =	ssyncset.done $0x0  }
0x19: {  	[sflag:s14] =	ssyncadd.s32 $0xFFFFE700  }
0x1a: {  	[tilespmem:s15], [sflag:$0x2] =	stream.linear.gather [hbm4b:s8+s3], $0x1900, $0x38;
	[tilespmem:$0x1A800] =	vst v63  }
0x1b: {  	_ =	swait.ge [sflag:s14], $0x1900  }
0x1c: {  	[sflag:s14] =	ssyncset.done $0x0  }
0x1d: {  	s20 =	simm.s32 $0x0;
	[sflag:s14] =	ssyncadd.s32 $0xFFFFE700  }
0x1e: {  	[tilespmem:s17], [sflag:$0x1] =	stream.indirect.gather [hbm4b:s4+s16], $0x80, s20, s16, $0xb8;
	[tilespmem:$0x1A800] =	vst v63  }
0x1f: {  	_ =	swait.ge [sflag:s18], $0x3200  }
0x20: {  	[sflag:s18] =	ssyncset.done $0x0  }
0x21: {  	s31 =	simm.s32 $0x1C00;
	[sflag:s18] =	ssyncadd.s32 $0xFFFFCE00  }
0x22: {  	[spmem:s1] =	stream.indirect.scatter.add.f32 [tilespmem:s17], [sflag:$0x2], $0x80, s31, s16, $0xb8;
	[tilespmem:$0x1A800] =	vst v63  }
0x23: {  	_ =	swait.ge [sflag:s14], $0x3200  }
0x24: {  	s21 =	simm.s32 $0x400;
	s20 =	simm.s32 $0x200;
	[sflag:s14] =	ssyncset.done $0x0  }
.LBB2_2:
0x25: {  	s22 =	sshra.s32 s20, $0x2  }
0x26: {  	[sflag:s14] =	ssyncadd.s32 $0xFFFFCE00;
	s20 =	smov.u32 s21;
	s23 =	sadd.s32 $0x200, s21  }
0x27: {  	[tilespmem:s17], [sflag:$0x1] =	stream.indirect.gather [hbm4b:s4+s16], $0x80, s22, s16, $0xb8;
	[tilespmem:$0x1A800] =	vst v63  }
0x28: {  	p0 =	sne.s32 s21, $0x6200;
	_ =	swait.ge [sflag:s18], $0x3200  }
.Ltmp0:
0x29: {  	[sflag:s18] =	ssyncset.done $0x0;
	(pc) =	sbr.rel @p0 .LBB2_2-.Ltmp0, $4  }
0x2a: {  	s21 =	sadd.s32 $0x1C00, s22;
	[sflag:s18] =	ssyncadd.s32 $0xFFFFCE00  }
0x2b: {  	[spmem:s1] =	stream.indirect.scatter.add.f32 [tilespmem:s17], [sflag:$0x2], $0x80, s21, s16, $0xb8;
	[tilespmem:$0x1A800] =	vst v63  }
0x2c: {  	_ =	swait.ge [sflag:s14], $0x3200  }
0x2d: {  	s21 =	smov.u32 s23;
	[sflag:s14] =	ssyncset.done $0x0  }
0x2e: {  	s20 =	sshra.s32 s20, $0x2;
	[sflag:s14] =	ssyncadd.s32 $0xFFFFCE00  }
0x2f: {  	[tilespmem:s17], [sflag:$0x1] =	stream.indirect.gather [hbm4b:s4+s16], $0x80, s20, s16, $0xb8;
	[tilespmem:$0x1A800] =	vst v63  }
0x30: {  	_ =	swait.ge [sflag:s18], $0x3200  }
0x31: {  	[sflag:s18] =	ssyncset.done $0x0  }
0x32: {  	s20 =	sadd.s32 $0x1C00, s20;
	[sflag:s18] =	ssyncadd.s32 $0xFFFFCE00  }
0x33: {  	[spmem:s1] =	stream.indirect.scatter.add.f32 [tilespmem:s17], [sflag:$0x2], $0x80, s20, s16, $0xb8;
	[tilespmem:$0x1A800] =	vst v63  }
0x34: {  	_ =	swait.ge [sflag:s14], $0x3200  }
0x35: {  	[sflag:s14] =	ssyncset.done $0x0  }
0x36: {  	s29 =	simm.s32 $0x0;
	[sflag:s14] =	ssyncadd.s32 $0xFFFFCE00  }
0x37: {  	[tilespmem:s29], [sflag:$0x2] =	stream.linear.gather [hbm4b:s9+s29], $0x1900, $0x38;
	[tilespmem:$0x1A800] =	vst v63  }
0x38: {  	_ =	swait.ge [sflag:s14], $0x1900  }
0x39: {  	[sflag:s14] =	ssyncset.done $0x0  }
0x3a: {  	[sflag:s14] =	ssyncadd.s32 $0xFFFFE700  }
0x3b: {  	[tilespmem:s15], [sflag:$0x2] =	stream.linear.gather [hbm4b:s10+s29], $0x1900, $0x38;
	[tilespmem:$0x1A800] =	vst v63  }
0x3c: {  	_ =	swait.ge [sflag:s14], $0x1900  }
0x3d: {  	[sflag:s14] =	ssyncset.done $0x0  }
0x3e: {  	s30 =	simm.s32 $0x0;
	[sflag:s14] =	ssyncadd.s32 $0xFFFFE700  }
0x3f: {  	[tilespmem:s17], [sflag:$0x1] =	stream.indirect.gather [hbm4b:s4+s16], $0x80, s30, s16, $0xb8;
	[tilespmem:$0x1A800] =	vst v63  }
0x40: {  	_ =	swait.ge [sflag:s18], $0x3200  }
0x41: {  	[sflag:s18] =	ssyncset.done $0x0  }
0x42: {  	s31 =	simm.s32 $0x1C00;
	[sflag:s18] =	ssyncadd.s32 $0xFFFFCE00  }
0x43: {  	[spmem:s1] =	stream.indirect.scatter.add.f32 [tilespmem:s17], [sflag:$0x2], $0x80, s31, s16, $0xb8;
	[tilespmem:$0x1A800] =	vst v63  }
0x44: {  	_ =	swait.ge [sflag:s14], $0x3200  }
0x45: {  	s21 =	simm.s32 $0x400;
	s20 =	simm.s32 $0x200;
	[sflag:s14] =	ssyncset.done $0x0  }
.LBB2_4:
0x46: {  	s22 =	sshra.s32 s20, $0x2  }
0x47: {  	[sflag:s14] =	ssyncadd.s32 $0xFFFFCE00;
	s20 =	smov.u32 s21;
	s23 =	sadd.s32 $0x200, s21  }
0x48: {  	[tilespmem:s17], [sflag:$0x1] =	stream.indirect.gather [hbm4b:s4+s16], $0x80, s22, s16, $0xb8;
	[tilespmem:$0x1A800] =	vst v63  }
0x49: {  	p0 =	sne.s32 s21, $0x6200;
	_ =	swait.ge [sflag:s18], $0x3200  }
.Ltmp1:
0x4a: {  	[sflag:s18] =	ssyncset.done $0x0;
	(pc) =	sbr.rel @p0 .LBB2_4-.Ltmp1, $4  }
0x4b: {  	s21 =	sadd.s32 $0x1C00, s22;
	[sflag:s18] =	ssyncadd.s32 $0xFFFFCE00  }
0x4c: {  	[spmem:s1] =	stream.indirect.scatter.add.f32 [tilespmem:s17], [sflag:$0x2], $0x80, s21, s16, $0xb8;
	[tilespmem:$0x1A800] =	vst v63  }
0x4d: {  	_ =	swait.ge [sflag:s14], $0x3200  }
0x4e: {  	s21 =	smov.u32 s23;
	[sflag:s14] =	ssyncset.done $0x0  }
0x4f: {  	s20 =	sshra.s32 s20, $0x2;
	[sflag:s14] =	ssyncadd.s32 $0xFFFFCE00  }
0x50: {  	[tilespmem:s17], [sflag:$0x1] =	stream.indirect.gather [hbm4b:s4+s16], $0x80, s20, s16, $0xb8;
	[tilespmem:$0x1A800] =	vst v63  }
0x51: {  	_ =	swait.ge [sflag:s18], $0x3200  }
0x52: {  	[sflag:s18] =	ssyncset.done $0x0  }
0x53: {  	s20 =	sadd.s32 $0x1C00, s20;
	[sflag:s18] =	ssyncadd.s32 $0xFFFFCE00  }
0x54: {  	[spmem:s1] =	stream.indirect.scatter.add.f32 [tilespmem:s17], [sflag:$0x2], $0x80, s20, s16, $0xb8;
	[tilespmem:$0x1A800] =	vst v63  }
0x55: {  	_ =	swait.ge [sflag:s14], $0x3200  }
0x56: {  	s19 =	sadd.s32 $0x1, s19;
	[sflag:s14] =	ssyncset.done $0x0  }
0x57: {  	p0 =	sne.s32 s19, s12;
	[sflag:s14] =	ssyncadd.s32 $0xFFFFCE00  }
.Ltmp2:
0x58: {  	[bflag:$0x0] =	sbarrier.arrive $0xFFFF;
	(pc) =	sbr.rel @p0 .LBB2_1-.Ltmp2, $4  }
0x59: {  	[hbm:s11], [sflag:s6] =	dma.local [spmem:s13], $0x2780  }
0x5a: {  	_ =	swait.ge [sflag:s14], $0x2780  }
0x5b: {  	[sflag:s14] =	ssyncset.done $0x0  }
0x5c: {  	[sflag:s14] =	ssyncadd.s32 $0xFFFFD880  }
0x5d: {  	_ =	sfence.sel $0x180000  }
0x5e: {  	[bflag:$0x0] =	sbarrier.arrive $0xFFFF  }
0x5f: {  	p0 =	sne.s32 s2, $0x0;
	_ =	strace $0x90000053  }
0x60: {  	s0 =	sadd.s32 @!p0 $0x100000, s0;
	[bflag:$0x2] =	sbarrier.arrive $0xFFFF  }
0x61: {  	[sflag:s0] =	ssyncadd.tile.s32 @!p0 $0x1;
	_ =	shalt  }
.Lfunc_end2:
_tile_overlayer_lowered:
.L_overlay_start_2:
0x62: {  	(tag) =	ssettag $0x2  }
0x63: {  	s0 =	rddreg [dreg:$0x0];
	s2 =	stileid.u32  }
0x64: {  	s1 =	rddreg [dreg:$0x1];
	p0 =	sne.s32 s2, $0x0  }
0x65: {  	s3 =	rddreg [dreg:$0x2];
	[bflag:$0x3] =	sbarrier.arrive $0xFFFF;
	s2 =	simm.s32 @!p0 $0x1C02  }
0x66: {  	[timem:s3], [sflag:s2] =	dma.local @!p0 [hbm:s0], s1  }
0x67: {  	s0 =	simm.s32 @!p0 $0x2  }
0x68: {  	_ =	swait.ge @!p0 [sflag:s0], s1  }
0x69: {  	s1 =	ssub.s32 @!p0 $0x0, s1;
	[sflag:s0] =	ssyncset.done @!p0 $0x0  }
0x6a: {  	[sflag:s0] =	ssyncadd.s32 @!p0 s1  }
0x6b: {  	[bflag:$0x3] =	sbarrier.arrive $0xFFFF  }
0x6c: {  	_ =	shalt  }

// kernel: kernel.36.cloned.1.call-start
scs
__scs_entry_jumppad:
0x0: {  	(pc) =	sbr.rel $0x88, $3  }
0x1: {  	(tag) =	ssettag $0x0;
	lr =	simm.s32 $0x1  }
0x2: {  	[smem:$0x3F94] =	sst lr;
	_ =	strace $0xD0000000  }
0x3: {  	_ = 	snop  }
0x4: {  	_ = 	snop  }
0x5: {  	_ = 	snop  }
0x6: {  	_ = 	snop  }
0x7: {  	_ = 	snop  }
__scs_overlays_trampoline_lowered:
0x8: {  	[smem:$0x3FA3] =	sst s0  }
0x9: {  	[smem:$0x3FA4] =	sst s1  }
0xa: {  	[smem:$0x3FA5] =	sst s2  }
0xb: {  	[smem:$0x3FA6] =	sst s3  }
0xc: {  	[smem:$0x3FA7] =	sst s4  }
0xd: {  	[smem:$0x3FA8] =	sst s5  }
0xe: {  	[smem:$0x3FA9] =	sst s6  }
0xf: {  	[smem:$0x3FAA] =	sst s7  }
0x10: {  	[smem:$0x3FAB] =	sst s8  }
0x11: {  	[smem:$0x3FAC] =	sst s9;
	s0 =	simm.s32 @!p0 $0x0  }
0x12: {  	s1 =	sld [smem:$0x3F92];
	s0 =	simm.s32 @p0 $0x1  }
0x13: {  	[smem:$0x3FAD] =	sst s0;
	s0 =	simm.s32 @!p1 $0x0  }
0x14: {  	s2 =	sld [smem:$0x3F91];
	s0 =	simm.s32 @p1 $0x1  }
0x15: {  	[smem:$0x3FAE] =	sst s0;
	s0 =	simm.s32 @!p2 $0x0  }
0x16: {  	s3 =	sld [smem:$0x3FDB];
	s0 =	simm.s32 @p2 $0x1  }
0x17: {  	s4 =	simm.s32 $0x1BF5;
	[smem:$0x3FB0] =	sst s0  }
0x18: {  	s0 =	sld [smem:$0x3F93];
	_ =	swait.ge [sflag:s4], $0x0  }
0x19: {  	s7 =	sld [smem:$0x3F94]  }
0x1a: {  	s8 =	sadd.s32 $0xFFFFE003, lr  }
0x1b: {  	s9 =	sadd.s32 $0xFFFFFEF7, lr;
	s5 =	simm.s32 $0xFFFFFFFF;
	p2 =	slt.u32 s8, $0xFFFFF086  }
0x1c: {  	p1 =	slt.u32 s9, $0xF7A;
	s5 =	simm.s32 @!p2 $0x0  }
0x1d: {  	s5 =	simm.s32 @p1 $0x1;
	p0 =	seq.s32 s7, s2  }
0x1e: {  	s7 =	smul.u32 @!p0 $0xF7A, s2;
	p2 =	seq.s32 @!p0 s5, $0x0  }
0x1f: {  	s9 =	smul.u32 $0xF7A, s1;
	s8 =	simm.s32 @!p0 $0x1BF5;
	p2 =	por !p2, p0  }
0x20: {  	[sflag:s8] =	ssyncset.s32 @!p0 $0xFFFFF086;
	s6 =	sadd.s32 @!p0 s3, s7;
	s7 =	simm.s32 @!p0 $0x108  }
0x21: {  	s3 =	sadd.s32 s3, s9;
	s6 =	sadd.s32 @!p0 $0x88, s6;
	s7 =	simm.s32 @p2 $0x1082  }
0x22: {  	[simem:s7], [sflag:s8] =	dma.local @!p0 [hbm:s6], $0xF7A  }
0x23: {  	s9 =	sor.u32 $0xD0000000, s2;
	s6 =	simm.s32 $0x108;
	_ =	swait.ge @!p0 [sflag:s8], $0x0  }
0x24: {  	s3 =	sadd.s32 $0x88, s3;
	s6 =	simm.s32 @!p1 $0x1082;
	[sflag:s4] =	ssyncset.s32 $0xFFFFF086  }
0x25: {  	[simem:s6], [sflag:s4] =	dma.local [hbm:s3], $0xF7A  }
0x26: {  	[smem:$0x3F94] =	sst s1;
	(tag) =	ssettag s2;
	_ =	strace s9  }
0x27: {  	s1 =	sld [smem:$0x3FA4]  }
0x28: {  	s2 =	sld [smem:$0x3FA5]  }
0x29: {  	s4 =	sld [smem:$0x3FA7]  }
0x2a: {  	p0 =	seq.s32 s5, $0x0;
	s5 =	sld [smem:$0x3FA8]  }
0x2b: {  	s6 =	sld [smem:$0x3FA9]  }
0x2c: {  	s7 =	sld [smem:$0x3FAA]  }
0x2d: {  	s3 =	simm.s32 $0x108;
	s8 =	sld [smem:$0x3FAB]  }
0x2e: {  	s3 =	simm.s32 @!p0 $0x1082;
	s9 =	sld [smem:$0x3FAC]  }
0x2f: {  	lr =	sadd.s32 s0, s3;
	s0 =	sld [smem:$0x3FA3]  }
0x30: {  	s3 =	sld [smem:$0x3FA6]  }
0x31: {  	[smem:$0x3FAF] =	sst s10  }
0x32: {  	s10 =	sld [smem:$0x3FAD];
	_ =	sdelay $0x3  }
0x33: {  	p0 =	seq.s32 s10, $0x1;
	s10 =	sld [smem:$0x3FAF];
	_ =	sdelay $0x3  }
0x34: {  	[smem:$0x3FAF] =	sst s10  }
0x35: {  	s10 =	sld [smem:$0x3FAE];
	_ =	sdelay $0x3  }
0x36: {  	p1 =	seq.s32 s10, $0x1;
	s10 =	sld [smem:$0x3FAF];
	_ =	sdelay $0x3  }
0x37: {  	[smem:$0x3FAF] =	sst s10  }
0x38: {  	s10 =	sld [smem:$0x3FB0]  }
0x39: {  	_ = 	snop;
	(pc) =	sbr.ind lr, $3  }
0x3a: {  	_ = 	snop  }
0x3b: {  	_ = 	snop  }
0x3c: {  	p2 =	seq.s32 s10, $0x1;
	s10 =	sld [smem:$0x3FAF]  }
0x3d: {  	_ =	shalt  }
0x3e: {  	_ =	shalt  }
0x3f: {  	_ =	shalt  }
0x40: {  	_ =	shalt  }
0x41: {  	_ =	shalt  }
0x42: {  	_ =	shalt  }
0x43: {  	_ =	shalt  }
0x44: {  	_ =	shalt  }
0x45: {  	_ =	shalt  }
0x46: {  	_ =	shalt  }
0x47: {  	_ =	shalt  }
0x48: {  	_ =	shalt  }
0x49: {  	_ =	shalt  }
0x4a: {  	_ =	shalt  }
0x4b: {  	_ =	shalt  }
0x4c: {  	_ =	shalt  }
0x4d: {  	_ =	shalt  }
0x4e: {  	_ =	shalt  }
0x4f: {  	_ =	shalt  }
0x50: {  	_ =	shalt  }
0x51: {  	_ =	shalt  }
0x52: {  	_ =	shalt  }
0x53: {  	_ =	shalt  }
0x54: {  	_ =	shalt  }
0x55: {  	_ =	shalt  }
0x56: {  	_ =	shalt  }
0x57: {  	_ =	shalt  }
0x58: {  	_ =	shalt  }
0x59: {  	_ =	shalt  }
0x5a: {  	_ =	shalt  }
0x5b: {  	_ =	shalt  }
0x5c: {  	_ =	shalt  }
0x5d: {  	_ =	shalt  }
0x5e: {  	_ =	shalt  }
0x5f: {  	_ =	shalt  }
0x60: {  	_ =	shalt  }
0x61: {  	_ =	shalt  }
0x62: {  	_ =	shalt  }
0x63: {  	_ =	shalt  }
0x64: {  	_ =	shalt  }
0x65: {  	_ =	shalt  }
0x66: {  	_ =	shalt  }
0x67: {  	_ =	shalt  }
0x68: {  	_ =	shalt  }
0x69: {  	_ =	shalt  }
0x6a: {  	_ =	shalt  }
0x6b: {  	_ =	shalt  }
0x6c: {  	_ =	shalt  }
0x6d: {  	_ =	shalt  }
0x6e: {  	_ =	shalt  }
0x6f: {  	_ =	shalt  }
0x70: {  	_ =	shalt  }
0x71: {  	_ =	shalt  }
0x72: {  	_ =	shalt  }
0x73: {  	_ =	shalt  }
0x74: {  	_ =	shalt  }
0x75: {  	_ =	shalt  }
0x76: {  	_ =	shalt  }
0x77: {  	_ =	shalt  }
0x78: {  	_ =	shalt  }
0x79: {  	_ =	shalt  }
0x7a: {  	_ =	shalt  }
0x7b: {  	_ =	shalt  }
0x7c: {  	_ =	shalt  }
0x7d: {  	_ =	shalt  }
0x7e: {  	_ =	shalt  }
0x7f: {  	_ =	shalt  }
0x80: {  	_ =	shalt  }
0x81: {  	_ =	shalt  }
0x82: {  	_ =	shalt  }
0x83: {  	_ =	shalt  }
0x84: {  	_ =	shalt  }
0x85: {  	_ =	shalt  }
0x86: {  	_ =	shalt  }
0x87: {  	_ =	shalt  }
.Lfunc_end0:
.L_simem_size_0:
called_computation.5_lowered:
.L_overlay_start_0:
0x88: {  	s2 =	sld [smem:$0x3FD9]  }
0x89: {  	s3 =	sld [smem:$0x3FFE];
	_ =	sdelay $0x1  }
0x8a: {  	s1 =	srdreg.scid  }
0x8b: {  	s0 =	sand.u32 $0x1, s1  }
0x8c: {  	s16 =	sshll.u32 s0, $0xA;
	s2 =	sadd.s32 s3, s2  }
0x8d: {  	s2 =	sadd.s32 s2, s16  }
0x8e: {  	[smem:$0x3FBB] =	sst s2  }
0x8f: {  	_ = 	snop  }
0x90: {  	(tm) =	ssettm $0x1  }
0x91: {  	s17 =	sld [smem:$0x3FFB];
	_ =	sdelay $0x3  }
0x92: {  	_ =	strace s17  }
0x93: {  	s2 =	sld [smem:$0x3FFC];
	_ =	sdelay $0x3  }
0x94: {  	_ =	strace s2  }
0x95: {  	s2 =	sld [smem:$0x3FFD];
	_ =	sdelay $0x3  }
0x96: {  	_ =	strace s2  }
0x97: {  	_ =	strace $0x8FFFFFFF  }
0x98: {  	s18 =	sld [smem:$0x3FDB];
	_ =	sdelay $0x1  }
0x99: {  	s19 =	simm.s32 $_scs_section_size  }
0x9a: {  	s4 =	simm.s32 $_size__tile_overlayer_lowered;
	s5 =	simm.s32 $_tile_overlayer_lowered  }
0x9b: {  	s22 =	simm.s32 $0x1BFF;
	s21 =	sshll.u32 s5, $0x1;
	s2 =	sadd.s32 s19, s18  }
0x9c: {  	s6 =	simm.s32 $0x0;
	s20 =	sshll.u32 s4, $0x1;
	s4 =	sadd.s32 s21, s2  }
0x9d: {  	[timem:s6], [sflag:s22] =	dma.local [hbm:s4], s20  }
0x9e: {  	_ =	swait.ge [sflag:s22], s20  }
0x9f: {  	s3 =	ssub.s32 $0x0, s20;
	[sflag:s22] =	ssyncset.done $0x0  }
0xa0: {  	[sflag:s22] =	ssyncadd.s32 s3;
	_ =	sdelay $0x1  }
0xa1: {  	s23 =	simm.s32 $0x1B8B  }
0xa2: {  	_ =	swait.ge [sflag:s23], $0x1  }
0xa3: {  	[sflag:s23] =	ssyncset.done $0x0  }
0xa4: {  	s25 =	simm.s32 $0x1B8E;
	s24 =	sld [smem:$0x3FFE];
	[sflag:s23] =	ssyncadd.s32 $0xFFFFFFFF  }
0xa5: {  	s26 =	simm.s32 $execute0_lowered;
	[smem:$0x3FD2] =	sst s25  }
0xa6: {  	s4 =	sshll.u32 s26, $0x1;
	_ =	strace $0x80000055;
	[dreg:$0x1] =	wrdreg $0xFFFFFFFF  }
0xa7: {  	s28 =	simm.s32 $_size_execute0_lowered;
	s2 =	sadd.s32 s2, s4;
	[dreg:$0x0] =	wrdreg $0x0  }
0xa8: {  	s4 =	sshll.u32 s28, $0x1;
	[dreg:$0x2] =	wrdreg s2  }
0xa9: {  	[dreg:$0x3] =	wrdreg s4  }
0xaa: {  	[dreg:$0x4] =	wrdreg $0xC0  }
0xab: {  	_ =	task [dreg:s6], $0x5FFFF  }
0xac: {  	[dreg:$0x1] =	wrdreg $0xFFFFFFFF  }
0xad: {  	[dreg:$0x0] =	wrdreg $0x60  }
0xae: {  	[dreg:$0x2] =	wrdreg s24  }
0xaf: {  	[dreg:$0x3] =	wrdreg $0x6C000  }
0xb0: {  	[dreg:$0x4] =	wrdreg $0x9  }
0xb1: {  	_ =	task.clear_ibuf [dreg:s6], $0x5FFFF;
	_ =	strace $0x90000055  }
0xb2: {  	s29 =	simm.s32 $0x9;
	_ =	strace $0x80000057  }
0xb3: {  	_ =	swait.ge [sflag:s29], $0x1  }
0xb4: {  	[sflag:s29] =	ssyncadd.s32 $0xFFFFFFFF  }
0xb5: {  	_ =	strace $0x90000057  }
0xb6: {  	_ =	sfence  }
0xb7: {  	s30 =	sld [smem:$0x0];
	_ =	sdelay $0x2  }
0xb8: {  	s31 =	sshll.u32 s1, $0xD;
	s1 =	sshrl.u32 s1, $0x2  }
0xb9: {  	s3 =	sand.u32 $0x4000, s31;
	s1 =	sadd.s32 s1, s30  }
0xba: {  	s0 =	sor.u32 s3, s0;
	s1 =	sshll.u32 s1, $0x11  }
0xbb: {  	s0 =	sor.u32 s1, s0  }
0xbc: {  	s0 =	sadd.s32 $0x8F2B, s0  }
0xbd: {  	[sflag:s0] =	ssyncadd.remote.s32 $0x1  }
0xbe: {  	_ =	sfence.sel $0xFFFF  }
0xbf: {  	[dreg:$0x0] =	wrdreg $0xFFFFFFFF;
	(pc) =	sbr.abs _section_cstart, $3  }
0xc0: {  	[dreg:$0x1] =	wrdreg $0xFFFFFFFF  }
0xc1: {  	_ =	task.clear_ibuf [dreg:s6], $0x2FFFF;
	_ =	strace $0x9FFFFFFF  }
0xc2: {  	(tm) =	ssettm $0x7FFFFFFF  }
0xc3: {  	_ =	shalt  }
tec
execute0_lowered:
.L_overlay_start_1:
0x0: {  	(tag) =	ssettag $0x1  }
0x1: {  	s6 =	rddreg [dreg:$0x0]  }
0x2: {  	s1 =	rddreg [dreg:$0x1]  }
0x3: {  	s0 =	rddreg [dreg:$0x2];
	s3 =	simm.s32 $0x0;
	s2 =	srdreg.scid  }
0x4: {  	s16 =	simm.s32 $0x64;
	s17 =	simm.s32 $0x3800;
	s18 =	simm.s32 $0x1  }
0x5: {  	s19 =	simm.s32 $0x0;
	[smem:$0x7FF] =	sst s3;
	s7 =	sand.u32 $0x1, s2  }
0x6: {  	s2 =	stileid.u32;
	s4 =	sadd.s32 $0x23A00, s6;
	s10 =	sadd.s32 $0x72E00, s6  }
0x7: {  	s11 =	sadd.s32 $0x80E00, s6;
	s5 =	sadd.s32 $0x21200, s6;
	s8 =	smul.u32 $0x13C000, s7  }
0x8: {  	_ =	strace $0x80000056;
	s9 =	smul.u32 $0x13C00, s2;
	s26 =	sshll.u32 s7, $0x4  }
0x9: {  	s7 =	ssub.s32 $0x2, s7;
	s12 =	smul.u32 $0x4F000, s2;
	s29 =	sshll.u32 s2, $0x6  }
0xa: {  	s13 =	sshrl.u32 s7, $0x1;
	s8 =	sadd.s32 s9, s8;
	s9 =	sor.u32 s2, s26  }
0xb: {  	s13 =	ssub.s32 s7, s13;
	s28 =	sshrl.u32 s12, $0x2;
	s9 =	smul.u32 $0x3800, s9  }
0xc: {  	s8 =	sshrl.u32 s8, $0x3;
	s15 =	sadd.s32 s28, s1;
	s12 =	smax.u32 s13, $0x1  }
0xd: {  	s14 =	sadd.s32 s8, s6;
	s6 =	sor.u32 $0x1C02, s29;
	s30 =	sshrl.u32 s9, $0x3  }
0xe: {  	s13 =	sshrl.u32 s15, $0x3;
	s15 =	simm.s32 $0x1C00;
	s31 =	sadd.s32 $0x380, s30  }
0xf: {  	s7 =	sadd.s32 s10, s30;
	s8 =	sadd.s32 s11, s30;
	s9 =	sadd.s32 s10, s31  }
0x10: {  	s10 =	sadd.s32 s11, s31;
	s11 =	sadd.s32 $0xB6000, s14;
	s14 =	simm.s32 $0x2  }
.LBB2_1:
0x11: {  	[spmem:s13], [sflag:s6] =	dma.local [hbm:s5], $0x2780  }
0x12: {  	_ =	swait.ge [sflag:s14], $0x2780  }
0x13: {  	[sflag:s14] =	ssyncset.done $0x0  }
0x14: {  	[sflag:s14] =	ssyncadd.s32 $0xFFFFD880  }
0x15: {  	[bflag:$0x0] =	sbarrier.arrive $0xFFFF  }
0x16: {  	[tilespmem:s3], [sflag:$0x2] =	stream.linear.gather [hbm4b:s7+s3], $0x1900, $0x38;
	[tilespmem:$0x1A800] =	vst v63  }
0x17: {  	_ =	swait.ge [sflag:s14], $0x1900  }
0x18: {  	[sflag:s14] =	ssyncset.done $0x0  }
0x19: {  	[sflag:s14] =	ssyncadd.s32 $0xFFFFE700  }
0x1a: {  	[tilespmem:s15], [sflag:$0x2] =	stream.linear.gather [hbm4b:s8+s3], $0x1900, $0x38;
	[tilespmem:$0x1A800] =	vst v63  }
0x1b: {  	_ =	swait.ge [sflag:s14], $0x1900  }
0x1c: {  	[sflag:s14] =	ssyncset.done $0x0  }
0x1d: {  	s20 =	simm.s32 $0x0;
	[sflag:s14] =	ssyncadd.s32 $0xFFFFE700  }
0x1e: {  	[tilespmem:s17], [sflag:$0x1] =	stream.indirect.gather [hbm4b:s4+s16], $0x80, s20, s16, $0xb8;
	[tilespmem:$0x1A800] =	vst v63  }
0x1f: {  	_ =	swait.ge [sflag:s18], $0x3200  }
0x20: {  	[sflag:s18] =	ssyncset.done $0x0  }
0x21: {  	s31 =	simm.s32 $0x1C00;
	[sflag:s18] =	ssyncadd.s32 $0xFFFFCE00  }
0x22: {  	[spmem:s1] =	stream.indirect.scatter.add.f32 [tilespmem:s17], [sflag:$0x2], $0x80, s31, s16, $0xb8;
	[tilespmem:$0x1A800] =	vst v63  }
0x23: {  	_ =	swait.ge [sflag:s14], $0x3200  }
0x24: {  	s21 =	simm.s32 $0x400;
	s20 =	simm.s32 $0x200;
	[sflag:s14] =	ssyncset.done $0x0  }
.LBB2_2:
0x25: {  	s22 =	sshra.s32 s20, $0x2  }
0x26: {  	[sflag:s14] =	ssyncadd.s32 $0xFFFFCE00;
	s20 =	smov.u32 s21;
	s23 =	sadd.s32 $0x200, s21  }
0x27: {  	[tilespmem:s17], [sflag:$0x1] =	stream.indirect.gather [hbm4b:s4+s16], $0x80, s22, s16, $0xb8;
	[tilespmem:$0x1A800] =	vst v63  }
0x28: {  	p0 =	sne.s32 s21, $0x6200;
	_ =	swait.ge [sflag:s18], $0x3200  }
.Ltmp0:
0x29: {  	[sflag:s18] =	ssyncset.done $0x0;
	(pc) =	sbr.rel @p0 .LBB2_2-.Ltmp0, $4  }
0x2a: {  	s21 =	sadd.s32 $0x1C00, s22;
	[sflag:s18] =	ssyncadd.s32 $0xFFFFCE00  }
0x2b: {  	[spmem:s1] =	stream.indirect.scatter.add.f32 [tilespmem:s17], [sflag:$0x2], $0x80, s21, s16, $0xb8;
	[tilespmem:$0x1A800] =	vst v63  }
0x2c: {  	_ =	swait.ge [sflag:s14], $0x3200  }
0x2d: {  	s21 =	smov.u32 s23;
	[sflag:s14] =	ssyncset.done $0x0  }
0x2e: {  	s20 =	sshra.s32 s20, $0x2;
	[sflag:s14] =	ssyncadd.s32 $0xFFFFCE00  }
0x2f: {  	[tilespmem:s17], [sflag:$0x1] =	stream.indirect.gather [hbm4b:s4+s16], $0x80, s20, s16, $0xb8;
	[tilespmem:$0x1A800] =	vst v63  }
0x30: {  	_ =	swait.ge [sflag:s18], $0x3200  }
0x31: {  	[sflag:s18] =	ssyncset.done $0x0  }
0x32: {  	s20 =	sadd.s32 $0x1C00, s20;
	[sflag:s18] =	ssyncadd.s32 $0xFFFFCE00  }
0x33: {  	[spmem:s1] =	stream.indirect.scatter.add.f32 [tilespmem:s17], [sflag:$0x2], $0x80, s20, s16, $0xb8;
	[tilespmem:$0x1A800] =	vst v63  }
0x34: {  	_ =	swait.ge [sflag:s14], $0x3200  }
0x35: {  	[sflag:s14] =	ssyncset.done $0x0  }
0x36: {  	s29 =	simm.s32 $0x0;
	[sflag:s14] =	ssyncadd.s32 $0xFFFFCE00  }
0x37: {  	[tilespmem:s29], [sflag:$0x2] =	stream.linear.gather [hbm4b:s9+s29], $0x1900, $0x38;
	[tilespmem:$0x1A800] =	vst v63  }
0x38: {  	_ =	swait.ge [sflag:s14], $0x1900  }
0x39: {  	[sflag:s14] =	ssyncset.done $0x0  }
0x3a: {  	[sflag:s14] =	ssyncadd.s32 $0xFFFFE700  }
0x3b: {  	[tilespmem:s15], [sflag:$0x2] =	stream.linear.gather [hbm4b:s10+s29], $0x1900, $0x38;
	[tilespmem:$0x1A800] =	vst v63  }
0x3c: {  	_ =	swait.ge [sflag:s14], $0x1900  }
0x3d: {  	[sflag:s14] =	ssyncset.done $0x0  }
0x3e: {  	s30 =	simm.s32 $0x0;
	[sflag:s14] =	ssyncadd.s32 $0xFFFFE700  }
0x3f: {  	[tilespmem:s17], [sflag:$0x1] =	stream.indirect.gather [hbm4b:s4+s16], $0x80, s30, s16, $0xb8;
	[tilespmem:$0x1A800] =	vst v63  }
0x40: {  	_ =	swait.ge [sflag:s18], $0x3200  }
0x41: {  	[sflag:s18] =	ssyncset.done $0x0  }
0x42: {  	s31 =	simm.s32 $0x1C00;
	[sflag:s18] =	ssyncadd.s32 $0xFFFFCE00  }
0x43: {  	[spmem:s1] =	stream.indirect.scatter.add.f32 [tilespmem:s17], [sflag:$0x2], $0x80, s31, s16, $0xb8;
	[tilespmem:$0x1A800] =	vst v63  }
0x44: {  	_ =	swait.ge [sflag:s14], $0x3200  }
0x45: {  	s21 =	simm.s32 $0x400;
	s20 =	simm.s32 $0x200;
	[sflag:s14] =	ssyncset.done $0x0  }
.LBB2_4:
0x46: {  	s22 =	sshra.s32 s20, $0x2  }
0x47: {  	[sflag:s14] =	ssyncadd.s32 $0xFFFFCE00;
	s20 =	smov.u32 s21;
	s23 =	sadd.s32 $0x200, s21  }
0x48: {  	[tilespmem:s17], [sflag:$0x1] =	stream.indirect.gather [hbm4b:s4+s16], $0x80, s22, s16, $0xb8;
	[tilespmem:$0x1A800] =	vst v63  }
0x49: {  	p0 =	sne.s32 s21, $0x6200;
	_ =	swait.ge [sflag:s18], $0x3200  }
.Ltmp1:
0x4a: {  	[sflag:s18] =	ssyncset.done $0x0;
	(pc) =	sbr.rel @p0 .LBB2_4-.Ltmp1, $4  }
0x4b: {  	s21 =	sadd.s32 $0x1C00, s22;
	[sflag:s18] =	ssyncadd.s32 $0xFFFFCE00  }
0x4c: {  	[spmem:s1] =	stream.indirect.scatter.add.f32 [tilespmem:s17], [sflag:$0x2], $0x80, s21, s16, $0xb8;
	[tilespmem:$0x1A800] =	vst v63  }
0x4d: {  	_ =	swait.ge [sflag:s14], $0x3200  }
0x4e: {  	s21 =	smov.u32 s23;
	[sflag:s14] =	ssyncset.done $0x0  }
0x4f: {  	s20 =	sshra.s32 s20, $0x2;
	[sflag:s14] =	ssyncadd.s32 $0xFFFFCE00  }
0x50: {  	[tilespmem:s17], [sflag:$0x1] =	stream.indirect.gather [hbm4b:s4+s16], $0x80, s20, s16, $0xb8;
	[tilespmem:$0x1A800] =	vst v63  }
0x51: {  	_ =	swait.ge [sflag:s18], $0x3200  }
0x52: {  	[sflag:s18] =	ssyncset.done $0x0  }
0x53: {  	s20 =	sadd.s32 $0x1C00, s20;
	[sflag:s18] =	ssyncadd.s32 $0xFFFFCE00  }
0x54: {  	[spmem:s1] =	stream.indirect.scatter.add.f32 [tilespmem:s17], [sflag:$0x2], $0x80, s20, s16, $0xb8;
	[tilespmem:$0x1A800] =	vst v63  }
0x55: {  	_ =	swait.ge [sflag:s14], $0x3200  }
0x56: {  	s19 =	sadd.s32 $0x1, s19;
	[sflag:s14] =	ssyncset.done $0x0  }
0x57: {  	p0 =	sne.s32 s19, s12;
	[sflag:s14] =	ssyncadd.s32 $0xFFFFCE00  }
.Ltmp2:
0x58: {  	[bflag:$0x0] =	sbarrier.arrive $0xFFFF;
	(pc) =	sbr.rel @p0 .LBB2_1-.Ltmp2, $4  }
0x59: {  	[hbm:s11], [sflag:s6] =	dma.local [spmem:s13], $0x2780  }
0x5a: {  	_ =	swait.ge [sflag:s14], $0x2780  }
0x5b: {  	[sflag:s14] =	ssyncset.done $0x0  }
0x5c: {  	[sflag:s14] =	ssyncadd.s32 $0xFFFFD880  }
0x5d: {  	_ =	sfence.sel $0x180000  }
0x5e: {  	[bflag:$0x0] =	sbarrier.arrive $0xFFFF  }
0x5f: {  	p0 =	sne.s32 s2, $0x0;
	_ =	strace $0x90000056  }
0x60: {  	s0 =	sadd.s32 @!p0 $0x100000, s0;
	[bflag:$0x2] =	sbarrier.arrive $0xFFFF  }
0x61: {  	[sflag:s0] =	ssyncadd.tile.s32 @!p0 $0x1;
	_ =	shalt  }
.Lfunc_end2:
_tile_overlayer_lowered:
.L_overlay_start_2:
0x62: {  	(tag) =	ssettag $0x2  }
0x63: {  	s0 =	rddreg [dreg:$0x0];
	s2 =	stileid.u32  }
0x64: {  	s1 =	rddreg [dreg:$0x1];
	p0 =	sne.s32 s2, $0x0  }
0x65: {  	s3 =	rddreg [dreg:$0x2];
	[bflag:$0x3] =	sbarrier.arrive $0xFFFF;
	s2 =	simm.s32 @!p0 $0x1C02  }
0x66: {  	[timem:s3], [sflag:s2] =	dma.local @!p0 [hbm:s0], s1  }
0x67: {  	s0 =	simm.s32 @!p0 $0x2  }
0x68: {  	_ =	swait.ge @!p0 [sflag:s0], s1  }
0x69: {  	s1 =	ssub.s32 @!p0 $0x0, s1;
	[sflag:s0] =	ssyncset.done @!p0 $0x0  }
0x6a: {  	[sflag:s0] =	ssyncadd.s32 @!p0 s1  }
0x6b: {  	[bflag:$0x3] =	sbarrier.arrive $0xFFFF  }
0x6c: {  	_ =	shalt  }

// kernel: kernel.39.cloned.1.call-start
scs
__scs_entry_jumppad:
0x0: {  	(pc) =	sbr.rel $0x88, $3  }
0x1: {  	(tag) =	ssettag $0x0;
	lr =	simm.s32 $0x1  }
0x2: {  	[smem:$0x3F94] =	sst lr;
	_ =	strace $0xD0000000  }
0x3: {  	_ = 	snop  }
0x4: {  	_ = 	snop  }
0x5: {  	_ = 	snop  }
0x6: {  	_ = 	snop  }
0x7: {  	_ = 	snop  }
__scs_overlays_trampoline_lowered:
0x8: {  	[smem:$0x3FA3] =	sst s0  }
0x9: {  	[smem:$0x3FA4] =	sst s1  }
0xa: {  	[smem:$0x3FA5] =	sst s2  }
0xb: {  	[smem:$0x3FA6] =	sst s3  }
0xc: {  	[smem:$0x3FA7] =	sst s4  }
0xd: {  	[smem:$0x3FA8] =	sst s5  }
0xe: {  	[smem:$0x3FA9] =	sst s6  }
0xf: {  	[smem:$0x3FAA] =	sst s7  }
0x10: {  	[smem:$0x3FAB] =	sst s8  }
0x11: {  	[smem:$0x3FAC] =	sst s9;
	s0 =	simm.s32 @!p0 $0x0  }
0x12: {  	s1 =	sld [smem:$0x3F92];
	s0 =	simm.s32 @p0 $0x1  }
0x13: {  	[smem:$0x3FAD] =	sst s0;
	s0 =	simm.s32 @!p1 $0x0  }
0x14: {  	s2 =	sld [smem:$0x3F91];
	s0 =	simm.s32 @p1 $0x1  }
0x15: {  	[smem:$0x3FAE] =	sst s0;
	s0 =	simm.s32 @!p2 $0x0  }
0x16: {  	s3 =	sld [smem:$0x3FDB];
	s0 =	simm.s32 @p2 $0x1  }
0x17: {  	s4 =	simm.s32 $0x1BF5;
	[smem:$0x3FB0] =	sst s0  }
0x18: {  	s0 =	sld [smem:$0x3F93];
	_ =	swait.ge [sflag:s4], $0x0  }
0x19: {  	s7 =	sld [smem:$0x3F94]  }
0x1a: {  	s8 =	sadd.s32 $0xFFFFE003, lr  }
0x1b: {  	s9 =	sadd.s32 $0xFFFFFEF7, lr;
	s5 =	simm.s32 $0xFFFFFFFF;
	p2 =	slt.u32 s8, $0xFFFFF086  }
0x1c: {  	p1 =	slt.u32 s9, $0xF7A;
	s5 =	simm.s32 @!p2 $0x0  }
0x1d: {  	s5 =	simm.s32 @p1 $0x1;
	p0 =	seq.s32 s7, s2  }
0x1e: {  	s7 =	smul.u32 @!p0 $0xF7A, s2;
	p2 =	seq.s32 @!p0 s5, $0x0  }
0x1f: {  	s9 =	smul.u32 $0xF7A, s1;
	s8 =	simm.s32 @!p0 $0x1BF5;
	p2 =	por !p2, p0  }
0x20: {  	[sflag:s8] =	ssyncset.s32 @!p0 $0xFFFFF086;
	s6 =	sadd.s32 @!p0 s3, s7;
	s7 =	simm.s32 @!p0 $0x108  }
0x21: {  	s3 =	sadd.s32 s3, s9;
	s6 =	sadd.s32 @!p0 $0x88, s6;
	s7 =	simm.s32 @p2 $0x1082  }
0x22: {  	[simem:s7], [sflag:s8] =	dma.local @!p0 [hbm:s6], $0xF7A  }
0x23: {  	s9 =	sor.u32 $0xD0000000, s2;
	s6 =	simm.s32 $0x108;
	_ =	swait.ge @!p0 [sflag:s8], $0x0  }
0x24: {  	s3 =	sadd.s32 $0x88, s3;
	s6 =	simm.s32 @!p1 $0x1082;
	[sflag:s4] =	ssyncset.s32 $0xFFFFF086  }
0x25: {  	[simem:s6], [sflag:s4] =	dma.local [hbm:s3], $0xF7A  }
0x26: {  	[smem:$0x3F94] =	sst s1;
	(tag) =	ssettag s2;
	_ =	strace s9  }
0x27: {  	s1 =	sld [smem:$0x3FA4]  }
0x28: {  	s2 =	sld [smem:$0x3FA5]  }
0x29: {  	s4 =	sld [smem:$0x3FA7]  }
0x2a: {  	p0 =	seq.s32 s5, $0x0;
	s5 =	sld [smem:$0x3FA8]  }
0x2b: {  	s6 =	sld [smem:$0x3FA9]  }
0x2c: {  	s7 =	sld [smem:$0x3FAA]  }
0x2d: {  	s3 =	simm.s32 $0x108;
	s8 =	sld [smem:$0x3FAB]  }
0x2e: {  	s3 =	simm.s32 @!p0 $0x1082;
	s9 =	sld [smem:$0x3FAC]  }
0x2f: {  	lr =	sadd.s32 s0, s3;
	s0 =	sld [smem:$0x3FA3]  }
0x30: {  	s3 =	sld [smem:$0x3FA6]  }
0x31: {  	[smem:$0x3FAF] =	sst s10  }
0x32: {  	s10 =	sld [smem:$0x3FAD];
	_ =	sdelay $0x3  }
0x33: {  	p0 =	seq.s32 s10, $0x1;
	s10 =	sld [smem:$0x3FAF];
	_ =	sdelay $0x3  }
0x34: {  	[smem:$0x3FAF] =	sst s10  }
0x35: {  	s10 =	sld [smem:$0x3FAE];
	_ =	sdelay $0x3  }
0x36: {  	p1 =	seq.s32 s10, $0x1;
	s10 =	sld [smem:$0x3FAF];
	_ =	sdelay $0x3  }
0x37: {  	[smem:$0x3FAF] =	sst s10  }
0x38: {  	s10 =	sld [smem:$0x3FB0]  }
0x39: {  	_ = 	snop;
	(pc) =	sbr.ind lr, $3  }
0x3a: {  	_ = 	snop  }
0x3b: {  	_ = 	snop  }
0x3c: {  	p2 =	seq.s32 s10, $0x1;
	s10 =	sld [smem:$0x3FAF]  }
0x3d: {  	_ =	shalt  }
0x3e: {  	_ =	shalt  }
0x3f: {  	_ =	shalt  }
0x40: {  	_ =	shalt  }
0x41: {  	_ =	shalt  }
0x42: {  	_ =	shalt  }
0x43: {  	_ =	shalt  }
0x44: {  	_ =	shalt  }
0x45: {  	_ =	shalt  }
0x46: {  	_ =	shalt  }
0x47: {  	_ =	shalt  }
0x48: {  	_ =	shalt  }
0x49: {  	_ =	shalt  }
0x4a: {  	_ =	shalt  }
0x4b: {  	_ =	shalt  }
0x4c: {  	_ =	shalt  }
0x4d: {  	_ =	shalt  }
0x4e: {  	_ =	shalt  }
0x4f: {  	_ =	shalt  }
0x50: {  	_ =	shalt  }
0x51: {  	_ =	shalt  }
0x52: {  	_ =	shalt  }
0x53: {  	_ =	shalt  }
0x54: {  	_ =	shalt  }
0x55: {  	_ =	shalt  }
0x56: {  	_ =	shalt  }
0x57: {  	_ =	shalt  }
0x58: {  	_ =	shalt  }
0x59: {  	_ =	shalt  }
0x5a: {  	_ =	shalt  }
0x5b: {  	_ =	shalt  }
0x5c: {  	_ =	shalt  }
0x5d: {  	_ =	shalt  }
0x5e: {  	_ =	shalt  }
0x5f: {  	_ =	shalt  }
0x60: {  	_ =	shalt  }
0x61: {  	_ =	shalt  }
0x62: {  	_ =	shalt  }
0x63: {  	_ =	shalt  }
0x64: {  	_ =	shalt  }
0x65: {  	_ =	shalt  }
0x66: {  	_ =	shalt  }
0x67: {  	_ =	shalt  }
0x68: {  	_ =	shalt  }
0x69: {  	_ =	shalt  }
0x6a: {  	_ =	shalt  }
0x6b: {  	_ =	shalt  }
0x6c: {  	_ =	shalt  }
0x6d: {  	_ =	shalt  }
0x6e: {  	_ =	shalt  }
0x6f: {  	_ =	shalt  }
0x70: {  	_ =	shalt  }
0x71: {  	_ =	shalt  }
0x72: {  	_ =	shalt  }
0x73: {  	_ =	shalt  }
0x74: {  	_ =	shalt  }
0x75: {  	_ =	shalt  }
0x76: {  	_ =	shalt  }
0x77: {  	_ =	shalt  }
0x78: {  	_ =	shalt  }
0x79: {  	_ =	shalt  }
0x7a: {  	_ =	shalt  }
0x7b: {  	_ =	shalt  }
0x7c: {  	_ =	shalt  }
0x7d: {  	_ =	shalt  }
0x7e: {  	_ =	shalt  }
0x7f: {  	_ =	shalt  }
0x80: {  	_ =	shalt  }
0x81: {  	_ =	shalt  }
0x82: {  	_ =	shalt  }
0x83: {  	_ =	shalt  }
0x84: {  	_ =	shalt  }
0x85: {  	_ =	shalt  }
0x86: {  	_ =	shalt  }
0x87: {  	_ =	shalt  }
.Lfunc_end0:
.L_simem_size_0:
called_computation.6_lowered:
.L_overlay_start_0:
0x88: {  	s2 =	sld [smem:$0x3FD9]  }
0x89: {  	s3 =	sld [smem:$0x3FFE];
	_ =	sdelay $0x1  }
0x8a: {  	s1 =	srdreg.scid  }
0x8b: {  	s0 =	sand.u32 $0x1, s1  }
0x8c: {  	s16 =	sshll.u32 s0, $0xA;
	s2 =	sadd.s32 s3, s2  }
0x8d: {  	s2 =	sadd.s32 s2, s16  }
0x8e: {  	[smem:$0x3FBB] =	sst s2  }
0x8f: {  	_ = 	snop  }
0x90: {  	(tm) =	ssettm $0x1  }
0x91: {  	s17 =	sld [smem:$0x3FFB];
	_ =	sdelay $0x3  }
0x92: {  	_ =	strace s17  }
0x93: {  	s2 =	sld [smem:$0x3FFC];
	_ =	sdelay $0x3  }
0x94: {  	_ =	strace s2  }
0x95: {  	s2 =	sld [smem:$0x3FFD];
	_ =	sdelay $0x3  }
0x96: {  	_ =	strace s2  }
0x97: {  	_ =	strace $0x8FFFFFFF  }
0x98: {  	s18 =	sld [smem:$0x3FDB];
	_ =	sdelay $0x1  }
0x99: {  	s19 =	simm.s32 $_scs_section_size  }
0x9a: {  	s4 =	simm.s32 $_size__tile_overlayer_lowered;
	s5 =	simm.s32 $_tile_overlayer_lowered  }
0x9b: {  	s22 =	simm.s32 $0x1BFF;
	s21 =	sshll.u32 s5, $0x1;
	s2 =	sadd.s32 s19, s18  }
0x9c: {  	s6 =	simm.s32 $0x0;
	s20 =	sshll.u32 s4, $0x1;
	s4 =	sadd.s32 s21, s2  }
0x9d: {  	[timem:s6], [sflag:s22] =	dma.local [hbm:s4], s20  }
0x9e: {  	_ =	swait.ge [sflag:s22], s20  }
0x9f: {  	s3 =	ssub.s32 $0x0, s20;
	[sflag:s22] =	ssyncset.done $0x0  }
0xa0: {  	[sflag:s22] =	ssyncadd.s32 s3;
	_ =	sdelay $0x1  }
0xa1: {  	s23 =	simm.s32 $0x1B8B  }
0xa2: {  	_ =	swait.ge [sflag:s23], $0x1  }
0xa3: {  	[sflag:s23] =	ssyncset.done $0x0  }
0xa4: {  	s25 =	simm.s32 $0x1B8E;
	s24 =	sld [smem:$0x3FFE];
	[sflag:s23] =	ssyncadd.s32 $0xFFFFFFFF  }
0xa5: {  	s26 =	simm.s32 $execute0_lowered;
	[smem:$0x3FD2] =	sst s25  }
0xa6: {  	s4 =	sshll.u32 s26, $0x1;
	_ =	strace $0x80000058;
	[dreg:$0x1] =	wrdreg $0xFFFFFFFF  }
0xa7: {  	s28 =	simm.s32 $_size_execute0_lowered;
	s2 =	sadd.s32 s2, s4;
	[dreg:$0x0] =	wrdreg $0x0  }
0xa8: {  	s4 =	sshll.u32 s28, $0x1;
	[dreg:$0x2] =	wrdreg s2  }
0xa9: {  	[dreg:$0x3] =	wrdreg s4  }
0xaa: {  	[dreg:$0x4] =	wrdreg $0xC0  }
0xab: {  	_ =	task [dreg:s6], $0x5FFFF  }
0xac: {  	[dreg:$0x1] =	wrdreg $0xFFFFFFFF  }
0xad: {  	[dreg:$0x0] =	wrdreg $0x60  }
0xae: {  	[dreg:$0x2] =	wrdreg s24  }
0xaf: {  	[dreg:$0x3] =	wrdreg $0x6C000  }
0xb0: {  	[dreg:$0x4] =	wrdreg $0x9  }
0xb1: {  	_ =	task.clear_ibuf [dreg:s6], $0x5FFFF;
	_ =	strace $0x90000058  }
0xb2: {  	s29 =	simm.s32 $0x9;
	_ =	strace $0x8000005A  }
0xb3: {  	_ =	swait.ge [sflag:s29], $0x1  }
0xb4: {  	[sflag:s29] =	ssyncadd.s32 $0xFFFFFFFF  }
0xb5: {  	_ =	strace $0x9000005A  }
0xb6: {  	_ =	sfence  }
0xb7: {  	s30 =	sld [smem:$0x0];
	_ =	sdelay $0x2  }
0xb8: {  	s31 =	sshll.u32 s1, $0xD;
	s1 =	sshrl.u32 s1, $0x2  }
0xb9: {  	s3 =	sand.u32 $0x4000, s31;
	s1 =	sadd.s32 s1, s30  }
0xba: {  	s0 =	sor.u32 s3, s0;
	s1 =	sshll.u32 s1, $0x11  }
0xbb: {  	s0 =	sor.u32 s1, s0  }
0xbc: {  	s0 =	sadd.s32 $0x8F2B, s0  }
0xbd: {  	[sflag:s0] =	ssyncadd.remote.s32 $0x1  }
0xbe: {  	_ =	sfence.sel $0xFFFF  }
0xbf: {  	[dreg:$0x0] =	wrdreg $0xFFFFFFFF;
	(pc) =	sbr.abs _section_cstart, $3  }
0xc0: {  	[dreg:$0x1] =	wrdreg $0xFFFFFFFF  }
0xc1: {  	_ =	task.clear_ibuf [dreg:s6], $0x2FFFF;
	_ =	strace $0x9FFFFFFF  }
0xc2: {  	(tm) =	ssettm $0x7FFFFFFF  }
0xc3: {  	_ =	shalt  }
tec
execute0_lowered:
.L_overlay_start_1:
0x0: {  	(tag) =	ssettag $0x1  }
0x1: {  	s6 =	rddreg [dreg:$0x0]  }
0x2: {  	s1 =	rddreg [dreg:$0x1]  }
0x3: {  	s0 =	rddreg [dreg:$0x2];
	s3 =	simm.s32 $0x0;
	s2 =	srdreg.scid  }
0x4: {  	s16 =	simm.s32 $0x64;
	s17 =	simm.s32 $0x3800;
	s18 =	simm.s32 $0x1  }
0x5: {  	s19 =	simm.s32 $0x0;
	[smem:$0x7FF] =	sst s3;
	s7 =	sand.u32 $0x1, s2  }
0x6: {  	s2 =	stileid.u32;
	s4 =	sadd.s32 $0x23A00, s6;
	s10 =	sadd.s32 $0x72E00, s6  }
0x7: {  	s11 =	sadd.s32 $0x80E00, s6;
	s5 =	sadd.s32 $0x21200, s6;
	s8 =	smul.u32 $0x13C000, s7  }
0x8: {  	_ =	strace $0x80000059;
	s9 =	smul.u32 $0x13C00, s2;
	s26 =	sshll.u32 s7, $0x4  }
0x9: {  	s7 =	ssub.s32 $0x2, s7;
	s12 =	smul.u32 $0x4F000, s2;
	s29 =	sshll.u32 s2, $0x6  }
0xa: {  	s13 =	sshrl.u32 s7, $0x1;
	s8 =	sadd.s32 s9, s8;
	s9 =	sor.u32 s2, s26  }
0xb: {  	s13 =	ssub.s32 s7, s13;
	s28 =	sshrl.u32 s12, $0x2;
	s9 =	smul.u32 $0x3800, s9  }
0xc: {  	s8 =	sshrl.u32 s8, $0x3;
	s15 =	sadd.s32 s28, s1;
	s12 =	smax.u32 s13, $0x1  }
0xd: {  	s14 =	sadd.s32 s8, s6;
	s6 =	sor.u32 $0x1C02, s29;
	s30 =	sshrl.u32 s9, $0x3  }
0xe: {  	s13 =	sshrl.u32 s15, $0x3;
	s15 =	simm.s32 $0x1C00;
	s31 =	sadd.s32 $0x380, s30  }
0xf: {  	s7 =	sadd.s32 s10, s30;
	s8 =	sadd.s32 s11, s30;
	s9 =	sadd.s32 s10, s31  }
0x10: {  	s10 =	sadd.s32 s11, s31;
	s11 =	sadd.s32 $0xB6000, s14;
	s14 =	simm.s32 $0x2  }
.LBB2_1:
0x11: {  	[spmem:s13], [sflag:s6] =	dma.local [hbm:s5], $0x2780  }
0x12: {  	_ =	swait.ge [sflag:s14], $0x2780  }
0x13: {  	[sflag:s14] =	ssyncset.done $0x0  }
0x14: {  	[sflag:s14] =	ssyncadd.s32 $0xFFFFD880  }
0x15: {  	[bflag:$0x0] =	sbarrier.arrive $0xFFFF  }
0x16: {  	[tilespmem:s3], [sflag:$0x2] =	stream.linear.gather [hbm4b:s7+s3], $0x1900, $0x38;
	[tilespmem:$0x1A800] =	vst v63  }
0x17: {  	_ =	swait.ge [sflag:s14], $0x1900  }
0x18: {  	[sflag:s14] =	ssyncset.done $0x0  }
0x19: {  	[sflag:s14] =	ssyncadd.s32 $0xFFFFE700  }
0x1a: {  	[tilespmem:s15], [sflag:$0x2] =	stream.linear.gather [hbm4b:s8+s3], $0x1900, $0x38;
	[tilespmem:$0x1A800] =	vst v63  }
0x1b: {  	_ =	swait.ge [sflag:s14], $0x1900  }
0x1c: {  	[sflag:s14] =	ssyncset.done $0x0  }
0x1d: {  	s20 =	simm.s32 $0x0;
	[sflag:s14] =	ssyncadd.s32 $0xFFFFE700  }
0x1e: {  	[tilespmem:s17], [sflag:$0x1] =	stream.indirect.gather [hbm4b:s4+s16], $0x80, s20, s16, $0xb8;
	[tilespmem:$0x1A800] =	vst v63  }
0x1f: {  	_ =	swait.ge [sflag:s18], $0x3200  }
0x20: {  	[sflag:s18] =	ssyncset.done $0x0  }
0x21: {  	s31 =	simm.s32 $0x1C00;
	[sflag:s18] =	ssyncadd.s32 $0xFFFFCE00  }
0x22: {  	[spmem:s1] =	stream.indirect.scatter.add.f32 [tilespmem:s17], [sflag:$0x2], $0x80, s31, s16, $0xb8;
	[tilespmem:$0x1A800] =	vst v63  }
0x23: {  	_ =	swait.ge [sflag:s14], $0x3200  }
0x24: {  	s21 =	simm.s32 $0x400;
	s20 =	simm.s32 $0x200;
	[sflag:s14] =	ssyncset.done $0x0  }
.LBB2_2:
0x25: {  	s22 =	sshra.s32 s20, $0x2  }
0x26: {  	[sflag:s14] =	ssyncadd.s32 $0xFFFFCE00;
	s20 =	smov.u32 s21;
	s23 =	sadd.s32 $0x200, s21  }
0x27: {  	[tilespmem:s17], [sflag:$0x1] =	stream.indirect.gather [hbm4b:s4+s16], $0x80, s22, s16, $0xb8;
	[tilespmem:$0x1A800] =	vst v63  }
0x28: {  	p0 =	sne.s32 s21, $0x6200;
	_ =	swait.ge [sflag:s18], $0x3200  }
.Ltmp0:
0x29: {  	[sflag:s18] =	ssyncset.done $0x0;
	(pc) =	sbr.rel @p0 .LBB2_2-.Ltmp0, $4  }
0x2a: {  	s21 =	sadd.s32 $0x1C00, s22;
	[sflag:s18] =	ssyncadd.s32 $0xFFFFCE00  }
0x2b: {  	[spmem:s1] =	stream.indirect.scatter.add.f32 [tilespmem:s17], [sflag:$0x2], $0x80, s21, s16, $0xb8;
	[tilespmem:$0x1A800] =	vst v63  }
0x2c: {  	_ =	swait.ge [sflag:s14], $0x3200  }
0x2d: {  	s21 =	smov.u32 s23;
	[sflag:s14] =	ssyncset.done $0x0  }
0x2e: {  	s20 =	sshra.s32 s20, $0x2;
	[sflag:s14] =	ssyncadd.s32 $0xFFFFCE00  }
0x2f: {  	[tilespmem:s17], [sflag:$0x1] =	stream.indirect.gather [hbm4b:s4+s16], $0x80, s20, s16, $0xb8;
	[tilespmem:$0x1A800] =	vst v63  }
0x30: {  	_ =	swait.ge [sflag:s18], $0x3200  }
0x31: {  	[sflag:s18] =	ssyncset.done $0x0  }
0x32: {  	s20 =	sadd.s32 $0x1C00, s20;
	[sflag:s18] =	ssyncadd.s32 $0xFFFFCE00  }
0x33: {  	[spmem:s1] =	stream.indirect.scatter.add.f32 [tilespmem:s17], [sflag:$0x2], $0x80, s20, s16, $0xb8;
	[tilespmem:$0x1A800] =	vst v63  }
0x34: {  	_ =	swait.ge [sflag:s14], $0x3200  }
0x35: {  	[sflag:s14] =	ssyncset.done $0x0  }
0x36: {  	s29 =	simm.s32 $0x0;
	[sflag:s14] =	ssyncadd.s32 $0xFFFFCE00  }
0x37: {  	[tilespmem:s29], [sflag:$0x2] =	stream.linear.gather [hbm4b:s9+s29], $0x1900, $0x38;
	[tilespmem:$0x1A800] =	vst v63  }
0x38: {  	_ =	swait.ge [sflag:s14], $0x1900  }
0x39: {  	[sflag:s14] =	ssyncset.done $0x0  }
0x3a: {  	[sflag:s14] =	ssyncadd.s32 $0xFFFFE700  }
0x3b: {  	[tilespmem:s15], [sflag:$0x2] =	stream.linear.gather [hbm4b:s10+s29], $0x1900, $0x38;
	[tilespmem:$0x1A800] =	vst v63  }
0x3c: {  	_ =	swait.ge [sflag:s14], $0x1900  }
0x3d: {  	[sflag:s14] =	ssyncset.done $0x0  }
0x3e: {  	s30 =	simm.s32 $0x0;
	[sflag:s14] =	ssyncadd.s32 $0xFFFFE700  }
0x3f: {  	[tilespmem:s17], [sflag:$0x1] =	stream.indirect.gather [hbm4b:s4+s16], $0x80, s30, s16, $0xb8;
	[tilespmem:$0x1A800] =	vst v63  }
0x40: {  	_ =	swait.ge [sflag:s18], $0x3200  }
0x41: {  	[sflag:s18] =	ssyncset.done $0x0  }
0x42: {  	s31 =	simm.s32 $0x1C00;
	[sflag:s18] =	ssyncadd.s32 $0xFFFFCE00  }
0x43: {  	[spmem:s1] =	stream.indirect.scatter.add.f32 [tilespmem:s17], [sflag:$0x2], $0x80, s31, s16, $0xb8;
	[tilespmem:$0x1A800] =	vst v63  }
0x44: {  	_ =	swait.ge [sflag:s14], $0x3200  }
0x45: {  	s21 =	simm.s32 $0x400;
	s20 =	simm.s32 $0x200;
	[sflag:s14] =	ssyncset.done $0x0  }
.LBB2_4:
0x46: {  	s22 =	sshra.s32 s20, $0x2  }
0x47: {  	[sflag:s14] =	ssyncadd.s32 $0xFFFFCE00;
	s20 =	smov.u32 s21;
	s23 =	sadd.s32 $0x200, s21  }
0x48: {  	[tilespmem:s17], [sflag:$0x1] =	stream.indirect.gather [hbm4b:s4+s16], $0x80, s22, s16, $0xb8;
	[tilespmem:$0x1A800] =	vst v63  }
0x49: {  	p0 =	sne.s32 s21, $0x6200;
	_ =	swait.ge [sflag:s18], $0x3200  }
.Ltmp1:
0x4a: {  	[sflag:s18] =	ssyncset.done $0x0;
	(pc) =	sbr.rel @p0 .LBB2_4-.Ltmp1, $4  }
0x4b: {  	s21 =	sadd.s32 $0x1C00, s22;
	[sflag:s18] =	ssyncadd.s32 $0xFFFFCE00  }
0x4c: {  	[spmem:s1] =	stream.indirect.scatter.add.f32 [tilespmem:s17], [sflag:$0x2], $0x80, s21, s16, $0xb8;
	[tilespmem:$0x1A800] =	vst v63  }
0x4d: {  	_ =	swait.ge [sflag:s14], $0x3200  }
0x4e: {  	s21 =	smov.u32 s23;
	[sflag:s14] =	ssyncset.done $0x0  }
0x4f: {  	s20 =	sshra.s32 s20, $0x2;
	[sflag:s14] =	ssyncadd.s32 $0xFFFFCE00  }
0x50: {  	[tilespmem:s17], [sflag:$0x1] =	stream.indirect.gather [hbm4b:s4+s16], $0x80, s20, s16, $0xb8;
	[tilespmem:$0x1A800] =	vst v63  }
0x51: {  	_ =	swait.ge [sflag:s18], $0x3200  }
0x52: {  	[sflag:s18] =	ssyncset.done $0x0  }
0x53: {  	s20 =	sadd.s32 $0x1C00, s20;
	[sflag:s18] =	ssyncadd.s32 $0xFFFFCE00  }
0x54: {  	[spmem:s1] =	stream.indirect.scatter.add.f32 [tilespmem:s17], [sflag:$0x2], $0x80, s20, s16, $0xb8;
	[tilespmem:$0x1A800] =	vst v63  }
0x55: {  	_ =	swait.ge [sflag:s14], $0x3200  }
0x56: {  	s19 =	sadd.s32 $0x1, s19;
	[sflag:s14] =	ssyncset.done $0x0  }
0x57: {  	p0 =	sne.s32 s19, s12;
	[sflag:s14] =	ssyncadd.s32 $0xFFFFCE00  }
.Ltmp2:
0x58: {  	[bflag:$0x0] =	sbarrier.arrive $0xFFFF;
	(pc) =	sbr.rel @p0 .LBB2_1-.Ltmp2, $4  }
0x59: {  	[hbm:s11], [sflag:s6] =	dma.local [spmem:s13], $0x2780  }
0x5a: {  	_ =	swait.ge [sflag:s14], $0x2780  }
0x5b: {  	[sflag:s14] =	ssyncset.done $0x0  }
0x5c: {  	[sflag:s14] =	ssyncadd.s32 $0xFFFFD880  }
0x5d: {  	_ =	sfence.sel $0x180000  }
0x5e: {  	[bflag:$0x0] =	sbarrier.arrive $0xFFFF  }
0x5f: {  	p0 =	sne.s32 s2, $0x0;
	_ =	strace $0x90000059  }
0x60: {  	s0 =	sadd.s32 @!p0 $0x100000, s0;
	[bflag:$0x2] =	sbarrier.arrive $0xFFFF  }
0x61: {  	[sflag:s0] =	ssyncadd.tile.s32 @!p0 $0x1;
	_ =	shalt  }
.Lfunc_end2:
_tile_overlayer_lowered:
.L_overlay_start_2:
0x62: {  	(tag) =	ssettag $0x2  }
0x63: {  	s0 =	rddreg [dreg:$0x0];
	s2 =	stileid.u32  }
0x64: {  	s1 =	rddreg [dreg:$0x1];
	p0 =	sne.s32 s2, $0x0  }
0x65: {  	s3 =	rddreg [dreg:$0x2];
	[bflag:$0x3] =	sbarrier.arrive $0xFFFF;
	s2 =	simm.s32 @!p0 $0x1C02  }
0x66: {  	[timem:s3], [sflag:s2] =	dma.local @!p0 [hbm:s0], s1  }
0x67: {  	s0 =	simm.s32 @!p0 $0x2  }
0x68: {  	_ =	swait.ge @!p0 [sflag:s0], s1  }
0x69: {  	s1 =	ssub.s32 @!p0 $0x0, s1;
	[sflag:s0] =	ssyncset.done @!p0 $0x0  }
0x6a: {  	[sflag:s0] =	ssyncadd.s32 @!p0 s1  }
0x6b: {  	[bflag:$0x3] =	sbarrier.arrive $0xFFFF  }
0x6c: {  	_ =	shalt  }

// kernel: kernel.42.cloned.1.call-start
scs
__scs_entry_jumppad:
0x0: {  	(pc) =	sbr.rel $0x88, $3  }
0x1: {  	(tag) =	ssettag $0x0;
	lr =	simm.s32 $0x1  }
0x2: {  	[smem:$0x3F94] =	sst lr;
	_ =	strace $0xD0000000  }
0x3: {  	_ = 	snop  }
0x4: {  	_ = 	snop  }
0x5: {  	_ = 	snop  }
0x6: {  	_ = 	snop  }
0x7: {  	_ = 	snop  }
__scs_overlays_trampoline_lowered:
0x8: {  	[smem:$0x3FA3] =	sst s0  }
0x9: {  	[smem:$0x3FA4] =	sst s1  }
0xa: {  	[smem:$0x3FA5] =	sst s2  }
0xb: {  	[smem:$0x3FA6] =	sst s3  }
0xc: {  	[smem:$0x3FA7] =	sst s4  }
0xd: {  	[smem:$0x3FA8] =	sst s5  }
0xe: {  	[smem:$0x3FA9] =	sst s6  }
0xf: {  	[smem:$0x3FAA] =	sst s7  }
0x10: {  	[smem:$0x3FAB] =	sst s8  }
0x11: {  	[smem:$0x3FAC] =	sst s9;
	s0 =	simm.s32 @!p0 $0x0  }
0x12: {  	s1 =	sld [smem:$0x3F92];
	s0 =	simm.s32 @p0 $0x1  }
0x13: {  	[smem:$0x3FAD] =	sst s0;
	s0 =	simm.s32 @!p1 $0x0  }
0x14: {  	s2 =	sld [smem:$0x3F91];
	s0 =	simm.s32 @p1 $0x1  }
0x15: {  	[smem:$0x3FAE] =	sst s0;
	s0 =	simm.s32 @!p2 $0x0  }
0x16: {  	s3 =	sld [smem:$0x3FDB];
	s0 =	simm.s32 @p2 $0x1  }
0x17: {  	s4 =	simm.s32 $0x1BF5;
	[smem:$0x3FB0] =	sst s0  }
0x18: {  	s0 =	sld [smem:$0x3F93];
	_ =	swait.ge [sflag:s4], $0x0  }
0x19: {  	s7 =	sld [smem:$0x3F94]  }
0x1a: {  	s8 =	sadd.s32 $0xFFFFE003, lr  }
0x1b: {  	s9 =	sadd.s32 $0xFFFFFEF7, lr;
	s5 =	simm.s32 $0xFFFFFFFF;
	p2 =	slt.u32 s8, $0xFFFFF086  }
0x1c: {  	p1 =	slt.u32 s9, $0xF7A;
	s5 =	simm.s32 @!p2 $0x0  }
0x1d: {  	s5 =	simm.s32 @p1 $0x1;
	p0 =	seq.s32 s7, s2  }
0x1e: {  	s7 =	smul.u32 @!p0 $0xF7A, s2;
	p2 =	seq.s32 @!p0 s5, $0x0  }
0x1f: {  	s9 =	smul.u32 $0xF7A, s1;
	s8 =	simm.s32 @!p0 $0x1BF5;
	p2 =	por !p2, p0  }
0x20: {  	[sflag:s8] =	ssyncset.s32 @!p0 $0xFFFFF086;
	s6 =	sadd.s32 @!p0 s3, s7;
	s7 =	simm.s32 @!p0 $0x108  }
0x21: {  	s3 =	sadd.s32 s3, s9;
	s6 =	sadd.s32 @!p0 $0x88, s6;
	s7 =	simm.s32 @p2 $0x1082  }
0x22: {  	[simem:s7], [sflag:s8] =	dma.local @!p0 [hbm:s6], $0xF7A  }
0x23: {  	s9 =	sor.u32 $0xD0000000, s2;
	s6 =	simm.s32 $0x108;
	_ =	swait.ge @!p0 [sflag:s8], $0x0  }
0x24: {  	s3 =	sadd.s32 $0x88, s3;
	s6 =	simm.s32 @!p1 $0x1082;
	[sflag:s4] =	ssyncset.s32 $0xFFFFF086  }
0x25: {  	[simem:s6], [sflag:s4] =	dma.local [hbm:s3], $0xF7A  }
0x26: {  	[smem:$0x3F94] =	sst s1;
	(tag) =	ssettag s2;
	_ =	strace s9  }
0x27: {  	s1 =	sld [smem:$0x3FA4]  }
0x28: {  	s2 =	sld [smem:$0x3FA5]  }
0x29: {  	s4 =	sld [smem:$0x3FA7]  }
0x2a: {  	p0 =	seq.s32 s5, $0x0;
	s5 =	sld [smem:$0x3FA8]  }
0x2b: {  	s6 =	sld [smem:$0x3FA9]  }
0x2c: {  	s7 =	sld [smem:$0x3FAA]  }
0x2d: {  	s3 =	simm.s32 $0x108;
	s8 =	sld [smem:$0x3FAB]  }
0x2e: {  	s3 =	simm.s32 @!p0 $0x1082;
	s9 =	sld [smem:$0x3FAC]  }
0x2f: {  	lr =	sadd.s32 s0, s3;
	s0 =	sld [smem:$0x3FA3]  }
0x30: {  	s3 =	sld [smem:$0x3FA6]  }
0x31: {  	[smem:$0x3FAF] =	sst s10  }
0x32: {  	s10 =	sld [smem:$0x3FAD];
	_ =	sdelay $0x3  }
0x33: {  	p0 =	seq.s32 s10, $0x1;
	s10 =	sld [smem:$0x3FAF];
	_ =	sdelay $0x3  }
0x34: {  	[smem:$0x3FAF] =	sst s10  }
0x35: {  	s10 =	sld [smem:$0x3FAE];
	_ =	sdelay $0x3  }
0x36: {  	p1 =	seq.s32 s10, $0x1;
	s10 =	sld [smem:$0x3FAF];
	_ =	sdelay $0x3  }
0x37: {  	[smem:$0x3FAF] =	sst s10  }
0x38: {  	s10 =	sld [smem:$0x3FB0]  }
0x39: {  	_ = 	snop;
	(pc) =	sbr.ind lr, $3  }
0x3a: {  	_ = 	snop  }
0x3b: {  	_ = 	snop  }
0x3c: {  	p2 =	seq.s32 s10, $0x1;
	s10 =	sld [smem:$0x3FAF]  }
0x3d: {  	_ =	shalt  }
0x3e: {  	_ =	shalt  }
0x3f: {  	_ =	shalt  }
0x40: {  	_ =	shalt  }
0x41: {  	_ =	shalt  }
0x42: {  	_ =	shalt  }
0x43: {  	_ =	shalt  }
0x44: {  	_ =	shalt  }
0x45: {  	_ =	shalt  }
0x46: {  	_ =	shalt  }
0x47: {  	_ =	shalt  }
0x48: {  	_ =	shalt  }
0x49: {  	_ =	shalt  }
0x4a: {  	_ =	shalt  }
0x4b: {  	_ =	shalt  }
0x4c: {  	_ =	shalt  }
0x4d: {  	_ =	shalt  }
0x4e: {  	_ =	shalt  }
0x4f: {  	_ =	shalt  }
0x50: {  	_ =	shalt  }
0x51: {  	_ =	shalt  }
0x52: {  	_ =	shalt  }
0x53: {  	_ =	shalt  }
0x54: {  	_ =	shalt  }
0x55: {  	_ =	shalt  }
0x56: {  	_ =	shalt  }
0x57: {  	_ =	shalt  }
0x58: {  	_ =	shalt  }
0x59: {  	_ =	shalt  }
0x5a: {  	_ =	shalt  }
0x5b: {  	_ =	shalt  }
0x5c: {  	_ =	shalt  }
0x5d: {  	_ =	shalt  }
0x5e: {  	_ =	shalt  }
0x5f: {  	_ =	shalt  }
0x60: {  	_ =	shalt  }
0x61: {  	_ =	shalt  }
0x62: {  	_ =	shalt  }
0x63: {  	_ =	shalt  }
0x64: {  	_ =	shalt  }
0x65: {  	_ =	shalt  }
0x66: {  	_ =	shalt  }
0x67: {  	_ =	shalt  }
0x68: {  	_ =	shalt  }
0x69: {  	_ =	shalt  }
0x6a: {  	_ =	shalt  }
0x6b: {  	_ =	shalt  }
0x6c: {  	_ =	shalt  }
0x6d: {  	_ =	shalt  }
0x6e: {  	_ =	shalt  }
0x6f: {  	_ =	shalt  }
0x70: {  	_ =	shalt  }
0x71: {  	_ =	shalt  }
0x72: {  	_ =	shalt  }
0x73: {  	_ =	shalt  }
0x74: {  	_ =	shalt  }
0x75: {  	_ =	shalt  }
0x76: {  	_ =	shalt  }
0x77: {  	_ =	shalt  }
0x78: {  	_ =	shalt  }
0x79: {  	_ =	shalt  }
0x7a: {  	_ =	shalt  }
0x7b: {  	_ =	shalt  }
0x7c: {  	_ =	shalt  }
0x7d: {  	_ =	shalt  }
0x7e: {  	_ =	shalt  }
0x7f: {  	_ =	shalt  }
0x80: {  	_ =	shalt  }
0x81: {  	_ =	shalt  }
0x82: {  	_ =	shalt  }
0x83: {  	_ =	shalt  }
0x84: {  	_ =	shalt  }
0x85: {  	_ =	shalt  }
0x86: {  	_ =	shalt  }
0x87: {  	_ =	shalt  }
.Lfunc_end0:
.L_simem_size_0:
called_computation.7_lowered:
.L_overlay_start_0:
0x88: {  	s2 =	sld [smem:$0x3FD9]  }
0x89: {  	s3 =	sld [smem:$0x3FFE];
	_ =	sdelay $0x1  }
0x8a: {  	s1 =	srdreg.scid  }
0x8b: {  	s0 =	sand.u32 $0x1, s1  }
0x8c: {  	s16 =	sshll.u32 s0, $0xA;
	s2 =	sadd.s32 s3, s2  }
0x8d: {  	s2 =	sadd.s32 s2, s16  }
0x8e: {  	[smem:$0x3FBB] =	sst s2  }
0x8f: {  	_ = 	snop  }
0x90: {  	(tm) =	ssettm $0x1  }
0x91: {  	s17 =	sld [smem:$0x3FFB];
	_ =	sdelay $0x3  }
0x92: {  	_ =	strace s17  }
0x93: {  	s2 =	sld [smem:$0x3FFC];
	_ =	sdelay $0x3  }
0x94: {  	_ =	strace s2  }
0x95: {  	s2 =	sld [smem:$0x3FFD];
	_ =	sdelay $0x3  }
0x96: {  	_ =	strace s2  }
0x97: {  	_ =	strace $0x8FFFFFFF  }
0x98: {  	s18 =	sld [smem:$0x3FDB];
	_ =	sdelay $0x1  }
0x99: {  	s19 =	simm.s32 $_scs_section_size  }
0x9a: {  	s4 =	simm.s32 $_size__tile_overlayer_lowered;
	s5 =	simm.s32 $_tile_overlayer_lowered  }
0x9b: {  	s22 =	simm.s32 $0x1BFF;
	s21 =	sshll.u32 s5, $0x1;
	s2 =	sadd.s32 s19, s18  }
0x9c: {  	s6 =	simm.s32 $0x0;
	s20 =	sshll.u32 s4, $0x1;
	s4 =	sadd.s32 s21, s2  }
0x9d: {  	[timem:s6], [sflag:s22] =	dma.local [hbm:s4], s20  }
0x9e: {  	_ =	swait.ge [sflag:s22], s20  }
0x9f: {  	s3 =	ssub.s32 $0x0, s20;
	[sflag:s22] =	ssyncset.done $0x0  }
0xa0: {  	[sflag:s22] =	ssyncadd.s32 s3;
	_ =	sdelay $0x1  }
0xa1: {  	s23 =	simm.s32 $0x1B8B  }
0xa2: {  	_ =	swait.ge [sflag:s23], $0x1  }
0xa3: {  	[sflag:s23] =	ssyncset.done $0x0  }
0xa4: {  	s25 =	simm.s32 $0x1B8E;
	s24 =	sld [smem:$0x3FFE];
	[sflag:s23] =	ssyncadd.s32 $0xFFFFFFFF  }
0xa5: {  	s26 =	simm.s32 $execute0_lowered;
	[smem:$0x3FD2] =	sst s25  }
0xa6: {  	s4 =	sshll.u32 s26, $0x1;
	_ =	strace $0x8000005B;
	[dreg:$0x1] =	wrdreg $0xFFFFFFFF  }
0xa7: {  	s28 =	simm.s32 $_size_execute0_lowered;
	s2 =	sadd.s32 s2, s4;
	[dreg:$0x0] =	wrdreg $0x0  }
0xa8: {  	s4 =	sshll.u32 s28, $0x1;
	[dreg:$0x2] =	wrdreg s2  }
0xa9: {  	[dreg:$0x3] =	wrdreg s4  }
0xaa: {  	[dreg:$0x4] =	wrdreg $0xC0  }
0xab: {  	_ =	task [dreg:s6], $0x5FFFF  }
0xac: {  	[dreg:$0x1] =	wrdreg $0xFFFFFFFF  }
0xad: {  	[dreg:$0x0] =	wrdreg $0x60  }
0xae: {  	[dreg:$0x2] =	wrdreg s24  }
0xaf: {  	[dreg:$0x3] =	wrdreg $0x6C000  }
0xb0: {  	[dreg:$0x4] =	wrdreg $0x9  }
0xb1: {  	_ =	task.clear_ibuf [dreg:s6], $0x5FFFF;
	_ =	strace $0x9000005B  }
0xb2: {  	s29 =	simm.s32 $0x9;
	_ =	strace $0x8000005D  }
0xb3: {  	_ =	swait.ge [sflag:s29], $0x1  }
0xb4: {  	[sflag:s29] =	ssyncadd.s32 $0xFFFFFFFF  }
0xb5: {  	_ =	strace $0x9000005D  }
0xb6: {  	_ =	sfence  }
0xb7: {  	s30 =	sld [smem:$0x0];
	_ =	sdelay $0x2  }
0xb8: {  	s31 =	sshll.u32 s1, $0xD;
	s1 =	sshrl.u32 s1, $0x2  }
0xb9: {  	s3 =	sand.u32 $0x4000, s31;
	s1 =	sadd.s32 s1, s30  }
0xba: {  	s0 =	sor.u32 s3, s0;
	s1 =	sshll.u32 s1, $0x11  }
0xbb: {  	s0 =	sor.u32 s1, s0  }
0xbc: {  	s0 =	sadd.s32 $0x8F2B, s0  }
0xbd: {  	[sflag:s0] =	ssyncadd.remote.s32 $0x1  }
0xbe: {  	_ =	sfence.sel $0xFFFF  }
0xbf: {  	[dreg:$0x0] =	wrdreg $0xFFFFFFFF;
	(pc) =	sbr.abs _section_cstart, $3  }
0xc0: {  	[dreg:$0x1] =	wrdreg $0xFFFFFFFF  }
0xc1: {  	_ =	task.clear_ibuf [dreg:s6], $0x2FFFF;
	_ =	strace $0x9FFFFFFF  }
0xc2: {  	(tm) =	ssettm $0x7FFFFFFF  }
0xc3: {  	_ =	shalt  }
tec
execute0_lowered:
.L_overlay_start_1:
0x0: {  	(tag) =	ssettag $0x1  }
0x1: {  	s6 =	rddreg [dreg:$0x0]  }
0x2: {  	s1 =	rddreg [dreg:$0x1]  }
0x3: {  	s0 =	rddreg [dreg:$0x2];
	s3 =	simm.s32 $0x0;
	s2 =	srdreg.scid  }
0x4: {  	s16 =	simm.s32 $0x64;
	s17 =	simm.s32 $0x3800;
	s18 =	simm.s32 $0x1  }
0x5: {  	s19 =	simm.s32 $0x0;
	[smem:$0x7FF] =	sst s3;
	s7 =	sand.u32 $0x1, s2  }
0x6: {  	s2 =	stileid.u32;
	s4 =	sadd.s32 $0x23A00, s6;
	s10 =	sadd.s32 $0x72E00, s6  }
0x7: {  	s11 =	sadd.s32 $0x80E00, s6;
	s5 =	sadd.s32 $0x21200, s6;
	s8 =	smul.u32 $0x13C000, s7  }
0x8: {  	_ =	strace $0x8000005C;
	s9 =	smul.u32 $0x13C00, s2;
	s26 =	sshll.u32 s7, $0x4  }
0x9: {  	s7 =	ssub.s32 $0x2, s7;
	s12 =	smul.u32 $0x4F000, s2;
	s29 =	sshll.u32 s2, $0x6  }
0xa: {  	s13 =	sshrl.u32 s7, $0x1;
	s8 =	sadd.s32 s9, s8;
	s9 =	sor.u32 s2, s26  }
0xb: {  	s13 =	ssub.s32 s7, s13;
	s28 =	sshrl.u32 s12, $0x2;
	s9 =	smul.u32 $0x3800, s9  }
0xc: {  	s8 =	sshrl.u32 s8, $0x3;
	s15 =	sadd.s32 s28, s1;
	s12 =	smax.u32 s13, $0x1  }
0xd: {  	s14 =	sadd.s32 s8, s6;
	s6 =	sor.u32 $0x1C02, s29;
	s30 =	sshrl.u32 s9, $0x3  }
0xe: {  	s13 =	sshrl.u32 s15, $0x3;
	s15 =	simm.s32 $0x1C00;
	s31 =	sadd.s32 $0x380, s30  }
0xf: {  	s7 =	sadd.s32 s10, s30;
	s8 =	sadd.s32 s11, s30;
	s9 =	sadd.s32 s10, s31  }
0x10: {  	s10 =	sadd.s32 s11, s31;
	s11 =	sadd.s32 $0x8EE00, s14;
	s14 =	simm.s32 $0x2  }
.LBB2_1:
0x11: {  	[spmem:s13], [sflag:s6] =	dma.local [hbm:s5], $0x2780  }
0x12: {  	_ =	swait.ge [sflag:s14], $0x2780  }
0x13: {  	[sflag:s14] =	ssyncset.done $0x0  }
0x14: {  	[sflag:s14] =	ssyncadd.s32 $0xFFFFD880  }
0x15: {  	[bflag:$0x0] =	sbarrier.arrive $0xFFFF  }
0x16: {  	[tilespmem:s3], [sflag:$0x2] =	stream.linear.gather [hbm4b:s7+s3], $0x1900, $0x38;
	[tilespmem:$0x1A800] =	vst v63  }
0x17: {  	_ =	swait.ge [sflag:s14], $0x1900  }
0x18: {  	[sflag:s14] =	ssyncset.done $0x0  }
0x19: {  	[sflag:s14] =	ssyncadd.s32 $0xFFFFE700  }
0x1a: {  	[tilespmem:s15], [sflag:$0x2] =	stream.linear.gather [hbm4b:s8+s3], $0x1900, $0x38;
	[tilespmem:$0x1A800] =	vst v63  }
0x1b: {  	_ =	swait.ge [sflag:s14], $0x1900  }
0x1c: {  	[sflag:s14] =	ssyncset.done $0x0  }
0x1d: {  	s20 =	simm.s32 $0x0;
	[sflag:s14] =	ssyncadd.s32 $0xFFFFE700  }
0x1e: {  	[tilespmem:s17], [sflag:$0x1] =	stream.indirect.gather [hbm4b:s4+s16], $0x80, s20, s16, $0xb8;
	[tilespmem:$0x1A800] =	vst v63  }
0x1f: {  	_ =	swait.ge [sflag:s18], $0x3200  }
0x20: {  	[sflag:s18] =	ssyncset.done $0x0  }
0x21: {  	s31 =	simm.s32 $0x1C00;
	[sflag:s18] =	ssyncadd.s32 $0xFFFFCE00  }
0x22: {  	[spmem:s1] =	stream.indirect.scatter.add.f32 [tilespmem:s17], [sflag:$0x2], $0x80, s31, s16, $0xb8;
	[tilespmem:$0x1A800] =	vst v63  }
0x23: {  	_ =	swait.ge [sflag:s14], $0x3200  }
0x24: {  	s21 =	simm.s32 $0x400;
	s20 =	simm.s32 $0x200;
	[sflag:s14] =	ssyncset.done $0x0  }
.LBB2_2:
0x25: {  	s22 =	sshra.s32 s20, $0x2  }
0x26: {  	[sflag:s14] =	ssyncadd.s32 $0xFFFFCE00;
	s20 =	smov.u32 s21;
	s23 =	sadd.s32 $0x200, s21  }
0x27: {  	[tilespmem:s17], [sflag:$0x1] =	stream.indirect.gather [hbm4b:s4+s16], $0x80, s22, s16, $0xb8;
	[tilespmem:$0x1A800] =	vst v63  }
0x28: {  	p0 =	sne.s32 s21, $0x6200;
	_ =	swait.ge [sflag:s18], $0x3200  }
.Ltmp0:
0x29: {  	[sflag:s18] =	ssyncset.done $0x0;
	(pc) =	sbr.rel @p0 .LBB2_2-.Ltmp0, $4  }
0x2a: {  	s21 =	sadd.s32 $0x1C00, s22;
	[sflag:s18] =	ssyncadd.s32 $0xFFFFCE00  }
0x2b: {  	[spmem:s1] =	stream.indirect.scatter.add.f32 [tilespmem:s17], [sflag:$0x2], $0x80, s21, s16, $0xb8;
	[tilespmem:$0x1A800] =	vst v63  }
0x2c: {  	_ =	swait.ge [sflag:s14], $0x3200  }
0x2d: {  	s21 =	smov.u32 s23;
	[sflag:s14] =	ssyncset.done $0x0  }
0x2e: {  	s20 =	sshra.s32 s20, $0x2;
	[sflag:s14] =	ssyncadd.s32 $0xFFFFCE00  }
0x2f: {  	[tilespmem:s17], [sflag:$0x1] =	stream.indirect.gather [hbm4b:s4+s16], $0x80, s20, s16, $0xb8;
	[tilespmem:$0x1A800] =	vst v63  }
0x30: {  	_ =	swait.ge [sflag:s18], $0x3200  }
0x31: {  	[sflag:s18] =	ssyncset.done $0x0  }
0x32: {  	s20 =	sadd.s32 $0x1C00, s20;
	[sflag:s18] =	ssyncadd.s32 $0xFFFFCE00  }
0x33: {  	[spmem:s1] =	stream.indirect.scatter.add.f32 [tilespmem:s17], [sflag:$0x2], $0x80, s20, s16, $0xb8;
	[tilespmem:$0x1A800] =	vst v63  }
0x34: {  	_ =	swait.ge [sflag:s14], $0x3200  }
0x35: {  	[sflag:s14] =	ssyncset.done $0x0  }
0x36: {  	s29 =	simm.s32 $0x0;
	[sflag:s14] =	ssyncadd.s32 $0xFFFFCE00  }
0x37: {  	[tilespmem:s29], [sflag:$0x2] =	stream.linear.gather [hbm4b:s9+s29], $0x1900, $0x38;
	[tilespmem:$0x1A800] =	vst v63  }
0x38: {  	_ =	swait.ge [sflag:s14], $0x1900  }
0x39: {  	[sflag:s14] =	ssyncset.done $0x0  }
0x3a: {  	[sflag:s14] =	ssyncadd.s32 $0xFFFFE700  }
0x3b: {  	[tilespmem:s15], [sflag:$0x2] =	stream.linear.gather [hbm4b:s10+s29], $0x1900, $0x38;
	[tilespmem:$0x1A800] =	vst v63  }
0x3c: {  	_ =	swait.ge [sflag:s14], $0x1900  }
0x3d: {  	[sflag:s14] =	ssyncset.done $0x0  }
0x3e: {  	s30 =	simm.s32 $0x0;
	[sflag:s14] =	ssyncadd.s32 $0xFFFFE700  }
0x3f: {  	[tilespmem:s17], [sflag:$0x1] =	stream.indirect.gather [hbm4b:s4+s16], $0x80, s30, s16, $0xb8;
	[tilespmem:$0x1A800] =	vst v63  }
0x40: {  	_ =	swait.ge [sflag:s18], $0x3200  }
0x41: {  	[sflag:s18] =	ssyncset.done $0x0  }
0x42: {  	s31 =	simm.s32 $0x1C00;
	[sflag:s18] =	ssyncadd.s32 $0xFFFFCE00  }
0x43: {  	[spmem:s1] =	stream.indirect.scatter.add.f32 [tilespmem:s17], [sflag:$0x2], $0x80, s31, s16, $0xb8;
	[tilespmem:$0x1A800] =	vst v63  }
0x44: {  	_ =	swait.ge [sflag:s14], $0x3200  }
0x45: {  	s21 =	simm.s32 $0x400;
	s20 =	simm.s32 $0x200;
	[sflag:s14] =	ssyncset.done $0x0  }
.LBB2_4:
0x46: {  	s22 =	sshra.s32 s20, $0x2  }
0x47: {  	[sflag:s14] =	ssyncadd.s32 $0xFFFFCE00;
	s20 =	smov.u32 s21;
	s23 =	sadd.s32 $0x200, s21  }
0x48: {  	[tilespmem:s17], [sflag:$0x1] =	stream.indirect.gather [hbm4b:s4+s16], $0x80, s22, s16, $0xb8;
	[tilespmem:$0x1A800] =	vst v63  }
0x49: {  	p0 =	sne.s32 s21, $0x6200;
	_ =	swait.ge [sflag:s18], $0x3200  }
.Ltmp1:
0x4a: {  	[sflag:s18] =	ssyncset.done $0x0;
	(pc) =	sbr.rel @p0 .LBB2_4-.Ltmp1, $4  }
0x4b: {  	s21 =	sadd.s32 $0x1C00, s22;
	[sflag:s18] =	ssyncadd.s32 $0xFFFFCE00  }
0x4c: {  	[spmem:s1] =	stream.indirect.scatter.add.f32 [tilespmem:s17], [sflag:$0x2], $0x80, s21, s16, $0xb8;
	[tilespmem:$0x1A800] =	vst v63  }
0x4d: {  	_ =	swait.ge [sflag:s14], $0x3200  }
0x4e: {  	s21 =	smov.u32 s23;
	[sflag:s14] =	ssyncset.done $0x0  }
0x4f: {  	s20 =	sshra.s32 s20, $0x2;
	[sflag:s14] =	ssyncadd.s32 $0xFFFFCE00  }
0x50: {  	[tilespmem:s17], [sflag:$0x1] =	stream.indirect.gather [hbm4b:s4+s16], $0x80, s20, s16, $0xb8;
	[tilespmem:$0x1A800] =	vst v63  }
0x51: {  	_ =	swait.ge [sflag:s18], $0x3200  }
0x52: {  	[sflag:s18] =	ssyncset.done $0x0  }
0x53: {  	s20 =	sadd.s32 $0x1C00, s20;
	[sflag:s18] =	ssyncadd.s32 $0xFFFFCE00  }
0x54: {  	[spmem:s1] =	stream.indirect.scatter.add.f32 [tilespmem:s17], [sflag:$0x2], $0x80, s20, s16, $0xb8;
	[tilespmem:$0x1A800] =	vst v63  }
0x55: {  	_ =	swait.ge [sflag:s14], $0x3200  }
0x56: {  	s19 =	sadd.s32 $0x1, s19;
	[sflag:s14] =	ssyncset.done $0x0  }
0x57: {  	p0 =	sne.s32 s19, s12;
	[sflag:s14] =	ssyncadd.s32 $0xFFFFCE00  }
.Ltmp2:
0x58: {  	[bflag:$0x0] =	sbarrier.arrive $0xFFFF;
	(pc) =	sbr.rel @p0 .LBB2_1-.Ltmp2, $4  }
0x59: {  	[hbm:s11], [sflag:s6] =	dma.local [spmem:s13], $0x2780  }
0x5a: {  	_ =	swait.ge [sflag:s14], $0x2780  }
0x5b: {  	[sflag:s14] =	ssyncset.done $0x0  }
0x5c: {  	[sflag:s14] =	ssyncadd.s32 $0xFFFFD880  }
0x5d: {  	_ =	sfence.sel $0x180000  }
0x5e: {  	[bflag:$0x0] =	sbarrier.arrive $0xFFFF  }
0x5f: {  	p0 =	sne.s32 s2, $0x0;
	_ =	strace $0x9000005C  }
0x60: {  	s0 =	sadd.s32 @!p0 $0x100000, s0;
	[bflag:$0x2] =	sbarrier.arrive $0xFFFF  }
0x61: {  	[sflag:s0] =	ssyncadd.tile.s32 @!p0 $0x1;
	_ =	shalt  }
.Lfunc_end2:
_tile_overlayer_lowered:
.L_overlay_start_2:
0x62: {  	(tag) =	ssettag $0x2  }
0x63: {  	s0 =	rddreg [dreg:$0x0];
	s2 =	stileid.u32  }
0x64: {  	s1 =	rddreg [dreg:$0x1];
	p0 =	sne.s32 s2, $0x0  }
0x65: {  	s3 =	rddreg [dreg:$0x2];
	[bflag:$0x3] =	sbarrier.arrive $0xFFFF;
	s2 =	simm.s32 @!p0 $0x1C02  }
0x66: {  	[timem:s3], [sflag:s2] =	dma.local @!p0 [hbm:s0], s1  }
0x67: {  	s0 =	simm.s32 @!p0 $0x2  }
0x68: {  	_ =	swait.ge @!p0 [sflag:s0], s1  }
0x69: {  	s1 =	ssub.s32 @!p0 $0x0, s1;
	[sflag:s0] =	ssyncset.done @!p0 $0x0  }
0x6a: {  	[sflag:s0] =	ssyncadd.s32 @!p0 s1  }
0x6b: {  	[bflag:$0x3] =	sbarrier.arrive $0xFFFF  }
0x6c: {  	_ =	shalt  }

// kernel: kernel.45.cloned.1.call-start
scs
__scs_entry_jumppad:
0x0: {  	(pc) =	sbr.rel $0x88, $3  }
0x1: {  	(tag) =	ssettag $0x0;
	lr =	simm.s32 $0x1  }
0x2: {  	[smem:$0x3F94] =	sst lr;
	_ =	strace $0xD0000000  }
0x3: {  	_ = 	snop  }
0x4: {  	_ = 	snop  }
0x5: {  	_ = 	snop  }
0x6: {  	_ = 	snop  }
0x7: {  	_ = 	snop  }
__scs_overlays_trampoline_lowered:
0x8: {  	[smem:$0x3FA3] =	sst s0  }
0x9: {  	[smem:$0x3FA4] =	sst s1  }
0xa: {  	[smem:$0x3FA5] =	sst s2  }
0xb: {  	[smem:$0x3FA6] =	sst s3  }
0xc: {  	[smem:$0x3FA7] =	sst s4  }
0xd: {  	[smem:$0x3FA8] =	sst s5  }
0xe: {  	[smem:$0x3FA9] =	sst s6  }
0xf: {  	[smem:$0x3FAA] =	sst s7  }
0x10: {  	[smem:$0x3FAB] =	sst s8  }
0x11: {  	[smem:$0x3FAC] =	sst s9;
	s0 =	simm.s32 @!p0 $0x0  }
0x12: {  	s1 =	sld [smem:$0x3F92];
	s0 =	simm.s32 @p0 $0x1  }
0x13: {  	[smem:$0x3FAD] =	sst s0;
	s0 =	simm.s32 @!p1 $0x0  }
0x14: {  	s2 =	sld [smem:$0x3F91];
	s0 =	simm.s32 @p1 $0x1  }
0x15: {  	[smem:$0x3FAE] =	sst s0;
	s0 =	simm.s32 @!p2 $0x0  }
0x16: {  	s3 =	sld [smem:$0x3FDB];
	s0 =	simm.s32 @p2 $0x1  }
0x17: {  	s4 =	simm.s32 $0x1BF5;
	[smem:$0x3FB0] =	sst s0  }
0x18: {  	s0 =	sld [smem:$0x3F93];
	_ =	swait.ge [sflag:s4], $0x0  }
0x19: {  	s7 =	sld [smem:$0x3F94]  }
0x1a: {  	s8 =	sadd.s32 $0xFFFFE003, lr  }
0x1b: {  	s9 =	sadd.s32 $0xFFFFFEF7, lr;
	s5 =	simm.s32 $0xFFFFFFFF;
	p2 =	slt.u32 s8, $0xFFFFF086  }
0x1c: {  	p1 =	slt.u32 s9, $0xF7A;
	s5 =	simm.s32 @!p2 $0x0  }
0x1d: {  	s5 =	simm.s32 @p1 $0x1;
	p0 =	seq.s32 s7, s2  }
0x1e: {  	s7 =	smul.u32 @!p0 $0xF7A, s2;
	p2 =	seq.s32 @!p0 s5, $0x0  }
0x1f: {  	s9 =	smul.u32 $0xF7A, s1;
	s8 =	simm.s32 @!p0 $0x1BF5;
	p2 =	por !p2, p0  }
0x20: {  	[sflag:s8] =	ssyncset.s32 @!p0 $0xFFFFF086;
	s6 =	sadd.s32 @!p0 s3, s7;
	s7 =	simm.s32 @!p0 $0x108  }
0x21: {  	s3 =	sadd.s32 s3, s9;
	s6 =	sadd.s32 @!p0 $0x88, s6;
	s7 =	simm.s32 @p2 $0x1082  }
0x22: {  	[simem:s7], [sflag:s8] =	dma.local @!p0 [hbm:s6], $0xF7A  }
0x23: {  	s9 =	sor.u32 $0xD0000000, s2;
	s6 =	simm.s32 $0x108;
	_ =	swait.ge @!p0 [sflag:s8], $0x0  }
0x24: {  	s3 =	sadd.s32 $0x88, s3;
	s6 =	simm.s32 @!p1 $0x1082;
	[sflag:s4] =	ssyncset.s32 $0xFFFFF086  }
0x25: {  	[simem:s6], [sflag:s4] =	dma.local [hbm:s3], $0xF7A  }
0x26: {  	[smem:$0x3F94] =	sst s1;
	(tag) =	ssettag s2;
	_ =	strace s9  }
0x27: {  	s1 =	sld [smem:$0x3FA4]  }
0x28: {  	s2 =	sld [smem:$0x3FA5]  }
0x29: {  	s4 =	sld [smem:$0x3FA7]  }
0x2a: {  	p0 =	seq.s32 s5, $0x0;
	s5 =	sld [smem:$0x3FA8]  }
0x2b: {  	s6 =	sld [smem:$0x3FA9]  }
0x2c: {  	s7 =	sld [smem:$0x3FAA]  }
0x2d: {  	s3 =	simm.s32 $0x108;
	s8 =	sld [smem:$0x3FAB]  }
0x2e: {  	s3 =	simm.s32 @!p0 $0x1082;
	s9 =	sld [smem:$0x3FAC]  }
0x2f: {  	lr =	sadd.s32 s0, s3;
	s0 =	sld [smem:$0x3FA3]  }
0x30: {  	s3 =	sld [smem:$0x3FA6]  }
0x31: {  	[smem:$0x3FAF] =	sst s10  }
0x32: {  	s10 =	sld [smem:$0x3FAD];
	_ =	sdelay $0x3  }
0x33: {  	p0 =	seq.s32 s10, $0x1;
	s10 =	sld [smem:$0x3FAF];
	_ =	sdelay $0x3  }
0x34: {  	[smem:$0x3FAF] =	sst s10  }
0x35: {  	s10 =	sld [smem:$0x3FAE];
	_ =	sdelay $0x3  }
0x36: {  	p1 =	seq.s32 s10, $0x1;
	s10 =	sld [smem:$0x3FAF];
	_ =	sdelay $0x3  }
0x37: {  	[smem:$0x3FAF] =	sst s10  }
0x38: {  	s10 =	sld [smem:$0x3FB0]  }
0x39: {  	_ = 	snop;
	(pc) =	sbr.ind lr, $3  }
0x3a: {  	_ = 	snop  }
0x3b: {  	_ = 	snop  }
0x3c: {  	p2 =	seq.s32 s10, $0x1;
	s10 =	sld [smem:$0x3FAF]  }
0x3d: {  	_ =	shalt  }
0x3e: {  	_ =	shalt  }
0x3f: {  	_ =	shalt  }
0x40: {  	_ =	shalt  }
0x41: {  	_ =	shalt  }
0x42: {  	_ =	shalt  }
0x43: {  	_ =	shalt  }
0x44: {  	_ =	shalt  }
0x45: {  	_ =	shalt  }
0x46: {  	_ =	shalt  }
0x47: {  	_ =	shalt  }
0x48: {  	_ =	shalt  }
0x49: {  	_ =	shalt  }
0x4a: {  	_ =	shalt  }
0x4b: {  	_ =	shalt  }
0x4c: {  	_ =	shalt  }
0x4d: {  	_ =	shalt  }
0x4e: {  	_ =	shalt  }
0x4f: {  	_ =	shalt  }
0x50: {  	_ =	shalt  }
0x51: {  	_ =	shalt  }
0x52: {  	_ =	shalt  }
0x53: {  	_ =	shalt  }
0x54: {  	_ =	shalt  }
0x55: {  	_ =	shalt  }
0x56: {  	_ =	shalt  }
0x57: {  	_ =	shalt  }
0x58: {  	_ =	shalt  }
0x59: {  	_ =	shalt  }
0x5a: {  	_ =	shalt  }
0x5b: {  	_ =	shalt  }
0x5c: {  	_ =	shalt  }
0x5d: {  	_ =	shalt  }
0x5e: {  	_ =	shalt  }
0x5f: {  	_ =	shalt  }
0x60: {  	_ =	shalt  }
0x61: {  	_ =	shalt  }
0x62: {  	_ =	shalt  }
0x63: {  	_ =	shalt  }
0x64: {  	_ =	shalt  }
0x65: {  	_ =	shalt  }
0x66: {  	_ =	shalt  }
0x67: {  	_ =	shalt  }
0x68: {  	_ =	shalt  }
0x69: {  	_ =	shalt  }
0x6a: {  	_ =	shalt  }
0x6b: {  	_ =	shalt  }
0x6c: {  	_ =	shalt  }
0x6d: {  	_ =	shalt  }
0x6e: {  	_ =	shalt  }
0x6f: {  	_ =	shalt  }
0x70: {  	_ =	shalt  }
0x71: {  	_ =	shalt  }
0x72: {  	_ =	shalt  }
0x73: {  	_ =	shalt  }
0x74: {  	_ =	shalt  }
0x75: {  	_ =	shalt  }
0x76: {  	_ =	shalt  }
0x77: {  	_ =	shalt  }
0x78: {  	_ =	shalt  }
0x79: {  	_ =	shalt  }
0x7a: {  	_ =	shalt  }
0x7b: {  	_ =	shalt  }
0x7c: {  	_ =	shalt  }
0x7d: {  	_ =	shalt  }
0x7e: {  	_ =	shalt  }
0x7f: {  	_ =	shalt  }
0x80: {  	_ =	shalt  }
0x81: {  	_ =	shalt  }
0x82: {  	_ =	shalt  }
0x83: {  	_ =	shalt  }
0x84: {  	_ =	shalt  }
0x85: {  	_ =	shalt  }
0x86: {  	_ =	shalt  }
0x87: {  	_ =	shalt  }
.Lfunc_end0:
.L_simem_size_0:
called_computation.8_lowered:
.L_overlay_start_0:
0x88: {  	s2 =	sld [smem:$0x3FD9]  }
0x89: {  	s3 =	sld [smem:$0x3FFE];
	_ =	sdelay $0x1  }
0x8a: {  	s1 =	srdreg.scid  }
0x8b: {  	s0 =	sand.u32 $0x1, s1  }
0x8c: {  	s16 =	sshll.u32 s0, $0xA;
	s2 =	sadd.s32 s3, s2  }
0x8d: {  	s2 =	sadd.s32 s2, s16  }
0x8e: {  	[smem:$0x3FBB] =	sst s2  }
0x8f: {  	_ = 	snop  }
0x90: {  	(tm) =	ssettm $0x1  }
0x91: {  	s17 =	sld [smem:$0x3FFB];
	_ =	sdelay $0x3  }
0x92: {  	_ =	strace s17  }
0x93: {  	s2 =	sld [smem:$0x3FFC];
	_ =	sdelay $0x3  }
0x94: {  	_ =	strace s2  }
0x95: {  	s2 =	sld [smem:$0x3FFD];
	_ =	sdelay $0x3  }
0x96: {  	_ =	strace s2  }
0x97: {  	_ =	strace $0x8FFFFFFF  }
0x98: {  	s18 =	sld [smem:$0x3FDB];
	_ =	sdelay $0x1  }
0x99: {  	s19 =	simm.s32 $_scs_section_size  }
0x9a: {  	s4 =	simm.s32 $_size__tile_overlayer_lowered;
	s5 =	simm.s32 $_tile_overlayer_lowered  }
0x9b: {  	s22 =	simm.s32 $0x1BFF;
	s21 =	sshll.u32 s5, $0x1;
	s2 =	sadd.s32 s19, s18  }
0x9c: {  	s6 =	simm.s32 $0x0;
	s20 =	sshll.u32 s4, $0x1;
	s4 =	sadd.s32 s21, s2  }
0x9d: {  	[timem:s6], [sflag:s22] =	dma.local [hbm:s4], s20  }
0x9e: {  	_ =	swait.ge [sflag:s22], s20  }
0x9f: {  	s3 =	ssub.s32 $0x0, s20;
	[sflag:s22] =	ssyncset.done $0x0  }
0xa0: {  	[sflag:s22] =	ssyncadd.s32 s3;
	_ =	sdelay $0x1  }
0xa1: {  	s23 =	simm.s32 $0x1B8B  }
0xa2: {  	_ =	swait.ge [sflag:s23], $0x1  }
0xa3: {  	[sflag:s23] =	ssyncset.done $0x0  }
0xa4: {  	s25 =	simm.s32 $0x1B8E;
	s24 =	sld [smem:$0x3FFE];
	[sflag:s23] =	ssyncadd.s32 $0xFFFFFFFF  }
0xa5: {  	s26 =	simm.s32 $execute0_lowered;
	[smem:$0x3FD2] =	sst s25  }
0xa6: {  	s4 =	sshll.u32 s26, $0x1;
	_ =	strace $0x8000005E;
	[dreg:$0x1] =	wrdreg $0xFFFFFFFF  }
0xa7: {  	s28 =	simm.s32 $_size_execute0_lowered;
	s2 =	sadd.s32 s2, s4;
	[dreg:$0x0] =	wrdreg $0x0  }
0xa8: {  	s4 =	sshll.u32 s28, $0x1;
	[dreg:$0x2] =	wrdreg s2  }
0xa9: {  	[dreg:$0x3] =	wrdreg s4  }
0xaa: {  	[dreg:$0x4] =	wrdreg $0xC0  }
0xab: {  	_ =	task [dreg:s6], $0x5FFFF  }
0xac: {  	[dreg:$0x1] =	wrdreg $0xFFFFFFFF  }
0xad: {  	[dreg:$0x0] =	wrdreg $0x60  }
0xae: {  	[dreg:$0x2] =	wrdreg s24  }
0xaf: {  	[dreg:$0x3] =	wrdreg $0x6C000  }
0xb0: {  	[dreg:$0x4] =	wrdreg $0x9  }
0xb1: {  	_ =	task.clear_ibuf [dreg:s6], $0x5FFFF;
	_ =	strace $0x9000005E  }
0xb2: {  	s29 =	simm.s32 $0x9;
	_ =	strace $0x80000060  }
0xb3: {  	_ =	swait.ge [sflag:s29], $0x1  }
0xb4: {  	[sflag:s29] =	ssyncadd.s32 $0xFFFFFFFF  }
0xb5: {  	_ =	strace $0x90000060  }
0xb6: {  	_ =	sfence  }
0xb7: {  	s30 =	sld [smem:$0x0];
	_ =	sdelay $0x2  }
0xb8: {  	s31 =	sshll.u32 s1, $0xD;
	s1 =	sshrl.u32 s1, $0x2  }
0xb9: {  	s3 =	sand.u32 $0x4000, s31;
	s1 =	sadd.s32 s1, s30  }
0xba: {  	s0 =	sor.u32 s3, s0;
	s1 =	sshll.u32 s1, $0x11  }
0xbb: {  	s0 =	sor.u32 s1, s0  }
0xbc: {  	s0 =	sadd.s32 $0x8F2B, s0  }
0xbd: {  	[sflag:s0] =	ssyncadd.remote.s32 $0x1  }
0xbe: {  	_ =	sfence.sel $0xFFFF  }
0xbf: {  	[dreg:$0x0] =	wrdreg $0xFFFFFFFF;
	(pc) =	sbr.abs _section_cstart, $3  }
0xc0: {  	[dreg:$0x1] =	wrdreg $0xFFFFFFFF  }
0xc1: {  	_ =	task.clear_ibuf [dreg:s6], $0x2FFFF;
	_ =	strace $0x9FFFFFFF  }
0xc2: {  	(tm) =	ssettm $0x7FFFFFFF  }
0xc3: {  	_ =	shalt  }
tec
execute0_lowered:
.L_overlay_start_1:
0x0: {  	(tag) =	ssettag $0x1  }
0x1: {  	s6 =	rddreg [dreg:$0x0]  }
0x2: {  	s1 =	rddreg [dreg:$0x1]  }
0x3: {  	s0 =	rddreg [dreg:$0x2];
	s3 =	simm.s32 $0x0;
	s2 =	srdreg.scid  }
0x4: {  	s16 =	simm.s32 $0x64;
	s17 =	simm.s32 $0x3800;
	s18 =	simm.s32 $0x1  }
0x5: {  	s19 =	simm.s32 $0x0;
	[smem:$0x7FF] =	sst s3;
	s7 =	sand.u32 $0x1, s2  }
0x6: {  	s2 =	stileid.u32;
	s4 =	sadd.s32 $0x23A00, s6;
	s10 =	sadd.s32 $0x72E00, s6  }
0x7: {  	s11 =	sadd.s32 $0x80E00, s6;
	s5 =	sadd.s32 $0x21200, s6;
	s8 =	smul.u32 $0x13C000, s7  }
0x8: {  	_ =	strace $0x8000005F;
	s9 =	smul.u32 $0x13C00, s2;
	s26 =	sshll.u32 s7, $0x4  }
0x9: {  	s7 =	ssub.s32 $0x2, s7;
	s12 =	smul.u32 $0x4F000, s2;
	s29 =	sshll.u32 s2, $0x6  }
0xa: {  	s13 =	sshrl.u32 s7, $0x1;
	s8 =	sadd.s32 s9, s8;
	s9 =	sor.u32 s2, s26  }
0xb: {  	s13 =	ssub.s32 s7, s13;
	s28 =	sshrl.u32 s12, $0x2;
	s9 =	smul.u32 $0x3800, s9  }
0xc: {  	s8 =	sshrl.u32 s8, $0x3;
	s15 =	sadd.s32 s28, s1;
	s12 =	smax.u32 s13, $0x1  }
0xd: {  	s14 =	sadd.s32 s8, s6;
	s6 =	sor.u32 $0x1C02, s29;
	s30 =	sshrl.u32 s9, $0x3  }
0xe: {  	s13 =	sshrl.u32 s15, $0x3;
	s15 =	simm.s32 $0x1C00;
	s31 =	sadd.s32 $0x380, s30  }
0xf: {  	s7 =	sadd.s32 s10, s30;
	s8 =	sadd.s32 s11, s30;
	s9 =	sadd.s32 s10, s31  }
0x10: {  	s10 =	sadd.s32 s11, s31;
	s11 =	sadd.s32 $0x8EE00, s14;
	s14 =	simm.s32 $0x2  }
.LBB2_1:
0x11: {  	[spmem:s13], [sflag:s6] =	dma.local [hbm:s5], $0x2780  }
0x12: {  	_ =	swait.ge [sflag:s14], $0x2780  }
0x13: {  	[sflag:s14] =	ssyncset.done $0x0  }
0x14: {  	[sflag:s14] =	ssyncadd.s32 $0xFFFFD880  }
0x15: {  	[bflag:$0x0] =	sbarrier.arrive $0xFFFF  }
0x16: {  	[tilespmem:s3], [sflag:$0x2] =	stream.linear.gather [hbm4b:s7+s3], $0x1900, $0x38;
	[tilespmem:$0x1A800] =	vst v63  }
0x17: {  	_ =	swait.ge [sflag:s14], $0x1900  }
0x18: {  	[sflag:s14] =	ssyncset.done $0x0  }
0x19: {  	[sflag:s14] =	ssyncadd.s32 $0xFFFFE700  }
0x1a: {  	[tilespmem:s15], [sflag:$0x2] =	stream.linear.gather [hbm4b:s8+s3], $0x1900, $0x38;
	[tilespmem:$0x1A800] =	vst v63  }
0x1b: {  	_ =	swait.ge [sflag:s14], $0x1900  }
0x1c: {  	[sflag:s14] =	ssyncset.done $0x0  }
0x1d: {  	s20 =	simm.s32 $0x0;
	[sflag:s14] =	ssyncadd.s32 $0xFFFFE700  }
0x1e: {  	[tilespmem:s17], [sflag:$0x1] =	stream.indirect.gather [hbm4b:s4+s16], $0x80, s20, s16, $0xb8;
	[tilespmem:$0x1A800] =	vst v63  }
0x1f: {  	_ =	swait.ge [sflag:s18], $0x3200  }
0x20: {  	[sflag:s18] =	ssyncset.done $0x0  }
0x21: {  	s31 =	simm.s32 $0x1C00;
	[sflag:s18] =	ssyncadd.s32 $0xFFFFCE00  }
0x22: {  	[spmem:s1] =	stream.indirect.scatter.add.f32 [tilespmem:s17], [sflag:$0x2], $0x80, s31, s16, $0xb8;
	[tilespmem:$0x1A800] =	vst v63  }
0x23: {  	_ =	swait.ge [sflag:s14], $0x3200  }
0x24: {  	s21 =	simm.s32 $0x400;
	s20 =	simm.s32 $0x200;
	[sflag:s14] =	ssyncset.done $0x0  }
.LBB2_2:
0x25: {  	s22 =	sshra.s32 s20, $0x2  }
0x26: {  	[sflag:s14] =	ssyncadd.s32 $0xFFFFCE00;
	s20 =	smov.u32 s21;
	s23 =	sadd.s32 $0x200, s21  }
0x27: {  	[tilespmem:s17], [sflag:$0x1] =	stream.indirect.gather [hbm4b:s4+s16], $0x80, s22, s16, $0xb8;
	[tilespmem:$0x1A800] =	vst v63  }
0x28: {  	p0 =	sne.s32 s21, $0x6200;
	_ =	swait.ge [sflag:s18], $0x3200  }
.Ltmp0:
0x29: {  	[sflag:s18] =	ssyncset.done $0x0;
	(pc) =	sbr.rel @p0 .LBB2_2-.Ltmp0, $4  }
0x2a: {  	s21 =	sadd.s32 $0x1C00, s22;
	[sflag:s18] =	ssyncadd.s32 $0xFFFFCE00  }
0x2b: {  	[spmem:s1] =	stream.indirect.scatter.add.f32 [tilespmem:s17], [sflag:$0x2], $0x80, s21, s16, $0xb8;
	[tilespmem:$0x1A800] =	vst v63  }
0x2c: {  	_ =	swait.ge [sflag:s14], $0x3200  }
0x2d: {  	s21 =	smov.u32 s23;
	[sflag:s14] =	ssyncset.done $0x0  }
0x2e: {  	s20 =	sshra.s32 s20, $0x2;
	[sflag:s14] =	ssyncadd.s32 $0xFFFFCE00  }
0x2f: {  	[tilespmem:s17], [sflag:$0x1] =	stream.indirect.gather [hbm4b:s4+s16], $0x80, s20, s16, $0xb8;
	[tilespmem:$0x1A800] =	vst v63  }
0x30: {  	_ =	swait.ge [sflag:s18], $0x3200  }
0x31: {  	[sflag:s18] =	ssyncset.done $0x0  }
0x32: {  	s20 =	sadd.s32 $0x1C00, s20;
	[sflag:s18] =	ssyncadd.s32 $0xFFFFCE00  }
0x33: {  	[spmem:s1] =	stream.indirect.scatter.add.f32 [tilespmem:s17], [sflag:$0x2], $0x80, s20, s16, $0xb8;
	[tilespmem:$0x1A800] =	vst v63  }
0x34: {  	_ =	swait.ge [sflag:s14], $0x3200  }
0x35: {  	[sflag:s14] =	ssyncset.done $0x0  }
0x36: {  	s29 =	simm.s32 $0x0;
	[sflag:s14] =	ssyncadd.s32 $0xFFFFCE00  }
0x37: {  	[tilespmem:s29], [sflag:$0x2] =	stream.linear.gather [hbm4b:s9+s29], $0x1900, $0x38;
	[tilespmem:$0x1A800] =	vst v63  }
0x38: {  	_ =	swait.ge [sflag:s14], $0x1900  }
0x39: {  	[sflag:s14] =	ssyncset.done $0x0  }
0x3a: {  	[sflag:s14] =	ssyncadd.s32 $0xFFFFE700  }
0x3b: {  	[tilespmem:s15], [sflag:$0x2] =	stream.linear.gather [hbm4b:s10+s29], $0x1900, $0x38;
	[tilespmem:$0x1A800] =	vst v63  }
0x3c: {  	_ =	swait.ge [sflag:s14], $0x1900  }
0x3d: {  	[sflag:s14] =	ssyncset.done $0x0  }
0x3e: {  	s30 =	simm.s32 $0x0;
	[sflag:s14] =	ssyncadd.s32 $0xFFFFE700  }
0x3f: {  	[tilespmem:s17], [sflag:$0x1] =	stream.indirect.gather [hbm4b:s4+s16], $0x80, s30, s16, $0xb8;
	[tilespmem:$0x1A800] =	vst v63  }
0x40: {  	_ =	swait.ge [sflag:s18], $0x3200  }
0x41: {  	[sflag:s18] =	ssyncset.done $0x0  }
0x42: {  	s31 =	simm.s32 $0x1C00;
	[sflag:s18] =	ssyncadd.s32 $0xFFFFCE00  }
0x43: {  	[spmem:s1] =	stream.indirect.scatter.add.f32 [tilespmem:s17], [sflag:$0x2], $0x80, s31, s16, $0xb8;
	[tilespmem:$0x1A800] =	vst v63  }
0x44: {  	_ =	swait.ge [sflag:s14], $0x3200  }
0x45: {  	s21 =	simm.s32 $0x400;
	s20 =	simm.s32 $0x200;
	[sflag:s14] =	ssyncset.done $0x0  }
.LBB2_4:
0x46: {  	s22 =	sshra.s32 s20, $0x2  }
0x47: {  	[sflag:s14] =	ssyncadd.s32 $0xFFFFCE00;
	s20 =	smov.u32 s21;
	s23 =	sadd.s32 $0x200, s21  }
0x48: {  	[tilespmem:s17], [sflag:$0x1] =	stream.indirect.gather [hbm4b:s4+s16], $0x80, s22, s16, $0xb8;
	[tilespmem:$0x1A800] =	vst v63  }
0x49: {  	p0 =	sne.s32 s21, $0x6200;
	_ =	swait.ge [sflag:s18], $0x3200  }
.Ltmp1:
0x4a: {  	[sflag:s18] =	ssyncset.done $0x0;
	(pc) =	sbr.rel @p0 .LBB2_4-.Ltmp1, $4  }
0x4b: {  	s21 =	sadd.s32 $0x1C00, s22;
	[sflag:s18] =	ssyncadd.s32 $0xFFFFCE00  }
0x4c: {  	[spmem:s1] =	stream.indirect.scatter.add.f32 [tilespmem:s17], [sflag:$0x2], $0x80, s21, s16, $0xb8;
	[tilespmem:$0x1A800] =	vst v63  }
0x4d: {  	_ =	swait.ge [sflag:s14], $0x3200  }
0x4e: {  	s21 =	smov.u32 s23;
	[sflag:s14] =	ssyncset.done $0x0  }
0x4f: {  	s20 =	sshra.s32 s20, $0x2;
	[sflag:s14] =	ssyncadd.s32 $0xFFFFCE00  }
0x50: {  	[tilespmem:s17], [sflag:$0x1] =	stream.indirect.gather [hbm4b:s4+s16], $0x80, s20, s16, $0xb8;
	[tilespmem:$0x1A800] =	vst v63  }
0x51: {  	_ =	swait.ge [sflag:s18], $0x3200  }
0x52: {  	[sflag:s18] =	ssyncset.done $0x0  }
0x53: {  	s20 =	sadd.s32 $0x1C00, s20;
	[sflag:s18] =	ssyncadd.s32 $0xFFFFCE00  }
0x54: {  	[spmem:s1] =	stream.indirect.scatter.add.f32 [tilespmem:s17], [sflag:$0x2], $0x80, s20, s16, $0xb8;
	[tilespmem:$0x1A800] =	vst v63  }
0x55: {  	_ =	swait.ge [sflag:s14], $0x3200  }
0x56: {  	s19 =	sadd.s32 $0x1, s19;
	[sflag:s14] =	ssyncset.done $0x0  }
0x57: {  	p0 =	sne.s32 s19, s12;
	[sflag:s14] =	ssyncadd.s32 $0xFFFFCE00  }
.Ltmp2:
0x58: {  	[bflag:$0x0] =	sbarrier.arrive $0xFFFF;
	(pc) =	sbr.rel @p0 .LBB2_1-.Ltmp2, $4  }
0x59: {  	[hbm:s11], [sflag:s6] =	dma.local [spmem:s13], $0x2780  }
0x5a: {  	_ =	swait.ge [sflag:s14], $0x2780  }
0x5b: {  	[sflag:s14] =	ssyncset.done $0x0  }
0x5c: {  	[sflag:s14] =	ssyncadd.s32 $0xFFFFD880  }
0x5d: {  	_ =	sfence.sel $0x180000  }
0x5e: {  	[bflag:$0x0] =	sbarrier.arrive $0xFFFF  }
0x5f: {  	p0 =	sne.s32 s2, $0x0;
	_ =	strace $0x9000005F  }
0x60: {  	s0 =	sadd.s32 @!p0 $0x100000, s0;
	[bflag:$0x2] =	sbarrier.arrive $0xFFFF  }
0x61: {  	[sflag:s0] =	ssyncadd.tile.s32 @!p0 $0x1;
	_ =	shalt  }
.Lfunc_end2:
_tile_overlayer_lowered:
.L_overlay_start_2:
0x62: {  	(tag) =	ssettag $0x2  }
0x63: {  	s0 =	rddreg [dreg:$0x0];
	s2 =	stileid.u32  }
0x64: {  	s1 =	rddreg [dreg:$0x1];
	p0 =	sne.s32 s2, $0x0  }
0x65: {  	s3 =	rddreg [dreg:$0x2];
	[bflag:$0x3] =	sbarrier.arrive $0xFFFF;
	s2 =	simm.s32 @!p0 $0x1C02  }
0x66: {  	[timem:s3], [sflag:s2] =	dma.local @!p0 [hbm:s0], s1  }
0x67: {  	s0 =	simm.s32 @!p0 $0x2  }
0x68: {  	_ =	swait.ge @!p0 [sflag:s0], s1  }
0x69: {  	s1 =	ssub.s32 @!p0 $0x0, s1;
	[sflag:s0] =	ssyncset.done @!p0 $0x0  }
0x6a: {  	[sflag:s0] =	ssyncadd.s32 @!p0 s1  }
0x6b: {  	[bflag:$0x3] =	sbarrier.arrive $0xFFFF  }
0x6c: {  	_ =	shalt  }

</sc_bundles>
